<compile_context>
chip_gen: v7x
topology: tpu7x:2x2x1
jax: 0.10.2.dev20260603
libtpu: 0.0.44.dev20260713+nightly
codegen_flags: <defaults>
</compile_context>

<pallas_src>
import functools

import jax
import jax.numpy as jnp
from jax import lax
from jax.experimental import pallas as pl
from jax.experimental.pallas import tpu as pltpu
from jax.experimental.pallas import tpu_sc as plsc

N = 10000
E = 320000
DIN = 128
DH = 256
DOUT = 40
G = 64
EPS = 1e-5

NC = 2
NS = 16
NW = NC * NS
CH = 80
EPW = E // NW
NCH = EPW // CH
EPT = E // NS
NCHL = EPT // CH
DH1 = DIN // NC
RPT = 632
RPL = N - (NS - 1) * RPT

D2P = 48
_V16 = 16
NB1 = 6
NB2 = 5


@functools.cache
def _sc_agg_l1():
  mesh = plsc.VectorSubcoreMesh(
      core_axis_name="c", subcore_axis_name="s", num_cores=NC,
      num_subcores=NS)
  scratch = [
      pltpu.VMEM((EPT,), jnp.int32),
      pltpu.VMEM((EPT,), jnp.int32),
  ]
  scratch += [pltpu.VMEM((CH, DH1), jnp.float32) for _ in range(NB1)]
  scratch += [pltpu.VMEM((CH,), jnp.int32) for _ in range(NB1)]
  scratch += [pltpu.VMEM((1, CH), jnp.int32) for _ in range(NB1)]
  scratch += [pltpu.VMEM_SHARED((N, DH1), jnp.float32)]
  scratch += [pltpu.SemaphoreType.DMA for _ in range(NB1)]
  scratch += [pltpu.VMEM((N,), jnp.float32)]

  @functools.partial(
      pl.kernel,
      out_type=(jax.ShapeDtypeStruct((N, DIN), jnp.float32),
                jax.ShapeDtypeStruct((NW, N), jnp.float32)),
      mesh=mesh,
      scratch_types=scratch,
      compiler_params=pltpu.CompilerParams(
          use_tc_tiling_on_sc=False, needs_layout_passes=False),
  )
  def sc_agg(table2, ei, zeros, out, hout, *rest):
    src_v, dst_v = rest[0], rest[1]
    rows = rest[2:2 + NB1]
    srcx = rest[2 + NB1:2 + 2 * NB1]
    dstx = rest[2 + 2 * NB1:2 + 3 * NB1]
    acc = rest[2 + 3 * NB1]
    sem_g = rest[3 + 3 * NB1:3 + 4 * NB1]
    hist = rest[3 + 4 * NB1]
    c = lax.axis_index("c")
    s = lax.axis_index("s")
    wid = c * NS + s
    pltpu.sync_copy(ei.at[0, pl.ds(s * EPT, EPT)], src_v)
    pltpu.sync_copy(ei.at[1, pl.ds(s * EPT, EPT)], dst_v)

    @pl.when(s < NS - 1)
    def _():
      pltpu.sync_copy(zeros.at[pl.ds(s * RPT, RPT)],
                      acc.at[pl.ds(s * RPT, RPT)])

    @pl.when(s == NS - 1)
    def _():
      pltpu.sync_copy(zeros.at[pl.ds((NS - 1) * RPT, RPL)],
                      acc.at[pl.ds((NS - 1) * RPT, RPL)])

    zv = jnp.zeros((_V16,), jnp.float32)

    def zbody(i, _):
      hist[pl.ds(i * _V16, _V16)] = zv
      return ()

    lax.fori_loop(0, N // _V16, zbody, (), unroll=False)
    plsc.subcore_barrier()

    ones = jnp.ones((_V16,), jnp.float32)

    def hist_chunk(k):
      for q in range(CH // _V16):
        idx = dst_v[pl.ds(k * CH + q * _V16, _V16)]
        plsc.addupdate_scatter(hist, [idx], ones)

    def gather(i, k):
      for q in range(CH // _V16):
        v = src_v[pl.ds(k * CH + q * _V16, _V16)]
        srcx[i][pl.ds(q * _V16, _V16)] = v * 2 + c
        dstx[i][0, pl.ds(q * _V16, _V16)] = dst_v[pl.ds(k * CH + q * _V16,
                                                        _V16)]
      pltpu.async_copy(table2.at[srcx[i]], rows[i], sem_g[i])

    def wait_g(i):
      pltpu.make_async_copy(table2.at[srcx[i]], rows[i], sem_g[i]).wait()

    for i in range(NB1):
      gather(i, i)

    NG = NCHL // NB1
    NREM = NCHL - NG * NB1

    def body(g, _):
      base = g * NB1
      for i in range(NB1):
        k = base + i
        wait_g(i)
        pltpu.sync_copy(rows[i], acc.at[dstx[i].at[0]], add=True)
        hist_chunk(k)

        @pl.when(k + NB1 < NCHL)
        def _():
          gather(i, k + NB1)
      return ()

    lax.fori_loop(0, NG, body, (), unroll=False)
    for i in range(NREM):
      k = NG * NB1 + i
      wait_g(i)
      pltpu.sync_copy(rows[i], acc.at[dstx[i].at[0]], add=True)
      hist_chunk(k)

    plsc.subcore_barrier()

    @pl.when(s < NS - 1)
    def _():
      pltpu.sync_copy(acc.at[pl.ds(s * RPT, RPT)],
                      out.at[pl.ds(s * RPT, RPT), pl.ds(c * DH1, DH1)])

    @pl.when(s == NS - 1)
    def _():
      pltpu.sync_copy(acc.at[pl.ds((NS - 1) * RPT, RPL)],
                      out.at[pl.ds((NS - 1) * RPT, RPL), pl.ds(c * DH1, DH1)])
    pltpu.sync_copy(hist, hout.at[wid])

  return sc_agg


@functools.cache
def _sc_agg_l2():
  mesh = plsc.VectorSubcoreMesh(
      core_axis_name="c", subcore_axis_name="s", num_cores=NC,
      num_subcores=NS)
  scratch = [
      pltpu.VMEM((EPW,), jnp.int32),
      pltpu.VMEM((EPW,), jnp.int32),
  ]
  scratch += [pltpu.VMEM((CH, D2P), jnp.float32) for _ in range(NB2)]
  scratch += [pltpu.VMEM((1, CH), jnp.int32) for _ in range(NB2)]
  scratch += [pltpu.VMEM_SHARED((N, D2P), jnp.float32)]
  scratch += [pltpu.SemaphoreType.DMA for _ in range(NB2)]

  @functools.partial(
      pl.kernel,
      out_type=jax.ShapeDtypeStruct((NC * N, D2P), jnp.float32),
      mesh=mesh,
      scratch_types=scratch,
      compiler_params=pltpu.CompilerParams(
          use_tc_tiling_on_sc=False, needs_layout_passes=False),
  )
  def sc_agg(table, ei, zeros, out, *rest):
    src_v, dst_v = rest[0], rest[1]
    rows = rest[2:2 + NB2]
    dstx = rest[2 + NB2:2 + 2 * NB2]
    acc = rest[2 + 2 * NB2]
    sem_g = rest[3 + 2 * NB2:3 + 3 * NB2]
    c = lax.axis_index("c")
    s = lax.axis_index("s")
    wid = c * NS + s
    pltpu.sync_copy(ei.at[0, pl.ds(wid * EPW, EPW)], src_v)
    pltpu.sync_copy(ei.at[1, pl.ds(wid * EPW, EPW)], dst_v)

    @pl.when(s < NS - 1)
    def _():
      pltpu.sync_copy(zeros.at[pl.ds(s * RPT, RPT)],
                      acc.at[pl.ds(s * RPT, RPT)])

    @pl.when(s == NS - 1)
    def _():
      pltpu.sync_copy(zeros.at[pl.ds((NS - 1) * RPT, RPL)],
                      acc.at[pl.ds((NS - 1) * RPT, RPL)])
    plsc.subcore_barrier()

    def gather(i, k):
      for q in range(CH // _V16):
        dstx[i][0, pl.ds(q * _V16, _V16)] = dst_v[pl.ds(k * CH + q * _V16,
                                                        _V16)]
      pltpu.async_copy(table.at[src_v.at[pl.ds(k * CH, CH)]], rows[i],
                       sem_g[i])

    def wait_g(i):
      pltpu.make_async_copy(table.at[src_v.at[pl.ds(0, CH)]], rows[i],
                            sem_g[i]).wait()

    for i in range(NB2):
      gather(i, i)

    NG = NCH // NB2
    NREM = NCH - NG * NB2

    def body(g, _):
      base = g * NB2
      for i in range(NB2):
        k = base + i
        wait_g(i)
        pltpu.sync_copy(rows[i], acc.at[dstx[i].at[0]], add=True)

        @pl.when(k + NB2 < NCH)
        def _():
          gather(i, k + NB2)
      return ()

    lax.fori_loop(0, NG, body, (), unroll=False)
    for i in range(NREM):
      k = NG * NB2 + i
      wait_g(i)
      pltpu.sync_copy(rows[i], acc.at[dstx[i].at[0]], add=True)

    plsc.subcore_barrier()

    @pl.when(s < NS - 1)
    def _():
      pltpu.sync_copy(acc.at[pl.ds(s * RPT, RPT)],
                      out.at[pl.ds(c * N + s * RPT, RPT)])

    @pl.when(s == NS - 1)
    def _():
      pltpu.sync_copy(acc.at[pl.ds((NS - 1) * RPT, RPL)],
                      out.at[pl.ds(c * N + (NS - 1) * RPT, RPL)])

  return sc_agg


_DN = (((1,), (1,)), ((), ()))


def _tc_mid_body(sum1p_ref, histp_ref, x_ref, wl1_ref, bl1_ref, wr1_ref,
                 g1_ref, b1_ref, wp_ref, bp_ref, wl2p_ref, wr2_ref, bl2_ref,
                 m_ref, r2_ref, inv_ref):
  s = jnp.reshape(sum1p_ref[...], (N, DIN))
  x = x_ref[...]
  cnt = 0.5 * jnp.sum(histp_ref[...], axis=0)
  inv = 1.0 / jnp.maximum(cnt, 1.0)
  sn = s * inv[:, None]
  t = lax.dot_general(sn, wl1_ref[...], _DN,
                      preferred_element_type=jnp.float32)
  t = t + lax.dot_general(x, wr1_ref[...], _DN,
                          preferred_element_type=jnp.float32)
  t = t + bl1_ref[...]
  mu = jnp.mean(t, axis=0)
  var = jnp.mean((t - mu) ** 2, axis=0)
  h = (t - mu) * lax.rsqrt(var + EPS) * g1_ref[...] + b1_ref[...]
  h = h + lax.dot_general(x, wp_ref[...], _DN,
                          preferred_element_type=jnp.float32) + bp_ref[...]
  h = jnp.maximum(h, 0.0)
  m_ref[...] = lax.dot_general(h, wl2p_ref[...], _DN,
                               preferred_element_type=jnp.float32)
  r2_ref[...] = lax.dot_general(h, wr2_ref[...], _DN,
                                preferred_element_type=jnp.float32) + bl2_ref[...]
  inv_ref[...] = inv[:, None]


def _tc_mid(sum1p, histp, x, wl1, bl1, wr1, g1, b1, wp, bp, wl2p, wr2, bl2):
  return pl.pallas_call(
      _tc_mid_body,
      out_shape=(
          jax.ShapeDtypeStruct((N, D2P), jnp.float32),
          jax.ShapeDtypeStruct((N, DOUT), jnp.float32),
          jax.ShapeDtypeStruct((N, 1), jnp.float32),
      ),
      compiler_params=pltpu.CompilerParams(
          vmem_limit_bytes=100 * 1024 * 1024),
  )(sum1p, histp, x, wl1, bl1, wr1, g1, b1, wp, bp, wl2p, wr2, bl2)


def _tc_out_body(sum2p_ref, inv_ref, r2_ref, batch_ref, g2_ref, b2_ref,
                 out_ref):
  sp = sum2p_ref[...]
  s = (sp[:N] + sp[N:])[:, :DOUT]
  o = s * inv_ref[...] + r2_ref[...]
  mu = jnp.mean(o, axis=0)
  var = jnp.mean((o - mu) ** 2, axis=0)
  o = (o - mu) * lax.rsqrt(var + EPS) * g2_ref[...] + b2_ref[...]
  gid = lax.broadcasted_iota(jnp.int32, (N, G), 1)
  onehot = (batch_ref[...] == gid).astype(jnp.float32)
  ps = lax.dot_general(onehot, o, (((0,), (0,)), ((), ())),
                       preferred_element_type=jnp.float32)
  gc = jnp.sum(onehot, axis=0)
  p = ps / jnp.maximum(gc, 1.0)[:, None]
  mx = jnp.max(p, axis=1, keepdims=True)
  lse = jnp.log(jnp.sum(jnp.exp(p - mx), axis=1, keepdims=True)) + mx
  out_ref[...] = p - lse


def _tc_out(sum2p, inv, r2, batch2d, g2, b2):
  return pl.pallas_call(
      _tc_out_body,
      out_shape=jax.ShapeDtypeStruct((G, DOUT), jnp.float32),
  )(sum2p, inv, r2, batch2d, g2, b2)


def kernel(x, edge_index, batch, W_l1, b_l1, W_r1, bn1_g, bn1_b, Wp, bp,
           W_l2, b_l2, W_r2, bn2_g, bn2_b):
  table2 = x.reshape(2 * N, DH1)
  wl2p = jnp.pad(W_l2, ((0, D2P - DOUT), (0, 0)))

  sum1, histp = _sc_agg_l1()(
      table2, edge_index, jnp.zeros((N, DH1), jnp.float32))
  m, r2, inv = _tc_mid(sum1.reshape(N * DIN), histp, x, W_l1, b_l1, W_r1, bn1_g, bn1_b,
                       Wp, bp, wl2p, W_r2, b_l2)
  sum2p = _sc_agg_l2()(
      m, edge_index, jnp.zeros((N, D2P), jnp.float32))
  return _tc_out(sum2p, inv, r2, batch.reshape(N, 1), bn2_g, bn2_b)

# --- scband reference (transcript-rebuilt; emitter-appended) ---
"""Pipeline reference for scband-modular-residual-sage-53807350284436 (READ-ONLY COPY).

The authoritative reference and input builder live on the scoring server;
editing this copy changes nothing except your own understanding.
"""

import jax, jax.numpy as jnp
import numpy as np

N = 10000
E = 320000
DIN = 128
DH = 256
DOUT = 40
G = 64
EPS = 1e-5


def sage_conv(x, src, dst, W_l, b_l, W_r):
    # PyG SAGEConv (aggr='mean', root_weight=True, bias on lin_l):
    # out = lin_l(mean_agg(x_src -> dst)) + lin_r(x)
    msg = jnp.take(x, src, axis=0)
    agg = jax.ops.segment_sum(msg, dst, num_segments=x.shape[0])
    cnt = jax.ops.segment_sum(jnp.ones((src.shape[0],), x.dtype), dst, num_segments=x.shape[0])
    agg = agg / jnp.maximum(cnt, 1.0)[:, None]
    return agg @ W_l.T + b_l + x @ W_r.T


def batch_norm(h, gamma, beta):
    # training-mode BatchNorm1d: batch statistics, biased variance
    mu = jnp.mean(h, axis=0)
    var = jnp.var(h, axis=0)
    return (h - mu) / jnp.sqrt(var + EPS) * gamma + beta


def setup_inputs(seed: int = 0) -> dict:
    key = jax.random.key(seed)
    ks = jax.random.split(key, 12)
    x = jax.random.normal(ks[0], (N, DIN), dtype=jnp.float32)
    edge_index = jax.random.randint(ks[1], (2, E), 0, N, dtype=jnp.int32)
    batch = jnp.sort(jax.random.randint(ks[2], (N,), 0, G, dtype=jnp.int32))
    W_l1 = jax.random.normal(ks[3], (DH, DIN), dtype=jnp.float32) * 0.05
    b_l1 = jnp.zeros((DH,), jnp.float32)
    W_r1 = jax.random.normal(ks[4], (DH, DIN), dtype=jnp.float32) * 0.05
    bn1_g = jnp.ones((DH,), jnp.float32)
    bn1_b = jnp.zeros((DH,), jnp.float32)
    Wp = jax.random.normal(ks[5], (DH, DIN), dtype=jnp.float32) * 0.05
    bp = jnp.zeros((DH,), jnp.float32)
    W_l2 = jax.random.normal(ks[6], (DOUT, DH), dtype=jnp.float32) * 0.05
    b_l2 = jnp.zeros((DOUT,), jnp.float32)
    W_r2 = jax.random.normal(ks[7], (DOUT, DH), dtype=jnp.float32) * 0.05
    bn2_g = jnp.ones((DOUT,), jnp.float32)
    bn2_b = jnp.zeros((DOUT,), jnp.float32)
    return {"x": x, "edge_index": edge_index, "batch": batch,
            "W_l1": W_l1, "b_l1": b_l1, "W_r1": W_r1, "bn1_g": bn1_g, "bn1_b": bn1_b,
            "Wp": Wp, "bp": bp,
            "W_l2": W_l2, "b_l2": b_l2, "W_r2": W_r2, "bn2_g": bn2_g, "bn2_b": bn2_b}


def reference(x, edge_index, batch, W_l1, b_l1, W_r1, bn1_g, bn1_b, Wp, bp, W_l2, b_l2, W_r2, bn2_g, bn2_b):
    src = edge_index[0]
    dst = edge_index[1]
    # ResidualSAGEBlock(DIN -> DH)
    h = sage_conv(x, src, dst, W_l1, b_l1, W_r1)
    h = batch_norm(h, bn1_g, bn1_b)
    h = h + (x @ Wp.T + bp)
    h = jax.nn.relu(h)
    # dropout is identity in eval / deterministic reference
    # output SAGEConv(DH -> DOUT) + BatchNorm
    o = sage_conv(h, src, dst, W_l2, b_l2, W_r2)
    o = batch_norm(o, bn2_g, bn2_b)
    # global_mean_pool over graph ids
    pooled = jax.ops.segment_sum(o, batch, num_segments=G)
    cnt = jax.ops.segment_sum(jnp.ones((N,), o.dtype), batch, num_segments=G)
    pooled = pooled / jnp.maximum(cnt, 1.0)[:, None]
    return jax.nn.log_softmax(pooled, axis=1)

if __name__ == "__main__":
    import jax
    _d = setup_inputs()
    print(jax.jit(kernel)(*tuple(_d.values())))

</pallas_src>

<mosaic_0001>
#map = affine_map<(d0, d1) -> (0, 0)>
module attributes {stable_mosaic.version = 14 : i64} {
  func.func @sc_agg(%arg0: i32, %arg1: i32, %arg2: memref<10000x48xf32, #tpu.memory_space<hbm>>, %arg3: memref<2x320000xi32, #tpu.memory_space<hbm>>, %arg4: memref<10000x48xf32, #tpu.memory_space<hbm>>, %arg5: memref<20000x48xf32, #tpu.memory_space<hbm>>, %arg6: memref<10000xi32, #tpu.memory_space<vmem>>, %arg7: memref<10000xi32, #tpu.memory_space<vmem>>, %arg8: memref<80x48xf32, #tpu.memory_space<vmem>>, %arg9: memref<80x48xf32, #tpu.memory_space<vmem>>, %arg10: memref<80x48xf32, #tpu.memory_space<vmem>>, %arg11: memref<80x48xf32, #tpu.memory_space<vmem>>, %arg12: memref<80x48xf32, #tpu.memory_space<vmem>>, %arg13: memref<1x80xi32, #tpu.memory_space<vmem>>, %arg14: memref<1x80xi32, #tpu.memory_space<vmem>>, %arg15: memref<1x80xi32, #tpu.memory_space<vmem>>, %arg16: memref<1x80xi32, #tpu.memory_space<vmem>>, %arg17: memref<1x80xi32, #tpu.memory_space<vmem>>, %arg18: memref<10000x48xf32, #tpu.memory_space<vmem_shared>>, %arg19: memref<!tpu.dma_semaphore, #tpu.memory_space<semaphore_mem>>, %arg20: memref<!tpu.dma_semaphore, #tpu.memory_space<semaphore_mem>>, %arg21: memref<!tpu.dma_semaphore, #tpu.memory_space<semaphore_mem>>, %arg22: memref<!tpu.dma_semaphore, #tpu.memory_space<semaphore_mem>>, %arg23: memref<!tpu.dma_semaphore, #tpu.memory_space<semaphore_mem>>) attributes {dimension_semantics = [#tpu.dimension_semantics<core_parallel>, #tpu.dimension_semantics<subcore_parallel>], iteration_bounds = array<i64: 2, 16>, scalar_prefetch = 0 : i64, scratch_operands = 18 : i64, tpu.core_type = #tpu.core_type<sc_vector_subcore>, window_params = [{transform_indices = #map}, {transform_indices = #map}, {transform_indices = #map}, {transform_indices = #map}]} {
    %mul3A = arith.constant 16 : i32
    %mul3A_0 = arith.muli %arg0, %mul3A : i32
    %add3A = arith.addi %mul3A_0, %arg1 : i32
    %mul3A_1 = arith.constant 10000 : i32
    %mul3A_2 = arith.muli %add3A, %mul3A_1 : i32
    %run_scoped3A = arith.constant 0 : i32
    "tpu.region"() ({
      %run_scoped3A_199 = tpu.sem_alloc : memref<!tpu.dma_semaphore, #tpu.memory_space<semaphore_mem>>
      %dma_start3A_200 = tpu.memref_slice %arg3[%run_scoped3A, %mul3A_2] : memref<2x320000xi32, #tpu.memory_space<hbm>> -> memref<1x10000xi32, #tpu.memory_space<hbm>>
      %dma_start3A_201 = tpu.memref_squeeze %dma_start3A_200 : memref<1x10000xi32, #tpu.memory_space<hbm>> -> memref<10000xi32, #tpu.memory_space<hbm>>
      %dma_start3A_202 = tpu.memref_slice %arg3[%run_scoped3A, %mul3A_2] : memref<2x320000xi32, #tpu.memory_space<hbm>> -> memref<1x10000xi32, #tpu.memory_space<hbm>>
      %dma_start3A_203 = tpu.memref_squeeze %dma_start3A_202 : memref<1x10000xi32, #tpu.memory_space<hbm>> -> memref<10000xi32, #tpu.memory_space<hbm>>
      tpu.enqueue_dma source(%dma_start3A_203 : memref<10000xi32, #tpu.memory_space<hbm>>) target(%arg6 : memref<10000xi32, #tpu.memory_space<vmem>>) target_semaphore(%run_scoped3A_199 : memref<!tpu.dma_semaphore, #tpu.memory_space<semaphore_mem>>)
      %dma_wait3A = tpu.memref_slice %arg3[%run_scoped3A, %mul3A_2] : memref<2x320000xi32, #tpu.memory_space<hbm>> -> memref<1x10000xi32, #tpu.memory_space<hbm>>
      %dma_wait3A_204 = tpu.memref_squeeze %dma_wait3A : memref<1x10000xi32, #tpu.memory_space<hbm>> -> memref<10000xi32, #tpu.memory_space<hbm>>
      %dma_wait3A_205 = tpu.memref_slice %arg3[%run_scoped3A, %mul3A_2] : memref<2x320000xi32, #tpu.memory_space<hbm>> -> memref<1x10000xi32, #tpu.memory_space<hbm>>
      %dma_wait3A_206 = tpu.memref_squeeze %dma_wait3A_205 : memref<1x10000xi32, #tpu.memory_space<hbm>> -> memref<10000xi32, #tpu.memory_space<hbm>>
      tpu.wait_dma2 semaphore(%run_scoped3A_199 : memref<!tpu.dma_semaphore, #tpu.memory_space<semaphore_mem>>) src(%dma_wait3A_206 : memref<10000xi32, #tpu.memory_space<hbm>>) dst(%arg6 : memref<10000xi32, #tpu.memory_space<vmem>>)
      tpu.yield
    }) : () -> ()
    %mul3A_3 = arith.constant 10000 : i32
    %mul3A_4 = arith.muli %add3A, %mul3A_3 : i32
    %run_scoped3A_5 = arith.constant 1 : i32
    "tpu.region"() ({
      %run_scoped3A_199 = tpu.sem_alloc : memref<!tpu.dma_semaphore, #tpu.memory_space<semaphore_mem>>
      %dma_start3A_200 = tpu.memref_slice %arg3[%run_scoped3A_5, %mul3A_4] : memref<2x320000xi32, #tpu.memory_space<hbm>> -> memref<1x10000xi32, #tpu.memory_space<hbm>>
      %dma_start3A_201 = tpu.memref_squeeze %dma_start3A_200 : memref<1x10000xi32, #tpu.memory_space<hbm>> -> memref<10000xi32, #tpu.memory_space<hbm>>
      %dma_start3A_202 = tpu.memref_slice %arg3[%run_scoped3A_5, %mul3A_4] : memref<2x320000xi32, #tpu.memory_space<hbm>> -> memref<1x10000xi32, #tpu.memory_space<hbm>>
      %dma_start3A_203 = tpu.memref_squeeze %dma_start3A_202 : memref<1x10000xi32, #tpu.memory_space<hbm>> -> memref<10000xi32, #tpu.memory_space<hbm>>
      tpu.enqueue_dma source(%dma_start3A_203 : memref<10000xi32, #tpu.memory_space<hbm>>) target(%arg7 : memref<10000xi32, #tpu.memory_space<vmem>>) target_semaphore(%run_scoped3A_199 : memref<!tpu.dma_semaphore, #tpu.memory_space<semaphore_mem>>)
      %dma_wait3A = tpu.memref_slice %arg3[%run_scoped3A_5, %mul3A_4] : memref<2x320000xi32, #tpu.memory_space<hbm>> -> memref<1x10000xi32, #tpu.memory_space<hbm>>
      %dma_wait3A_204 = tpu.memref_squeeze %dma_wait3A : memref<1x10000xi32, #tpu.memory_space<hbm>> -> memref<10000xi32, #tpu.memory_space<hbm>>
      %dma_wait3A_205 = tpu.memref_slice %arg3[%run_scoped3A_5, %mul3A_4] : memref<2x320000xi32, #tpu.memory_space<hbm>> -> memref<1x10000xi32, #tpu.memory_space<hbm>>
      %dma_wait3A_206 = tpu.memref_squeeze %dma_wait3A_205 : memref<1x10000xi32, #tpu.memory_space<hbm>> -> memref<10000xi32, #tpu.memory_space<hbm>>
      tpu.wait_dma2 semaphore(%run_scoped3A_199 : memref<!tpu.dma_semaphore, #tpu.memory_space<semaphore_mem>>) src(%dma_wait3A_206 : memref<10000xi32, #tpu.memory_space<hbm>>) dst(%arg7 : memref<10000xi32, #tpu.memory_space<vmem>>)
      tpu.yield
    }) : () -> ()
    %lt3A = arith.constant 15 : i32
    %lt3A_6 = arith.cmpi slt, %arg1, %lt3A : i32
    %convert_element_type3A = arith.extui %lt3A_6 : i1 to i32
    %cond3A = arith.constant 0 : i32
    %cond3A_7 = arith.cmpi ne, %convert_element_type3A, %cond3A : i32
    scf.if %cond3A_7 {
      %mul3A_199 = arith.constant 632 : i32
      %mul3A_200 = arith.muli %arg1, %mul3A_199 : i32
      %mul3A_201 = arith.constant 632 : i32
      %mul3A_202 = arith.muli %arg1, %mul3A_201 : i32
      "tpu.region"() ({
        %run_scoped3A_203 = tpu.sem_alloc : memref<!tpu.dma_semaphore, #tpu.memory_space<semaphore_mem>>
        %dma_start3A_204 = arith.constant 0 : i32
        %dma_start3A_205 = tpu.memref_slice %arg18[%mul3A_202, %dma_start3A_204] : memref<10000x48xf32, #tpu.memory_space<vmem_shared>> -> memref<632x48xf32, #tpu.memory_space<vmem_shared>>
        %dma_start3A_206 = arith.constant 0 : i32
        %dma_start3A_207 = tpu.memref_slice %arg4[%mul3A_200, %dma_start3A_206] : memref<10000x48xf32, #tpu.memory_space<hbm>> -> memref<632x48xf32, #tpu.memory_space<hbm>>
        tpu.enqueue_dma source(%dma_start3A_207 : memref<632x48xf32, #tpu.memory_space<hbm>>) target(%dma_start3A_205 : memref<632x48xf32, #tpu.memory_space<vmem_shared>>) target_semaphore(%run_scoped3A_203 : memref<!tpu.dma_semaphore, #tpu.memory_space<semaphore_mem>>)
        %dma_wait3A = arith.constant 0 : i32
        %dma_wait3A_208 = tpu.memref_slice %arg18[%mul3A_202, %dma_wait3A] : memref<10000x48xf32, #tpu.memory_space<vmem_shared>> -> memref<632x48xf32, #tpu.memory_space<vmem_shared>>
        %dma_wait3A_209 = arith.constant 0 : i32
        %dma_wait3A_210 = tpu.memref_slice %arg4[%mul3A_200, %dma_wait3A_209] : memref<10000x48xf32, #tpu.memory_space<hbm>> -> memref<632x48xf32, #tpu.memory_space<hbm>>
        tpu.wait_dma2 semaphore(%run_scoped3A_203 : memref<!tpu.dma_semaphore, #tpu.memory_space<semaphore_mem>>) src(%dma_wait3A_210 : memref<632x48xf32, #tpu.memory_space<hbm>>) dst(%dma_wait3A_208 : memref<632x48xf32, #tpu.memory_space<vmem_shared>>)
        tpu.yield
      }) : () -> ()
    } else {
    }
    %eq3A = arith.constant 15 : i32
    %eq3A_8 = arith.cmpi eq, %arg1, %eq3A : i32
    %convert_element_type3A_9 = arith.extui %eq3A_8 : i1 to i32
    %cond3A_10 = arith.constant 0 : i32
    %cond3A_11 = arith.cmpi ne, %convert_element_type3A_9, %cond3A_10 : i32
    scf.if %cond3A_11 {
      "tpu.region"() ({
        %run_scoped3A_199 = tpu.sem_alloc : memref<!tpu.dma_semaphore, #tpu.memory_space<semaphore_mem>>
        %dma_start3A_200 = arith.constant 9480 : i32
        %dma_start3A_201 = arith.constant 0 : i32
        %dma_start3A_202 = tpu.memref_slice %arg18[%dma_start3A_200, %dma_start3A_201] : memref<10000x48xf32, #tpu.memory_space<vmem_shared>> -> memref<520x48xf32, #tpu.memory_space<vmem_shared>>
        %dma_start3A_203 = arith.constant 9480 : i32
        %dma_start3A_204 = arith.constant 0 : i32
        %dma_start3A_205 = tpu.memref_slice %arg4[%dma_start3A_203, %dma_start3A_204] : memref<10000x48xf32, #tpu.memory_space<hbm>> -> memref<520x48xf32, #tpu.memory_space<hbm>>
        tpu.enqueue_dma source(%dma_start3A_205 : memref<520x48xf32, #tpu.memory_space<hbm>>) target(%dma_start3A_202 : memref<520x48xf32, #tpu.memory_space<vmem_shared>>) target_semaphore(%run_scoped3A_199 : memref<!tpu.dma_semaphore, #tpu.memory_space<semaphore_mem>>)
        %dma_wait3A = arith.constant 9480 : i32
        %dma_wait3A_206 = arith.constant 0 : i32
        %dma_wait3A_207 = tpu.memref_slice %arg18[%dma_wait3A, %dma_wait3A_206] : memref<10000x48xf32, #tpu.memory_space<vmem_shared>> -> memref<520x48xf32, #tpu.memory_space<vmem_shared>>
        %dma_wait3A_208 = arith.constant 9480 : i32
        %dma_wait3A_209 = arith.constant 0 : i32
        %dma_wait3A_210 = tpu.memref_slice %arg4[%dma_wait3A_208, %dma_wait3A_209] : memref<10000x48xf32, #tpu.memory_space<hbm>> -> memref<520x48xf32, #tpu.memory_space<hbm>>
        tpu.wait_dma2 semaphore(%run_scoped3A_199 : memref<!tpu.dma_semaphore, #tpu.memory_space<semaphore_mem>>) src(%dma_wait3A_210 : memref<520x48xf32, #tpu.memory_space<hbm>>) dst(%dma_wait3A_207 : memref<520x48xf32, #tpu.memory_space<vmem_shared>>)
        tpu.yield
      }) : () -> ()
    } else {
    }
    %barrier3A = arith.constant 0 : index
    tpu.barrier barrier_id(%barrier3A)
    %get3A = arith.constant 0 : index
    %get3A_12 = tpu.vector_load %arg7[%get3A] {strides = array<i32>} : memref<10000xi32, #tpu.memory_space<vmem>>, vector<16xi32>,
    %swap3A = arith.constant 0 : i32
    %swap3A_13 = arith.index_cast %swap3A : i32 to index
    %swap3A_14 = arith.constant 0 : index
    %swap3A_15 = tpu.vector_load %arg13[%swap3A_13, %swap3A_14] {strides = array<i32>} : memref<1x80xi32, #tpu.memory_space<vmem>>, vector<16xi32>,
    tpu.vector_store %arg13[%swap3A_13, %swap3A_14], %get3A_12 {strides = array<i32>} : memref<1x80xi32, #tpu.memory_space<vmem>>, vector<16xi32>,
    %get3A_16 = arith.constant 16 : index
    %get3A_17 = tpu.vector_load %arg7[%get3A_16] {strides = array<i32>} : memref<10000xi32, #tpu.memory_space<vmem>>, vector<16xi32>,
    %swap3A_18 = arith.constant 0 : i32
    %swap3A_19 = arith.index_cast %swap3A_18 : i32 to index
    %swap3A_20 = arith.constant 16 : index
    %swap3A_21 = tpu.vector_load %arg13[%swap3A_19, %swap3A_20] {strides = array<i32>} : memref<1x80xi32, #tpu.memory_space<vmem>>, vector<16xi32>,
    tpu.vector_store %arg13[%swap3A_19, %swap3A_20], %get3A_17 {strides = array<i32>} : memref<1x80xi32, #tpu.memory_space<vmem>>, vector<16xi32>,
    %get3A_22 = arith.constant 32 : index
    %get3A_23 = tpu.vector_load %arg7[%get3A_22] {strides = array<i32>} : memref<10000xi32, #tpu.memory_space<vmem>>, vector<16xi32>,
    %swap3A_24 = arith.constant 0 : i32
    %swap3A_25 = arith.index_cast %swap3A_24 : i32 to index
    %swap3A_26 = arith.constant 32 : index
    %swap3A_27 = tpu.vector_load %arg13[%swap3A_25, %swap3A_26] {strides = array<i32>} : memref<1x80xi32, #tpu.memory_space<vmem>>, vector<16xi32>,
    tpu.vector_store %arg13[%swap3A_25, %swap3A_26], %get3A_23 {strides = array<i32>} : memref<1x80xi32, #tpu.memory_space<vmem>>, vector<16xi32>,
    %get3A_28 = arith.constant 48 : index
    %get3A_29 = tpu.vector_load %arg7[%get3A_28] {strides = array<i32>} : memref<10000xi32, #tpu.memory_space<vmem>>, vector<16xi32>,
    %swap3A_30 = arith.constant 0 : i32
    %swap3A_31 = arith.index_cast %swap3A_30 : i32 to index
    %swap3A_32 = arith.constant 48 : index
    %swap3A_33 = tpu.vector_load %arg13[%swap3A_31, %swap3A_32] {strides = array<i32>} : memref<1x80xi32, #tpu.memory_space<vmem>>, vector<16xi32>,
    tpu.vector_store %arg13[%swap3A_31, %swap3A_32], %get3A_29 {strides = array<i32>} : memref<1x80xi32, #tpu.memory_space<vmem>>, vector<16xi32>,
    %get3A_34 = arith.constant 64 : index
    %get3A_35 = tpu.vector_load %arg7[%get3A_34] {strides = array<i32>} : memref<10000xi32, #tpu.memory_space<vmem>>, vector<16xi32>,
    %swap3A_36 = arith.constant 0 : i32
    %swap3A_37 = arith.index_cast %swap3A_36 : i32 to index
    %swap3A_38 = arith.constant 64 : index
    %swap3A_39 = tpu.vector_load %arg13[%swap3A_37, %swap3A_38] {strides = array<i32>} : memref<1x80xi32, #tpu.memory_space<vmem>>, vector<16xi32>,
    tpu.vector_store %arg13[%swap3A_37, %swap3A_38], %get3A_35 {strides = array<i32>} : memref<1x80xi32, #tpu.memory_space<vmem>>, vector<16xi32>,
    %dma_start3A = arith.constant 0 : i32
    %dma_start3A_40 = tpu.memref_slice %arg6[%dma_start3A] : memref<10000xi32, #tpu.memory_space<vmem>> -> memref<80xi32, #tpu.memory_space<vmem>>
    %dma_start3A_41 = arith.constant 0 : i32
    %dma_start3A_42 = arith.constant 0 : i32
    %dma_start3A_43 = tpu.memref_slice %arg2[%dma_start3A_41, %dma_start3A_42] : memref<10000x48xf32, #tpu.memory_space<hbm>> -> memref<10000x48xf32, #tpu.memory_space<hbm>>
    tpu.enqueue_indirect_dma source(%dma_start3A_43 : memref<10000x48xf32, #tpu.memory_space<hbm>>) target(%arg8 : memref<80x48xf32, #tpu.memory_space<vmem>>) offsets(%dma_start3A_40 : memref<80xi32, #tpu.memory_space<vmem>>) semaphore(%arg19 : memref<!tpu.dma_semaphore, #tpu.memory_space<semaphore_mem>>)
    %get3A_44 = arith.constant 80 : index
    %get3A_45 = tpu.vector_load %arg7[%get3A_44] {strides = array<i32>} : memref<10000xi32, #tpu.memory_space<vmem>>, vector<16xi32>,
    %swap3A_46 = arith.constant 0 : i32
    %swap3A_47 = arith.index_cast %swap3A_46 : i32 to index
    %swap3A_48 = arith.constant 0 : index
    %swap3A_49 = tpu.vector_load %arg14[%swap3A_47, %swap3A_48] {strides = array<i32>} : memref<1x80xi32, #tpu.memory_space<vmem>>, vector<16xi32>,
    tpu.vector_store %arg14[%swap3A_47, %swap3A_48], %get3A_45 {strides = array<i32>} : memref<1x80xi32, #tpu.memory_space<vmem>>, vector<16xi32>,
    %get3A_50 = arith.constant 96 : index
    %get3A_51 = tpu.vector_load %arg7[%get3A_50] {strides = array<i32>} : memref<10000xi32, #tpu.memory_space<vmem>>, vector<16xi32>,
    %swap3A_52 = arith.constant 0 : i32
    %swap3A_53 = arith.index_cast %swap3A_52 : i32 to index
    %swap3A_54 = arith.constant 16 : index
    %swap3A_55 = tpu.vector_load %arg14[%swap3A_53, %swap3A_54] {strides = array<i32>} : memref<1x80xi32, #tpu.memory_space<vmem>>, vector<16xi32>,
    tpu.vector_store %arg14[%swap3A_53, %swap3A_54], %get3A_51 {strides = array<i32>} : memref<1x80xi32, #tpu.memory_space<vmem>>, vector<16xi32>,
    %get3A_56 = arith.constant 112 : index
    %get3A_57 = tpu.vector_load %arg7[%get3A_56] {strides = array<i32>} : memref<10000xi32, #tpu.memory_space<vmem>>, vector<16xi32>,
    %swap3A_58 = arith.constant 0 : i32
    %swap3A_59 = arith.index_cast %swap3A_58 : i32 to index
    %swap3A_60 = arith.constant 32 : index
    %swap3A_61 = tpu.vector_load %arg14[%swap3A_59, %swap3A_60] {strides = array<i32>} : memref<1x80xi32, #tpu.memory_space<vmem>>, vector<16xi32>,
    tpu.vector_store %arg14[%swap3A_59, %swap3A_60], %get3A_57 {strides = array<i32>} : memref<1x80xi32, #tpu.memory_space<vmem>>, vector<16xi32>,
    %get3A_62 = arith.constant 128 : index
    %get3A_63 = tpu.vector_load %arg7[%get3A_62] {strides = array<i32>} : memref<10000xi32, #tpu.memory_space<vmem>>, vector<16xi32>,
    %swap3A_64 = arith.constant 0 : i32
    %swap3A_65 = arith.index_cast %swap3A_64 : i32 to index
    %swap3A_66 = arith.constant 48 : index
    %swap3A_67 = tpu.vector_load %arg14[%swap3A_65, %swap3A_66] {strides = array<i32>} : memref<1x80xi32, #tpu.memory_space<vmem>>, vector<16xi32>,
    tpu.vector_store %arg14[%swap3A_65, %swap3A_66], %get3A_63 {strides = array<i32>} : memref<1x80xi32, #tpu.memory_space<vmem>>, vector<16xi32>,
    %get3A_68 = arith.constant 144 : index
    %get3A_69 = tpu.vector_load %arg7[%get3A_68] {strides = array<i32>} : memref<10000xi32, #tpu.memory_space<vmem>>, vector<16xi32>,
    %swap3A_70 = arith.constant 0 : i32
    %swap3A_71 = arith.index_cast %swap3A_70 : i32 to index
    %swap3A_72 = arith.constant 64 : index
    %swap3A_73 = tpu.vector_load %arg14[%swap3A_71, %swap3A_72] {strides = array<i32>} : memref<1x80xi32, #tpu.memory_space<vmem>>, vector<16xi32>,
    tpu.vector_store %arg14[%swap3A_71, %swap3A_72], %get3A_69 {strides = array<i32>} : memref<1x80xi32, #tpu.memory_space<vmem>>, vector<16xi32>,
    %dma_start3A_74 = arith.constant 80 : i32
    %dma_start3A_75 = tpu.memref_slice %arg6[%dma_start3A_74] : memref<10000xi32, #tpu.memory_space<vmem>> -> memref<80xi32, #tpu.memory_space<vmem>>
    %dma_start3A_76 = arith.constant 0 : i32
    %dma_start3A_77 = arith.constant 0 : i32
    %dma_start3A_78 = tpu.memref_slice %arg2[%dma_start3A_76, %dma_start3A_77] : memref<10000x48xf32, #tpu.memory_space<hbm>> -> memref<10000x48xf32, #tpu.memory_space<hbm>>
    tpu.enqueue_indirect_dma source(%dma_start3A_78 : memref<10000x48xf32, #tpu.memory_space<hbm>>) target(%arg9 : memref<80x48xf32, #tpu.memory_space<vmem>>) offsets(%dma_start3A_75 : memref<80xi32, #tpu.memory_space<vmem>>) semaphore(%arg20 : memref<!tpu.dma_semaphore, #tpu.memory_space<semaphore_mem>>)
    %get3A_79 = arith.constant 160 : index
    %get3A_80 = tpu.vector_load %arg7[%get3A_79] {strides = array<i32>} : memref<10000xi32, #tpu.memory_space<vmem>>, vector<16xi32>,
    %swap3A_81 = arith.constant 0 : i32
    %swap3A_82 = arith.index_cast %swap3A_81 : i32 to index
    %swap3A_83 = arith.constant 0 : index
    %swap3A_84 = tpu.vector_load %arg15[%swap3A_82, %swap3A_83] {strides = array<i32>} : memref<1x80xi32, #tpu.memory_space<vmem>>, vector<16xi32>,
    tpu.vector_store %arg15[%swap3A_82, %swap3A_83], %get3A_80 {strides = array<i32>} : memref<1x80xi32, #tpu.memory_space<vmem>>, vector<16xi32>,
    %get3A_85 = arith.constant 176 : index
    %get3A_86 = tpu.vector_load %arg7[%get3A_85] {strides = array<i32>} : memref<10000xi32, #tpu.memory_space<vmem>>, vector<16xi32>,
    %swap3A_87 = arith.constant 0 : i32
    %swap3A_88 = arith.index_cast %swap3A_87 : i32 to index
    %swap3A_89 = arith.constant 16 : index
    %swap3A_90 = tpu.vector_load %arg15[%swap3A_88, %swap3A_89] {strides = array<i32>} : memref<1x80xi32, #tpu.memory_space<vmem>>, vector<16xi32>,
    tpu.vector_store %arg15[%swap3A_88, %swap3A_89], %get3A_86 {strides = array<i32>} : memref<1x80xi32, #tpu.memory_space<vmem>>, vector<16xi32>,
    %get3A_91 = arith.constant 192 : index
    %get3A_92 = tpu.vector_load %arg7[%get3A_91] {strides = array<i32>} : memref<10000xi32, #tpu.memory_space<vmem>>, vector<16xi32>,
    %swap3A_93 = arith.constant 0 : i32
    %swap3A_94 = arith.index_cast %swap3A_93 : i32 to index
    %swap3A_95 = arith.constant 32 : index
    %swap3A_96 = tpu.vector_load %arg15[%swap3A_94, %swap3A_95] {strides = array<i32>} : memref<1x80xi32, #tpu.memory_space<vmem>>, vector<16xi32>,
    tpu.vector_store %arg15[%swap3A_94, %swap3A_95], %get3A_92 {strides = array<i32>} : memref<1x80xi32, #tpu.memory_space<vmem>>, vector<16xi32>,
    %get3A_97 = arith.constant 208 : index
    %get3A_98 = tpu.vector_load %arg7[%get3A_97] {strides = array<i32>} : memref<10000xi32, #tpu.memory_space<vmem>>, vector<16xi32>,
    %swap3A_99 = arith.constant 0 : i32
    %swap3A_100 = arith.index_cast %swap3A_99 : i32 to index
    %swap3A_101 = arith.constant 48 : index
    %swap3A_102 = tpu.vector_load %arg15[%swap3A_100, %swap3A_101] {strides = array<i32>} : memref<1x80xi32, #tpu.memory_space<vmem>>, vector<16xi32>,
    tpu.vector_store %arg15[%swap3A_100, %swap3A_101], %get3A_98 {strides = array<i32>} : memref<1x80xi32, #tpu.memory_space<vmem>>, vector<16xi32>,
    %get3A_103 = arith.constant 224 : index
    %get3A_104 = tpu.vector_load %arg7[%get3A_103] {strides = array<i32>} : memref<10000xi32, #tpu.memory_space<vmem>>, vector<16xi32>,
    %swap3A_105 = arith.constant 0 : i32
    %swap3A_106 = arith.index_cast %swap3A_105 : i32 to index
    %swap3A_107 = arith.constant 64 : index
    %swap3A_108 = tpu.vector_load %arg15[%swap3A_106, %swap3A_107] {strides = array<i32>} : memref<1x80xi32, #tpu.memory_space<vmem>>, vector<16xi32>,
    tpu.vector_store %arg15[%swap3A_106, %swap3A_107], %get3A_104 {strides = array<i32>} : memref<1x80xi32, #tpu.memory_space<vmem>>, vector<16xi32>,
    %dma_start3A_109 = arith.constant 160 : i32
    %dma_start3A_110 = tpu.memref_slice %arg6[%dma_start3A_109] : memref<10000xi32, #tpu.memory_space<vmem>> -> memref<80xi32, #tpu.memory_space<vmem>>
    %dma_start3A_111 = arith.constant 0 : i32
    %dma_start3A_112 = arith.constant 0 : i32
    %dma_start3A_113 = tpu.memref_slice %arg2[%dma_start3A_111, %dma_start3A_112] : memref<10000x48xf32, #tpu.memory_space<hbm>> -> memref<10000x48xf32, #tpu.memory_space<hbm>>
    tpu.enqueue_indirect_dma source(%dma_start3A_113 : memref<10000x48xf32, #tpu.memory_space<hbm>>) target(%arg10 : memref<80x48xf32, #tpu.memory_space<vmem>>) offsets(%dma_start3A_110 : memref<80xi32, #tpu.memory_space<vmem>>) semaphore(%arg21 : memref<!tpu.dma_semaphore, #tpu.memory_space<semaphore_mem>>)
    %get3A_114 = arith.constant 240 : index
    %get3A_115 = tpu.vector_load %arg7[%get3A_114] {strides = array<i32>} : memref<10000xi32, #tpu.memory_space<vmem>>, vector<16xi32>,
    %swap3A_116 = arith.constant 0 : i32
    %swap3A_117 = arith.index_cast %swap3A_116 : i32 to index
    %swap3A_118 = arith.constant 0 : index
    %swap3A_119 = tpu.vector_load %arg16[%swap3A_117, %swap3A_118] {strides = array<i32>} : memref<1x80xi32, #tpu.memory_space<vmem>>, vector<16xi32>,
    tpu.vector_store %arg16[%swap3A_117, %swap3A_118], %get3A_115 {strides = array<i32>} : memref<1x80xi32, #tpu.memory_space<vmem>>, vector<16xi32>,
    %get3A_120 = arith.constant 256 : index
    %get3A_121 = tpu.vector_load %arg7[%get3A_120] {strides = array<i32>} : memref<10000xi32, #tpu.memory_space<vmem>>, vector<16xi32>,
    %swap3A_122 = arith.constant 0 : i32
    %swap3A_123 = arith.index_cast %swap3A_122 : i32 to index
    %swap3A_124 = arith.constant 16 : index
    %swap3A_125 = tpu.vector_load %arg16[%swap3A_123, %swap3A_124] {strides = array<i32>} : memref<1x80xi32, #tpu.memory_space<vmem>>, vector<16xi32>,
    tpu.vector_store %arg16[%swap3A_123, %swap3A_124], %get3A_121 {strides = array<i32>} : memref<1x80xi32, #tpu.memory_space<vmem>>, vector<16xi32>,
    %get3A_126 = arith.constant 272 : index
    %get3A_127 = tpu.vector_load %arg7[%get3A_126] {strides = array<i32>} : memref<10000xi32, #tpu.memory_space<vmem>>, vector<16xi32>,
    %swap3A_128 = arith.constant 0 : i32
    %swap3A_129 = arith.index_cast %swap3A_128 : i32 to index
    %swap3A_130 = arith.constant 32 : index
    %swap3A_131 = tpu.vector_load %arg16[%swap3A_129, %swap3A_130] {strides = array<i32>} : memref<1x80xi32, #tpu.memory_space<vmem>>, vector<16xi32>,
    tpu.vector_store %arg16[%swap3A_129, %swap3A_130], %get3A_127 {strides = array<i32>} : memref<1x80xi32, #tpu.memory_space<vmem>>, vector<16xi32>,
    %get3A_132 = arith.constant 288 : index
    %get3A_133 = tpu.vector_load %arg7[%get3A_132] {strides = array<i32>} : memref<10000xi32, #tpu.memory_space<vmem>>, vector<16xi32>,
    %swap3A_134 = arith.constant 0 : i32
    %swap3A_135 = arith.index_cast %swap3A_134 : i32 to index
    %swap3A_136 = arith.constant 48 : index
    %swap3A_137 = tpu.vector_load %arg16[%swap3A_135, %swap3A_136] {strides = array<i32>} : memref<1x80xi32, #tpu.memory_space<vmem>>, vector<16xi32>,
    tpu.vector_store %arg16[%swap3A_135, %swap3A_136], %get3A_133 {strides = array<i32>} : memref<1x80xi32, #tpu.memory_space<vmem>>, vector<16xi32>,
    %get3A_138 = arith.constant 304 : index
    %get3A_139 = tpu.vector_load %arg7[%get3A_138] {strides = array<i32>} : memref<10000xi32, #tpu.memory_space<vmem>>, vector<16xi32>,
    %swap3A_140 = arith.constant 0 : i32
    %swap3A_141 = arith.index_cast %swap3A_140 : i32 to index
    %swap3A_142 = arith.constant 64 : index
    %swap3A_143 = tpu.vector_load %arg16[%swap3A_141, %swap3A_142] {strides = array<i32>} : memref<1x80xi32, #tpu.memory_space<vmem>>, vector<16xi32>,
    tpu.vector_store %arg16[%swap3A_141, %swap3A_142], %get3A_139 {strides = array<i32>} : memref<1x80xi32, #tpu.memory_space<vmem>>, vector<16xi32>,
    %dma_start3A_144 = arith.constant 240 : i32
    %dma_start3A_145 = tpu.memref_slice %arg6[%dma_start3A_144] : memref<10000xi32, #tpu.memory_space<vmem>> -> memref<80xi32, #tpu.memory_space<vmem>>
    %dma_start3A_146 = arith.constant 0 : i32
    %dma_start3A_147 = arith.constant 0 : i32
    %dma_start3A_148 = tpu.memref_slice %arg2[%dma_start3A_146, %dma_start3A_147] : memref<10000x48xf32, #tpu.memory_space<hbm>> -> memref<10000x48xf32, #tpu.memory_space<hbm>>
    tpu.enqueue_indirect_dma source(%dma_start3A_148 : memref<10000x48xf32, #tpu.memory_space<hbm>>) target(%arg11 : memref<80x48xf32, #tpu.memory_space<vmem>>) offsets(%dma_start3A_145 : memref<80xi32, #tpu.memory_space<vmem>>) semaphore(%arg22 : memref<!tpu.dma_semaphore, #tpu.memory_space<semaphore_mem>>)
    %get3A_149 = arith.constant 320 : index
    %get3A_150 = tpu.vector_load %arg7[%get3A_149] {strides = array<i32>} : memref<10000xi32, #tpu.memory_space<vmem>>, vector<16xi32>,
    %swap3A_151 = arith.constant 0 : i32
    %swap3A_152 = arith.index_cast %swap3A_151 : i32 to index
    %swap3A_153 = arith.constant 0 : index
    %swap3A_154 = tpu.vector_load %arg17[%swap3A_152, %swap3A_153] {strides = array<i32>} : memref<1x80xi32, #tpu.memory_space<vmem>>, vector<16xi32>,
    tpu.vector_store %arg17[%swap3A_152, %swap3A_153], %get3A_150 {strides = array<i32>} : memref<1x80xi32, #tpu.memory_space<vmem>>, vector<16xi32>,
    %get3A_155 = arith.constant 336 : index
    %get3A_156 = tpu.vector_load %arg7[%get3A_155] {strides = array<i32>} : memref<10000xi32, #tpu.memory_space<vmem>>, vector<16xi32>,
    %swap3A_157 = arith.constant 0 : i32
    %swap3A_158 = arith.index_cast %swap3A_157 : i32 to index
    %swap3A_159 = arith.constant 16 : index
    %swap3A_160 = tpu.vector_load %arg17[%swap3A_158, %swap3A_159] {strides = array<i32>} : memref<1x80xi32, #tpu.memory_space<vmem>>, vector<16xi32>,
    tpu.vector_store %arg17[%swap3A_158, %swap3A_159], %get3A_156 {strides = array<i32>} : memref<1x80xi32, #tpu.memory_space<vmem>>, vector<16xi32>,
    %get3A_161 = arith.constant 352 : index
    %get3A_162 = tpu.vector_load %arg7[%get3A_161] {strides = array<i32>} : memref<10000xi32, #tpu.memory_space<vmem>>, vector<16xi32>,
    %swap3A_163 = arith.constant 0 : i32
    %swap3A_164 = arith.index_cast %swap3A_163 : i32 to index
    %swap3A_165 = arith.constant 32 : index
    %swap3A_166 = tpu.vector_load %arg17[%swap3A_164, %swap3A_165] {strides = array<i32>} : memref<1x80xi32, #tpu.memory_space<vmem>>, vector<16xi32>,
    tpu.vector_store %arg17[%swap3A_164, %swap3A_165], %get3A_162 {strides = array<i32>} : memref<1x80xi32, #tpu.memory_space<vmem>>, vector<16xi32>,
    %get3A_167 = arith.constant 368 : index
    %get3A_168 = tpu.vector_load %arg7[%get3A_167] {strides = array<i32>} : memref<10000xi32, #tpu.memory_space<vmem>>, vector<16xi32>,
    %swap3A_169 = arith.constant 0 : i32
    %swap3A_170 = arith.index_cast %swap3A_169 : i32 to index
    %swap3A_171 = arith.constant 48 : index
    %swap3A_172 = tpu.vector_load %arg17[%swap3A_170, %swap3A_171] {strides = array<i32>} : memref<1x80xi32, #tpu.memory_space<vmem>>, vector<16xi32>,
    tpu.vector_store %arg17[%swap3A_170, %swap3A_171], %get3A_168 {strides = array<i32>} : memref<1x80xi32, #tpu.memory_space<vmem>>, vector<16xi32>,
    %get3A_173 = arith.constant 384 : index
    %get3A_174 = tpu.vector_load %arg7[%get3A_173] {strides = array<i32>} : memref<10000xi32, #tpu.memory_space<vmem>>, vector<16xi32>,
    %swap3A_175 = arith.constant 0 : i32
    %swap3A_176 = arith.index_cast %swap3A_175 : i32 to index
    %swap3A_177 = arith.constant 64 : index
    %swap3A_178 = tpu.vector_load %arg17[%swap3A_176, %swap3A_177] {strides = array<i32>} : memref<1x80xi32, #tpu.memory_space<vmem>>, vector<16xi32>,
    tpu.vector_store %arg17[%swap3A_176, %swap3A_177], %get3A_174 {strides = array<i32>} : memref<1x80xi32, #tpu.memory_space<vmem>>, vector<16xi32>,
    %dma_start3A_179 = arith.constant 320 : i32
    %dma_start3A_180 = tpu.memref_slice %arg6[%dma_start3A_179] : memref<10000xi32, #tpu.memory_space<vmem>> -> memref<80xi32, #tpu.memory_space<vmem>>
    %dma_start3A_181 = arith.constant 0 : i32
    %dma_start3A_182 = arith.constant 0 : i32
    %dma_start3A_183 = tpu.memref_slice %arg2[%dma_start3A_181, %dma_start3A_182] : memref<10000x48xf32, #tpu.memory_space<hbm>> -> memref<10000x48xf32, #tpu.memory_space<hbm>>
    tpu.enqueue_indirect_dma source(%dma_start3A_183 : memref<10000x48xf32, #tpu.memory_space<hbm>>) target(%arg12 : memref<80x48xf32, #tpu.memory_space<vmem>>) offsets(%dma_start3A_180 : memref<80xi32, #tpu.memory_space<vmem>>) semaphore(%arg23 : memref<!tpu.dma_semaphore, #tpu.memory_space<semaphore_mem>>)
    %scan3A = arith.constant 0 : i32
    %scan3A_184 = arith.constant 25 : i32
    %scan3A_185 = arith.addi %scan3A, %scan3A_184 : i32
    %scan3A_186 = arith.constant 1 : i32
    scf.for %scan3A_199 = %scan3A to %scan3A_185 step %scan3A_186  : i32 {
      %mul3A_200 = arith.constant 5 : i32
      %mul3A_201 = arith.muli %scan3A_199, %mul3A_200 : i32
      %add3A_202 = arith.constant 0 : i32
      %add3A_203 = arith.addi %mul3A_201, %add3A_202 : i32
      %dma_wait3A = arith.constant 0 : i32
      %dma_wait3A_204 = tpu.memref_slice %arg6[%dma_wait3A] : memref<10000xi32, #tpu.memory_space<vmem>> -> memref<80xi32, #tpu.memory_space<vmem>>
      %dma_wait3A_205 = arith.constant 0 : i32
      %dma_wait3A_206 = arith.constant 0 : i32
      %dma_wait3A_207 = tpu.memref_slice %arg2[%dma_wait3A_205, %dma_wait3A_206] : memref<10000x48xf32, #tpu.memory_space<hbm>> -> memref<10000x48xf32, #tpu.memory_space<hbm>>
      tpu.wait_indirect_dma semaphore(%arg19 : memref<!tpu.dma_semaphore, #tpu.memory_space<semaphore_mem>>) src(%dma_wait3A_207 : memref<10000x48xf32, #tpu.memory_space<hbm>>) dst(%arg8 : memref<80x48xf32, #tpu.memory_space<vmem>>)
      %run_scoped3A_208 = arith.constant 0 : i32
      "tpu.region"() ({
        %run_scoped3A_276 = tpu.sem_alloc : memref<!tpu.dma_semaphore, #tpu.memory_space<semaphore_mem>>
        %dma_start3A_277 = arith.constant 0 : i32
        %dma_start3A_278 = tpu.memref_slice %arg13[%run_scoped3A_208, %dma_start3A_277] : memref<1x80xi32, #tpu.memory_space<vmem>> -> memref<1x80xi32, #tpu.memory_space<vmem>>
        %dma_start3A_279 = tpu.memref_squeeze %dma_start3A_278 : memref<1x80xi32, #tpu.memory_space<vmem>> -> memref<80xi32, #tpu.memory_space<vmem>>
        %dma_start3A_280 = arith.constant 0 : i32
        %dma_start3A_281 = arith.constant 0 : i32
        %dma_start3A_282 = tpu.memref_slice %arg18[%dma_start3A_280, %dma_start3A_281] : memref<10000x48xf32, #tpu.memory_space<vmem_shared>> -> memref<10000x48xf32, #tpu.memory_space<vmem_shared>>
        tpu.enqueue_indirect_dma source(%arg8 : memref<80x48xf32, #tpu.memory_space<vmem>>) target(%dma_start3A_282 : memref<10000x48xf32, #tpu.memory_space<vmem_shared>>) offsets(%dma_start3A_279 : memref<80xi32, #tpu.memory_space<vmem>>) semaphore(%run_scoped3A_276 : memref<!tpu.dma_semaphore, #tpu.memory_space<semaphore_mem>>) {add = true}
        %dma_wait3A_283 = arith.constant 0 : i32
        %dma_wait3A_284 = tpu.memref_slice %arg13[%run_scoped3A_208, %dma_wait3A_283] : memref<1x80xi32, #tpu.memory_space<vmem>> -> memref<1x80xi32, #tpu.memory_space<vmem>>
        %dma_wait3A_285 = tpu.memref_squeeze %dma_wait3A_284 : memref<1x80xi32, #tpu.memory_space<vmem>> -> memref<80xi32, #tpu.memory_space<vmem>>
        %dma_wait3A_286 = arith.constant 0 : i32
        %dma_wait3A_287 = arith.constant 0 : i32
        %dma_wait3A_288 = tpu.memref_slice %arg18[%dma_wait3A_286, %dma_wait3A_287] : memref<10000x48xf32, #tpu.memory_space<vmem_shared>> -> memref<10000x48xf32, #tpu.memory_space<vmem_shared>>
        tpu.wait_indirect_dma semaphore(%run_scoped3A_276 : memref<!tpu.dma_semaphore, #tpu.memory_space<semaphore_mem>>) src(%arg8 : memref<80x48xf32, #tpu.memory_space<vmem>>) dst(%dma_wait3A_288 : memref<10000x48xf32, #tpu.memory_space<vmem_shared>>)
        tpu.yield
      }) : () -> ()
      %add3A_209 = arith.constant 5 : i32
      %add3A_210 = arith.addi %add3A_203, %add3A_209 : i32
      %lt3A_211 = arith.constant 125 : i32
      %lt3A_212 = arith.cmpi slt, %add3A_210, %lt3A_211 : i32
      %convert_element_type3A_213 = arith.extui %lt3A_212 : i1 to i32
      %cond3A_214 = arith.constant 0 : i32
      %cond3A_215 = arith.cmpi ne, %convert_element_type3A_213, %cond3A_214 : i32
      scf.if %cond3A_215 {
        %add3A_276 = arith.constant 5 : i32
        %add3A_277 = arith.addi %add3A_203, %add3A_276 : i32
        %mul3A_278 = arith.constant 80 : i32
        %mul3A_279 = arith.muli %add3A_277, %mul3A_278 : i32
        %add3A_280 = arith.constant 0 : i32
        %add3A_281 = arith.addi %mul3A_279, %add3A_280 : i32
        %get3A_282 = arith.index_cast %add3A_281 : i32 to index
        %get3A_283 = tpu.vector_load %arg7[%get3A_282] {strides = array<i32>} : memref<10000xi32, #tpu.memory_space<vmem>>, vector<16xi32>,
        %swap3A_284 = arith.constant 0 : i32
        %swap3A_285 = arith.index_cast %swap3A_284 : i32 to index
        %swap3A_286 = arith.constant 0 : index
        %swap3A_287 = tpu.vector_load %arg13[%swap3A_285, %swap3A_286] {strides = array<i32>} : memref<1x80xi32, #tpu.memory_space<vmem>>, vector<16xi32>,
        tpu.vector_store %arg13[%swap3A_285, %swap3A_286], %get3A_283 {strides = array<i32>} : memref<1x80xi32, #tpu.memory_space<vmem>>, vector<16xi32>,
        %mul3A_288 = arith.constant 80 : i32
        %mul3A_289 = arith.muli %add3A_277, %mul3A_288 : i32
        %add3A_290 = arith.constant 16 : i32
        %add3A_291 = arith.addi %mul3A_289, %add3A_290 : i32
        %get3A_292 = arith.index_cast %add3A_291 : i32 to index
        %get3A_293 = tpu.vector_load %arg7[%get3A_292] {strides = array<i32>} : memref<10000xi32, #tpu.memory_space<vmem>>, vector<16xi32>,
        %swap3A_294 = arith.constant 0 : i32
        %swap3A_295 = arith.index_cast %swap3A_294 : i32 to index
        %swap3A_296 = arith.constant 16 : index
        %swap3A_297 = tpu.vector_load %arg13[%swap3A_295, %swap3A_296] {strides = array<i32>} : memref<1x80xi32, #tpu.memory_space<vmem>>, vector<16xi32>,
        tpu.vector_store %arg13[%swap3A_295, %swap3A_296], %get3A_293 {strides = array<i32>} : memref<1x80xi32, #tpu.memory_space<vmem>>, vector<16xi32>,
        %mul3A_298 = arith.constant 80 : i32
        %mul3A_299 = arith.muli %add3A_277, %mul3A_298 : i32
        %add3A_300 = arith.constant 32 : i32
        %add3A_301 = arith.addi %mul3A_299, %add3A_300 : i32
        %get3A_302 = arith.index_cast %add3A_301 : i32 to index
        %get3A_303 = tpu.vector_load %arg7[%get3A_302] {strides = array<i32>} : memref<10000xi32, #tpu.memory_space<vmem>>, vector<16xi32>,
        %swap3A_304 = arith.constant 0 : i32
        %swap3A_305 = arith.index_cast %swap3A_304 : i32 to index
        %swap3A_306 = arith.constant 32 : index
        %swap3A_307 = tpu.vector_load %arg13[%swap3A_305, %swap3A_306] {strides = array<i32>} : memref<1x80xi32, #tpu.memory_space<vmem>>, vector<16xi32>,
        tpu.vector_store %arg13[%swap3A_305, %swap3A_306], %get3A_303 {strides = array<i32>} : memref<1x80xi32, #tpu.memory_space<vmem>>, vector<16xi32>,
        %mul3A_308 = arith.constant 80 : i32
        %mul3A_309 = arith.muli %add3A_277, %mul3A_308 : i32
        %add3A_310 = arith.constant 48 : i32
        %add3A_311 = arith.addi %mul3A_309, %add3A_310 : i32
        %get3A_312 = arith.index_cast %add3A_311 : i32 to index
        %get3A_313 = tpu.vector_load %arg7[%get3A_312] {strides = array<i32>} : memref<10000xi32, #tpu.memory_space<vmem>>, vector<16xi32>,
        %swap3A_314 = arith.constant 0 : i32
        %swap3A_315 = arith.index_cast %swap3A_314 : i32 to index
        %swap3A_316 = arith.constant 48 : index
        %swap3A_317 = tpu.vector_load %arg13[%swap3A_315, %swap3A_316] {strides = array<i32>} : memref<1x80xi32, #tpu.memory_space<vmem>>, vector<16xi32>,
        tpu.vector_store %arg13[%swap3A_315, %swap3A_316], %get3A_313 {strides = array<i32>} : memref<1x80xi32, #tpu.memory_space<vmem>>, vector<16xi32>,
        %mul3A_318 = arith.constant 80 : i32
        %mul3A_319 = arith.muli %add3A_277, %mul3A_318 : i32
        %add3A_320 = arith.constant 64 : i32
        %add3A_321 = arith.addi %mul3A_319, %add3A_320 : i32
        %get3A_322 = arith.index_cast %add3A_321 : i32 to index
        %get3A_323 = tpu.vector_load %arg7[%get3A_322] {strides = array<i32>} : memref<10000xi32, #tpu.memory_space<vmem>>, vector<16xi32>,
        %swap3A_324 = arith.constant 0 : i32
        %swap3A_325 = arith.index_cast %swap3A_324 : i32 to index
        %swap3A_326 = arith.constant 64 : index
        %swap3A_327 = tpu.vector_load %arg13[%swap3A_325, %swap3A_326] {strides = array<i32>} : memref<1x80xi32, #tpu.memory_space<vmem>>, vector<16xi32>,
        tpu.vector_store %arg13[%swap3A_325, %swap3A_326], %get3A_323 {strides = array<i32>} : memref<1x80xi32, #tpu.memory_space<vmem>>, vector<16xi32>,
        %mul3A_328 = arith.constant 80 : i32
        %mul3A_329 = arith.muli %add3A_277, %mul3A_328 : i32
        %dma_start3A_330 = tpu.memref_slice %arg6[%mul3A_329] : memref<10000xi32, #tpu.memory_space<vmem>> -> memref<80xi32, #tpu.memory_space<vmem>>
        %dma_start3A_331 = arith.constant 0 : i32
        %dma_start3A_332 = arith.constant 0 : i32
        %dma_start3A_333 = tpu.memref_slice %arg2[%dma_start3A_331, %dma_start3A_332] : memref<10000x48xf32, #tpu.memory_space<hbm>> -> memref<10000x48xf32, #tpu.memory_space<hbm>>
        tpu.enqueue_indirect_dma source(%dma_start3A_333 : memref<10000x48xf32, #tpu.memory_space<hbm>>) target(%arg8 : memref<80x48xf32, #tpu.memory_space<vmem>>) offsets(%dma_start3A_330 : memref<80xi32, #tpu.memory_space<vmem>>) semaphore(%arg19 : memref<!tpu.dma_semaphore, #tpu.memory_space<semaphore_mem>>)
      } else {
      }
      %add3A_216 = arith.constant 1 : i32
      %add3A_217 = arith.addi %mul3A_201, %add3A_216 : i32
      %dma_wait3A_218 = arith.constant 0 : i32
      %dma_wait3A_219 = tpu.memref_slice %arg6[%dma_wait3A_218] : memref<10000xi32, #tpu.memory_space<vmem>> -> memref<80xi32, #tpu.memory_space<vmem>>
      %dma_wait3A_220 = arith.constant 0 : i32
      %dma_wait3A_221 = arith.constant 0 : i32
      %dma_wait3A_222 = tpu.memref_slice %arg2[%dma_wait3A_220, %dma_wait3A_221] : memref<10000x48xf32, #tpu.memory_space<hbm>> -> memref<10000x48xf32, #tpu.memory_space<hbm>>
      tpu.wait_indirect_dma semaphore(%arg20 : memref<!tpu.dma_semaphore, #tpu.memory_space<semaphore_mem>>) src(%dma_wait3A_222 : memref<10000x48xf32, #tpu.memory_space<hbm>>) dst(%arg9 : memref<80x48xf32, #tpu.memory_space<vmem>>)
      %run_scoped3A_223 = arith.constant 0 : i32
      "tpu.region"() ({
        %run_scoped3A_276 = tpu.sem_alloc : memref<!tpu.dma_semaphore, #tpu.memory_space<semaphore_mem>>
        %dma_start3A_277 = arith.constant 0 : i32
        %dma_start3A_278 = tpu.memref_slice %arg14[%run_scoped3A_223, %dma_start3A_277] : memref<1x80xi32, #tpu.memory_space<vmem>> -> memref<1x80xi32, #tpu.memory_space<vmem>>
        %dma_start3A_279 = tpu.memref_squeeze %dma_start3A_278 : memref<1x80xi32, #tpu.memory_space<vmem>> -> memref<80xi32, #tpu.memory_space<vmem>>
        %dma_start3A_280 = arith.constant 0 : i32
        %dma_start3A_281 = arith.constant 0 : i32
        %dma_start3A_282 = tpu.memref_slice %arg18[%dma_start3A_280, %dma_start3A_281] : memref<10000x48xf32, #tpu.memory_space<vmem_shared>> -> memref<10000x48xf32, #tpu.memory_space<vmem_shared>>
        tpu.enqueue_indirect_dma source(%arg9 : memref<80x48xf32, #tpu.memory_space<vmem>>) target(%dma_start3A_282 : memref<10000x48xf32, #tpu.memory_space<vmem_shared>>) offsets(%dma_start3A_279 : memref<80xi32, #tpu.memory_space<vmem>>) semaphore(%run_scoped3A_276 : memref<!tpu.dma_semaphore, #tpu.memory_space<semaphore_mem>>) {add = true}
        %dma_wait3A_283 = arith.constant 0 : i32
        %dma_wait3A_284 = tpu.memref_slice %arg14[%run_scoped3A_223, %dma_wait3A_283] : memref<1x80xi32, #tpu.memory_space<vmem>> -> memref<1x80xi32, #tpu.memory_space<vmem>>
        %dma_wait3A_285 = tpu.memref_squeeze %dma_wait3A_284 : memref<1x80xi32, #tpu.memory_space<vmem>> -> memref<80xi32, #tpu.memory_space<vmem>>
        %dma_wait3A_286 = arith.constant 0 : i32
        %dma_wait3A_287 = arith.constant 0 : i32
        %dma_wait3A_288 = tpu.memref_slice %arg18[%dma_wait3A_286, %dma_wait3A_287] : memref<10000x48xf32, #tpu.memory_space<vmem_shared>> -> memref<10000x48xf32, #tpu.memory_space<vmem_shared>>
        tpu.wait_indirect_dma semaphore(%run_scoped3A_276 : memref<!tpu.dma_semaphore, #tpu.memory_space<semaphore_mem>>) src(%arg9 : memref<80x48xf32, #tpu.memory_space<vmem>>) dst(%dma_wait3A_288 : memref<10000x48xf32, #tpu.memory_space<vmem_shared>>)
        tpu.yield
      }) : () -> ()
      %add3A_224 = arith.constant 5 : i32
      %add3A_225 = arith.addi %add3A_217, %add3A_224 : i32
      %lt3A_226 = arith.constant 125 : i32
      %lt3A_227 = arith.cmpi slt, %add3A_225, %lt3A_226 : i32
      %convert_element_type3A_228 = arith.extui %lt3A_227 : i1 to i32
      %cond3A_229 = arith.constant 0 : i32
      %cond3A_230 = arith.cmpi ne, %convert_element_type3A_228, %cond3A_229 : i32
      scf.if %cond3A_230 {
        %add3A_276 = arith.constant 5 : i32
        %add3A_277 = arith.addi %add3A_217, %add3A_276 : i32
        %mul3A_278 = arith.constant 80 : i32
        %mul3A_279 = arith.muli %add3A_277, %mul3A_278 : i32
        %add3A_280 = arith.constant 0 : i32
        %add3A_281 = arith.addi %mul3A_279, %add3A_280 : i32
        %get3A_282 = arith.index_cast %add3A_281 : i32 to index
        %get3A_283 = tpu.vector_load %arg7[%get3A_282] {strides = array<i32>} : memref<10000xi32, #tpu.memory_space<vmem>>, vector<16xi32>,
        %swap3A_284 = arith.constant 0 : i32
        %swap3A_285 = arith.index_cast %swap3A_284 : i32 to index
        %swap3A_286 = arith.constant 0 : index
        %swap3A_287 = tpu.vector_load %arg14[%swap3A_285, %swap3A_286] {strides = array<i32>} : memref<1x80xi32, #tpu.memory_space<vmem>>, vector<16xi32>,
        tpu.vector_store %arg14[%swap3A_285, %swap3A_286], %get3A_283 {strides = array<i32>} : memref<1x80xi32, #tpu.memory_space<vmem>>, vector<16xi32>,
        %mul3A_288 = arith.constant 80 : i32
        %mul3A_289 = arith.muli %add3A_277, %mul3A_288 : i32
        %add3A_290 = arith.constant 16 : i32
        %add3A_291 = arith.addi %mul3A_289, %add3A_290 : i32
        %get3A_292 = arith.index_cast %add3A_291 : i32 to index
        %get3A_293 = tpu.vector_load %arg7[%get3A_292] {strides = array<i32>} : memref<10000xi32, #tpu.memory_space<vmem>>, vector<16xi32>,
        %swap3A_294 = arith.constant 0 : i32
        %swap3A_295 = arith.index_cast %swap3A_294 : i32 to index
        %swap3A_296 = arith.constant 16 : index
        %swap3A_297 = tpu.vector_load %arg14[%swap3A_295, %swap3A_296] {strides = array<i32>} : memref<1x80xi32, #tpu.memory_space<vmem>>, vector<16xi32>,
        tpu.vector_store %arg14[%swap3A_295, %swap3A_296], %get3A_293 {strides = array<i32>} : memref<1x80xi32, #tpu.memory_space<vmem>>, vector<16xi32>,
        %mul3A_298 = arith.constant 80 : i32
        %mul3A_299 = arith.muli %add3A_277, %mul3A_298 : i32
        %add3A_300 = arith.constant 32 : i32
        %add3A_301 = arith.addi %mul3A_299, %add3A_300 : i32
        %get3A_302 = arith.index_cast %add3A_301 : i32 to index
        %get3A_303 = tpu.vector_load %arg7[%get3A_302] {strides = array<i32>} : memref<10000xi32, #tpu.memory_space<vmem>>, vector<16xi32>,
        %swap3A_304 = arith.constant 0 : i32
        %swap3A_305 = arith.index_cast %swap3A_304 : i32 to index
        %swap3A_306 = arith.constant 32 : index
        %swap3A_307 = tpu.vector_load %arg14[%swap3A_305, %swap3A_306] {strides = array<i32>} : memref<1x80xi32, #tpu.memory_space<vmem>>, vector<16xi32>,
        tpu.vector_store %arg14[%swap3A_305, %swap3A_306], %get3A_303 {strides = array<i32>} : memref<1x80xi32, #tpu.memory_space<vmem>>, vector<16xi32>,
        %mul3A_308 = arith.constant 80 : i32
        %mul3A_309 = arith.muli %add3A_277, %mul3A_308 : i32
        %add3A_310 = arith.constant 48 : i32
        %add3A_311 = arith.addi %mul3A_309, %add3A_310 : i32
        %get3A_312 = arith.index_cast %add3A_311 : i32 to index
        %get3A_313 = tpu.vector_load %arg7[%get3A_312] {strides = array<i32>} : memref<10000xi32, #tpu.memory_space<vmem>>, vector<16xi32>,
        %swap3A_314 = arith.constant 0 : i32
        %swap3A_315 = arith.index_cast %swap3A_314 : i32 to index
        %swap3A_316 = arith.constant 48 : index
        %swap3A_317 = tpu.vector_load %arg14[%swap3A_315, %swap3A_316] {strides = array<i32>} : memref<1x80xi32, #tpu.memory_space<vmem>>, vector<16xi32>,
        tpu.vector_store %arg14[%swap3A_315, %swap3A_316], %get3A_313 {strides = array<i32>} : memref<1x80xi32, #tpu.memory_space<vmem>>, vector<16xi32>,
        %mul3A_318 = arith.constant 80 : i32
        %mul3A_319 = arith.muli %add3A_277, %mul3A_318 : i32
        %add3A_320 = arith.constant 64 : i32
        %add3A_321 = arith.addi %mul3A_319, %add3A_320 : i32
        %get3A_322 = arith.index_cast %add3A_321 : i32 to index
        %get3A_323 = tpu.vector_load %arg7[%get3A_322] {strides = array<i32>} : memref<10000xi32, #tpu.memory_space<vmem>>, vector<16xi32>,
        %swap3A_324 = arith.constant 0 : i32
        %swap3A_325 = arith.index_cast %swap3A_324 : i32 to index
        %swap3A_326 = arith.constant 64 : index
        %swap3A_327 = tpu.vector_load %arg14[%swap3A_325, %swap3A_326] {strides = array<i32>} : memref<1x80xi32, #tpu.memory_space<vmem>>, vector<16xi32>,
        tpu.vector_store %arg14[%swap3A_325, %swap3A_326], %get3A_323 {strides = array<i32>} : memref<1x80xi32, #tpu.memory_space<vmem>>, vector<16xi32>,
        %mul3A_328 = arith.constant 80 : i32
        %mul3A_329 = arith.muli %add3A_277, %mul3A_328 : i32
        %dma_start3A_330 = tpu.memref_slice %arg6[%mul3A_329] : memref<10000xi32, #tpu.memory_space<vmem>> -> memref<80xi32, #tpu.memory_space<vmem>>
        %dma_start3A_331 = arith.constant 0 : i32
        %dma_start3A_332 = arith.constant 0 : i32
        %dma_start3A_333 = tpu.memref_slice %arg2[%dma_start3A_331, %dma_start3A_332] : memref<10000x48xf32, #tpu.memory_space<hbm>> -> memref<10000x48xf32, #tpu.memory_space<hbm>>
        tpu.enqueue_indirect_dma source(%dma_start3A_333 : memref<10000x48xf32, #tpu.memory_space<hbm>>) target(%arg9 : memref<80x48xf32, #tpu.memory_space<vmem>>) offsets(%dma_start3A_330 : memref<80xi32, #tpu.memory_space<vmem>>) semaphore(%arg20 : memref<!tpu.dma_semaphore, #tpu.memory_space<semaphore_mem>>)
      } else {
      }
      %add3A_231 = arith.constant 2 : i32
      %add3A_232 = arith.addi %mul3A_201, %add3A_231 : i32
      %dma_wait3A_233 = arith.constant 0 : i32
      %dma_wait3A_234 = tpu.memref_slice %arg6[%dma_wait3A_233] : memref<10000xi32, #tpu.memory_space<vmem>> -> memref<80xi32, #tpu.memory_space<vmem>>
      %dma_wait3A_235 = arith.constant 0 : i32
      %dma_wait3A_236 = arith.constant 0 : i32
      %dma_wait3A_237 = tpu.memref_slice %arg2[%dma_wait3A_235, %dma_wait3A_236] : memref<10000x48xf32, #tpu.memory_space<hbm>> -> memref<10000x48xf32, #tpu.memory_space<hbm>>
      tpu.wait_indirect_dma semaphore(%arg21 : memref<!tpu.dma_semaphore, #tpu.memory_space<semaphore_mem>>) src(%dma_wait3A_237 : memref<10000x48xf32, #tpu.memory_space<hbm>>) dst(%arg10 : memref<80x48xf32, #tpu.memory_space<vmem>>)
      %run_scoped3A_238 = arith.constant 0 : i32
      "tpu.region"() ({
        %run_scoped3A_276 = tpu.sem_alloc : memref<!tpu.dma_semaphore, #tpu.memory_space<semaphore_mem>>
        %dma_start3A_277 = arith.constant 0 : i32
        %dma_start3A_278 = tpu.memref_slice %arg15[%run_scoped3A_238, %dma_start3A_277] : memref<1x80xi32, #tpu.memory_space<vmem>> -> memref<1x80xi32, #tpu.memory_space<vmem>>
        %dma_start3A_279 = tpu.memref_squeeze %dma_start3A_278 : memref<1x80xi32, #tpu.memory_space<vmem>> -> memref<80xi32, #tpu.memory_space<vmem>>
        %dma_start3A_280 = arith.constant 0 : i32
        %dma_start3A_281 = arith.constant 0 : i32
        %dma_start3A_282 = tpu.memref_slice %arg18[%dma_start3A_280, %dma_start3A_281] : memref<10000x48xf32, #tpu.memory_space<vmem_shared>> -> memref<10000x48xf32, #tpu.memory_space<vmem_shared>>
        tpu.enqueue_indirect_dma source(%arg10 : memref<80x48xf32, #tpu.memory_space<vmem>>) target(%dma_start3A_282 : memref<10000x48xf32, #tpu.memory_space<vmem_shared>>) offsets(%dma_start3A_279 : memref<80xi32, #tpu.memory_space<vmem>>) semaphore(%run_scoped3A_276 : memref<!tpu.dma_semaphore, #tpu.memory_space<semaphore_mem>>) {add = true}
        %dma_wait3A_283 = arith.constant 0 : i32
        %dma_wait3A_284 = tpu.memref_slice %arg15[%run_scoped3A_238, %dma_wait3A_283] : memref<1x80xi32, #tpu.memory_space<vmem>> -> memref<1x80xi32, #tpu.memory_space<vmem>>
        %dma_wait3A_285 = tpu.memref_squeeze %dma_wait3A_284 : memref<1x80xi32, #tpu.memory_space<vmem>> -> memref<80xi32, #tpu.memory_space<vmem>>
        %dma_wait3A_286 = arith.constant 0 : i32
        %dma_wait3A_287 = arith.constant 0 : i32
        %dma_wait3A_288 = tpu.memref_slice %arg18[%dma_wait3A_286, %dma_wait3A_287] : memref<10000x48xf32, #tpu.memory_space<vmem_shared>> -> memref<10000x48xf32, #tpu.memory_space<vmem_shared>>
        tpu.wait_indirect_dma semaphore(%run_scoped3A_276 : memref<!tpu.dma_semaphore, #tpu.memory_space<semaphore_mem>>) src(%arg10 : memref<80x48xf32, #tpu.memory_space<vmem>>) dst(%dma_wait3A_288 : memref<10000x48xf32, #tpu.memory_space<vmem_shared>>)
        tpu.yield
      }) : () -> ()
      %add3A_239 = arith.constant 5 : i32
      %add3A_240 = arith.addi %add3A_232, %add3A_239 : i32
      %lt3A_241 = arith.constant 125 : i32
      %lt3A_242 = arith.cmpi slt, %add3A_240, %lt3A_241 : i32
      %convert_element_type3A_243 = arith.extui %lt3A_242 : i1 to i32
      %cond3A_244 = arith.constant 0 : i32
      %cond3A_245 = arith.cmpi ne, %convert_element_type3A_243, %cond3A_244 : i32
      scf.if %cond3A_245 {
        %add3A_276 = arith.constant 5 : i32
        %add3A_277 = arith.addi %add3A_232, %add3A_276 : i32
        %mul3A_278 = arith.constant 80 : i32
        %mul3A_279 = arith.muli %add3A_277, %mul3A_278 : i32
        %add3A_280 = arith.constant 0 : i32
        %add3A_281 = arith.addi %mul3A_279, %add3A_280 : i32
        %get3A_282 = arith.index_cast %add3A_281 : i32 to index
        %get3A_283 = tpu.vector_load %arg7[%get3A_282] {strides = array<i32>} : memref<10000xi32, #tpu.memory_space<vmem>>, vector<16xi32>,
        %swap3A_284 = arith.constant 0 : i32
        %swap3A_285 = arith.index_cast %swap3A_284 : i32 to index
        %swap3A_286 = arith.constant 0 : index
        %swap3A_287 = tpu.vector_load %arg15[%swap3A_285, %swap3A_286] {strides = array<i32>} : memref<1x80xi32, #tpu.memory_space<vmem>>, vector<16xi32>,
        tpu.vector_store %arg15[%swap3A_285, %swap3A_286], %get3A_283 {strides = array<i32>} : memref<1x80xi32, #tpu.memory_space<vmem>>, vector<16xi32>,
        %mul3A_288 = arith.constant 80 : i32
        %mul3A_289 = arith.muli %add3A_277, %mul3A_288 : i32
        %add3A_290 = arith.constant 16 : i32
        %add3A_291 = arith.addi %mul3A_289, %add3A_290 : i32
        %get3A_292 = arith.index_cast %add3A_291 : i32 to index
        %get3A_293 = tpu.vector_load %arg7[%get3A_292] {strides = array<i32>} : memref<10000xi32, #tpu.memory_space<vmem>>, vector<16xi32>,
        %swap3A_294 = arith.constant 0 : i32
        %swap3A_295 = arith.index_cast %swap3A_294 : i32 to index
        %swap3A_296 = arith.constant 16 : index
        %swap3A_297 = tpu.vector_load %arg15[%swap3A_295, %swap3A_296] {strides = array<i32>} : memref<1x80xi32, #tpu.memory_space<vmem>>, vector<16xi32>,
        tpu.vector_store %arg15[%swap3A_295, %swap3A_296], %get3A_293 {strides = array<i32>} : memref<1x80xi32, #tpu.memory_space<vmem>>, vector<16xi32>,
        %mul3A_298 = arith.constant 80 : i32
        %mul3A_299 = arith.muli %add3A_277, %mul3A_298 : i32
        %add3A_300 = arith.constant 32 : i32
        %add3A_301 = arith.addi %mul3A_299, %add3A_300 : i32
        %get3A_302 = arith.index_cast %add3A_301 : i32 to index
        %get3A_303 = tpu.vector_load %arg7[%get3A_302] {strides = array<i32>} : memref<10000xi32, #tpu.memory_space<vmem>>, vector<16xi32>,
        %swap3A_304 = arith.constant 0 : i32
        %swap3A_305 = arith.index_cast %swap3A_304 : i32 to index
        %swap3A_306 = arith.constant 32 : index
        %swap3A_307 = tpu.vector_load %arg15[%swap3A_305, %swap3A_306] {strides = array<i32>} : memref<1x80xi32, #tpu.memory_space<vmem>>, vector<16xi32>,
        tpu.vector_store %arg15[%swap3A_305, %swap3A_306], %get3A_303 {strides = array<i32>} : memref<1x80xi32, #tpu.memory_space<vmem>>, vector<16xi32>,
        %mul3A_308 = arith.constant 80 : i32
        %mul3A_309 = arith.muli %add3A_277, %mul3A_308 : i32
        %add3A_310 = arith.constant 48 : i32
        %add3A_311 = arith.addi %mul3A_309, %add3A_310 : i32
        %get3A_312 = arith.index_cast %add3A_311 : i32 to index
        %get3A_313 = tpu.vector_load %arg7[%get3A_312] {strides = array<i32>} : memref<10000xi32, #tpu.memory_space<vmem>>, vector<16xi32>,
        %swap3A_314 = arith.constant 0 : i32
        %swap3A_315 = arith.index_cast %swap3A_314 : i32 to index
        %swap3A_316 = arith.constant 48 : index
        %swap3A_317 = tpu.vector_load %arg15[%swap3A_315, %swap3A_316] {strides = array<i32>} : memref<1x80xi32, #tpu.memory_space<vmem>>, vector<16xi32>,
        tpu.vector_store %arg15[%swap3A_315, %swap3A_316], %get3A_313 {strides = array<i32>} : memref<1x80xi32, #tpu.memory_space<vmem>>, vector<16xi32>,
        %mul3A_318 = arith.constant 80 : i32
        %mul3A_319 = arith.muli %add3A_277, %mul3A_318 : i32
        %add3A_320 = arith.constant 64 : i32
        %add3A_321 = arith.addi %mul3A_319, %add3A_320 : i32
        %get3A_322 = arith.index_cast %add3A_321 : i32 to index
        %get3A_323 = tpu.vector_load %arg7[%get3A_322] {strides = array<i32>} : memref<10000xi32, #tpu.memory_space<vmem>>, vector<16xi32>,
        %swap3A_324 = arith.constant 0 : i32
        %swap3A_325 = arith.index_cast %swap3A_324 : i32 to index
        %swap3A_326 = arith.constant 64 : index
        %swap3A_327 = tpu.vector_load %arg15[%swap3A_325, %swap3A_326] {strides = array<i32>} : memref<1x80xi32, #tpu.memory_space<vmem>>, vector<16xi32>,
        tpu.vector_store %arg15[%swap3A_325, %swap3A_326], %get3A_323 {strides = array<i32>} : memref<1x80xi32, #tpu.memory_space<vmem>>, vector<16xi32>,
        %mul3A_328 = arith.constant 80 : i32
        %mul3A_329 = arith.muli %add3A_277, %mul3A_328 : i32
        %dma_start3A_330 = tpu.memref_slice %arg6[%mul3A_329] : memref<10000xi32, #tpu.memory_space<vmem>> -> memref<80xi32, #tpu.memory_space<vmem>>
        %dma_start3A_331 = arith.constant 0 : i32
        %dma_start3A_332 = arith.constant 0 : i32
        %dma_start3A_333 = tpu.memref_slice %arg2[%dma_start3A_331, %dma_start3A_332] : memref<10000x48xf32, #tpu.memory_space<hbm>> -> memref<10000x48xf32, #tpu.memory_space<hbm>>
        tpu.enqueue_indirect_dma source(%dma_start3A_333 : memref<10000x48xf32, #tpu.memory_space<hbm>>) target(%arg10 : memref<80x48xf32, #tpu.memory_space<vmem>>) offsets(%dma_start3A_330 : memref<80xi32, #tpu.memory_space<vmem>>) semaphore(%arg21 : memref<!tpu.dma_semaphore, #tpu.memory_space<semaphore_mem>>)
      } else {
      }
      %add3A_246 = arith.constant 3 : i32
      %add3A_247 = arith.addi %mul3A_201, %add3A_246 : i32
      %dma_wait3A_248 = arith.constant 0 : i32
      %dma_wait3A_249 = tpu.memref_slice %arg6[%dma_wait3A_248] : memref<10000xi32, #tpu.memory_space<vmem>> -> memref<80xi32, #tpu.memory_space<vmem>>
      %dma_wait3A_250 = arith.constant 0 : i32
      %dma_wait3A_251 = arith.constant 0 : i32
      %dma_wait3A_252 = tpu.memref_slice %arg2[%dma_wait3A_250, %dma_wait3A_251] : memref<10000x48xf32, #tpu.memory_space<hbm>> -> memref<10000x48xf32, #tpu.memory_space<hbm>>
      tpu.wait_indirect_dma semaphore(%arg22 : memref<!tpu.dma_semaphore, #tpu.memory_space<semaphore_mem>>) src(%dma_wait3A_252 : memref<10000x48xf32, #tpu.memory_space<hbm>>) dst(%arg11 : memref<80x48xf32, #tpu.memory_space<vmem>>)
      %run_scoped3A_253 = arith.constant 0 : i32
      "tpu.region"() ({
        %run_scoped3A_276 = tpu.sem_alloc : memref<!tpu.dma_semaphore, #tpu.memory_space<semaphore_mem>>
        %dma_start3A_277 = arith.constant 0 : i32
        %dma_start3A_278 = tpu.memref_slice %arg16[%run_scoped3A_253, %dma_start3A_277] : memref<1x80xi32, #tpu.memory_space<vmem>> -> memref<1x80xi32, #tpu.memory_space<vmem>>
        %dma_start3A_279 = tpu.memref_squeeze %dma_start3A_278 : memref<1x80xi32, #tpu.memory_space<vmem>> -> memref<80xi32, #tpu.memory_space<vmem>>
        %dma_start3A_280 = arith.constant 0 : i32
        %dma_start3A_281 = arith.constant 0 : i32
        %dma_start3A_282 = tpu.memref_slice %arg18[%dma_start3A_280, %dma_start3A_281] : memref<10000x48xf32, #tpu.memory_space<vmem_shared>> -> memref<10000x48xf32, #tpu.memory_space<vmem_shared>>
        tpu.enqueue_indirect_dma source(%arg11 : memref<80x48xf32, #tpu.memory_space<vmem>>) target(%dma_start3A_282 : memref<10000x48xf32, #tpu.memory_space<vmem_shared>>) offsets(%dma_start3A_279 : memref<80xi32, #tpu.memory_space<vmem>>) semaphore(%run_scoped3A_276 : memref<!tpu.dma_semaphore, #tpu.memory_space<semaphore_mem>>) {add = true}
        %dma_wait3A_283 = arith.constant 0 : i32
        %dma_wait3A_284 = tpu.memref_slice %arg16[%run_scoped3A_253, %dma_wait3A_283] : memref<1x80xi32, #tpu.memory_space<vmem>> -> memref<1x80xi32, #tpu.memory_space<vmem>>
        %dma_wait3A_285 = tpu.memref_squeeze %dma_wait3A_284 : memref<1x80xi32, #tpu.memory_space<vmem>> -> memref<80xi32, #tpu.memory_space<vmem>>
        %dma_wait3A_286 = arith.constant 0 : i32
        %dma_wait3A_287 = arith.constant 0 : i32
        %dma_wait3A_288 = tpu.memref_slice %arg18[%dma_wait3A_286, %dma_wait3A_287] : memref<10000x48xf32, #tpu.memory_space<vmem_shared>> -> memref<10000x48xf32, #tpu.memory_space<vmem_shared>>
        tpu.wait_indirect_dma semaphore(%run_scoped3A_276 : memref<!tpu.dma_semaphore, #tpu.memory_space<semaphore_mem>>) src(%arg11 : memref<80x48xf32, #tpu.memory_space<vmem>>) dst(%dma_wait3A_288 : memref<10000x48xf32, #tpu.memory_space<vmem_shared>>)
        tpu.yield
      }) : () -> ()
      %add3A_254 = arith.constant 5 : i32
      %add3A_255 = arith.addi %add3A_247, %add3A_254 : i32
      %lt3A_256 = arith.constant 125 : i32
      %lt3A_257 = arith.cmpi slt, %add3A_255, %lt3A_256 : i32
      %convert_element_type3A_258 = arith.extui %lt3A_257 : i1 to i32
      %cond3A_259 = arith.constant 0 : i32
      %cond3A_260 = arith.cmpi ne, %convert_element_type3A_258, %cond3A_259 : i32
      scf.if %cond3A_260 {
        %add3A_276 = arith.constant 5 : i32
        %add3A_277 = arith.addi %add3A_247, %add3A_276 : i32
        %mul3A_278 = arith.constant 80 : i32
        %mul3A_279 = arith.muli %add3A_277, %mul3A_278 : i32
        %add3A_280 = arith.constant 0 : i32
        %add3A_281 = arith.addi %mul3A_279, %add3A_280 : i32
        %get3A_282 = arith.index_cast %add3A_281 : i32 to index
        %get3A_283 = tpu.vector_load %arg7[%get3A_282] {strides = array<i32>} : memref<10000xi32, #tpu.memory_space<vmem>>, vector<16xi32>,
        %swap3A_284 = arith.constant 0 : i32
        %swap3A_285 = arith.index_cast %swap3A_284 : i32 to index
        %swap3A_286 = arith.constant 0 : index
        %swap3A_287 = tpu.vector_load %arg16[%swap3A_285, %swap3A_286] {strides = array<i32>} : memref<1x80xi32, #tpu.memory_space<vmem>>, vector<16xi32>,
        tpu.vector_store %arg16[%swap3A_285, %swap3A_286], %get3A_283 {strides = array<i32>} : memref<1x80xi32, #tpu.memory_space<vmem>>, vector<16xi32>,
        %mul3A_288 = arith.constant 80 : i32
        %mul3A_289 = arith.muli %add3A_277, %mul3A_288 : i32
        %add3A_290 = arith.constant 16 : i32
        %add3A_291 = arith.addi %mul3A_289, %add3A_290 : i32
        %get3A_292 = arith.index_cast %add3A_291 : i32 to index
        %get3A_293 = tpu.vector_load %arg7[%get3A_292] {strides = array<i32>} : memref<10000xi32, #tpu.memory_space<vmem>>, vector<16xi32>,
        %swap3A_294 = arith.constant 0 : i32
        %swap3A_295 = arith.index_cast %swap3A_294 : i32 to index
        %swap3A_296 = arith.constant 16 : index
        %swap3A_297 = tpu.vector_load %arg16[%swap3A_295, %swap3A_296] {strides = array<i32>} : memref<1x80xi32, #tpu.memory_space<vmem>>, vector<16xi32>,
        tpu.vector_store %arg16[%swap3A_295, %swap3A_296], %get3A_293 {strides = array<i32>} : memref<1x80xi32, #tpu.memory_space<vmem>>, vector<16xi32>,
        %mul3A_298 = arith.constant 80 : i32
        %mul3A_299 = arith.muli %add3A_277, %mul3A_298 : i32
        %add3A_300 = arith.constant 32 : i32
        %add3A_301 = arith.addi %mul3A_299, %add3A_300 : i32
        %get3A_302 = arith.index_cast %add3A_301 : i32 to index
        %get3A_303 = tpu.vector_load %arg7[%get3A_302] {strides = array<i32>} : memref<10000xi32, #tpu.memory_space<vmem>>, vector<16xi32>,
        %swap3A_304 = arith.constant 0 : i32
        %swap3A_305 = arith.index_cast %swap3A_304 : i32 to index
        %swap3A_306 = arith.constant 32 : index
        %swap3A_307 = tpu.vector_load %arg16[%swap3A_305, %swap3A_306] {strides = array<i32>} : memref<1x80xi32, #tpu.memory_space<vmem>>, vector<16xi32>,
        tpu.vector_store %arg16[%swap3A_305, %swap3A_306], %get3A_303 {strides = array<i32>} : memref<1x80xi32, #tpu.memory_space<vmem>>, vector<16xi32>,
        %mul3A_308 = arith.constant 80 : i32
        %mul3A_309 = arith.muli %add3A_277, %mul3A_308 : i32
        %add3A_310 = arith.constant 48 : i32
        %add3A_311 = arith.addi %mul3A_309, %add3A_310 : i32
        %get3A_312 = arith.index_cast %add3A_311 : i32 to index
        %get3A_313 = tpu.vector_load %arg7[%get3A_312] {strides = array<i32>} : memref<10000xi32, #tpu.memory_space<vmem>>, vector<16xi32>,
        %swap3A_314 = arith.constant 0 : i32
        %swap3A_315 = arith.index_cast %swap3A_314 : i32 to index
        %swap3A_316 = arith.constant 48 : index
        %swap3A_317 = tpu.vector_load %arg16[%swap3A_315, %swap3A_316] {strides = array<i32>} : memref<1x80xi32, #tpu.memory_space<vmem>>, vector<16xi32>,
        tpu.vector_store %arg16[%swap3A_315, %swap3A_316], %get3A_313 {strides = array<i32>} : memref<1x80xi32, #tpu.memory_space<vmem>>, vector<16xi32>,
        %mul3A_318 = arith.constant 80 : i32
        %mul3A_319 = arith.muli %add3A_277, %mul3A_318 : i32
        %add3A_320 = arith.constant 64 : i32
        %add3A_321 = arith.addi %mul3A_319, %add3A_320 : i32
        %get3A_322 = arith.index_cast %add3A_321 : i32 to index
        %get3A_323 = tpu.vector_load %arg7[%get3A_322] {strides = array<i32>} : memref<10000xi32, #tpu.memory_space<vmem>>, vector<16xi32>,
        %swap3A_324 = arith.constant 0 : i32
        %swap3A_325 = arith.index_cast %swap3A_324 : i32 to index
        %swap3A_326 = arith.constant 64 : index
        %swap3A_327 = tpu.vector_load %arg16[%swap3A_325, %swap3A_326] {strides = array<i32>} : memref<1x80xi32, #tpu.memory_space<vmem>>, vector<16xi32>,
        tpu.vector_store %arg16[%swap3A_325, %swap3A_326], %get3A_323 {strides = array<i32>} : memref<1x80xi32, #tpu.memory_space<vmem>>, vector<16xi32>,
        %mul3A_328 = arith.constant 80 : i32
        %mul3A_329 = arith.muli %add3A_277, %mul3A_328 : i32
        %dma_start3A_330 = tpu.memref_slice %arg6[%mul3A_329] : memref<10000xi32, #tpu.memory_space<vmem>> -> memref<80xi32, #tpu.memory_space<vmem>>
        %dma_start3A_331 = arith.constant 0 : i32
        %dma_start3A_332 = arith.constant 0 : i32
        %dma_start3A_333 = tpu.memref_slice %arg2[%dma_start3A_331, %dma_start3A_332] : memref<10000x48xf32, #tpu.memory_space<hbm>> -> memref<10000x48xf32, #tpu.memory_space<hbm>>
        tpu.enqueue_indirect_dma source(%dma_start3A_333 : memref<10000x48xf32, #tpu.memory_space<hbm>>) target(%arg11 : memref<80x48xf32, #tpu.memory_space<vmem>>) offsets(%dma_start3A_330 : memref<80xi32, #tpu.memory_space<vmem>>) semaphore(%arg22 : memref<!tpu.dma_semaphore, #tpu.memory_space<semaphore_mem>>)
      } else {
      }
      %add3A_261 = arith.constant 4 : i32
      %add3A_262 = arith.addi %mul3A_201, %add3A_261 : i32
      %dma_wait3A_263 = arith.constant 0 : i32
      %dma_wait3A_264 = tpu.memref_slice %arg6[%dma_wait3A_263] : memref<10000xi32, #tpu.memory_space<vmem>> -> memref<80xi32, #tpu.memory_space<vmem>>
      %dma_wait3A_265 = arith.constant 0 : i32
      %dma_wait3A_266 = arith.constant 0 : i32
      %dma_wait3A_267 = tpu.memref_slice %arg2[%dma_wait3A_265, %dma_wait3A_266] : memref<10000x48xf32, #tpu.memory_space<hbm>> -> memref<10000x48xf32, #tpu.memory_space<hbm>>
      tpu.wait_indirect_dma semaphore(%arg23 : memref<!tpu.dma_semaphore, #tpu.memory_space<semaphore_mem>>) src(%dma_wait3A_267 : memref<10000x48xf32, #tpu.memory_space<hbm>>) dst(%arg12 : memref<80x48xf32, #tpu.memory_space<vmem>>)
      %run_scoped3A_268 = arith.constant 0 : i32
      "tpu.region"() ({
        %run_scoped3A_276 = tpu.sem_alloc : memref<!tpu.dma_semaphore, #tpu.memory_space<semaphore_mem>>
        %dma_start3A_277 = arith.constant 0 : i32
        %dma_start3A_278 = tpu.memref_slice %arg17[%run_scoped3A_268, %dma_start3A_277] : memref<1x80xi32, #tpu.memory_space<vmem>> -> memref<1x80xi32, #tpu.memory_space<vmem>>
        %dma_start3A_279 = tpu.memref_squeeze %dma_start3A_278 : memref<1x80xi32, #tpu.memory_space<vmem>> -> memref<80xi32, #tpu.memory_space<vmem>>
        %dma_start3A_280 = arith.constant 0 : i32
        %dma_start3A_281 = arith.constant 0 : i32
        %dma_start3A_282 = tpu.memref_slice %arg18[%dma_start3A_280, %dma_start3A_281] : memref<10000x48xf32, #tpu.memory_space<vmem_shared>> -> memref<10000x48xf32, #tpu.memory_space<vmem_shared>>
        tpu.enqueue_indirect_dma source(%arg12 : memref<80x48xf32, #tpu.memory_space<vmem>>) target(%dma_start3A_282 : memref<10000x48xf32, #tpu.memory_space<vmem_shared>>) offsets(%dma_start3A_279 : memref<80xi32, #tpu.memory_space<vmem>>) semaphore(%run_scoped3A_276 : memref<!tpu.dma_semaphore, #tpu.memory_space<semaphore_mem>>) {add = true}
        %dma_wait3A_283 = arith.constant 0 : i32
        %dma_wait3A_284 = tpu.memref_slice %arg17[%run_scoped3A_268, %dma_wait3A_283] : memref<1x80xi32, #tpu.memory_space<vmem>> -> memref<1x80xi32, #tpu.memory_space<vmem>>
        %dma_wait3A_285 = tpu.memref_squeeze %dma_wait3A_284 : memref<1x80xi32, #tpu.memory_space<vmem>> -> memref<80xi32, #tpu.memory_space<vmem>>
        %dma_wait3A_286 = arith.constant 0 : i32
        %dma_wait3A_287 = arith.constant 0 : i32
        %dma_wait3A_288 = tpu.memref_slice %arg18[%dma_wait3A_286, %dma_wait3A_287] : memref<10000x48xf32, #tpu.memory_space<vmem_shared>> -> memref<10000x48xf32, #tpu.memory_space<vmem_shared>>
        tpu.wait_indirect_dma semaphore(%run_scoped3A_276 : memref<!tpu.dma_semaphore, #tpu.memory_space<semaphore_mem>>) src(%arg12 : memref<80x48xf32, #tpu.memory_space<vmem>>) dst(%dma_wait3A_288 : memref<10000x48xf32, #tpu.memory_space<vmem_shared>>)
        tpu.yield
      }) : () -> ()
      %add3A_269 = arith.constant 5 : i32
      %add3A_270 = arith.addi %add3A_262, %add3A_269 : i32
      %lt3A_271 = arith.constant 125 : i32
      %lt3A_272 = arith.cmpi slt, %add3A_270, %lt3A_271 : i32
      %convert_element_type3A_273 = arith.extui %lt3A_272 : i1 to i32
      %cond3A_274 = arith.constant 0 : i32
      %cond3A_275 = arith.cmpi ne, %convert_element_type3A_273, %cond3A_274 : i32
      scf.if %cond3A_275 {
        %add3A_276 = arith.constant 5 : i32
        %add3A_277 = arith.addi %add3A_262, %add3A_276 : i32
        %mul3A_278 = arith.constant 80 : i32
        %mul3A_279 = arith.muli %add3A_277, %mul3A_278 : i32
        %add3A_280 = arith.constant 0 : i32
        %add3A_281 = arith.addi %mul3A_279, %add3A_280 : i32
        %get3A_282 = arith.index_cast %add3A_281 : i32 to index
        %get3A_283 = tpu.vector_load %arg7[%get3A_282] {strides = array<i32>} : memref<10000xi32, #tpu.memory_space<vmem>>, vector<16xi32>,
        %swap3A_284 = arith.constant 0 : i32
        %swap3A_285 = arith.index_cast %swap3A_284 : i32 to index
        %swap3A_286 = arith.constant 0 : index
        %swap3A_287 = tpu.vector_load %arg17[%swap3A_285, %swap3A_286] {strides = array<i32>} : memref<1x80xi32, #tpu.memory_space<vmem>>, vector<16xi32>,
        tpu.vector_store %arg17[%swap3A_285, %swap3A_286], %get3A_283 {strides = array<i32>} : memref<1x80xi32, #tpu.memory_space<vmem>>, vector<16xi32>,
        %mul3A_288 = arith.constant 80 : i32
        %mul3A_289 = arith.muli %add3A_277, %mul3A_288 : i32
        %add3A_290 = arith.constant 16 : i32
        %add3A_291 = arith.addi %mul3A_289, %add3A_290 : i32
        %get3A_292 = arith.index_cast %add3A_291 : i32 to index
        %get3A_293 = tpu.vector_load %arg7[%get3A_292] {strides = array<i32>} : memref<10000xi32, #tpu.memory_space<vmem>>, vector<16xi32>,
        %swap3A_294 = arith.constant 0 : i32
        %swap3A_295 = arith.index_cast %swap3A_294 : i32 to index
        %swap3A_296 = arith.constant 16 : index
        %swap3A_297 = tpu.vector_load %arg17[%swap3A_295, %swap3A_296] {strides = array<i32>} : memref<1x80xi32, #tpu.memory_space<vmem>>, vector<16xi32>,
        tpu.vector_store %arg17[%swap3A_295, %swap3A_296], %get3A_293 {strides = array<i32>} : memref<1x80xi32, #tpu.memory_space<vmem>>, vector<16xi32>,
        %mul3A_298 = arith.constant 80 : i32
        %mul3A_299 = arith.muli %add3A_277, %mul3A_298 : i32
        %add3A_300 = arith.constant 32 : i32
        %add3A_301 = arith.addi %mul3A_299, %add3A_300 : i32
        %get3A_302 = arith.index_cast %add3A_301 : i32 to index
        %get3A_303 = tpu.vector_load %arg7[%get3A_302] {strides = array<i32>} : memref<10000xi32, #tpu.memory_space<vmem>>, vector<16xi32>,
        %swap3A_304 = arith.constant 0 : i32
        %swap3A_305 = arith.index_cast %swap3A_304 : i32 to index
        %swap3A_306 = arith.constant 32 : index
        %swap3A_307 = tpu.vector_load %arg17[%swap3A_305, %swap3A_306] {strides = array<i32>} : memref<1x80xi32, #tpu.memory_space<vmem>>, vector<16xi32>,
        tpu.vector_store %arg17[%swap3A_305, %swap3A_306], %get3A_303 {strides = array<i32>} : memref<1x80xi32, #tpu.memory_space<vmem>>, vector<16xi32>,
        %mul3A_308 = arith.constant 80 : i32
        %mul3A_309 = arith.muli %add3A_277, %mul3A_308 : i32
        %add3A_310 = arith.constant 48 : i32
        %add3A_311 = arith.addi %mul3A_309, %add3A_310 : i32
        %get3A_312 = arith.index_cast %add3A_311 : i32 to index
        %get3A_313 = tpu.vector_load %arg7[%get3A_312] {strides = array<i32>} : memref<10000xi32, #tpu.memory_space<vmem>>, vector<16xi32>,
        %swap3A_314 = arith.constant 0 : i32
        %swap3A_315 = arith.index_cast %swap3A_314 : i32 to index
        %swap3A_316 = arith.constant 48 : index
        %swap3A_317 = tpu.vector_load %arg17[%swap3A_315, %swap3A_316] {strides = array<i32>} : memref<1x80xi32, #tpu.memory_space<vmem>>, vector<16xi32>,
        tpu.vector_store %arg17[%swap3A_315, %swap3A_316], %get3A_313 {strides = array<i32>} : memref<1x80xi32, #tpu.memory_space<vmem>>, vector<16xi32>,
        %mul3A_318 = arith.constant 80 : i32
        %mul3A_319 = arith.muli %add3A_277, %mul3A_318 : i32
        %add3A_320 = arith.constant 64 : i32
        %add3A_321 = arith.addi %mul3A_319, %add3A_320 : i32
        %get3A_322 = arith.index_cast %add3A_321 : i32 to index
        %get3A_323 = tpu.vector_load %arg7[%get3A_322] {strides = array<i32>} : memref<10000xi32, #tpu.memory_space<vmem>>, vector<16xi32>,
        %swap3A_324 = arith.constant 0 : i32
        %swap3A_325 = arith.index_cast %swap3A_324 : i32 to index
        %swap3A_326 = arith.constant 64 : index
        %swap3A_327 = tpu.vector_load %arg17[%swap3A_325, %swap3A_326] {strides = array<i32>} : memref<1x80xi32, #tpu.memory_space<vmem>>, vector<16xi32>,
        tpu.vector_store %arg17[%swap3A_325, %swap3A_326], %get3A_323 {strides = array<i32>} : memref<1x80xi32, #tpu.memory_space<vmem>>, vector<16xi32>,
        %mul3A_328 = arith.constant 80 : i32
        %mul3A_329 = arith.muli %add3A_277, %mul3A_328 : i32
        %dma_start3A_330 = tpu.memref_slice %arg6[%mul3A_329] : memref<10000xi32, #tpu.memory_space<vmem>> -> memref<80xi32, #tpu.memory_space<vmem>>
        %dma_start3A_331 = arith.constant 0 : i32
        %dma_start3A_332 = arith.constant 0 : i32
        %dma_start3A_333 = tpu.memref_slice %arg2[%dma_start3A_331, %dma_start3A_332] : memref<10000x48xf32, #tpu.memory_space<hbm>> -> memref<10000x48xf32, #tpu.memory_space<hbm>>
        tpu.enqueue_indirect_dma source(%dma_start3A_333 : memref<10000x48xf32, #tpu.memory_space<hbm>>) target(%arg12 : memref<80x48xf32, #tpu.memory_space<vmem>>) offsets(%dma_start3A_330 : memref<80xi32, #tpu.memory_space<vmem>>) semaphore(%arg23 : memref<!tpu.dma_semaphore, #tpu.memory_space<semaphore_mem>>)
      } else {
      }
    }
    %scan3A_187 = arith.constant 25 : i32
    %barrier3A_188 = arith.constant 0 : index
    tpu.barrier barrier_id(%barrier3A_188)
    %lt3A_189 = arith.constant 15 : i32
    %lt3A_190 = arith.cmpi slt, %arg1, %lt3A_189 : i32
    %convert_element_type3A_191 = arith.extui %lt3A_190 : i1 to i32
    %cond3A_192 = arith.constant 0 : i32
    %cond3A_193 = arith.cmpi ne, %convert_element_type3A_191, %cond3A_192 : i32
    scf.if %cond3A_193 {
      %mul3A_199 = arith.constant 632 : i32
      %mul3A_200 = arith.muli %arg1, %mul3A_199 : i32
      %mul3A_201 = arith.constant 10000 : i32
      %mul3A_202 = arith.muli %arg0, %mul3A_201 : i32
      %mul3A_203 = arith.constant 632 : i32
      %mul3A_204 = arith.muli %arg1, %mul3A_203 : i32
      %add3A_205 = arith.addi %mul3A_202, %mul3A_204 : i32
      "tpu.region"() ({
        %run_scoped3A_206 = tpu.sem_alloc : memref<!tpu.dma_semaphore, #tpu.memory_space<semaphore_mem>>
        %dma_start3A_207 = arith.constant 0 : i32
        %dma_start3A_208 = tpu.memref_slice %arg5[%add3A_205, %dma_start3A_207] : memref<20000x48xf32, #tpu.memory_space<hbm>> -> memref<632x48xf32, #tpu.memory_space<hbm>>
        %dma_start3A_209 = arith.constant 0 : i32
        %dma_start3A_210 = tpu.memref_slice %arg18[%mul3A_200, %dma_start3A_209] : memref<10000x48xf32, #tpu.memory_space<vmem_shared>> -> memref<632x48xf32, #tpu.memory_space<vmem_shared>>
        tpu.enqueue_dma source(%dma_start3A_210 : memref<632x48xf32, #tpu.memory_space<vmem_shared>>) target(%dma_start3A_208 : memref<632x48xf32, #tpu.memory_space<hbm>>) target_semaphore(%run_scoped3A_206 : memref<!tpu.dma_semaphore, #tpu.memory_space<semaphore_mem>>)
        %dma_wait3A = arith.constant 0 : i32
        %dma_wait3A_211 = tpu.memref_slice %arg5[%add3A_205, %dma_wait3A] : memref<20000x48xf32, #tpu.memory_space<hbm>> -> memref<632x48xf32, #tpu.memory_space<hbm>>
        %dma_wait3A_212 = arith.constant 0 : i32
        %dma_wait3A_213 = tpu.memref_slice %arg18[%mul3A_200, %dma_wait3A_212] : memref<10000x48xf32, #tpu.memory_space<vmem_shared>> -> memref<632x48xf32, #tpu.memory_space<vmem_shared>>
        tpu.wait_dma2 semaphore(%run_scoped3A_206 : memref<!tpu.dma_semaphore, #tpu.memory_space<semaphore_mem>>) src(%dma_wait3A_213 : memref<632x48xf32, #tpu.memory_space<vmem_shared>>) dst(%dma_wait3A_211 : memref<632x48xf32, #tpu.memory_space<hbm>>)
        tpu.yield
      }) : () -> ()
    } else {
    }
    %eq3A_194 = arith.constant 15 : i32
    %eq3A_195 = arith.cmpi eq, %arg1, %eq3A_194 : i32
    %convert_element_type3A_196 = arith.extui %eq3A_195 : i1 to i32
    %cond3A_197 = arith.constant 0 : i32
    %cond3A_198 = arith.cmpi ne, %convert_element_type3A_196, %cond3A_197 : i32
    scf.if %cond3A_198 {
      %mul3A_199 = arith.constant 10000 : i32
      %mul3A_200 = arith.muli %arg0, %mul3A_199 : i32
      %add3A_201 = arith.constant 9480 : i32
      %add3A_202 = arith.addi %mul3A_200, %add3A_201 : i32
      "tpu.region"() ({
        %run_scoped3A_203 = tpu.sem_alloc : memref<!tpu.dma_semaphore, #tpu.memory_space<semaphore_mem>>
        %dma_start3A_204 = arith.constant 0 : i32
        %dma_start3A_205 = tpu.memref_slice %arg5[%add3A_202, %dma_start3A_204] : memref<20000x48xf32, #tpu.memory_space<hbm>> -> memref<520x48xf32, #tpu.memory_space<hbm>>
        %dma_start3A_206 = arith.constant 9480 : i32
        %dma_start3A_207 = arith.constant 0 : i32
        %dma_start3A_208 = tpu.memref_slice %arg18[%dma_start3A_206, %dma_start3A_207] : memref<10000x48xf32, #tpu.memory_space<vmem_shared>> -> memref<520x48xf32, #tpu.memory_space<vmem_shared>>
        tpu.enqueue_dma source(%dma_start3A_208 : memref<520x48xf32, #tpu.memory_space<vmem_shared>>) target(%dma_start3A_205 : memref<520x48xf32, #tpu.memory_space<hbm>>) target_semaphore(%run_scoped3A_203 : memref<!tpu.dma_semaphore, #tpu.memory_space<semaphore_mem>>)
        %dma_wait3A = arith.constant 0 : i32
        %dma_wait3A_209 = tpu.memref_slice %arg5[%add3A_202, %dma_wait3A] : memref<20000x48xf32, #tpu.memory_space<hbm>> -> memref<520x48xf32, #tpu.memory_space<hbm>>
        %dma_wait3A_210 = arith.constant 9480 : i32
        %dma_wait3A_211 = arith.constant 0 : i32
        %dma_wait3A_212 = tpu.memref_slice %arg18[%dma_wait3A_210, %dma_wait3A_211] : memref<10000x48xf32, #tpu.memory_space<vmem_shared>> -> memref<520x48xf32, #tpu.memory_space<vmem_shared>>
        tpu.wait_dma2 semaphore(%run_scoped3A_203 : memref<!tpu.dma_semaphore, #tpu.memory_space<semaphore_mem>>) src(%dma_wait3A_212 : memref<520x48xf32, #tpu.memory_space<vmem_shared>>) dst(%dma_wait3A_209 : memref<520x48xf32, #tpu.memory_space<hbm>>)
        tpu.yield
      }) : () -> ()
    } else {
    }
    return
  }
}

#map = affine_map<(d0, d1) -> (0, 0)>
module attributes {stable_mosaic.version = 14 : i64} {
  func.func @sc_agg(%arg0: i32, %arg1: i32, %arg2: memref<20000x64xf32, #tpu.memory_space<hbm>>, %arg3: memref<2x320000xi32, #tpu.memory_space<hbm>>, %arg4: memref<10000x64xf32, #tpu.memory_space<hbm>>, %arg5: memref<10000x128xf32, #tpu.memory_space<hbm>>, %arg6: memref<32x10000xf32, #tpu.memory_space<hbm>>, %arg7: memref<20000xi32, #tpu.memory_space<vmem>>, %arg8: memref<20000xi32, #tpu.memory_space<vmem>>, %arg9: memref<80x64xf32, #tpu.memory_space<vmem>>, %arg10: memref<80x64xf32, #tpu.memory_space<vmem>>, %arg11: memref<80x64xf32, #tpu.memory_space<vmem>>, %arg12: memref<80x64xf32, #tpu.memory_space<vmem>>, %arg13: memref<80x64xf32, #tpu.memory_space<vmem>>, %arg14: memref<80x64xf32, #tpu.memory_space<vmem>>, %arg15: memref<80xi32, #tpu.memory_space<vmem>>, %arg16: memref<80xi32, #tpu.memory_space<vmem>>, %arg17: memref<80xi32, #tpu.memory_space<vmem>>, %arg18: memref<80xi32, #tpu.memory_space<vmem>>, %arg19: memref<80xi32, #tpu.memory_space<vmem>>, %arg20: memref<80xi32, #tpu.memory_space<vmem>>, %arg21: memref<1x80xi32, #tpu.memory_space<vmem>>, %arg22: memref<1x80xi32, #tpu.memory_space<vmem>>, %arg23: memref<1x80xi32, #tpu.memory_space<vmem>>, %arg24: memref<1x80xi32, #tpu.memory_space<vmem>>, %arg25: memref<1x80xi32, #tpu.memory_space<vmem>>, %arg26: memref<1x80xi32, #tpu.memory_space<vmem>>, %arg27: memref<10000x64xf32, #tpu.memory_space<vmem_shared>>, %arg28: memref<!tpu.dma_semaphore, #tpu.memory_space<semaphore_mem>>, %arg29: memref<!tpu.dma_semaphore, #tpu.memory_space<semaphore_mem>>, %arg30: memref<!tpu.dma_semaphore, #tpu.memory_space<semaphore_mem>>, %arg31: memref<!tpu.dma_semaphore, #tpu.memory_space<semaphore_mem>>, %arg32: memref<!tpu.dma_semaphore, #tpu.memory_space<semaphore_mem>>, %arg33: memref<!tpu.dma_semaphore, #tpu.memory_space<semaphore_mem>>, %arg34: memref<10000xf32, #tpu.memory_space<vmem>>) attributes {dimension_semantics = [#tpu.dimension_semantics<core_parallel>, #tpu.dimension_semantics<subcore_parallel>], iteration_bounds = array<i64: 2, 16>, scalar_prefetch = 0 : i64, scratch_operands = 28 : i64, tpu.core_type = #tpu.core_type<sc_vector_subcore>, window_params = [{transform_indices = #map}, {transform_indices = #map}, {transform_indices = #map}, {transform_indices = #map}, {transform_indices = #map}]} {
    %mul3A = arith.constant 16 : i32
    %mul3A_0 = arith.muli %arg0, %mul3A : i32
    %add3A = arith.addi %mul3A_0, %arg1 : i32
    %mul3A_1 = arith.constant 20000 : i32
    %mul3A_2 = arith.muli %arg1, %mul3A_1 : i32
    %run_scoped3A = arith.constant 0 : i32
    "tpu.region"() ({
      %run_scoped3A_555 = tpu.sem_alloc : memref<!tpu.dma_semaphore, #tpu.memory_space<semaphore_mem>>
      %dma_start3A_556 = tpu.memref_slice %arg3[%run_scoped3A, %mul3A_2] : memref<2x320000xi32, #tpu.memory_space<hbm>> -> memref<1x20000xi32, #tpu.memory_space<hbm>>
      %dma_start3A_557 = tpu.memref_squeeze %dma_start3A_556 : memref<1x20000xi32, #tpu.memory_space<hbm>> -> memref<20000xi32, #tpu.memory_space<hbm>>
      %dma_start3A_558 = tpu.memref_slice %arg3[%run_scoped3A, %mul3A_2] : memref<2x320000xi32, #tpu.memory_space<hbm>> -> memref<1x20000xi32, #tpu.memory_space<hbm>>
      %dma_start3A_559 = tpu.memref_squeeze %dma_start3A_558 : memref<1x20000xi32, #tpu.memory_space<hbm>> -> memref<20000xi32, #tpu.memory_space<hbm>>
      tpu.enqueue_dma source(%dma_start3A_559 : memref<20000xi32, #tpu.memory_space<hbm>>) target(%arg7 : memref<20000xi32, #tpu.memory_space<vmem>>) target_semaphore(%run_scoped3A_555 : memref<!tpu.dma_semaphore, #tpu.memory_space<semaphore_mem>>)
      %dma_wait3A_560 = tpu.memref_slice %arg3[%run_scoped3A, %mul3A_2] : memref<2x320000xi32, #tpu.memory_space<hbm>> -> memref<1x20000xi32, #tpu.memory_space<hbm>>
      %dma_wait3A_561 = tpu.memref_squeeze %dma_wait3A_560 : memref<1x20000xi32, #tpu.memory_space<hbm>> -> memref<20000xi32, #tpu.memory_space<hbm>>
      %dma_wait3A_562 = tpu.memref_slice %arg3[%run_scoped3A, %mul3A_2] : memref<2x320000xi32, #tpu.memory_space<hbm>> -> memref<1x20000xi32, #tpu.memory_space<hbm>>
      %dma_wait3A_563 = tpu.memref_squeeze %dma_wait3A_562 : memref<1x20000xi32, #tpu.memory_space<hbm>> -> memref<20000xi32, #tpu.memory_space<hbm>>
      tpu.wait_dma2 semaphore(%run_scoped3A_555 : memref<!tpu.dma_semaphore, #tpu.memory_space<semaphore_mem>>) src(%dma_wait3A_563 : memref<20000xi32, #tpu.memory_space<hbm>>) dst(%arg7 : memref<20000xi32, #tpu.memory_space<vmem>>)
      tpu.yield
    }) : () -> ()
    %mul3A_3 = arith.constant 20000 : i32
    %mul3A_4 = arith.muli %arg1, %mul3A_3 : i32
    %run_scoped3A_5 = arith.constant 1 : i32
    "tpu.region"() ({
      %run_scoped3A_555 = tpu.sem_alloc : memref<!tpu.dma_semaphore, #tpu.memory_space<semaphore_mem>>
      %dma_start3A_556 = tpu.memref_slice %arg3[%run_scoped3A_5, %mul3A_4] : memref<2x320000xi32, #tpu.memory_space<hbm>> -> memref<1x20000xi32, #tpu.memory_space<hbm>>
      %dma_start3A_557 = tpu.memref_squeeze %dma_start3A_556 : memref<1x20000xi32, #tpu.memory_space<hbm>> -> memref<20000xi32, #tpu.memory_space<hbm>>
      %dma_start3A_558 = tpu.memref_slice %arg3[%run_scoped3A_5, %mul3A_4] : memref<2x320000xi32, #tpu.memory_space<hbm>> -> memref<1x20000xi32, #tpu.memory_space<hbm>>
      %dma_start3A_559 = tpu.memref_squeeze %dma_start3A_558 : memref<1x20000xi32, #tpu.memory_space<hbm>> -> memref<20000xi32, #tpu.memory_space<hbm>>
      tpu.enqueue_dma source(%dma_start3A_559 : memref<20000xi32, #tpu.memory_space<hbm>>) target(%arg8 : memref<20000xi32, #tpu.memory_space<vmem>>) target_semaphore(%run_scoped3A_555 : memref<!tpu.dma_semaphore, #tpu.memory_space<semaphore_mem>>)
      %dma_wait3A_560 = tpu.memref_slice %arg3[%run_scoped3A_5, %mul3A_4] : memref<2x320000xi32, #tpu.memory_space<hbm>> -> memref<1x20000xi32, #tpu.memory_space<hbm>>
      %dma_wait3A_561 = tpu.memref_squeeze %dma_wait3A_560 : memref<1x20000xi32, #tpu.memory_space<hbm>> -> memref<20000xi32, #tpu.memory_space<hbm>>
      %dma_wait3A_562 = tpu.memref_slice %arg3[%run_scoped3A_5, %mul3A_4] : memref<2x320000xi32, #tpu.memory_space<hbm>> -> memref<1x20000xi32, #tpu.memory_space<hbm>>
      %dma_wait3A_563 = tpu.memref_squeeze %dma_wait3A_562 : memref<1x20000xi32, #tpu.memory_space<hbm>> -> memref<20000xi32, #tpu.memory_space<hbm>>
      tpu.wait_dma2 semaphore(%run_scoped3A_555 : memref<!tpu.dma_semaphore, #tpu.memory_space<semaphore_mem>>) src(%dma_wait3A_563 : memref<20000xi32, #tpu.memory_space<hbm>>) dst(%arg8 : memref<20000xi32, #tpu.memory_space<vmem>>)
      tpu.yield
    }) : () -> ()
    %lt3A = arith.constant 15 : i32
    %lt3A_6 = arith.cmpi slt, %arg1, %lt3A : i32
    %convert_element_type3A = arith.extui %lt3A_6 : i1 to i32
    %cond3A = arith.constant 0 : i32
    %cond3A_7 = arith.cmpi ne, %convert_element_type3A, %cond3A : i32
    scf.if %cond3A_7 {
      %mul3A_555 = arith.constant 632 : i32
      %mul3A_556 = arith.muli %arg1, %mul3A_555 : i32
      %mul3A_557 = arith.constant 632 : i32
      %mul3A_558 = arith.muli %arg1, %mul3A_557 : i32
      "tpu.region"() ({
        %run_scoped3A_559 = tpu.sem_alloc : memref<!tpu.dma_semaphore, #tpu.memory_space<semaphore_mem>>
        %dma_start3A_560 = arith.constant 0 : i32
        %dma_start3A_561 = tpu.memref_slice %arg27[%mul3A_558, %dma_start3A_560] : memref<10000x64xf32, #tpu.memory_space<vmem_shared>> -> memref<632x64xf32, #tpu.memory_space<vmem_shared>>
        %dma_start3A_562 = arith.constant 0 : i32
        %dma_start3A_563 = tpu.memref_slice %arg4[%mul3A_556, %dma_start3A_562] : memref<10000x64xf32, #tpu.memory_space<hbm>> -> memref<632x64xf32, #tpu.memory_space<hbm>>
        tpu.enqueue_dma source(%dma_start3A_563 : memref<632x64xf32, #tpu.memory_space<hbm>>) target(%dma_start3A_561 : memref<632x64xf32, #tpu.memory_space<vmem_shared>>) target_semaphore(%run_scoped3A_559 : memref<!tpu.dma_semaphore, #tpu.memory_space<semaphore_mem>>)
        %dma_wait3A_564 = arith.constant 0 : i32
        %dma_wait3A_565 = tpu.memref_slice %arg27[%mul3A_558, %dma_wait3A_564] : memref<10000x64xf32, #tpu.memory_space<vmem_shared>> -> memref<632x64xf32, #tpu.memory_space<vmem_shared>>
        %dma_wait3A_566 = arith.constant 0 : i32
        %dma_wait3A_567 = tpu.memref_slice %arg4[%mul3A_556, %dma_wait3A_566] : memref<10000x64xf32, #tpu.memory_space<hbm>> -> memref<632x64xf32, #tpu.memory_space<hbm>>
        tpu.wait_dma2 semaphore(%run_scoped3A_559 : memref<!tpu.dma_semaphore, #tpu.memory_space<semaphore_mem>>) src(%dma_wait3A_567 : memref<632x64xf32, #tpu.memory_space<hbm>>) dst(%dma_wait3A_565 : memref<632x64xf32, #tpu.memory_space<vmem_shared>>)
        tpu.yield
      }) : () -> ()
    } else {
    }
    %eq3A = arith.constant 15 : i32
    %eq3A_8 = arith.cmpi eq, %arg1, %eq3A : i32
    %convert_element_type3A_9 = arith.extui %eq3A_8 : i1 to i32
    %cond3A_10 = arith.constant 0 : i32
    %cond3A_11 = arith.cmpi ne, %convert_element_type3A_9, %cond3A_10 : i32
    scf.if %cond3A_11 {
      "tpu.region"() ({
        %run_scoped3A_555 = tpu.sem_alloc : memref<!tpu.dma_semaphore, #tpu.memory_space<semaphore_mem>>
        %dma_start3A_556 = arith.constant 9480 : i32
        %dma_start3A_557 = arith.constant 0 : i32
        %dma_start3A_558 = tpu.memref_slice %arg27[%dma_start3A_556, %dma_start3A_557] : memref<10000x64xf32, #tpu.memory_space<vmem_shared>> -> memref<520x64xf32, #tpu.memory_space<vmem_shared>>
        %dma_start3A_559 = arith.constant 9480 : i32
        %dma_start3A_560 = arith.constant 0 : i32
        %dma_start3A_561 = tpu.memref_slice %arg4[%dma_start3A_559, %dma_start3A_560] : memref<10000x64xf32, #tpu.memory_space<hbm>> -> memref<520x64xf32, #tpu.memory_space<hbm>>
        tpu.enqueue_dma source(%dma_start3A_561 : memref<520x64xf32, #tpu.memory_space<hbm>>) target(%dma_start3A_558 : memref<520x64xf32, #tpu.memory_space<vmem_shared>>) target_semaphore(%run_scoped3A_555 : memref<!tpu.dma_semaphore, #tpu.memory_space<semaphore_mem>>)
        %dma_wait3A_562 = arith.constant 9480 : i32
        %dma_wait3A_563 = arith.constant 0 : i32
        %dma_wait3A_564 = tpu.memref_slice %arg27[%dma_wait3A_562, %dma_wait3A_563] : memref<10000x64xf32, #tpu.memory_space<vmem_shared>> -> memref<520x64xf32, #tpu.memory_space<vmem_shared>>
        %dma_wait3A_565 = arith.constant 9480 : i32
        %dma_wait3A_566 = arith.constant 0 : i32
        %dma_wait3A_567 = tpu.memref_slice %arg4[%dma_wait3A_565, %dma_wait3A_566] : memref<10000x64xf32, #tpu.memory_space<hbm>> -> memref<520x64xf32, #tpu.memory_space<hbm>>
        tpu.wait_dma2 semaphore(%run_scoped3A_555 : memref<!tpu.dma_semaphore, #tpu.memory_space<semaphore_mem>>) src(%dma_wait3A_567 : memref<520x64xf32, #tpu.memory_space<hbm>>) dst(%dma_wait3A_564 : memref<520x64xf32, #tpu.memory_space<vmem_shared>>)
        tpu.yield
      }) : () -> ()
    } else {
    }
    %broadcast_in_dim3A = arith.constant 0.000000e+00 : f32
    %broadcast_in_dim3A_12 = vector.broadcast %broadcast_in_dim3A : f32 to vector<16xf32>
    %scan3A = arith.constant 0 : i32
    %scan3A_13 = arith.constant 625 : i32
    %scan3A_14 = arith.addi %scan3A, %scan3A_13 : i32
    %scan3A_15 = arith.constant 1 : i32
    scf.for %scan3A_555 = %scan3A to %scan3A_14 step %scan3A_15  : i32 {
      %mul3A_556 = arith.constant 16 : i32
      %mul3A_557 = arith.muli %scan3A_555, %mul3A_556 : i32
      %swap3A_558 = arith.index_cast %mul3A_557 : i32 to index
      %swap3A_559 = tpu.vector_load %arg34[%swap3A_558] {strides = array<i32>} : memref<10000xf32, #tpu.memory_space<vmem>>, vector<16xf32>,
      tpu.vector_store %arg34[%swap3A_558], %broadcast_in_dim3A_12 {strides = array<i32>} : memref<10000xf32, #tpu.memory_space<vmem>>, vector<16xf32>,
    }
    %scan3A_16 = arith.constant 625 : i32
    %barrier3A = arith.constant 0 : index
    tpu.barrier barrier_id(%barrier3A)
    %broadcast_in_dim3A_17 = arith.constant 1.000000e+00 : f32
    %broadcast_in_dim3A_18 = vector.broadcast %broadcast_in_dim3A_17 : f32 to vector<16xf32>
    %get3A = arith.constant 0 : index
    %get3A_19 = tpu.vector_load %arg7[%get3A] {strides = array<i32>} : memref<20000xi32, #tpu.memory_space<vmem>>, vector<16xi32>,
    %mul3A_20 = arith.constant 2 : i32
    %mul3A_21 = vector.broadcast %mul3A_20 : i32 to vector<16xi32>
    %mul3A_22 = arith.muli %get3A_19, %mul3A_21 : vector<16xi32>
    %add3A_23 = vector.broadcast %arg0 : i32 to vector<16xi32>
    %add3A_24 = arith.addi %mul3A_22, %add3A_23 : vector<16xi32>
    %swap3A = arith.constant 0 : index
    %swap3A_25 = tpu.vector_load %arg15[%swap3A] {strides = array<i32>} : memref<80xi32, #tpu.memory_space<vmem>>, vector<16xi32>,
    tpu.vector_store %arg15[%swap3A], %add3A_24 {strides = array<i32>} : memref<80xi32, #tpu.memory_space<vmem>>, vector<16xi32>,
    %get3A_26 = arith.constant 0 : index
    %get3A_27 = tpu.vector_load %arg8[%get3A_26] {strides = array<i32>} : memref<20000xi32, #tpu.memory_space<vmem>>, vector<16xi32>,
    %swap3A_28 = arith.constant 0 : i32
    %swap3A_29 = arith.index_cast %swap3A_28 : i32 to index
    %swap3A_30 = arith.constant 0 : index
    %swap3A_31 = tpu.vector_load %arg21[%swap3A_29, %swap3A_30] {strides = array<i32>} : memref<1x80xi32, #tpu.memory_space<vmem>>, vector<16xi32>,
    tpu.vector_store %arg21[%swap3A_29, %swap3A_30], %get3A_27 {strides = array<i32>} : memref<1x80xi32, #tpu.memory_space<vmem>>, vector<16xi32>,
    %get3A_32 = arith.constant 16 : index
    %get3A_33 = tpu.vector_load %arg7[%get3A_32] {strides = array<i32>} : memref<20000xi32, #tpu.memory_space<vmem>>, vector<16xi32>,
    %mul3A_34 = arith.constant 2 : i32
    %mul3A_35 = vector.broadcast %mul3A_34 : i32 to vector<16xi32>
    %mul3A_36 = arith.muli %get3A_33, %mul3A_35 : vector<16xi32>
    %add3A_37 = vector.broadcast %arg0 : i32 to vector<16xi32>
    %add3A_38 = arith.addi %mul3A_36, %add3A_37 : vector<16xi32>
    %swap3A_39 = arith.constant 16 : index
    %swap3A_40 = tpu.vector_load %arg15[%swap3A_39] {strides = array<i32>} : memref<80xi32, #tpu.memory_space<vmem>>, vector<16xi32>,
    tpu.vector_store %arg15[%swap3A_39], %add3A_38 {strides = array<i32>} : memref<80xi32, #tpu.memory_space<vmem>>, vector<16xi32>,
    %get3A_41 = arith.constant 16 : index
    %get3A_42 = tpu.vector_load %arg8[%get3A_41] {strides = array<i32>} : memref<20000xi32, #tpu.memory_space<vmem>>, vector<16xi32>,
    %swap3A_43 = arith.constant 0 : i32
    %swap3A_44 = arith.index_cast %swap3A_43 : i32 to index
    %swap3A_45 = arith.constant 16 : index
    %swap3A_46 = tpu.vector_load %arg21[%swap3A_44, %swap3A_45] {strides = array<i32>} : memref<1x80xi32, #tpu.memory_space<vmem>>, vector<16xi32>,
    tpu.vector_store %arg21[%swap3A_44, %swap3A_45], %get3A_42 {strides = array<i32>} : memref<1x80xi32, #tpu.memory_space<vmem>>, vector<16xi32>,
    %get3A_47 = arith.constant 32 : index
    %get3A_48 = tpu.vector_load %arg7[%get3A_47] {strides = array<i32>} : memref<20000xi32, #tpu.memory_space<vmem>>, vector<16xi32>,
    %mul3A_49 = arith.constant 2 : i32
    %mul3A_50 = vector.broadcast %mul3A_49 : i32 to vector<16xi32>
    %mul3A_51 = arith.muli %get3A_48, %mul3A_50 : vector<16xi32>
    %add3A_52 = vector.broadcast %arg0 : i32 to vector<16xi32>
    %add3A_53 = arith.addi %mul3A_51, %add3A_52 : vector<16xi32>
    %swap3A_54 = arith.constant 32 : index
    %swap3A_55 = tpu.vector_load %arg15[%swap3A_54] {strides = array<i32>} : memref<80xi32, #tpu.memory_space<vmem>>, vector<16xi32>,
    tpu.vector_store %arg15[%swap3A_54], %add3A_53 {strides = array<i32>} : memref<80xi32, #tpu.memory_space<vmem>>, vector<16xi32>,
    %get3A_56 = arith.constant 32 : index
    %get3A_57 = tpu.vector_load %arg8[%get3A_56] {strides = array<i32>} : memref<20000xi32, #tpu.memory_space<vmem>>, vector<16xi32>,
    %swap3A_58 = arith.constant 0 : i32
    %swap3A_59 = arith.index_cast %swap3A_58 : i32 to index
    %swap3A_60 = arith.constant 32 : index
    %swap3A_61 = tpu.vector_load %arg21[%swap3A_59, %swap3A_60] {strides = array<i32>} : memref<1x80xi32, #tpu.memory_space<vmem>>, vector<16xi32>,
    tpu.vector_store %arg21[%swap3A_59, %swap3A_60], %get3A_57 {strides = array<i32>} : memref<1x80xi32, #tpu.memory_space<vmem>>, vector<16xi32>,
    %get3A_62 = arith.constant 48 : index
    %get3A_63 = tpu.vector_load %arg7[%get3A_62] {strides = array<i32>} : memref<20000xi32, #tpu.memory_space<vmem>>, vector<16xi32>,
    %mul3A_64 = arith.constant 2 : i32
    %mul3A_65 = vector.broadcast %mul3A_64 : i32 to vector<16xi32>
    %mul3A_66 = arith.muli %get3A_63, %mul3A_65 : vector<16xi32>
    %add3A_67 = vector.broadcast %arg0 : i32 to vector<16xi32>
    %add3A_68 = arith.addi %mul3A_66, %add3A_67 : vector<16xi32>
    %swap3A_69 = arith.constant 48 : index
    %swap3A_70 = tpu.vector_load %arg15[%swap3A_69] {strides = array<i32>} : memref<80xi32, #tpu.memory_space<vmem>>, vector<16xi32>,
    tpu.vector_store %arg15[%swap3A_69], %add3A_68 {strides = array<i32>} : memref<80xi32, #tpu.memory_space<vmem>>, vector<16xi32>,
    %get3A_71 = arith.constant 48 : index
    %get3A_72 = tpu.vector_load %arg8[%get3A_71] {strides = array<i32>} : memref<20000xi32, #tpu.memory_space<vmem>>, vector<16xi32>,
    %swap3A_73 = arith.constant 0 : i32
    %swap3A_74 = arith.index_cast %swap3A_73 : i32 to index
    %swap3A_75 = arith.constant 48 : index
    %swap3A_76 = tpu.vector_load %arg21[%swap3A_74, %swap3A_75] {strides = array<i32>} : memref<1x80xi32, #tpu.memory_space<vmem>>, vector<16xi32>,
    tpu.vector_store %arg21[%swap3A_74, %swap3A_75], %get3A_72 {strides = array<i32>} : memref<1x80xi32, #tpu.memory_space<vmem>>, vector<16xi32>,
    %get3A_77 = arith.constant 64 : index
    %get3A_78 = tpu.vector_load %arg7[%get3A_77] {strides = array<i32>} : memref<20000xi32, #tpu.memory_space<vmem>>, vector<16xi32>,
    %mul3A_79 = arith.constant 2 : i32
    %mul3A_80 = vector.broadcast %mul3A_79 : i32 to vector<16xi32>
    %mul3A_81 = arith.muli %get3A_78, %mul3A_80 : vector<16xi32>
    %add3A_82 = vector.broadcast %arg0 : i32 to vector<16xi32>
    %add3A_83 = arith.addi %mul3A_81, %add3A_82 : vector<16xi32>
    %swap3A_84 = arith.constant 64 : index
    %swap3A_85 = tpu.vector_load %arg15[%swap3A_84] {strides = array<i32>} : memref<80xi32, #tpu.memory_space<vmem>>, vector<16xi32>,
    tpu.vector_store %arg15[%swap3A_84], %add3A_83 {strides = array<i32>} : memref<80xi32, #tpu.memory_space<vmem>>, vector<16xi32>,
    %get3A_86 = arith.constant 64 : index
    %get3A_87 = tpu.vector_load %arg8[%get3A_86] {strides = array<i32>} : memref<20000xi32, #tpu.memory_space<vmem>>, vector<16xi32>,
    %swap3A_88 = arith.constant 0 : i32
    %swap3A_89 = arith.index_cast %swap3A_88 : i32 to index
    %swap3A_90 = arith.constant 64 : index
    %swap3A_91 = tpu.vector_load %arg21[%swap3A_89, %swap3A_90] {strides = array<i32>} : memref<1x80xi32, #tpu.memory_space<vmem>>, vector<16xi32>,
    tpu.vector_store %arg21[%swap3A_89, %swap3A_90], %get3A_87 {strides = array<i32>} : memref<1x80xi32, #tpu.memory_space<vmem>>, vector<16xi32>,
    %dma_start3A = arith.constant 0 : i32
    %dma_start3A_92 = arith.constant 0 : i32
    %dma_start3A_93 = tpu.memref_slice %arg2[%dma_start3A, %dma_start3A_92] : memref<20000x64xf32, #tpu.memory_space<hbm>> -> memref<20000x64xf32, #tpu.memory_space<hbm>>
    tpu.enqueue_indirect_dma source(%dma_start3A_93 : memref<20000x64xf32, #tpu.memory_space<hbm>>) target(%arg9 : memref<80x64xf32, #tpu.memory_space<vmem>>) offsets(%arg15 : memref<80xi32, #tpu.memory_space<vmem>>) semaphore(%arg28 : memref<!tpu.dma_semaphore, #tpu.memory_space<semaphore_mem>>)
    %get3A_94 = arith.constant 80 : index
    %get3A_95 = tpu.vector_load %arg7[%get3A_94] {strides = array<i32>} : memref<20000xi32, #tpu.memory_space<vmem>>, vector<16xi32>,
    %mul3A_96 = arith.constant 2 : i32
    %mul3A_97 = vector.broadcast %mul3A_96 : i32 to vector<16xi32>
    %mul3A_98 = arith.muli %get3A_95, %mul3A_97 : vector<16xi32>
    %add3A_99 = vector.broadcast %arg0 : i32 to vector<16xi32>
    %add3A_100 = arith.addi %mul3A_98, %add3A_99 : vector<16xi32>
    %swap3A_101 = arith.constant 0 : index
    %swap3A_102 = tpu.vector_load %arg16[%swap3A_101] {strides = array<i32>} : memref<80xi32, #tpu.memory_space<vmem>>, vector<16xi32>,
    tpu.vector_store %arg16[%swap3A_101], %add3A_100 {strides = array<i32>} : memref<80xi32, #tpu.memory_space<vmem>>, vector<16xi32>,
    %get3A_103 = arith.constant 80 : index
    %get3A_104 = tpu.vector_load %arg8[%get3A_103] {strides = array<i32>} : memref<20000xi32, #tpu.memory_space<vmem>>, vector<16xi32>,
    %swap3A_105 = arith.constant 0 : i32
    %swap3A_106 = arith.index_cast %swap3A_105 : i32 to index
    %swap3A_107 = arith.constant 0 : index
    %swap3A_108 = tpu.vector_load %arg22[%swap3A_106, %swap3A_107] {strides = array<i32>} : memref<1x80xi32, #tpu.memory_space<vmem>>, vector<16xi32>,
    tpu.vector_store %arg22[%swap3A_106, %swap3A_107], %get3A_104 {strides = array<i32>} : memref<1x80xi32, #tpu.memory_space<vmem>>, vector<16xi32>,
    %get3A_109 = arith.constant 96 : index
    %get3A_110 = tpu.vector_load %arg7[%get3A_109] {strides = array<i32>} : memref<20000xi32, #tpu.memory_space<vmem>>, vector<16xi32>,
    %mul3A_111 = arith.constant 2 : i32
    %mul3A_112 = vector.broadcast %mul3A_111 : i32 to vector<16xi32>
    %mul3A_113 = arith.muli %get3A_110, %mul3A_112 : vector<16xi32>
    %add3A_114 = vector.broadcast %arg0 : i32 to vector<16xi32>
    %add3A_115 = arith.addi %mul3A_113, %add3A_114 : vector<16xi32>
    %swap3A_116 = arith.constant 16 : index
    %swap3A_117 = tpu.vector_load %arg16[%swap3A_116] {strides = array<i32>} : memref<80xi32, #tpu.memory_space<vmem>>, vector<16xi32>,
    tpu.vector_store %arg16[%swap3A_116], %add3A_115 {strides = array<i32>} : memref<80xi32, #tpu.memory_space<vmem>>, vector<16xi32>,
    %get3A_118 = arith.constant 96 : index
    %get3A_119 = tpu.vector_load %arg8[%get3A_118] {strides = array<i32>} : memref<20000xi32, #tpu.memory_space<vmem>>, vector<16xi32>,
    %swap3A_120 = arith.constant 0 : i32
    %swap3A_121 = arith.index_cast %swap3A_120 : i32 to index
    %swap3A_122 = arith.constant 16 : index
    %swap3A_123 = tpu.vector_load %arg22[%swap3A_121, %swap3A_122] {strides = array<i32>} : memref<1x80xi32, #tpu.memory_space<vmem>>, vector<16xi32>,
    tpu.vector_store %arg22[%swap3A_121, %swap3A_122], %get3A_119 {strides = array<i32>} : memref<1x80xi32, #tpu.memory_space<vmem>>, vector<16xi32>,
    %get3A_124 = arith.constant 112 : index
    %get3A_125 = tpu.vector_load %arg7[%get3A_124] {strides = array<i32>} : memref<20000xi32, #tpu.memory_space<vmem>>, vector<16xi32>,
    %mul3A_126 = arith.constant 2 : i32
    %mul3A_127 = vector.broadcast %mul3A_126 : i32 to vector<16xi32>
    %mul3A_128 = arith.muli %get3A_125, %mul3A_127 : vector<16xi32>
    %add3A_129 = vector.broadcast %arg0 : i32 to vector<16xi32>
    %add3A_130 = arith.addi %mul3A_128, %add3A_129 : vector<16xi32>
    %swap3A_131 = arith.constant 32 : index
    %swap3A_132 = tpu.vector_load %arg16[%swap3A_131] {strides = array<i32>} : memref<80xi32, #tpu.memory_space<vmem>>, vector<16xi32>,
    tpu.vector_store %arg16[%swap3A_131], %add3A_130 {strides = array<i32>} : memref<80xi32, #tpu.memory_space<vmem>>, vector<16xi32>,
    %get3A_133 = arith.constant 112 : index
    %get3A_134 = tpu.vector_load %arg8[%get3A_133] {strides = array<i32>} : memref<20000xi32, #tpu.memory_space<vmem>>, vector<16xi32>,
    %swap3A_135 = arith.constant 0 : i32
    %swap3A_136 = arith.index_cast %swap3A_135 : i32 to index
    %swap3A_137 = arith.constant 32 : index
    %swap3A_138 = tpu.vector_load %arg22[%swap3A_136, %swap3A_137] {strides = array<i32>} : memref<1x80xi32, #tpu.memory_space<vmem>>, vector<16xi32>,
    tpu.vector_store %arg22[%swap3A_136, %swap3A_137], %get3A_134 {strides = array<i32>} : memref<1x80xi32, #tpu.memory_space<vmem>>, vector<16xi32>,
    %get3A_139 = arith.constant 128 : index
    %get3A_140 = tpu.vector_load %arg7[%get3A_139] {strides = array<i32>} : memref<20000xi32, #tpu.memory_space<vmem>>, vector<16xi32>,
    %mul3A_141 = arith.constant 2 : i32
    %mul3A_142 = vector.broadcast %mul3A_141 : i32 to vector<16xi32>
    %mul3A_143 = arith.muli %get3A_140, %mul3A_142 : vector<16xi32>
    %add3A_144 = vector.broadcast %arg0 : i32 to vector<16xi32>
    %add3A_145 = arith.addi %mul3A_143, %add3A_144 : vector<16xi32>
    %swap3A_146 = arith.constant 48 : index
    %swap3A_147 = tpu.vector_load %arg16[%swap3A_146] {strides = array<i32>} : memref<80xi32, #tpu.memory_space<vmem>>, vector<16xi32>,
    tpu.vector_store %arg16[%swap3A_146], %add3A_145 {strides = array<i32>} : memref<80xi32, #tpu.memory_space<vmem>>, vector<16xi32>,
    %get3A_148 = arith.constant 128 : index
    %get3A_149 = tpu.vector_load %arg8[%get3A_148] {strides = array<i32>} : memref<20000xi32, #tpu.memory_space<vmem>>, vector<16xi32>,
    %swap3A_150 = arith.constant 0 : i32
    %swap3A_151 = arith.index_cast %swap3A_150 : i32 to index
    %swap3A_152 = arith.constant 48 : index
    %swap3A_153 = tpu.vector_load %arg22[%swap3A_151, %swap3A_152] {strides = array<i32>} : memref<1x80xi32, #tpu.memory_space<vmem>>, vector<16xi32>,
    tpu.vector_store %arg22[%swap3A_151, %swap3A_152], %get3A_149 {strides = array<i32>} : memref<1x80xi32, #tpu.memory_space<vmem>>, vector<16xi32>,
    %get3A_154 = arith.constant 144 : index
    %get3A_155 = tpu.vector_load %arg7[%get3A_154] {strides = array<i32>} : memref<20000xi32, #tpu.memory_space<vmem>>, vector<16xi32>,
    %mul3A_156 = arith.constant 2 : i32
    %mul3A_157 = vector.broadcast %mul3A_156 : i32 to vector<16xi32>
    %mul3A_158 = arith.muli %get3A_155, %mul3A_157 : vector<16xi32>
    %add3A_159 = vector.broadcast %arg0 : i32 to vector<16xi32>
    %add3A_160 = arith.addi %mul3A_158, %add3A_159 : vector<16xi32>
    %swap3A_161 = arith.constant 64 : index
    %swap3A_162 = tpu.vector_load %arg16[%swap3A_161] {strides = array<i32>} : memref<80xi32, #tpu.memory_space<vmem>>, vector<16xi32>,
    tpu.vector_store %arg16[%swap3A_161], %add3A_160 {strides = array<i32>} : memref<80xi32, #tpu.memory_space<vmem>>, vector<16xi32>,
    %get3A_163 = arith.constant 144 : index
    %get3A_164 = tpu.vector_load %arg8[%get3A_163] {strides = array<i32>} : memref<20000xi32, #tpu.memory_space<vmem>>, vector<16xi32>,
    %swap3A_165 = arith.constant 0 : i32
    %swap3A_166 = arith.index_cast %swap3A_165 : i32 to index
    %swap3A_167 = arith.constant 64 : index
    %swap3A_168 = tpu.vector_load %arg22[%swap3A_166, %swap3A_167] {strides = array<i32>} : memref<1x80xi32, #tpu.memory_space<vmem>>, vector<16xi32>,
    tpu.vector_store %arg22[%swap3A_166, %swap3A_167], %get3A_164 {strides = array<i32>} : memref<1x80xi32, #tpu.memory_space<vmem>>, vector<16xi32>,
    %dma_start3A_169 = arith.constant 0 : i32
    %dma_start3A_170 = arith.constant 0 : i32
    %dma_start3A_171 = tpu.memref_slice %arg2[%dma_start3A_169, %dma_start3A_170] : memref<20000x64xf32, #tpu.memory_space<hbm>> -> memref<20000x64xf32, #tpu.memory_space<hbm>>
    tpu.enqueue_indirect_dma source(%dma_start3A_171 : memref<20000x64xf32, #tpu.memory_space<hbm>>) target(%arg10 : memref<80x64xf32, #tpu.memory_space<vmem>>) offsets(%arg16 : memref<80xi32, #tpu.memory_space<vmem>>) semaphore(%arg29 : memref<!tpu.dma_semaphore, #tpu.memory_space<semaphore_mem>>)
    %get3A_172 = arith.constant 160 : index
    %get3A_173 = tpu.vector_load %arg7[%get3A_172] {strides = array<i32>} : memref<20000xi32, #tpu.memory_space<vmem>>, vector<16xi32>,
    %mul3A_174 = arith.constant 2 : i32
    %mul3A_175 = vector.broadcast %mul3A_174 : i32 to vector<16xi32>
    %mul3A_176 = arith.muli %get3A_173, %mul3A_175 : vector<16xi32>
    %add3A_177 = vector.broadcast %arg0 : i32 to vector<16xi32>
    %add3A_178 = arith.addi %mul3A_176, %add3A_177 : vector<16xi32>
    %swap3A_179 = arith.constant 0 : index
    %swap3A_180 = tpu.vector_load %arg17[%swap3A_179] {strides = array<i32>} : memref<80xi32, #tpu.memory_space<vmem>>, vector<16xi32>,
    tpu.vector_store %arg17[%swap3A_179], %add3A_178 {strides = array<i32>} : memref<80xi32, #tpu.memory_space<vmem>>, vector<16xi32>,
    %get3A_181 = arith.constant 160 : index
    %get3A_182 = tpu.vector_load %arg8[%get3A_181] {strides = array<i32>} : memref<20000xi32, #tpu.memory_space<vmem>>, vector<16xi32>,
    %swap3A_183 = arith.constant 0 : i32
    %swap3A_184 = arith.index_cast %swap3A_183 : i32 to index
    %swap3A_185 = arith.constant 0 : index
    %swap3A_186 = tpu.vector_load %arg23[%swap3A_184, %swap3A_185] {strides = array<i32>} : memref<1x80xi32, #tpu.memory_space<vmem>>, vector<16xi32>,
    tpu.vector_store %arg23[%swap3A_184, %swap3A_185], %get3A_182 {strides = array<i32>} : memref<1x80xi32, #tpu.memory_space<vmem>>, vector<16xi32>,
    %get3A_187 = arith.constant 176 : index
    %get3A_188 = tpu.vector_load %arg7[%get3A_187] {strides = array<i32>} : memref<20000xi32, #tpu.memory_space<vmem>>, vector<16xi32>,
    %mul3A_189 = arith.constant 2 : i32
    %mul3A_190 = vector.broadcast %mul3A_189 : i32 to vector<16xi32>
    %mul3A_191 = arith.muli %get3A_188, %mul3A_190 : vector<16xi32>
    %add3A_192 = vector.broadcast %arg0 : i32 to vector<16xi32>
    %add3A_193 = arith.addi %mul3A_191, %add3A_192 : vector<16xi32>
    %swap3A_194 = arith.constant 16 : index
    %swap3A_195 = tpu.vector_load %arg17[%swap3A_194] {strides = array<i32>} : memref<80xi32, #tpu.memory_space<vmem>>, vector<16xi32>,
    tpu.vector_store %arg17[%swap3A_194], %add3A_193 {strides = array<i32>} : memref<80xi32, #tpu.memory_space<vmem>>, vector<16xi32>,
    %get3A_196 = arith.constant 176 : index
    %get3A_197 = tpu.vector_load %arg8[%get3A_196] {strides = array<i32>} : memref<20000xi32, #tpu.memory_space<vmem>>, vector<16xi32>,
    %swap3A_198 = arith.constant 0 : i32
    %swap3A_199 = arith.index_cast %swap3A_198 : i32 to index
    %swap3A_200 = arith.constant 16 : index
    %swap3A_201 = tpu.vector_load %arg23[%swap3A_199, %swap3A_200] {strides = array<i32>} : memref<1x80xi32, #tpu.memory_space<vmem>>, vector<16xi32>,
    tpu.vector_store %arg23[%swap3A_199, %swap3A_200], %get3A_197 {strides = array<i32>} : memref<1x80xi32, #tpu.memory_space<vmem>>, vector<16xi32>,
    %get3A_202 = arith.constant 192 : index
    %get3A_203 = tpu.vector_load %arg7[%get3A_202] {strides = array<i32>} : memref<20000xi32, #tpu.memory_space<vmem>>, vector<16xi32>,
    %mul3A_204 = arith.constant 2 : i32
    %mul3A_205 = vector.broadcast %mul3A_204 : i32 to vector<16xi32>
    %mul3A_206 = arith.muli %get3A_203, %mul3A_205 : vector<16xi32>
    %add3A_207 = vector.broadcast %arg0 : i32 to vector<16xi32>
    %add3A_208 = arith.addi %mul3A_206, %add3A_207 : vector<16xi32>
    %swap3A_209 = arith.constant 32 : index
    %swap3A_210 = tpu.vector_load %arg17[%swap3A_209] {strides = array<i32>} : memref<80xi32, #tpu.memory_space<vmem>>, vector<16xi32>,
    tpu.vector_store %arg17[%swap3A_209], %add3A_208 {strides = array<i32>} : memref<80xi32, #tpu.memory_space<vmem>>, vector<16xi32>,
    %get3A_211 = arith.constant 192 : index
    %get3A_212 = tpu.vector_load %arg8[%get3A_211] {strides = array<i32>} : memref<20000xi32, #tpu.memory_space<vmem>>, vector<16xi32>,
    %swap3A_213 = arith.constant 0 : i32
    %swap3A_214 = arith.index_cast %swap3A_213 : i32 to index
    %swap3A_215 = arith.constant 32 : index
    %swap3A_216 = tpu.vector_load %arg23[%swap3A_214, %swap3A_215] {strides = array<i32>} : memref<1x80xi32, #tpu.memory_space<vmem>>, vector<16xi32>,
    tpu.vector_store %arg23[%swap3A_214, %swap3A_215], %get3A_212 {strides = array<i32>} : memref<1x80xi32, #tpu.memory_space<vmem>>, vector<16xi32>,
    %get3A_217 = arith.constant 208 : index
    %get3A_218 = tpu.vector_load %arg7[%get3A_217] {strides = array<i32>} : memref<20000xi32, #tpu.memory_space<vmem>>, vector<16xi32>,
    %mul3A_219 = arith.constant 2 : i32
    %mul3A_220 = vector.broadcast %mul3A_219 : i32 to vector<16xi32>
    %mul3A_221 = arith.muli %get3A_218, %mul3A_220 : vector<16xi32>
    %add3A_222 = vector.broadcast %arg0 : i32 to vector<16xi32>
    %add3A_223 = arith.addi %mul3A_221, %add3A_222 : vector<16xi32>
    %swap3A_224 = arith.constant 48 : index
    %swap3A_225 = tpu.vector_load %arg17[%swap3A_224] {strides = array<i32>} : memref<80xi32, #tpu.memory_space<vmem>>, vector<16xi32>,
    tpu.vector_store %arg17[%swap3A_224], %add3A_223 {strides = array<i32>} : memref<80xi32, #tpu.memory_space<vmem>>, vector<16xi32>,
    %get3A_226 = arith.constant 208 : index
    %get3A_227 = tpu.vector_load %arg8[%get3A_226] {strides = array<i32>} : memref<20000xi32, #tpu.memory_space<vmem>>, vector<16xi32>,
    %swap3A_228 = arith.constant 0 : i32
    %swap3A_229 = arith.index_cast %swap3A_228 : i32 to index
    %swap3A_230 = arith.constant 48 : index
    %swap3A_231 = tpu.vector_load %arg23[%swap3A_229, %swap3A_230] {strides = array<i32>} : memref<1x80xi32, #tpu.memory_space<vmem>>, vector<16xi32>,
    tpu.vector_store %arg23[%swap3A_229, %swap3A_230], %get3A_227 {strides = array<i32>} : memref<1x80xi32, #tpu.memory_space<vmem>>, vector<16xi32>,
    %get3A_232 = arith.constant 224 : index
    %get3A_233 = tpu.vector_load %arg7[%get3A_232] {strides = array<i32>} : memref<20000xi32, #tpu.memory_space<vmem>>, vector<16xi32>,
    %mul3A_234 = arith.constant 2 : i32
    %mul3A_235 = vector.broadcast %mul3A_234 : i32 to vector<16xi32>
    %mul3A_236 = arith.muli %get3A_233, %mul3A_235 : vector<16xi32>
    %add3A_237 = vector.broadcast %arg0 : i32 to vector<16xi32>
    %add3A_238 = arith.addi %mul3A_236, %add3A_237 : vector<16xi32>
    %swap3A_239 = arith.constant 64 : index
    %swap3A_240 = tpu.vector_load %arg17[%swap3A_239] {strides = array<i32>} : memref<80xi32, #tpu.memory_space<vmem>>, vector<16xi32>,
    tpu.vector_store %arg17[%swap3A_239], %add3A_238 {strides = array<i32>} : memref<80xi32, #tpu.memory_space<vmem>>, vector<16xi32>,
    %get3A_241 = arith.constant 224 : index
    %get3A_242 = tpu.vector_load %arg8[%get3A_241] {strides = array<i32>} : memref<20000xi32, #tpu.memory_space<vmem>>, vector<16xi32>,
    %swap3A_243 = arith.constant 0 : i32
    %swap3A_244 = arith.index_cast %swap3A_243 : i32 to index
    %swap3A_245 = arith.constant 64 : index
    %swap3A_246 = tpu.vector_load %arg23[%swap3A_244, %swap3A_245] {strides = array<i32>} : memref<1x80xi32, #tpu.memory_space<vmem>>, vector<16xi32>,
    tpu.vector_store %arg23[%swap3A_244, %swap3A_245], %get3A_242 {strides = array<i32>} : memref<1x80xi32, #tpu.memory_space<vmem>>, vector<16xi32>,
    %dma_start3A_247 = arith.constant 0 : i32
    %dma_start3A_248 = arith.constant 0 : i32
    %dma_start3A_249 = tpu.memref_slice %arg2[%dma_start3A_247, %dma_start3A_248] : memref<20000x64xf32, #tpu.memory_space<hbm>> -> memref<20000x64xf32, #tpu.memory_space<hbm>>
    tpu.enqueue_indirect_dma source(%dma_start3A_249 : memref<20000x64xf32, #tpu.memory_space<hbm>>) target(%arg11 : memref<80x64xf32, #tpu.memory_space<vmem>>) offsets(%arg17 : memref<80xi32, #tpu.memory_space<vmem>>) semaphore(%arg30 : memref<!tpu.dma_semaphore, #tpu.memory_space<semaphore_mem>>)
    %get3A_250 = arith.constant 240 : index
    %get3A_251 = tpu.vector_load %arg7[%get3A_250] {strides = array<i32>} : memref<20000xi32, #tpu.memory_space<vmem>>, vector<16xi32>,
    %mul3A_252 = arith.constant 2 : i32
    %mul3A_253 = vector.broadcast %mul3A_252 : i32 to vector<16xi32>
    %mul3A_254 = arith.muli %get3A_251, %mul3A_253 : vector<16xi32>
    %add3A_255 = vector.broadcast %arg0 : i32 to vector<16xi32>
    %add3A_256 = arith.addi %mul3A_254, %add3A_255 : vector<16xi32>
    %swap3A_257 = arith.constant 0 : index
    %swap3A_258 = tpu.vector_load %arg18[%swap3A_257] {strides = array<i32>} : memref<80xi32, #tpu.memory_space<vmem>>, vector<16xi32>,
    tpu.vector_store %arg18[%swap3A_257], %add3A_256 {strides = array<i32>} : memref<80xi32, #tpu.memory_space<vmem>>, vector<16xi32>,
    %get3A_259 = arith.constant 240 : index
    %get3A_260 = tpu.vector_load %arg8[%get3A_259] {strides = array<i32>} : memref<20000xi32, #tpu.memory_space<vmem>>, vector<16xi32>,
    %swap3A_261 = arith.constant 0 : i32
    %swap3A_262 = arith.index_cast %swap3A_261 : i32 to index
    %swap3A_263 = arith.constant 0 : index
    %swap3A_264 = tpu.vector_load %arg24[%swap3A_262, %swap3A_263] {strides = array<i32>} : memref<1x80xi32, #tpu.memory_space<vmem>>, vector<16xi32>,
    tpu.vector_store %arg24[%swap3A_262, %swap3A_263], %get3A_260 {strides = array<i32>} : memref<1x80xi32, #tpu.memory_space<vmem>>, vector<16xi32>,
    %get3A_265 = arith.constant 256 : index
    %get3A_266 = tpu.vector_load %arg7[%get3A_265] {strides = array<i32>} : memref<20000xi32, #tpu.memory_space<vmem>>, vector<16xi32>,
    %mul3A_267 = arith.constant 2 : i32
    %mul3A_268 = vector.broadcast %mul3A_267 : i32 to vector<16xi32>
    %mul3A_269 = arith.muli %get3A_266, %mul3A_268 : vector<16xi32>
    %add3A_270 = vector.broadcast %arg0 : i32 to vector<16xi32>
    %add3A_271 = arith.addi %mul3A_269, %add3A_270 : vector<16xi32>
    %swap3A_272 = arith.constant 16 : index
    %swap3A_273 = tpu.vector_load %arg18[%swap3A_272] {strides = array<i32>} : memref<80xi32, #tpu.memory_space<vmem>>, vector<16xi32>,
    tpu.vector_store %arg18[%swap3A_272], %add3A_271 {strides = array<i32>} : memref<80xi32, #tpu.memory_space<vmem>>, vector<16xi32>,
    %get3A_274 = arith.constant 256 : index
    %get3A_275 = tpu.vector_load %arg8[%get3A_274] {strides = array<i32>} : memref<20000xi32, #tpu.memory_space<vmem>>, vector<16xi32>,
    %swap3A_276 = arith.constant 0 : i32
    %swap3A_277 = arith.index_cast %swap3A_276 : i32 to index
    %swap3A_278 = arith.constant 16 : index
    %swap3A_279 = tpu.vector_load %arg24[%swap3A_277, %swap3A_278] {strides = array<i32>} : memref<1x80xi32, #tpu.memory_space<vmem>>, vector<16xi32>,
    tpu.vector_store %arg24[%swap3A_277, %swap3A_278], %get3A_275 {strides = array<i32>} : memref<1x80xi32, #tpu.memory_space<vmem>>, vector<16xi32>,
    %get3A_280 = arith.constant 272 : index
    %get3A_281 = tpu.vector_load %arg7[%get3A_280] {strides = array<i32>} : memref<20000xi32, #tpu.memory_space<vmem>>, vector<16xi32>,
    %mul3A_282 = arith.constant 2 : i32
    %mul3A_283 = vector.broadcast %mul3A_282 : i32 to vector<16xi32>
    %mul3A_284 = arith.muli %get3A_281, %mul3A_283 : vector<16xi32>
    %add3A_285 = vector.broadcast %arg0 : i32 to vector<16xi32>
    %add3A_286 = arith.addi %mul3A_284, %add3A_285 : vector<16xi32>
    %swap3A_287 = arith.constant 32 : index
    %swap3A_288 = tpu.vector_load %arg18[%swap3A_287] {strides = array<i32>} : memref<80xi32, #tpu.memory_space<vmem>>, vector<16xi32>,
    tpu.vector_store %arg18[%swap3A_287], %add3A_286 {strides = array<i32>} : memref<80xi32, #tpu.memory_space<vmem>>, vector<16xi32>,
    %get3A_289 = arith.constant 272 : index
    %get3A_290 = tpu.vector_load %arg8[%get3A_289] {strides = array<i32>} : memref<20000xi32, #tpu.memory_space<vmem>>, vector<16xi32>,
    %swap3A_291 = arith.constant 0 : i32
    %swap3A_292 = arith.index_cast %swap3A_291 : i32 to index
    %swap3A_293 = arith.constant 32 : index
    %swap3A_294 = tpu.vector_load %arg24[%swap3A_292, %swap3A_293] {strides = array<i32>} : memref<1x80xi32, #tpu.memory_space<vmem>>, vector<16xi32>,
    tpu.vector_store %arg24[%swap3A_292, %swap3A_293], %get3A_290 {strides = array<i32>} : memref<1x80xi32, #tpu.memory_space<vmem>>, vector<16xi32>,
    %get3A_295 = arith.constant 288 : index
    %get3A_296 = tpu.vector_load %arg7[%get3A_295] {strides = array<i32>} : memref<20000xi32, #tpu.memory_space<vmem>>, vector<16xi32>,
    %mul3A_297 = arith.constant 2 : i32
    %mul3A_298 = vector.broadcast %mul3A_297 : i32 to vector<16xi32>
    %mul3A_299 = arith.muli %get3A_296, %mul3A_298 : vector<16xi32>
    %add3A_300 = vector.broadcast %arg0 : i32 to vector<16xi32>
    %add3A_301 = arith.addi %mul3A_299, %add3A_300 : vector<16xi32>
    %swap3A_302 = arith.constant 48 : index
    %swap3A_303 = tpu.vector_load %arg18[%swap3A_302] {strides = array<i32>} : memref<80xi32, #tpu.memory_space<vmem>>, vector<16xi32>,
    tpu.vector_store %arg18[%swap3A_302], %add3A_301 {strides = array<i32>} : memref<80xi32, #tpu.memory_space<vmem>>, vector<16xi32>,
    %get3A_304 = arith.constant 288 : index
    %get3A_305 = tpu.vector_load %arg8[%get3A_304] {strides = array<i32>} : memref<20000xi32, #tpu.memory_space<vmem>>, vector<16xi32>,
    %swap3A_306 = arith.constant 0 : i32
    %swap3A_307 = arith.index_cast %swap3A_306 : i32 to index
    %swap3A_308 = arith.constant 48 : index
    %swap3A_309 = tpu.vector_load %arg24[%swap3A_307, %swap3A_308] {strides = array<i32>} : memref<1x80xi32, #tpu.memory_space<vmem>>, vector<16xi32>,
    tpu.vector_store %arg24[%swap3A_307, %swap3A_308], %get3A_305 {strides = array<i32>} : memref<1x80xi32, #tpu.memory_space<vmem>>, vector<16xi32>,
    %get3A_310 = arith.constant 304 : index
    %get3A_311 = tpu.vector_load %arg7[%get3A_310] {strides = array<i32>} : memref<20000xi32, #tpu.memory_space<vmem>>, vector<16xi32>,
    %mul3A_312 = arith.constant 2 : i32
    %mul3A_313 = vector.broadcast %mul3A_312 : i32 to vector<16xi32>
    %mul3A_314 = arith.muli %get3A_311, %mul3A_313 : vector<16xi32>
    %add3A_315 = vector.broadcast %arg0 : i32 to vector<16xi32>
    %add3A_316 = arith.addi %mul3A_314, %add3A_315 : vector<16xi32>
    %swap3A_317 = arith.constant 64 : index
    %swap3A_318 = tpu.vector_load %arg18[%swap3A_317] {strides = array<i32>} : memref<80xi32, #tpu.memory_space<vmem>>, vector<16xi32>,
    tpu.vector_store %arg18[%swap3A_317], %add3A_316 {strides = array<i32>} : memref<80xi32, #tpu.memory_space<vmem>>, vector<16xi32>,
    %get3A_319 = arith.constant 304 : index
    %get3A_320 = tpu.vector_load %arg8[%get3A_319] {strides = array<i32>} : memref<20000xi32, #tpu.memory_space<vmem>>, vector<16xi32>,
    %swap3A_321 = arith.constant 0 : i32
    %swap3A_322 = arith.index_cast %swap3A_321 : i32 to index
    %swap3A_323 = arith.constant 64 : index
    %swap3A_324 = tpu.vector_load %arg24[%swap3A_322, %swap3A_323] {strides = array<i32>} : memref<1x80xi32, #tpu.memory_space<vmem>>, vector<16xi32>,
    tpu.vector_store %arg24[%swap3A_322, %swap3A_323], %get3A_320 {strides = array<i32>} : memref<1x80xi32, #tpu.memory_space<vmem>>, vector<16xi32>,
    %dma_start3A_325 = arith.constant 0 : i32
    %dma_start3A_326 = arith.constant 0 : i32
    %dma_start3A_327 = tpu.memref_slice %arg2[%dma_start3A_325, %dma_start3A_326] : memref<20000x64xf32, #tpu.memory_space<hbm>> -> memref<20000x64xf32, #tpu.memory_space<hbm>>
    tpu.enqueue_indirect_dma source(%dma_start3A_327 : memref<20000x64xf32, #tpu.memory_space<hbm>>) target(%arg12 : memref<80x64xf32, #tpu.memory_space<vmem>>) offsets(%arg18 : memref<80xi32, #tpu.memory_space<vmem>>) semaphore(%arg31 : memref<!tpu.dma_semaphore, #tpu.memory_space<semaphore_mem>>)
    %get3A_328 = arith.constant 320 : index
    %get3A_329 = tpu.vector_load %arg7[%get3A_328] {strides = array<i32>} : memref<20000xi32, #tpu.memory_space<vmem>>, vector<16xi32>,
    %mul3A_330 = arith.constant 2 : i32
    %mul3A_331 = vector.broadcast %mul3A_330 : i32 to vector<16xi32>
    %mul3A_332 = arith.muli %get3A_329, %mul3A_331 : vector<16xi32>
    %add3A_333 = vector.broadcast %arg0 : i32 to vector<16xi32>
    %add3A_334 = arith.addi %mul3A_332, %add3A_333 : vector<16xi32>
    %swap3A_335 = arith.constant 0 : index
    %swap3A_336 = tpu.vector_load %arg19[%swap3A_335] {strides = array<i32>} : memref<80xi32, #tpu.memory_space<vmem>>, vector<16xi32>,
    tpu.vector_store %arg19[%swap3A_335], %add3A_334 {strides = array<i32>} : memref<80xi32, #tpu.memory_space<vmem>>, vector<16xi32>,
    %get3A_337 = arith.constant 320 : index
    %get3A_338 = tpu.vector_load %arg8[%get3A_337] {strides = array<i32>} : memref<20000xi32, #tpu.memory_space<vmem>>, vector<16xi32>,
    %swap3A_339 = arith.constant 0 : i32
    %swap3A_340 = arith.index_cast %swap3A_339 : i32 to index
    %swap3A_341 = arith.constant 0 : index
    %swap3A_342 = tpu.vector_load %arg25[%swap3A_340, %swap3A_341] {strides = array<i32>} : memref<1x80xi32, #tpu.memory_space<vmem>>, vector<16xi32>,
    tpu.vector_store %arg25[%swap3A_340, %swap3A_341], %get3A_338 {strides = array<i32>} : memref<1x80xi32, #tpu.memory_space<vmem>>, vector<16xi32>,
    %get3A_343 = arith.constant 336 : index
    %get3A_344 = tpu.vector_load %arg7[%get3A_343] {strides = array<i32>} : memref<20000xi32, #tpu.memory_space<vmem>>, vector<16xi32>,
    %mul3A_345 = arith.constant 2 : i32
    %mul3A_346 = vector.broadcast %mul3A_345 : i32 to vector<16xi32>
    %mul3A_347 = arith.muli %get3A_344, %mul3A_346 : vector<16xi32>
    %add3A_348 = vector.broadcast %arg0 : i32 to vector<16xi32>
    %add3A_349 = arith.addi %mul3A_347, %add3A_348 : vector<16xi32>
    %swap3A_350 = arith.constant 16 : index
    %swap3A_351 = tpu.vector_load %arg19[%swap3A_350] {strides = array<i32>} : memref<80xi32, #tpu.memory_space<vmem>>, vector<16xi32>,
    tpu.vector_store %arg19[%swap3A_350], %add3A_349 {strides = array<i32>} : memref<80xi32, #tpu.memory_space<vmem>>, vector<16xi32>,
    %get3A_352 = arith.constant 336 : index
    %get3A_353 = tpu.vector_load %arg8[%get3A_352] {strides = array<i32>} : memref<20000xi32, #tpu.memory_space<vmem>>, vector<16xi32>,
    %swap3A_354 = arith.constant 0 : i32
    %swap3A_355 = arith.index_cast %swap3A_354 : i32 to index
    %swap3A_356 = arith.constant 16 : index
    %swap3A_357 = tpu.vector_load %arg25[%swap3A_355, %swap3A_356] {strides = array<i32>} : memref<1x80xi32, #tpu.memory_space<vmem>>, vector<16xi32>,
    tpu.vector_store %arg25[%swap3A_355, %swap3A_356], %get3A_353 {strides = array<i32>} : memref<1x80xi32, #tpu.memory_space<vmem>>, vector<16xi32>,
    %get3A_358 = arith.constant 352 : index
    %get3A_359 = tpu.vector_load %arg7[%get3A_358] {strides = array<i32>} : memref<20000xi32, #tpu.memory_space<vmem>>, vector<16xi32>,
    %mul3A_360 = arith.constant 2 : i32
    %mul3A_361 = vector.broadcast %mul3A_360 : i32 to vector<16xi32>
    %mul3A_362 = arith.muli %get3A_359, %mul3A_361 : vector<16xi32>
    %add3A_363 = vector.broadcast %arg0 : i32 to vector<16xi32>
    %add3A_364 = arith.addi %mul3A_362, %add3A_363 : vector<16xi32>
    %swap3A_365 = arith.constant 32 : index
    %swap3A_366 = tpu.vector_load %arg19[%swap3A_365] {strides = array<i32>} : memref<80xi32, #tpu.memory_space<vmem>>, vector<16xi32>,
    tpu.vector_store %arg19[%swap3A_365], %add3A_364 {strides = array<i32>} : memref<80xi32, #tpu.memory_space<vmem>>, vector<16xi32>,
    %get3A_367 = arith.constant 352 : index
    %get3A_368 = tpu.vector_load %arg8[%get3A_367] {strides = array<i32>} : memref<20000xi32, #tpu.memory_space<vmem>>, vector<16xi32>,
    %swap3A_369 = arith.constant 0 : i32
    %swap3A_370 = arith.index_cast %swap3A_369 : i32 to index
    %swap3A_371 = arith.constant 32 : index
    %swap3A_372 = tpu.vector_load %arg25[%swap3A_370, %swap3A_371] {strides = array<i32>} : memref<1x80xi32, #tpu.memory_space<vmem>>, vector<16xi32>,
    tpu.vector_store %arg25[%swap3A_370, %swap3A_371], %get3A_368 {strides = array<i32>} : memref<1x80xi32, #tpu.memory_space<vmem>>, vector<16xi32>,
    %get3A_373 = arith.constant 368 : index
    %get3A_374 = tpu.vector_load %arg7[%get3A_373] {strides = array<i32>} : memref<20000xi32, #tpu.memory_space<vmem>>, vector<16xi32>,
    %mul3A_375 = arith.constant 2 : i32
    %mul3A_376 = vector.broadcast %mul3A_375 : i32 to vector<16xi32>
    %mul3A_377 = arith.muli %get3A_374, %mul3A_376 : vector<16xi32>
    %add3A_378 = vector.broadcast %arg0 : i32 to vector<16xi32>
    %add3A_379 = arith.addi %mul3A_377, %add3A_378 : vector<16xi32>
    %swap3A_380 = arith.constant 48 : index
    %swap3A_381 = tpu.vector_load %arg19[%swap3A_380] {strides = array<i32>} : memref<80xi32, #tpu.memory_space<vmem>>, vector<16xi32>,
    tpu.vector_store %arg19[%swap3A_380], %add3A_379 {strides = array<i32>} : memref<80xi32, #tpu.memory_space<vmem>>, vector<16xi32>,
    %get3A_382 = arith.constant 368 : index
    %get3A_383 = tpu.vector_load %arg8[%get3A_382] {strides = array<i32>} : memref<20000xi32, #tpu.memory_space<vmem>>, vector<16xi32>,
    %swap3A_384 = arith.constant 0 : i32
    %swap3A_385 = arith.index_cast %swap3A_384 : i32 to index
    %swap3A_386 = arith.constant 48 : index
    %swap3A_387 = tpu.vector_load %arg25[%swap3A_385, %swap3A_386] {strides = array<i32>} : memref<1x80xi32, #tpu.memory_space<vmem>>, vector<16xi32>,
    tpu.vector_store %arg25[%swap3A_385, %swap3A_386], %get3A_383 {strides = array<i32>} : memref<1x80xi32, #tpu.memory_space<vmem>>, vector<16xi32>,
    %get3A_388 = arith.constant 384 : index
    %get3A_389 = tpu.vector_load %arg7[%get3A_388] {strides = array<i32>} : memref<20000xi32, #tpu.memory_space<vmem>>, vector<16xi32>,
    %mul3A_390 = arith.constant 2 : i32
    %mul3A_391 = vector.broadcast %mul3A_390 : i32 to vector<16xi32>
    %mul3A_392 = arith.muli %get3A_389, %mul3A_391 : vector<16xi32>
    %add3A_393 = vector.broadcast %arg0 : i32 to vector<16xi32>
    %add3A_394 = arith.addi %mul3A_392, %add3A_393 : vector<16xi32>
    %swap3A_395 = arith.constant 64 : index
    %swap3A_396 = tpu.vector_load %arg19[%swap3A_395] {strides = array<i32>} : memref<80xi32, #tpu.memory_space<vmem>>, vector<16xi32>,
    tpu.vector_store %arg19[%swap3A_395], %add3A_394 {strides = array<i32>} : memref<80xi32, #tpu.memory_space<vmem>>, vector<16xi32>,
    %get3A_397 = arith.constant 384 : index
    %get3A_398 = tpu.vector_load %arg8[%get3A_397] {strides = array<i32>} : memref<20000xi32, #tpu.memory_space<vmem>>, vector<16xi32>,
    %swap3A_399 = arith.constant 0 : i32
    %swap3A_400 = arith.index_cast %swap3A_399 : i32 to index
    %swap3A_401 = arith.constant 64 : index
    %swap3A_402 = tpu.vector_load %arg25[%swap3A_400, %swap3A_401] {strides = array<i32>} : memref<1x80xi32, #tpu.memory_space<vmem>>, vector<16xi32>,
    tpu.vector_store %arg25[%swap3A_400, %swap3A_401], %get3A_398 {strides = array<i32>} : memref<1x80xi32, #tpu.memory_space<vmem>>, vector<16xi32>,
    %dma_start3A_403 = arith.constant 0 : i32
    %dma_start3A_404 = arith.constant 0 : i32
    %dma_start3A_405 = tpu.memref_slice %arg2[%dma_start3A_403, %dma_start3A_404] : memref<20000x64xf32, #tpu.memory_space<hbm>> -> memref<20000x64xf32, #tpu.memory_space<hbm>>
    tpu.enqueue_indirect_dma source(%dma_start3A_405 : memref<20000x64xf32, #tpu.memory_space<hbm>>) target(%arg13 : memref<80x64xf32, #tpu.memory_space<vmem>>) offsets(%arg19 : memref<80xi32, #tpu.memory_space<vmem>>) semaphore(%arg32 : memref<!tpu.dma_semaphore, #tpu.memory_space<semaphore_mem>>)
    %get3A_406 = arith.constant 400 : index
    %get3A_407 = tpu.vector_load %arg7[%get3A_406] {strides = array<i32>} : memref<20000xi32, #tpu.memory_space<vmem>>, vector<16xi32>,
    %mul3A_408 = arith.constant 2 : i32
    %mul3A_409 = vector.broadcast %mul3A_408 : i32 to vector<16xi32>
    %mul3A_410 = arith.muli %get3A_407, %mul3A_409 : vector<16xi32>
    %add3A_411 = vector.broadcast %arg0 : i32 to vector<16xi32>
    %add3A_412 = arith.addi %mul3A_410, %add3A_411 : vector<16xi32>
    %swap3A_413 = arith.constant 0 : index
    %swap3A_414 = tpu.vector_load %arg20[%swap3A_413] {strides = array<i32>} : memref<80xi32, #tpu.memory_space<vmem>>, vector<16xi32>,
    tpu.vector_store %arg20[%swap3A_413], %add3A_412 {strides = array<i32>} : memref<80xi32, #tpu.memory_space<vmem>>, vector<16xi32>,
    %get3A_415 = arith.constant 400 : index
    %get3A_416 = tpu.vector_load %arg8[%get3A_415] {strides = array<i32>} : memref<20000xi32, #tpu.memory_space<vmem>>, vector<16xi32>,
    %swap3A_417 = arith.constant 0 : i32
    %swap3A_418 = arith.index_cast %swap3A_417 : i32 to index
    %swap3A_419 = arith.constant 0 : index
    %swap3A_420 = tpu.vector_load %arg26[%swap3A_418, %swap3A_419] {strides = array<i32>} : memref<1x80xi32, #tpu.memory_space<vmem>>, vector<16xi32>,
    tpu.vector_store %arg26[%swap3A_418, %swap3A_419], %get3A_416 {strides = array<i32>} : memref<1x80xi32, #tpu.memory_space<vmem>>, vector<16xi32>,
    %get3A_421 = arith.constant 416 : index
    %get3A_422 = tpu.vector_load %arg7[%get3A_421] {strides = array<i32>} : memref<20000xi32, #tpu.memory_space<vmem>>, vector<16xi32>,
    %mul3A_423 = arith.constant 2 : i32
    %mul3A_424 = vector.broadcast %mul3A_423 : i32 to vector<16xi32>
    %mul3A_425 = arith.muli %get3A_422, %mul3A_424 : vector<16xi32>
    %add3A_426 = vector.broadcast %arg0 : i32 to vector<16xi32>
    %add3A_427 = arith.addi %mul3A_425, %add3A_426 : vector<16xi32>
    %swap3A_428 = arith.constant 16 : index
    %swap3A_429 = tpu.vector_load %arg20[%swap3A_428] {strides = array<i32>} : memref<80xi32, #tpu.memory_space<vmem>>, vector<16xi32>,
    tpu.vector_store %arg20[%swap3A_428], %add3A_427 {strides = array<i32>} : memref<80xi32, #tpu.memory_space<vmem>>, vector<16xi32>,
    %get3A_430 = arith.constant 416 : index
    %get3A_431 = tpu.vector_load %arg8[%get3A_430] {strides = array<i32>} : memref<20000xi32, #tpu.memory_space<vmem>>, vector<16xi32>,
    %swap3A_432 = arith.constant 0 : i32
    %swap3A_433 = arith.index_cast %swap3A_432 : i32 to index
    %swap3A_434 = arith.constant 16 : index
    %swap3A_435 = tpu.vector_load %arg26[%swap3A_433, %swap3A_434] {strides = array<i32>} : memref<1x80xi32, #tpu.memory_space<vmem>>, vector<16xi32>,
    tpu.vector_store %arg26[%swap3A_433, %swap3A_434], %get3A_431 {strides = array<i32>} : memref<1x80xi32, #tpu.memory_space<vmem>>, vector<16xi32>,
    %get3A_436 = arith.constant 432 : index
    %get3A_437 = tpu.vector_load %arg7[%get3A_436] {strides = array<i32>} : memref<20000xi32, #tpu.memory_space<vmem>>, vector<16xi32>,
    %mul3A_438 = arith.constant 2 : i32
    %mul3A_439 = vector.broadcast %mul3A_438 : i32 to vector<16xi32>
    %mul3A_440 = arith.muli %get3A_437, %mul3A_439 : vector<16xi32>
    %add3A_441 = vector.broadcast %arg0 : i32 to vector<16xi32>
    %add3A_442 = arith.addi %mul3A_440, %add3A_441 : vector<16xi32>
    %swap3A_443 = arith.constant 32 : index
    %swap3A_444 = tpu.vector_load %arg20[%swap3A_443] {strides = array<i32>} : memref<80xi32, #tpu.memory_space<vmem>>, vector<16xi32>,
    tpu.vector_store %arg20[%swap3A_443], %add3A_442 {strides = array<i32>} : memref<80xi32, #tpu.memory_space<vmem>>, vector<16xi32>,
    %get3A_445 = arith.constant 432 : index
    %get3A_446 = tpu.vector_load %arg8[%get3A_445] {strides = array<i32>} : memref<20000xi32, #tpu.memory_space<vmem>>, vector<16xi32>,
    %swap3A_447 = arith.constant 0 : i32
    %swap3A_448 = arith.index_cast %swap3A_447 : i32 to index
    %swap3A_449 = arith.constant 32 : index
    %swap3A_450 = tpu.vector_load %arg26[%swap3A_448, %swap3A_449] {strides = array<i32>} : memref<1x80xi32, #tpu.memory_space<vmem>>, vector<16xi32>,
    tpu.vector_store %arg26[%swap3A_448, %swap3A_449], %get3A_446 {strides = array<i32>} : memref<1x80xi32, #tpu.memory_space<vmem>>, vector<16xi32>,
    %get3A_451 = arith.constant 448 : index
    %get3A_452 = tpu.vector_load %arg7[%get3A_451] {strides = array<i32>} : memref<20000xi32, #tpu.memory_space<vmem>>, vector<16xi32>,
    %mul3A_453 = arith.constant 2 : i32
    %mul3A_454 = vector.broadcast %mul3A_453 : i32 to vector<16xi32>
    %mul3A_455 = arith.muli %get3A_452, %mul3A_454 : vector<16xi32>
    %add3A_456 = vector.broadcast %arg0 : i32 to vector<16xi32>
    %add3A_457 = arith.addi %mul3A_455, %add3A_456 : vector<16xi32>
    %swap3A_458 = arith.constant 48 : index
    %swap3A_459 = tpu.vector_load %arg20[%swap3A_458] {strides = array<i32>} : memref<80xi32, #tpu.memory_space<vmem>>, vector<16xi32>,
    tpu.vector_store %arg20[%swap3A_458], %add3A_457 {strides = array<i32>} : memref<80xi32, #tpu.memory_space<vmem>>, vector<16xi32>,
    %get3A_460 = arith.constant 448 : index
    %get3A_461 = tpu.vector_load %arg8[%get3A_460] {strides = array<i32>} : memref<20000xi32, #tpu.memory_space<vmem>>, vector<16xi32>,
    %swap3A_462 = arith.constant 0 : i32
    %swap3A_463 = arith.index_cast %swap3A_462 : i32 to index
    %swap3A_464 = arith.constant 48 : index
    %swap3A_465 = tpu.vector_load %arg26[%swap3A_463, %swap3A_464] {strides = array<i32>} : memref<1x80xi32, #tpu.memory_space<vmem>>, vector<16xi32>,
    tpu.vector_store %arg26[%swap3A_463, %swap3A_464], %get3A_461 {strides = array<i32>} : memref<1x80xi32, #tpu.memory_space<vmem>>, vector<16xi32>,
    %get3A_466 = arith.constant 464 : index
    %get3A_467 = tpu.vector_load %arg7[%get3A_466] {strides = array<i32>} : memref<20000xi32, #tpu.memory_space<vmem>>, vector<16xi32>,
    %mul3A_468 = arith.constant 2 : i32
    %mul3A_469 = vector.broadcast %mul3A_468 : i32 to vector<16xi32>
    %mul3A_470 = arith.muli %get3A_467, %mul3A_469 : vector<16xi32>
    %add3A_471 = vector.broadcast %arg0 : i32 to vector<16xi32>
    %add3A_472 = arith.addi %mul3A_470, %add3A_471 : vector<16xi32>
    %swap3A_473 = arith.constant 64 : index
    %swap3A_474 = tpu.vector_load %arg20[%swap3A_473] {strides = array<i32>} : memref<80xi32, #tpu.memory_space<vmem>>, vector<16xi32>,
    tpu.vector_store %arg20[%swap3A_473], %add3A_472 {strides = array<i32>} : memref<80xi32, #tpu.memory_space<vmem>>, vector<16xi32>,
    %get3A_475 = arith.constant 464 : index
    %get3A_476 = tpu.vector_load %arg8[%get3A_475] {strides = array<i32>} : memref<20000xi32, #tpu.memory_space<vmem>>, vector<16xi32>,
    %swap3A_477 = arith.constant 0 : i32
    %swap3A_478 = arith.index_cast %swap3A_477 : i32 to index
    %swap3A_479 = arith.constant 64 : index
    %swap3A_480 = tpu.vector_load %arg26[%swap3A_478, %swap3A_479] {strides = array<i32>} : memref<1x80xi32, #tpu.memory_space<vmem>>, vector<16xi32>,
    tpu.vector_store %arg26[%swap3A_478, %swap3A_479], %get3A_476 {strides = array<i32>} : memref<1x80xi32, #tpu.memory_space<vmem>>, vector<16xi32>,
    %dma_start3A_481 = arith.constant 0 : i32
    %dma_start3A_482 = arith.constant 0 : i32
    %dma_start3A_483 = tpu.memref_slice %arg2[%dma_start3A_481, %dma_start3A_482] : memref<20000x64xf32, #tpu.memory_space<hbm>> -> memref<20000x64xf32, #tpu.memory_space<hbm>>
    tpu.enqueue_indirect_dma source(%dma_start3A_483 : memref<20000x64xf32, #tpu.memory_space<hbm>>) target(%arg14 : memref<80x64xf32, #tpu.memory_space<vmem>>) offsets(%arg20 : memref<80xi32, #tpu.memory_space<vmem>>) semaphore(%arg33 : memref<!tpu.dma_semaphore, #tpu.memory_space<semaphore_mem>>)
    %scan3A_484 = arith.constant 0 : i32
    %scan3A_485 = arith.constant 41 : i32
    %scan3A_486 = arith.addi %scan3A_484, %scan3A_485 : i32
    %scan3A_487 = arith.constant 1 : i32
    scf.for %scan3A_555 = %scan3A_484 to %scan3A_486 step %scan3A_487  : i32 {
      %mul3A_556 = arith.constant 6 : i32
      %mul3A_557 = arith.muli %scan3A_555, %mul3A_556 : i32
      %add3A_558 = arith.constant 0 : i32
      %add3A_559 = arith.addi %mul3A_557, %add3A_558 : i32
      %dma_wait3A_560 = arith.constant 0 : i32
      %dma_wait3A_561 = arith.constant 0 : i32
      %dma_wait3A_562 = tpu.memref_slice %arg2[%dma_wait3A_560, %dma_wait3A_561] : memref<20000x64xf32, #tpu.memory_space<hbm>> -> memref<20000x64xf32, #tpu.memory_space<hbm>>
      tpu.wait_indirect_dma semaphore(%arg28 : memref<!tpu.dma_semaphore, #tpu.memory_space<semaphore_mem>>) src(%dma_wait3A_562 : memref<20000x64xf32, #tpu.memory_space<hbm>>) dst(%arg9 : memref<80x64xf32, #tpu.memory_space<vmem>>)
      %run_scoped3A_563 = arith.constant 0 : i32
      "tpu.region"() ({
        %run_scoped3A_816 = tpu.sem_alloc : memref<!tpu.dma_semaphore, #tpu.memory_space<semaphore_mem>>
        %dma_start3A_817 = arith.constant 0 : i32
        %dma_start3A_818 = tpu.memref_slice %arg21[%run_scoped3A_563, %dma_start3A_817] : memref<1x80xi32, #tpu.memory_space<vmem>> -> memref<1x80xi32, #tpu.memory_space<vmem>>
        %dma_start3A_819 = tpu.memref_squeeze %dma_start3A_818 : memref<1x80xi32, #tpu.memory_space<vmem>> -> memref<80xi32, #tpu.memory_space<vmem>>
        %dma_start3A_820 = arith.constant 0 : i32
        %dma_start3A_821 = arith.constant 0 : i32
        %dma_start3A_822 = tpu.memref_slice %arg27[%dma_start3A_820, %dma_start3A_821] : memref<10000x64xf32, #tpu.memory_space<vmem_shared>> -> memref<10000x64xf32, #tpu.memory_space<vmem_shared>>
        tpu.enqueue_indirect_dma source(%arg9 : memref<80x64xf32, #tpu.memory_space<vmem>>) target(%dma_start3A_822 : memref<10000x64xf32, #tpu.memory_space<vmem_shared>>) offsets(%dma_start3A_819 : memref<80xi32, #tpu.memory_space<vmem>>) semaphore(%run_scoped3A_816 : memref<!tpu.dma_semaphore, #tpu.memory_space<semaphore_mem>>) {add = true}
        %dma_wait3A_823 = arith.constant 0 : i32
        %dma_wait3A_824 = tpu.memref_slice %arg21[%run_scoped3A_563, %dma_wait3A_823] : memref<1x80xi32, #tpu.memory_space<vmem>> -> memref<1x80xi32, #tpu.memory_space<vmem>>
        %dma_wait3A_825 = tpu.memref_squeeze %dma_wait3A_824 : memref<1x80xi32, #tpu.memory_space<vmem>> -> memref<80xi32, #tpu.memory_space<vmem>>
        %dma_wait3A_826 = arith.constant 0 : i32
        %dma_wait3A_827 = arith.constant 0 : i32
        %dma_wait3A_828 = tpu.memref_slice %arg27[%dma_wait3A_826, %dma_wait3A_827] : memref<10000x64xf32, #tpu.memory_space<vmem_shared>> -> memref<10000x64xf32, #tpu.memory_space<vmem_shared>>
        tpu.wait_indirect_dma semaphore(%run_scoped3A_816 : memref<!tpu.dma_semaphore, #tpu.memory_space<semaphore_mem>>) src(%arg9 : memref<80x64xf32, #tpu.memory_space<vmem>>) dst(%dma_wait3A_828 : memref<10000x64xf32, #tpu.memory_space<vmem_shared>>)
        tpu.yield
      }) : () -> ()
      %mul3A_564 = arith.constant 80 : i32
      %mul3A_565 = arith.muli %add3A_559, %mul3A_564 : i32
      %add3A_566 = arith.constant 0 : i32
      %add3A_567 = arith.addi %mul3A_565, %add3A_566 : i32
      %get3A_568 = arith.index_cast %add3A_567 : i32 to index
      %get3A_569 = tpu.vector_load %arg8[%get3A_568] {strides = array<i32>} : memref<20000xi32, #tpu.memory_space<vmem>>, vector<16xi32>,
      tpu.vector_store_idx %arg34[%get3A_569], %broadcast_in_dim3A_18 {add = true} : memref<10000xf32, #tpu.memory_space<vmem>>[vector<16xi32>], vector<16xf32>,
      %mul3A_570 = arith.constant 80 : i32
      %mul3A_571 = arith.muli %add3A_559, %mul3A_570 : i32
      %add3A_572 = arith.constant 16 : i32
      %add3A_573 = arith.addi %mul3A_571, %add3A_572 : i32
      %get3A_574 = arith.index_cast %add3A_573 : i32 to index
      %get3A_575 = tpu.vector_load %arg8[%get3A_574] {strides = array<i32>} : memref<20000xi32, #tpu.memory_space<vmem>>, vector<16xi32>,
      tpu.vector_store_idx %arg34[%get3A_575], %broadcast_in_dim3A_18 {add = true} : memref<10000xf32, #tpu.memory_space<vmem>>[vector<16xi32>], vector<16xf32>,
      %mul3A_576 = arith.constant 80 : i32
      %mul3A_577 = arith.muli %add3A_559, %mul3A_576 : i32
      %add3A_578 = arith.constant 32 : i32
      %add3A_579 = arith.addi %mul3A_577, %add3A_578 : i32
      %get3A_580 = arith.index_cast %add3A_579 : i32 to index
      %get3A_581 = tpu.vector_load %arg8[%get3A_580] {strides = array<i32>} : memref<20000xi32, #tpu.memory_space<vmem>>, vector<16xi32>,
      tpu.vector_store_idx %arg34[%get3A_581], %broadcast_in_dim3A_18 {add = true} : memref<10000xf32, #tpu.memory_space<vmem>>[vector<16xi32>], vector<16xf32>,
      %mul3A_582 = arith.constant 80 : i32
      %mul3A_583 = arith.muli %add3A_559, %mul3A_582 : i32
      %add3A_584 = arith.constant 48 : i32
      %add3A_585 = arith.addi %mul3A_583, %add3A_584 : i32
      %get3A_586 = arith.index_cast %add3A_585 : i32 to index
      %get3A_587 = tpu.vector_load %arg8[%get3A_586] {strides = array<i32>} : memref<20000xi32, #tpu.memory_space<vmem>>, vector<16xi32>,
      tpu.vector_store_idx %arg34[%get3A_587], %broadcast_in_dim3A_18 {add = true} : memref<10000xf32, #tpu.memory_space<vmem>>[vector<16xi32>], vector<16xf32>,
      %mul3A_588 = arith.constant 80 : i32
      %mul3A_589 = arith.muli %add3A_559, %mul3A_588 : i32
      %add3A_590 = arith.constant 64 : i32
      %add3A_591 = arith.addi %mul3A_589, %add3A_590 : i32
      %get3A_592 = arith.index_cast %add3A_591 : i32 to index
      %get3A_593 = tpu.vector_load %arg8[%get3A_592] {strides = array<i32>} : memref<20000xi32, #tpu.memory_space<vmem>>, vector<16xi32>,
      tpu.vector_store_idx %arg34[%get3A_593], %broadcast_in_dim3A_18 {add = true} : memref<10000xf32, #tpu.memory_space<vmem>>[vector<16xi32>], vector<16xf32>,
      %add3A_594 = arith.constant 6 : i32
      %add3A_595 = arith.addi %add3A_559, %add3A_594 : i32
      %lt3A_596 = arith.constant 250 : i32
      %lt3A_597 = arith.cmpi slt, %add3A_595, %lt3A_596 : i32
      %convert_element_type3A_598 = arith.extui %lt3A_597 : i1 to i32
      %cond3A_599 = arith.constant 0 : i32
      %cond3A_600 = arith.cmpi ne, %convert_element_type3A_598, %cond3A_599 : i32
      scf.if %cond3A_600 {
        %add3A_816 = arith.constant 6 : i32
        %add3A_817 = arith.addi %add3A_559, %add3A_816 : i32
        %mul3A_818 = arith.constant 80 : i32
        %mul3A_819 = arith.muli %add3A_817, %mul3A_818 : i32
        %add3A_820 = arith.constant 0 : i32
        %add3A_821 = arith.addi %mul3A_819, %add3A_820 : i32
        %get3A_822 = arith.index_cast %add3A_821 : i32 to index
        %get3A_823 = tpu.vector_load %arg7[%get3A_822] {strides = array<i32>} : memref<20000xi32, #tpu.memory_space<vmem>>, vector<16xi32>,
        %mul3A_824 = arith.constant 2 : i32
        %mul3A_825 = vector.broadcast %mul3A_824 : i32 to vector<16xi32>
        %mul3A_826 = arith.muli %get3A_823, %mul3A_825 : vector<16xi32>
        %add3A_827 = vector.broadcast %arg0 : i32 to vector<16xi32>
        %add3A_828 = arith.addi %mul3A_826, %add3A_827 : vector<16xi32>
        %swap3A_829 = arith.constant 0 : index
        %swap3A_830 = tpu.vector_load %arg15[%swap3A_829] {strides = array<i32>} : memref<80xi32, #tpu.memory_space<vmem>>, vector<16xi32>,
        tpu.vector_store %arg15[%swap3A_829], %add3A_828 {strides = array<i32>} : memref<80xi32, #tpu.memory_space<vmem>>, vector<16xi32>,
        %mul3A_831 = arith.constant 80 : i32
        %mul3A_832 = arith.muli %add3A_817, %mul3A_831 : i32
        %add3A_833 = arith.constant 0 : i32
        %add3A_834 = arith.addi %mul3A_832, %add3A_833 : i32
        %get3A_835 = arith.index_cast %add3A_834 : i32 to index
        %get3A_836 = tpu.vector_load %arg8[%get3A_835] {strides = array<i32>} : memref<20000xi32, #tpu.memory_space<vmem>>, vector<16xi32>,
        %swap3A_837 = arith.constant 0 : i32
        %swap3A_838 = arith.index_cast %swap3A_837 : i32 to index
        %swap3A_839 = arith.constant 0 : index
        %swap3A_840 = tpu.vector_load %arg21[%swap3A_838, %swap3A_839] {strides = array<i32>} : memref<1x80xi32, #tpu.memory_space<vmem>>, vector<16xi32>,
        tpu.vector_store %arg21[%swap3A_838, %swap3A_839], %get3A_836 {strides = array<i32>} : memref<1x80xi32, #tpu.memory_space<vmem>>, vector<16xi32>,
        %mul3A_841 = arith.constant 80 : i32
        %mul3A_842 = arith.muli %add3A_817, %mul3A_841 : i32
        %add3A_843 = arith.constant 16 : i32
        %add3A_844 = arith.addi %mul3A_842, %add3A_843 : i32
        %get3A_845 = arith.index_cast %add3A_844 : i32 to index
        %get3A_846 = tpu.vector_load %arg7[%get3A_845] {strides = array<i32>} : memref<20000xi32, #tpu.memory_space<vmem>>, vector<16xi32>,
        %mul3A_847 = arith.constant 2 : i32
        %mul3A_848 = vector.broadcast %mul3A_847 : i32 to vector<16xi32>
        %mul3A_849 = arith.muli %get3A_846, %mul3A_848 : vector<16xi32>
        %add3A_850 = vector.broadcast %arg0 : i32 to vector<16xi32>
        %add3A_851 = arith.addi %mul3A_849, %add3A_850 : vector<16xi32>
        %swap3A_852 = arith.constant 16 : index
        %swap3A_853 = tpu.vector_load %arg15[%swap3A_852] {strides = array<i32>} : memref<80xi32, #tpu.memory_space<vmem>>, vector<16xi32>,
        tpu.vector_store %arg15[%swap3A_852], %add3A_851 {strides = array<i32>} : memref<80xi32, #tpu.memory_space<vmem>>, vector<16xi32>,
        %mul3A_854 = arith.constant 80 : i32
        %mul3A_855 = arith.muli %add3A_817, %mul3A_854 : i32
        %add3A_856 = arith.constant 16 : i32
        %add3A_857 = arith.addi %mul3A_855, %add3A_856 : i32
        %get3A_858 = arith.index_cast %add3A_857 : i32 to index
        %get3A_859 = tpu.vector_load %arg8[%get3A_858] {strides = array<i32>} : memref<20000xi32, #tpu.memory_space<vmem>>, vector<16xi32>,
        %swap3A_860 = arith.constant 0 : i32
        %swap3A_861 = arith.index_cast %swap3A_860 : i32 to index
        %swap3A_862 = arith.constant 16 : index
        %swap3A_863 = tpu.vector_load %arg21[%swap3A_861, %swap3A_862] {strides = array<i32>} : memref<1x80xi32, #tpu.memory_space<vmem>>, vector<16xi32>,
        tpu.vector_store %arg21[%swap3A_861, %swap3A_862], %get3A_859 {strides = array<i32>} : memref<1x80xi32, #tpu.memory_space<vmem>>, vector<16xi32>,
        %mul3A_864 = arith.constant 80 : i32
        %mul3A_865 = arith.muli %add3A_817, %mul3A_864 : i32
        %add3A_866 = arith.constant 32 : i32
        %add3A_867 = arith.addi %mul3A_865, %add3A_866 : i32
        %get3A_868 = arith.index_cast %add3A_867 : i32 to index
        %get3A_869 = tpu.vector_load %arg7[%get3A_868] {strides = array<i32>} : memref<20000xi32, #tpu.memory_space<vmem>>, vector<16xi32>,
        %mul3A_870 = arith.constant 2 : i32
        %mul3A_871 = vector.broadcast %mul3A_870 : i32 to vector<16xi32>
        %mul3A_872 = arith.muli %get3A_869, %mul3A_871 : vector<16xi32>
        %add3A_873 = vector.broadcast %arg0 : i32 to vector<16xi32>
        %add3A_874 = arith.addi %mul3A_872, %add3A_873 : vector<16xi32>
        %swap3A_875 = arith.constant 32 : index
        %swap3A_876 = tpu.vector_load %arg15[%swap3A_875] {strides = array<i32>} : memref<80xi32, #tpu.memory_space<vmem>>, vector<16xi32>,
        tpu.vector_store %arg15[%swap3A_875], %add3A_874 {strides = array<i32>} : memref<80xi32, #tpu.memory_space<vmem>>, vector<16xi32>,
        %mul3A_877 = arith.constant 80 : i32
        %mul3A_878 = arith.muli %add3A_817, %mul3A_877 : i32
        %add3A_879 = arith.constant 32 : i32
        %add3A_880 = arith.addi %mul3A_878, %add3A_879 : i32
        %get3A_881 = arith.index_cast %add3A_880 : i32 to index
        %get3A_882 = tpu.vector_load %arg8[%get3A_881] {strides = array<i32>} : memref<20000xi32, #tpu.memory_space<vmem>>, vector<16xi32>,
        %swap3A_883 = arith.constant 0 : i32
        %swap3A_884 = arith.index_cast %swap3A_883 : i32 to index
        %swap3A_885 = arith.constant 32 : index
        %swap3A_886 = tpu.vector_load %arg21[%swap3A_884, %swap3A_885] {strides = array<i32>} : memref<1x80xi32, #tpu.memory_space<vmem>>, vector<16xi32>,
        tpu.vector_store %arg21[%swap3A_884, %swap3A_885], %get3A_882 {strides = array<i32>} : memref<1x80xi32, #tpu.memory_space<vmem>>, vector<16xi32>,
        %mul3A_887 = arith.constant 80 : i32
        %mul3A_888 = arith.muli %add3A_817, %mul3A_887 : i32
        %add3A_889 = arith.constant 48 : i32
        %add3A_890 = arith.addi %mul3A_888, %add3A_889 : i32
        %get3A_891 = arith.index_cast %add3A_890 : i32 to index
        %get3A_892 = tpu.vector_load %arg7[%get3A_891] {strides = array<i32>} : memref<20000xi32, #tpu.memory_space<vmem>>, vector<16xi32>,
        %mul3A_893 = arith.constant 2 : i32
        %mul3A_894 = vector.broadcast %mul3A_893 : i32 to vector<16xi32>
        %mul3A_895 = arith.muli %get3A_892, %mul3A_894 : vector<16xi32>
        %add3A_896 = vector.broadcast %arg0 : i32 to vector<16xi32>
        %add3A_897 = arith.addi %mul3A_895, %add3A_896 : vector<16xi32>
        %swap3A_898 = arith.constant 48 : index
        %swap3A_899 = tpu.vector_load %arg15[%swap3A_898] {strides = array<i32>} : memref<80xi32, #tpu.memory_space<vmem>>, vector<16xi32>,
        tpu.vector_store %arg15[%swap3A_898], %add3A_897 {strides = array<i32>} : memref<80xi32, #tpu.memory_space<vmem>>, vector<16xi32>,
        %mul3A_900 = arith.constant 80 : i32
        %mul3A_901 = arith.muli %add3A_817, %mul3A_900 : i32
        %add3A_902 = arith.constant 48 : i32
        %add3A_903 = arith.addi %mul3A_901, %add3A_902 : i32
        %get3A_904 = arith.index_cast %add3A_903 : i32 to index
        %get3A_905 = tpu.vector_load %arg8[%get3A_904] {strides = array<i32>} : memref<20000xi32, #tpu.memory_space<vmem>>, vector<16xi32>,
        %swap3A_906 = arith.constant 0 : i32
        %swap3A_907 = arith.index_cast %swap3A_906 : i32 to index
        %swap3A_908 = arith.constant 48 : index
        %swap3A_909 = tpu.vector_load %arg21[%swap3A_907, %swap3A_908] {strides = array<i32>} : memref<1x80xi32, #tpu.memory_space<vmem>>, vector<16xi32>,
        tpu.vector_store %arg21[%swap3A_907, %swap3A_908], %get3A_905 {strides = array<i32>} : memref<1x80xi32, #tpu.memory_space<vmem>>, vector<16xi32>,
        %mul3A_910 = arith.constant 80 : i32
        %mul3A_911 = arith.muli %add3A_817, %mul3A_910 : i32
        %add3A_912 = arith.constant 64 : i32
        %add3A_913 = arith.addi %mul3A_911, %add3A_912 : i32
        %get3A_914 = arith.index_cast %add3A_913 : i32 to index
        %get3A_915 = tpu.vector_load %arg7[%get3A_914] {strides = array<i32>} : memref<20000xi32, #tpu.memory_space<vmem>>, vector<16xi32>,
        %mul3A_916 = arith.constant 2 : i32
        %mul3A_917 = vector.broadcast %mul3A_916 : i32 to vector<16xi32>
        %mul3A_918 = arith.muli %get3A_915, %mul3A_917 : vector<16xi32>
        %add3A_919 = vector.broadcast %arg0 : i32 to vector<16xi32>
        %add3A_920 = arith.addi %mul3A_918, %add3A_919 : vector<16xi32>
        %swap3A_921 = arith.constant 64 : index
        %swap3A_922 = tpu.vector_load %arg15[%swap3A_921] {strides = array<i32>} : memref<80xi32, #tpu.memory_space<vmem>>, vector<16xi32>,
        tpu.vector_store %arg15[%swap3A_921], %add3A_920 {strides = array<i32>} : memref<80xi32, #tpu.memory_space<vmem>>, vector<16xi32>,
        %mul3A_923 = arith.constant 80 : i32
        %mul3A_924 = arith.muli %add3A_817, %mul3A_923 : i32
        %add3A_925 = arith.constant 64 : i32
        %add3A_926 = arith.addi %mul3A_924, %add3A_925 : i32
        %get3A_927 = arith.index_cast %add3A_926 : i32 to index
        %get3A_928 = tpu.vector_load %arg8[%get3A_927] {strides = array<i32>} : memref<20000xi32, #tpu.memory_space<vmem>>, vector<16xi32>,
        %swap3A_929 = arith.constant 0 : i32
        %swap3A_930 = arith.index_cast %swap3A_929 : i32 to index
        %swap3A_931 = arith.constant 64 : index
        %swap3A_932 = tpu.vector_load %arg21[%swap3A_930, %swap3A_931] {strides = array<i32>} : memref<1x80xi32, #tpu.memory_space<vmem>>, vector<16xi32>,
        tpu.vector_store %arg21[%swap3A_930, %swap3A_931], %get3A_928 {strides = array<i32>} : memref<1x80xi32, #tpu.memory_space<vmem>>, vector<16xi32>,
        %dma_start3A_933 = arith.constant 0 : i32
        %dma_start3A_934 = arith.constant 0 : i32
        %dma_start3A_935 = tpu.memref_slice %arg2[%dma_start3A_933, %dma_start3A_934] : memref<20000x64xf32, #tpu.memory_space<hbm>> -> memref<20000x64xf32, #tpu.memory_space<hbm>>
        tpu.enqueue_indirect_dma source(%dma_start3A_935 : memref<20000x64xf32, #tpu.memory_space<hbm>>) target(%arg9 : memref<80x64xf32, #tpu.memory_space<vmem>>) offsets(%arg15 : memref<80xi32, #tpu.memory_space<vmem>>) semaphore(%arg28 : memref<!tpu.dma_semaphore, #tpu.memory_space<semaphore_mem>>)
      } else {
      }
      %add3A_601 = arith.constant 1 : i32
      %add3A_602 = arith.addi %mul3A_557, %add3A_601 : i32
      %dma_wait3A_603 = arith.constant 0 : i32
      %dma_wait3A_604 = arith.constant 0 : i32
      %dma_wait3A_605 = tpu.memref_slice %arg2[%dma_wait3A_603, %dma_wait3A_604] : memref<20000x64xf32, #tpu.memory_space<hbm>> -> memref<20000x64xf32, #tpu.memory_space<hbm>>
      tpu.wait_indirect_dma semaphore(%arg29 : memref<!tpu.dma_semaphore, #tpu.memory_space<semaphore_mem>>) src(%dma_wait3A_605 : memref<20000x64xf32, #tpu.memory_space<hbm>>) dst(%arg10 : memref<80x64xf32, #tpu.memory_space<vmem>>)
      %run_scoped3A_606 = arith.constant 0 : i32
      "tpu.region"() ({
        %run_scoped3A_816 = tpu.sem_alloc : memref<!tpu.dma_semaphore, #tpu.memory_space<semaphore_mem>>
        %dma_start3A_817 = arith.constant 0 : i32
        %dma_start3A_818 = tpu.memref_slice %arg22[%run_scoped3A_606, %dma_start3A_817] : memref<1x80xi32, #tpu.memory_space<vmem>> -> memref<1x80xi32, #tpu.memory_space<vmem>>
        %dma_start3A_819 = tpu.memref_squeeze %dma_start3A_818 : memref<1x80xi32, #tpu.memory_space<vmem>> -> memref<80xi32, #tpu.memory_space<vmem>>
        %dma_start3A_820 = arith.constant 0 : i32
        %dma_start3A_821 = arith.constant 0 : i32
        %dma_start3A_822 = tpu.memref_slice %arg27[%dma_start3A_820, %dma_start3A_821] : memref<10000x64xf32, #tpu.memory_space<vmem_shared>> -> memref<10000x64xf32, #tpu.memory_space<vmem_shared>>
        tpu.enqueue_indirect_dma source(%arg10 : memref<80x64xf32, #tpu.memory_space<vmem>>) target(%dma_start3A_822 : memref<10000x64xf32, #tpu.memory_space<vmem_shared>>) offsets(%dma_start3A_819 : memref<80xi32, #tpu.memory_space<vmem>>) semaphore(%run_scoped3A_816 : memref<!tpu.dma_semaphore, #tpu.memory_space<semaphore_mem>>) {add = true}
        %dma_wait3A_823 = arith.constant 0 : i32
        %dma_wait3A_824 = tpu.memref_slice %arg22[%run_scoped3A_606, %dma_wait3A_823] : memref<1x80xi32, #tpu.memory_space<vmem>> -> memref<1x80xi32, #tpu.memory_space<vmem>>
        %dma_wait3A_825 = tpu.memref_squeeze %dma_wait3A_824 : memref<1x80xi32, #tpu.memory_space<vmem>> -> memref<80xi32, #tpu.memory_space<vmem>>
        %dma_wait3A_826 = arith.constant 0 : i32
        %dma_wait3A_827 = arith.constant 0 : i32
        %dma_wait3A_828 = tpu.memref_slice %arg27[%dma_wait3A_826, %dma_wait3A_827] : memref<10000x64xf32, #tpu.memory_space<vmem_shared>> -> memref<10000x64xf32, #tpu.memory_space<vmem_shared>>
        tpu.wait_indirect_dma semaphore(%run_scoped3A_816 : memref<!tpu.dma_semaphore, #tpu.memory_space<semaphore_mem>>) src(%arg10 : memref<80x64xf32, #tpu.memory_space<vmem>>) dst(%dma_wait3A_828 : memref<10000x64xf32, #tpu.memory_space<vmem_shared>>)
        tpu.yield
      }) : () -> ()
      %mul3A_607 = arith.constant 80 : i32
      %mul3A_608 = arith.muli %add3A_602, %mul3A_607 : i32
      %add3A_609 = arith.constant 0 : i32
      %add3A_610 = arith.addi %mul3A_608, %add3A_609 : i32
      %get3A_611 = arith.index_cast %add3A_610 : i32 to index
      %get3A_612 = tpu.vector_load %arg8[%get3A_611] {strides = array<i32>} : memref<20000xi32, #tpu.memory_space<vmem>>, vector<16xi32>,
      tpu.vector_store_idx %arg34[%get3A_612], %broadcast_in_dim3A_18 {add = true} : memref<10000xf32, #tpu.memory_space<vmem>>[vector<16xi32>], vector<16xf32>,
      %mul3A_613 = arith.constant 80 : i32
      %mul3A_614 = arith.muli %add3A_602, %mul3A_613 : i32
      %add3A_615 = arith.constant 16 : i32
      %add3A_616 = arith.addi %mul3A_614, %add3A_615 : i32
      %get3A_617 = arith.index_cast %add3A_616 : i32 to index
      %get3A_618 = tpu.vector_load %arg8[%get3A_617] {strides = array<i32>} : memref<20000xi32, #tpu.memory_space<vmem>>, vector<16xi32>,
      tpu.vector_store_idx %arg34[%get3A_618], %broadcast_in_dim3A_18 {add = true} : memref<10000xf32, #tpu.memory_space<vmem>>[vector<16xi32>], vector<16xf32>,
      %mul3A_619 = arith.constant 80 : i32
      %mul3A_620 = arith.muli %add3A_602, %mul3A_619 : i32
      %add3A_621 = arith.constant 32 : i32
      %add3A_622 = arith.addi %mul3A_620, %add3A_621 : i32
      %get3A_623 = arith.index_cast %add3A_622 : i32 to index
      %get3A_624 = tpu.vector_load %arg8[%get3A_623] {strides = array<i32>} : memref<20000xi32, #tpu.memory_space<vmem>>, vector<16xi32>,
      tpu.vector_store_idx %arg34[%get3A_624], %broadcast_in_dim3A_18 {add = true} : memref<10000xf32, #tpu.memory_space<vmem>>[vector<16xi32>], vector<16xf32>,
      %mul3A_625 = arith.constant 80 : i32
      %mul3A_626 = arith.muli %add3A_602, %mul3A_625 : i32
      %add3A_627 = arith.constant 48 : i32
      %add3A_628 = arith.addi %mul3A_626, %add3A_627 : i32
      %get3A_629 = arith.index_cast %add3A_628 : i32 to index
      %get3A_630 = tpu.vector_load %arg8[%get3A_629] {strides = array<i32>} : memref<20000xi32, #tpu.memory_space<vmem>>, vector<16xi32>,
      tpu.vector_store_idx %arg34[%get3A_630], %broadcast_in_dim3A_18 {add = true} : memref<10000xf32, #tpu.memory_space<vmem>>[vector<16xi32>], vector<16xf32>,
      %mul3A_631 = arith.constant 80 : i32
      %mul3A_632 = arith.muli %add3A_602, %mul3A_631 : i32
      %add3A_633 = arith.constant 64 : i32
      %add3A_634 = arith.addi %mul3A_632, %add3A_633 : i32
      %get3A_635 = arith.index_cast %add3A_634 : i32 to index
      %get3A_636 = tpu.vector_load %arg8[%get3A_635] {strides = array<i32>} : memref<20000xi32, #tpu.memory_space<vmem>>, vector<16xi32>,
      tpu.vector_store_idx %arg34[%get3A_636], %broadcast_in_dim3A_18 {add = true} : memref<10000xf32, #tpu.memory_space<vmem>>[vector<16xi32>], vector<16xf32>,
      %add3A_637 = arith.constant 6 : i32
      %add3A_638 = arith.addi %add3A_602, %add3A_637 : i32
      %lt3A_639 = arith.constant 250 : i32
      %lt3A_640 = arith.cmpi slt, %add3A_638, %lt3A_639 : i32
      %convert_element_type3A_641 = arith.extui %lt3A_640 : i1 to i32
      %cond3A_642 = arith.constant 0 : i32
      %cond3A_643 = arith.cmpi ne, %convert_element_type3A_641, %cond3A_642 : i32
      scf.if %cond3A_643 {
        %add3A_816 = arith.constant 6 : i32
        %add3A_817 = arith.addi %add3A_602, %add3A_816 : i32
        %mul3A_818 = arith.constant 80 : i32
        %mul3A_819 = arith.muli %add3A_817, %mul3A_818 : i32
        %add3A_820 = arith.constant 0 : i32
        %add3A_821 = arith.addi %mul3A_819, %add3A_820 : i32
        %get3A_822 = arith.index_cast %add3A_821 : i32 to index
        %get3A_823 = tpu.vector_load %arg7[%get3A_822] {strides = array<i32>} : memref<20000xi32, #tpu.memory_space<vmem>>, vector<16xi32>,
        %mul3A_824 = arith.constant 2 : i32
        %mul3A_825 = vector.broadcast %mul3A_824 : i32 to vector<16xi32>
        %mul3A_826 = arith.muli %get3A_823, %mul3A_825 : vector<16xi32>
        %add3A_827 = vector.broadcast %arg0 : i32 to vector<16xi32>
        %add3A_828 = arith.addi %mul3A_826, %add3A_827 : vector<16xi32>
        %swap3A_829 = arith.constant 0 : index
        %swap3A_830 = tpu.vector_load %arg16[%swap3A_829] {strides = array<i32>} : memref<80xi32, #tpu.memory_space<vmem>>, vector<16xi32>,
        tpu.vector_store %arg16[%swap3A_829], %add3A_828 {strides = array<i32>} : memref<80xi32, #tpu.memory_space<vmem>>, vector<16xi32>,
        %mul3A_831 = arith.constant 80 : i32
        %mul3A_832 = arith.muli %add3A_817, %mul3A_831 : i32
        %add3A_833 = arith.constant 0 : i32
        %add3A_834 = arith.addi %mul3A_832, %add3A_833 : i32
        %get3A_835 = arith.index_cast %add3A_834 : i32 to index
        %get3A_836 = tpu.vector_load %arg8[%get3A_835] {strides = array<i32>} : memref<20000xi32, #tpu.memory_space<vmem>>, vector<16xi32>,
        %swap3A_837 = arith.constant 0 : i32
        %swap3A_838 = arith.index_cast %swap3A_837 : i32 to index
        %swap3A_839 = arith.constant 0 : index
        %swap3A_840 = tpu.vector_load %arg22[%swap3A_838, %swap3A_839] {strides = array<i32>} : memref<1x80xi32, #tpu.memory_space<vmem>>, vector<16xi32>,
        tpu.vector_store %arg22[%swap3A_838, %swap3A_839], %get3A_836 {strides = array<i32>} : memref<1x80xi32, #tpu.memory_space<vmem>>, vector<16xi32>,
        %mul3A_841 = arith.constant 80 : i32
        %mul3A_842 = arith.muli %add3A_817, %mul3A_841 : i32
        %add3A_843 = arith.constant 16 : i32
        %add3A_844 = arith.addi %mul3A_842, %add3A_843 : i32
        %get3A_845 = arith.index_cast %add3A_844 : i32 to index
        %get3A_846 = tpu.vector_load %arg7[%get3A_845] {strides = array<i32>} : memref<20000xi32, #tpu.memory_space<vmem>>, vector<16xi32>,
        %mul3A_847 = arith.constant 2 : i32
        %mul3A_848 = vector.broadcast %mul3A_847 : i32 to vector<16xi32>
        %mul3A_849 = arith.muli %get3A_846, %mul3A_848 : vector<16xi32>
        %add3A_850 = vector.broadcast %arg0 : i32 to vector<16xi32>
        %add3A_851 = arith.addi %mul3A_849, %add3A_850 : vector<16xi32>
        %swap3A_852 = arith.constant 16 : index
        %swap3A_853 = tpu.vector_load %arg16[%swap3A_852] {strides = array<i32>} : memref<80xi32, #tpu.memory_space<vmem>>, vector<16xi32>,
        tpu.vector_store %arg16[%swap3A_852], %add3A_851 {strides = array<i32>} : memref<80xi32, #tpu.memory_space<vmem>>, vector<16xi32>,
        %mul3A_854 = arith.constant 80 : i32
        %mul3A_855 = arith.muli %add3A_817, %mul3A_854 : i32
        %add3A_856 = arith.constant 16 : i32
        %add3A_857 = arith.addi %mul3A_855, %add3A_856 : i32
        %get3A_858 = arith.index_cast %add3A_857 : i32 to index
        %get3A_859 = tpu.vector_load %arg8[%get3A_858] {strides = array<i32>} : memref<20000xi32, #tpu.memory_space<vmem>>, vector<16xi32>,
        %swap3A_860 = arith.constant 0 : i32
        %swap3A_861 = arith.index_cast %swap3A_860 : i32 to index
        %swap3A_862 = arith.constant 16 : index
        %swap3A_863 = tpu.vector_load %arg22[%swap3A_861, %swap3A_862] {strides = array<i32>} : memref<1x80xi32, #tpu.memory_space<vmem>>, vector<16xi32>,
        tpu.vector_store %arg22[%swap3A_861, %swap3A_862], %get3A_859 {strides = array<i32>} : memref<1x80xi32, #tpu.memory_space<vmem>>, vector<16xi32>,
        %mul3A_864 = arith.constant 80 : i32
        %mul3A_865 = arith.muli %add3A_817, %mul3A_864 : i32
        %add3A_866 = arith.constant 32 : i32
        %add3A_867 = arith.addi %mul3A_865, %add3A_866 : i32
        %get3A_868 = arith.index_cast %add3A_867 : i32 to index
        %get3A_869 = tpu.vector_load %arg7[%get3A_868] {strides = array<i32>} : memref<20000xi32, #tpu.memory_space<vmem>>, vector<16xi32>,
        %mul3A_870 = arith.constant 2 : i32
        %mul3A_871 = vector.broadcast %mul3A_870 : i32 to vector<16xi32>
        %mul3A_872 = arith.muli %get3A_869, %mul3A_871 : vector<16xi32>
        %add3A_873 = vector.broadcast %arg0 : i32 to vector<16xi32>
        %add3A_874 = arith.addi %mul3A_872, %add3A_873 : vector<16xi32>
        %swap3A_875 = arith.constant 32 : index
        %swap3A_876 = tpu.vector_load %arg16[%swap3A_875] {strides = array<i32>} : memref<80xi32, #tpu.memory_space<vmem>>, vector<16xi32>,
        tpu.vector_store %arg16[%swap3A_875], %add3A_874 {strides = array<i32>} : memref<80xi32, #tpu.memory_space<vmem>>, vector<16xi32>,
        %mul3A_877 = arith.constant 80 : i32
        %mul3A_878 = arith.muli %add3A_817, %mul3A_877 : i32
        %add3A_879 = arith.constant 32 : i32
        %add3A_880 = arith.addi %mul3A_878, %add3A_879 : i32
        %get3A_881 = arith.index_cast %add3A_880 : i32 to index
        %get3A_882 = tpu.vector_load %arg8[%get3A_881] {strides = array<i32>} : memref<20000xi32, #tpu.memory_space<vmem>>, vector<16xi32>,
        %swap3A_883 = arith.constant 0 : i32
        %swap3A_884 = arith.index_cast %swap3A_883 : i32 to index
        %swap3A_885 = arith.constant 32 : index
        %swap3A_886 = tpu.vector_load %arg22[%swap3A_884, %swap3A_885] {strides = array<i32>} : memref<1x80xi32, #tpu.memory_space<vmem>>, vector<16xi32>,
        tpu.vector_store %arg22[%swap3A_884, %swap3A_885], %get3A_882 {strides = array<i32>} : memref<1x80xi32, #tpu.memory_space<vmem>>, vector<16xi32>,
        %mul3A_887 = arith.constant 80 : i32
        %mul3A_888 = arith.muli %add3A_817, %mul3A_887 : i32
        %add3A_889 = arith.constant 48 : i32
        %add3A_890 = arith.addi %mul3A_888, %add3A_889 : i32
        %get3A_891 = arith.index_cast %add3A_890 : i32 to index
        %get3A_892 = tpu.vector_load %arg7[%get3A_891] {strides = array<i32>} : memref<20000xi32, #tpu.memory_space<vmem>>, vector<16xi32>,
        %mul3A_893 = arith.constant 2 : i32
        %mul3A_894 = vector.broadcast %mul3A_893 : i32 to vector<16xi32>
        %mul3A_895 = arith.muli %get3A_892, %mul3A_894 : vector<16xi32>
        %add3A_896 = vector.broadcast %arg0 : i32 to vector<16xi32>
        %add3A_897 = arith.addi %mul3A_895, %add3A_896 : vector<16xi32>
        %swap3A_898 = arith.constant 48 : index
        %swap3A_899 = tpu.vector_load %arg16[%swap3A_898] {strides = array<i32>} : memref<80xi32, #tpu.memory_space<vmem>>, vector<16xi32>,
        tpu.vector_store %arg16[%swap3A_898], %add3A_897 {strides = array<i32>} : memref<80xi32, #tpu.memory_space<vmem>>, vector<16xi32>,
        %mul3A_900 = arith.constant 80 : i32
        %mul3A_901 = arith.muli %add3A_817, %mul3A_900 : i32
        %add3A_902 = arith.constant 48 : i32
        %add3A_903 = arith.addi %mul3A_901, %add3A_902 : i32
        %get3A_904 = arith.index_cast %add3A_903 : i32 to index
        %get3A_905 = tpu.vector_load %arg8[%get3A_904] {strides = array<i32>} : memref<20000xi32, #tpu.memory_space<vmem>>, vector<16xi32>,
        %swap3A_906 = arith.constant 0 : i32
        %swap3A_907 = arith.index_cast %swap3A_906 : i32 to index
        %swap3A_908 = arith.constant 48 : index
        %swap3A_909 = tpu.vector_load %arg22[%swap3A_907, %swap3A_908] {strides = array<i32>} : memref<1x80xi32, #tpu.memory_space<vmem>>, vector<16xi32>,
        tpu.vector_store %arg22[%swap3A_907, %swap3A_908], %get3A_905 {strides = array<i32>} : memref<1x80xi32, #tpu.memory_space<vmem>>, vector<16xi32>,
        %mul3A_910 = arith.constant 80 : i32
        %mul3A_911 = arith.muli %add3A_817, %mul3A_910 : i32
        %add3A_912 = arith.constant 64 : i32
        %add3A_913 = arith.addi %mul3A_911, %add3A_912 : i32
        %get3A_914 = arith.index_cast %add3A_913 : i32 to index
        %get3A_915 = tpu.vector_load %arg7[%get3A_914] {strides = array<i32>} : memref<20000xi32, #tpu.memory_space<vmem>>, vector<16xi32>,
        %mul3A_916 = arith.constant 2 : i32
        %mul3A_917 = vector.broadcast %mul3A_916 : i32 to vector<16xi32>
        %mul3A_918 = arith.muli %get3A_915, %mul3A_917 : vector<16xi32>
        %add3A_919 = vector.broadcast %arg0 : i32 to vector<16xi32>
        %add3A_920 = arith.addi %mul3A_918, %add3A_919 : vector<16xi32>
        %swap3A_921 = arith.constant 64 : index
        %swap3A_922 = tpu.vector_load %arg16[%swap3A_921] {strides = array<i32>} : memref<80xi32, #tpu.memory_space<vmem>>, vector<16xi32>,
        tpu.vector_store %arg16[%swap3A_921], %add3A_920 {strides = array<i32>} : memref<80xi32, #tpu.memory_space<vmem>>, vector<16xi32>,
        %mul3A_923 = arith.constant 80 : i32
        %mul3A_924 = arith.muli %add3A_817, %mul3A_923 : i32
        %add3A_925 = arith.constant 64 : i32
        %add3A_926 = arith.addi %mul3A_924, %add3A_925 : i32
        %get3A_927 = arith.index_cast %add3A_926 : i32 to index
        %get3A_928 = tpu.vector_load %arg8[%get3A_927] {strides = array<i32>} : memref<20000xi32, #tpu.memory_space<vmem>>, vector<16xi32>,
        %swap3A_929 = arith.constant 0 : i32
        %swap3A_930 = arith.index_cast %swap3A_929 : i32 to index
        %swap3A_931 = arith.constant 64 : index
        %swap3A_932 = tpu.vector_load %arg22[%swap3A_930, %swap3A_931] {strides = array<i32>} : memref<1x80xi32, #tpu.memory_space<vmem>>, vector<16xi32>,
        tpu.vector_store %arg22[%swap3A_930, %swap3A_931], %get3A_928 {strides = array<i32>} : memref<1x80xi32, #tpu.memory_space<vmem>>, vector<16xi32>,
        %dma_start3A_933 = arith.constant 0 : i32
        %dma_start3A_934 = arith.constant 0 : i32
        %dma_start3A_935 = tpu.memref_slice %arg2[%dma_start3A_933, %dma_start3A_934] : memref<20000x64xf32, #tpu.memory_space<hbm>> -> memref<20000x64xf32, #tpu.memory_space<hbm>>
        tpu.enqueue_indirect_dma source(%dma_start3A_935 : memref<20000x64xf32, #tpu.memory_space<hbm>>) target(%arg10 : memref<80x64xf32, #tpu.memory_space<vmem>>) offsets(%arg16 : memref<80xi32, #tpu.memory_space<vmem>>) semaphore(%arg29 : memref<!tpu.dma_semaphore, #tpu.memory_space<semaphore_mem>>)
      } else {
      }
      %add3A_644 = arith.constant 2 : i32
      %add3A_645 = arith.addi %mul3A_557, %add3A_644 : i32
      %dma_wait3A_646 = arith.constant 0 : i32
      %dma_wait3A_647 = arith.constant 0 : i32
      %dma_wait3A_648 = tpu.memref_slice %arg2[%dma_wait3A_646, %dma_wait3A_647] : memref<20000x64xf32, #tpu.memory_space<hbm>> -> memref<20000x64xf32, #tpu.memory_space<hbm>>
      tpu.wait_indirect_dma semaphore(%arg30 : memref<!tpu.dma_semaphore, #tpu.memory_space<semaphore_mem>>) src(%dma_wait3A_648 : memref<20000x64xf32, #tpu.memory_space<hbm>>) dst(%arg11 : memref<80x64xf32, #tpu.memory_space<vmem>>)
      %run_scoped3A_649 = arith.constant 0 : i32
      "tpu.region"() ({
        %run_scoped3A_816 = tpu.sem_alloc : memref<!tpu.dma_semaphore, #tpu.memory_space<semaphore_mem>>
        %dma_start3A_817 = arith.constant 0 : i32
        %dma_start3A_818 = tpu.memref_slice %arg23[%run_scoped3A_649, %dma_start3A_817] : memref<1x80xi32, #tpu.memory_space<vmem>> -> memref<1x80xi32, #tpu.memory_space<vmem>>
        %dma_start3A_819 = tpu.memref_squeeze %dma_start3A_818 : memref<1x80xi32, #tpu.memory_space<vmem>> -> memref<80xi32, #tpu.memory_space<vmem>>
        %dma_start3A_820 = arith.constant 0 : i32
        %dma_start3A_821 = arith.constant 0 : i32
        %dma_start3A_822 = tpu.memref_slice %arg27[%dma_start3A_820, %dma_start3A_821] : memref<10000x64xf32, #tpu.memory_space<vmem_shared>> -> memref<10000x64xf32, #tpu.memory_space<vmem_shared>>
        tpu.enqueue_indirect_dma source(%arg11 : memref<80x64xf32, #tpu.memory_space<vmem>>) target(%dma_start3A_822 : memref<10000x64xf32, #tpu.memory_space<vmem_shared>>) offsets(%dma_start3A_819 : memref<80xi32, #tpu.memory_space<vmem>>) semaphore(%run_scoped3A_816 : memref<!tpu.dma_semaphore, #tpu.memory_space<semaphore_mem>>) {add = true}
        %dma_wait3A_823 = arith.constant 0 : i32
        %dma_wait3A_824 = tpu.memref_slice %arg23[%run_scoped3A_649, %dma_wait3A_823] : memref<1x80xi32, #tpu.memory_space<vmem>> -> memref<1x80xi32, #tpu.memory_space<vmem>>
        %dma_wait3A_825 = tpu.memref_squeeze %dma_wait3A_824 : memref<1x80xi32, #tpu.memory_space<vmem>> -> memref<80xi32, #tpu.memory_space<vmem>>
        %dma_wait3A_826 = arith.constant 0 : i32
        %dma_wait3A_827 = arith.constant 0 : i32
        %dma_wait3A_828 = tpu.memref_slice %arg27[%dma_wait3A_826, %dma_wait3A_827] : memref<10000x64xf32, #tpu.memory_space<vmem_shared>> -> memref<10000x64xf32, #tpu.memory_space<vmem_shared>>
        tpu.wait_indirect_dma semaphore(%run_scoped3A_816 : memref<!tpu.dma_semaphore, #tpu.memory_space<semaphore_mem>>) src(%arg11 : memref<80x64xf32, #tpu.memory_space<vmem>>) dst(%dma_wait3A_828 : memref<10000x64xf32, #tpu.memory_space<vmem_shared>>)
        tpu.yield
      }) : () -> ()
      %mul3A_650 = arith.constant 80 : i32
      %mul3A_651 = arith.muli %add3A_645, %mul3A_650 : i32
      %add3A_652 = arith.constant 0 : i32
      %add3A_653 = arith.addi %mul3A_651, %add3A_652 : i32
      %get3A_654 = arith.index_cast %add3A_653 : i32 to index
      %get3A_655 = tpu.vector_load %arg8[%get3A_654] {strides = array<i32>} : memref<20000xi32, #tpu.memory_space<vmem>>, vector<16xi32>,
      tpu.vector_store_idx %arg34[%get3A_655], %broadcast_in_dim3A_18 {add = true} : memref<10000xf32, #tpu.memory_space<vmem>>[vector<16xi32>], vector<16xf32>,
      %mul3A_656 = arith.constant 80 : i32
      %mul3A_657 = arith.muli %add3A_645, %mul3A_656 : i32
      %add3A_658 = arith.constant 16 : i32
      %add3A_659 = arith.addi %mul3A_657, %add3A_658 : i32
      %get3A_660 = arith.index_cast %add3A_659 : i32 to index
      %get3A_661 = tpu.vector_load %arg8[%get3A_660] {strides = array<i32>} : memref<20000xi32, #tpu.memory_space<vmem>>, vector<16xi32>,
      tpu.vector_store_idx %arg34[%get3A_661], %broadcast_in_dim3A_18 {add = true} : memref<10000xf32, #tpu.memory_space<vmem>>[vector<16xi32>], vector<16xf32>,
      %mul3A_662 = arith.constant 80 : i32
      %mul3A_663 = arith.muli %add3A_645, %mul3A_662 : i32
      %add3A_664 = arith.constant 32 : i32
      %add3A_665 = arith.addi %mul3A_663, %add3A_664 : i32
      %get3A_666 = arith.index_cast %add3A_665 : i32 to index
      %get3A_667 = tpu.vector_load %arg8[%get3A_666] {strides = array<i32>} : memref<20000xi32, #tpu.memory_space<vmem>>, vector<16xi32>,
      tpu.vector_store_idx %arg34[%get3A_667], %broadcast_in_dim3A_18 {add = true} : memref<10000xf32, #tpu.memory_space<vmem>>[vector<16xi32>], vector<16xf32>,
      %mul3A_668 = arith.constant 80 : i32
      %mul3A_669 = arith.muli %add3A_645, %mul3A_668 : i32
      %add3A_670 = arith.constant 48 : i32
      %add3A_671 = arith.addi %mul3A_669, %add3A_670 : i32
      %get3A_672 = arith.index_cast %add3A_671 : i32 to index
      %get3A_673 = tpu.vector_load %arg8[%get3A_672] {strides = array<i32>} : memref<20000xi32, #tpu.memory_space<vmem>>, vector<16xi32>,
      tpu.vector_store_idx %arg34[%get3A_673], %broadcast_in_dim3A_18 {add = true} : memref<10000xf32, #tpu.memory_space<vmem>>[vector<16xi32>], vector<16xf32>,
      %mul3A_674 = arith.constant 80 : i32
      %mul3A_675 = arith.muli %add3A_645, %mul3A_674 : i32
      %add3A_676 = arith.constant 64 : i32
      %add3A_677 = arith.addi %mul3A_675, %add3A_676 : i32
      %get3A_678 = arith.index_cast %add3A_677 : i32 to index
      %get3A_679 = tpu.vector_load %arg8[%get3A_678] {strides = array<i32>} : memref<20000xi32, #tpu.memory_space<vmem>>, vector<16xi32>,
      tpu.vector_store_idx %arg34[%get3A_679], %broadcast_in_dim3A_18 {add = true} : memref<10000xf32, #tpu.memory_space<vmem>>[vector<16xi32>], vector<16xf32>,
      %add3A_680 = arith.constant 6 : i32
      %add3A_681 = arith.addi %add3A_645, %add3A_680 : i32
      %lt3A_682 = arith.constant 250 : i32
      %lt3A_683 = arith.cmpi slt, %add3A_681, %lt3A_682 : i32
      %convert_element_type3A_684 = arith.extui %lt3A_683 : i1 to i32
      %cond3A_685 = arith.constant 0 : i32
      %cond3A_686 = arith.cmpi ne, %convert_element_type3A_684, %cond3A_685 : i32
      scf.if %cond3A_686 {
        %add3A_816 = arith.constant 6 : i32
        %add3A_817 = arith.addi %add3A_645, %add3A_816 : i32
        %mul3A_818 = arith.constant 80 : i32
        %mul3A_819 = arith.muli %add3A_817, %mul3A_818 : i32
        %add3A_820 = arith.constant 0 : i32
        %add3A_821 = arith.addi %mul3A_819, %add3A_820 : i32
        %get3A_822 = arith.index_cast %add3A_821 : i32 to index
        %get3A_823 = tpu.vector_load %arg7[%get3A_822] {strides = array<i32>} : memref<20000xi32, #tpu.memory_space<vmem>>, vector<16xi32>,
        %mul3A_824 = arith.constant 2 : i32
        %mul3A_825 = vector.broadcast %mul3A_824 : i32 to vector<16xi32>
        %mul3A_826 = arith.muli %get3A_823, %mul3A_825 : vector<16xi32>
        %add3A_827 = vector.broadcast %arg0 : i32 to vector<16xi32>
        %add3A_828 = arith.addi %mul3A_826, %add3A_827 : vector<16xi32>
        %swap3A_829 = arith.constant 0 : index
        %swap3A_830 = tpu.vector_load %arg17[%swap3A_829] {strides = array<i32>} : memref<80xi32, #tpu.memory_space<vmem>>, vector<16xi32>,
        tpu.vector_store %arg17[%swap3A_829], %add3A_828 {strides = array<i32>} : memref<80xi32, #tpu.memory_space<vmem>>, vector<16xi32>,
        %mul3A_831 = arith.constant 80 : i32
        %mul3A_832 = arith.muli %add3A_817, %mul3A_831 : i32
        %add3A_833 = arith.constant 0 : i32
        %add3A_834 = arith.addi %mul3A_832, %add3A_833 : i32
        %get3A_835 = arith.index_cast %add3A_834 : i32 to index
        %get3A_836 = tpu.vector_load %arg8[%get3A_835] {strides = array<i32>} : memref<20000xi32, #tpu.memory_space<vmem>>, vector<16xi32>,
        %swap3A_837 = arith.constant 0 : i32
        %swap3A_838 = arith.index_cast %swap3A_837 : i32 to index
        %swap3A_839 = arith.constant 0 : index
        %swap3A_840 = tpu.vector_load %arg23[%swap3A_838, %swap3A_839] {strides = array<i32>} : memref<1x80xi32, #tpu.memory_space<vmem>>, vector<16xi32>,
        tpu.vector_store %arg23[%swap3A_838, %swap3A_839], %get3A_836 {strides = array<i32>} : memref<1x80xi32, #tpu.memory_space<vmem>>, vector<16xi32>,
        %mul3A_841 = arith.constant 80 : i32
        %mul3A_842 = arith.muli %add3A_817, %mul3A_841 : i32
        %add3A_843 = arith.constant 16 : i32
        %add3A_844 = arith.addi %mul3A_842, %add3A_843 : i32
        %get3A_845 = arith.index_cast %add3A_844 : i32 to index
        %get3A_846 = tpu.vector_load %arg7[%get3A_845] {strides = array<i32>} : memref<20000xi32, #tpu.memory_space<vmem>>, vector<16xi32>,
        %mul3A_847 = arith.constant 2 : i32
        %mul3A_848 = vector.broadcast %mul3A_847 : i32 to vector<16xi32>
        %mul3A_849 = arith.muli %get3A_846, %mul3A_848 : vector<16xi32>
        %add3A_850 = vector.broadcast %arg0 : i32 to vector<16xi32>
        %add3A_851 = arith.addi %mul3A_849, %add3A_850 : vector<16xi32>
        %swap3A_852 = arith.constant 16 : index
        %swap3A_853 = tpu.vector_load %arg17[%swap3A_852] {strides = array<i32>} : memref<80xi32, #tpu.memory_space<vmem>>, vector<16xi32>,
        tpu.vector_store %arg17[%swap3A_852], %add3A_851 {strides = array<i32>} : memref<80xi32, #tpu.memory_space<vmem>>, vector<16xi32>,
        %mul3A_854 = arith.constant 80 : i32
        %mul3A_855 = arith.muli %add3A_817, %mul3A_854 : i32
        %add3A_856 = arith.constant 16 : i32
        %add3A_857 = arith.addi %mul3A_855, %add3A_856 : i32
        %get3A_858 = arith.index_cast %add3A_857 : i32 to index
        %get3A_859 = tpu.vector_load %arg8[%get3A_858] {strides = array<i32>} : memref<20000xi32, #tpu.memory_space<vmem>>, vector<16xi32>,
        %swap3A_860 = arith.constant 0 : i32
        %swap3A_861 = arith.index_cast %swap3A_860 : i32 to index
        %swap3A_862 = arith.constant 16 : index
        %swap3A_863 = tpu.vector_load %arg23[%swap3A_861, %swap3A_862] {strides = array<i32>} : memref<1x80xi32, #tpu.memory_space<vmem>>, vector<16xi32>,
        tpu.vector_store %arg23[%swap3A_861, %swap3A_862], %get3A_859 {strides = array<i32>} : memref<1x80xi32, #tpu.memory_space<vmem>>, vector<16xi32>,
        %mul3A_864 = arith.constant 80 : i32
        %mul3A_865 = arith.muli %add3A_817, %mul3A_864 : i32
        %add3A_866 = arith.constant 32 : i32
        %add3A_867 = arith.addi %mul3A_865, %add3A_866 : i32
        %get3A_868 = arith.index_cast %add3A_867 : i32 to index
        %get3A_869 = tpu.vector_load %arg7[%get3A_868] {strides = array<i32>} : memref<20000xi32, #tpu.memory_space<vmem>>, vector<16xi32>,
        %mul3A_870 = arith.constant 2 : i32
        %mul3A_871 = vector.broadcast %mul3A_870 : i32 to vector<16xi32>
        %mul3A_872 = arith.muli %get3A_869, %mul3A_871 : vector<16xi32>
        %add3A_873 = vector.broadcast %arg0 : i32 to vector<16xi32>
        %add3A_874 = arith.addi %mul3A_872, %add3A_873 : vector<16xi32>
        %swap3A_875 = arith.constant 32 : index
        %swap3A_876 = tpu.vector_load %arg17[%swap3A_875] {strides = array<i32>} : memref<80xi32, #tpu.memory_space<vmem>>, vector<16xi32>,
        tpu.vector_store %arg17[%swap3A_875], %add3A_874 {strides = array<i32>} : memref<80xi32, #tpu.memory_space<vmem>>, vector<16xi32>,
        %mul3A_877 = arith.constant 80 : i32
        %mul3A_878 = arith.muli %add3A_817, %mul3A_877 : i32
        %add3A_879 = arith.constant 32 : i32
        %add3A_880 = arith.addi %mul3A_878, %add3A_879 : i32
        %get3A_881 = arith.index_cast %add3A_880 : i32 to index
        %get3A_882 = tpu.vector_load %arg8[%get3A_881] {strides = array<i32>} : memref<20000xi32, #tpu.memory_space<vmem>>, vector<16xi32>,
        %swap3A_883 = arith.constant 0 : i32
        %swap3A_884 = arith.index_cast %swap3A_883 : i32 to index
        %swap3A_885 = arith.constant 32 : index
        %swap3A_886 = tpu.vector_load %arg23[%swap3A_884, %swap3A_885] {strides = array<i32>} : memref<1x80xi32, #tpu.memory_space<vmem>>, vector<16xi32>,
        tpu.vector_store %arg23[%swap3A_884, %swap3A_885], %get3A_882 {strides = array<i32>} : memref<1x80xi32, #tpu.memory_space<vmem>>, vector<16xi32>,
        %mul3A_887 = arith.constant 80 : i32
        %mul3A_888 = arith.muli %add3A_817, %mul3A_887 : i32
        %add3A_889 = arith.constant 48 : i32
        %add3A_890 = arith.addi %mul3A_888, %add3A_889 : i32
        %get3A_891 = arith.index_cast %add3A_890 : i32 to index
        %get3A_892 = tpu.vector_load %arg7[%get3A_891] {strides = array<i32>} : memref<20000xi32, #tpu.memory_space<vmem>>, vector<16xi32>,
        %mul3A_893 = arith.constant 2 : i32
        %mul3A_894 = vector.broadcast %mul3A_893 : i32 to vector<16xi32>
        %mul3A_895 = arith.muli %get3A_892, %mul3A_894 : vector<16xi32>
        %add3A_896 = vector.broadcast %arg0 : i32 to vector<16xi32>
        %add3A_897 = arith.addi %mul3A_895, %add3A_896 : vector<16xi32>
        %swap3A_898 = arith.constant 48 : index
        %swap3A_899 = tpu.vector_load %arg17[%swap3A_898] {strides = array<i32>} : memref<80xi32, #tpu.memory_space<vmem>>, vector<16xi32>,
        tpu.vector_store %arg17[%swap3A_898], %add3A_897 {strides = array<i32>} : memref<80xi32, #tpu.memory_space<vmem>>, vector<16xi32>,
        %mul3A_900 = arith.constant 80 : i32
        %mul3A_901 = arith.muli %add3A_817, %mul3A_900 : i32
        %add3A_902 = arith.constant 48 : i32
        %add3A_903 = arith.addi %mul3A_901, %add3A_902 : i32
        %get3A_904 = arith.index_cast %add3A_903 : i32 to index
        %get3A_905 = tpu.vector_load %arg8[%get3A_904] {strides = array<i32>} : memref<20000xi32, #tpu.memory_space<vmem>>, vector<16xi32>,
        %swap3A_906 = arith.constant 0 : i32
        %swap3A_907 = arith.index_cast %swap3A_906 : i32 to index
        %swap3A_908 = arith.constant 48 : index
        %swap3A_909 = tpu.vector_load %arg23[%swap3A_907, %swap3A_908] {strides = array<i32>} : memref<1x80xi32, #tpu.memory_space<vmem>>, vector<16xi32>,
        tpu.vector_store %arg23[%swap3A_907, %swap3A_908], %get3A_905 {strides = array<i32>} : memref<1x80xi32, #tpu.memory_space<vmem>>, vector<16xi32>,
        %mul3A_910 = arith.constant 80 : i32
        %mul3A_911 = arith.muli %add3A_817, %mul3A_910 : i32
        %add3A_912 = arith.constant 64 : i32
        %add3A_913 = arith.addi %mul3A_911, %add3A_912 : i32
        %get3A_914 = arith.index_cast %add3A_913 : i32 to index
        %get3A_915 = tpu.vector_load %arg7[%get3A_914] {strides = array<i32>} : memref<20000xi32, #tpu.memory_space<vmem>>, vector<16xi32>,
        %mul3A_916 = arith.constant 2 : i32
        %mul3A_917 = vector.broadcast %mul3A_916 : i32 to vector<16xi32>
        %mul3A_918 = arith.muli %get3A_915, %mul3A_917 : vector<16xi32>
        %add3A_919 = vector.broadcast %arg0 : i32 to vector<16xi32>
        %add3A_920 = arith.addi %mul3A_918, %add3A_919 : vector<16xi32>
        %swap3A_921 = arith.constant 64 : index
        %swap3A_922 = tpu.vector_load %arg17[%swap3A_921] {strides = array<i32>} : memref<80xi32, #tpu.memory_space<vmem>>, vector<16xi32>,
        tpu.vector_store %arg17[%swap3A_921], %add3A_920 {strides = array<i32>} : memref<80xi32, #tpu.memory_space<vmem>>, vector<16xi32>,
        %mul3A_923 = arith.constant 80 : i32
        %mul3A_924 = arith.muli %add3A_817, %mul3A_923 : i32
        %add3A_925 = arith.constant 64 : i32
        %add3A_926 = arith.addi %mul3A_924, %add3A_925 : i32
        %get3A_927 = arith.index_cast %add3A_926 : i32 to index
        %get3A_928 = tpu.vector_load %arg8[%get3A_927] {strides = array<i32>} : memref<20000xi32, #tpu.memory_space<vmem>>, vector<16xi32>,
        %swap3A_929 = arith.constant 0 : i32
        %swap3A_930 = arith.index_cast %swap3A_929 : i32 to index
        %swap3A_931 = arith.constant 64 : index
        %swap3A_932 = tpu.vector_load %arg23[%swap3A_930, %swap3A_931] {strides = array<i32>} : memref<1x80xi32, #tpu.memory_space<vmem>>, vector<16xi32>,
        tpu.vector_store %arg23[%swap3A_930, %swap3A_931], %get3A_928 {strides = array<i32>} : memref<1x80xi32, #tpu.memory_space<vmem>>, vector<16xi32>,
        %dma_start3A_933 = arith.constant 0 : i32
        %dma_start3A_934 = arith.constant 0 : i32
        %dma_start3A_935 = tpu.memref_slice %arg2[%dma_start3A_933, %dma_start3A_934] : memref<20000x64xf32, #tpu.memory_space<hbm>> -> memref<20000x64xf32, #tpu.memory_space<hbm>>
        tpu.enqueue_indirect_dma source(%dma_start3A_935 : memref<20000x64xf32, #tpu.memory_space<hbm>>) target(%arg11 : memref<80x64xf32, #tpu.memory_space<vmem>>) offsets(%arg17 : memref<80xi32, #tpu.memory_space<vmem>>) semaphore(%arg30 : memref<!tpu.dma_semaphore, #tpu.memory_space<semaphore_mem>>)
      } else {
      }
      %add3A_687 = arith.constant 3 : i32
      %add3A_688 = arith.addi %mul3A_557, %add3A_687 : i32
      %dma_wait3A_689 = arith.constant 0 : i32
      %dma_wait3A_690 = arith.constant 0 : i32
      %dma_wait3A_691 = tpu.memref_slice %arg2[%dma_wait3A_689, %dma_wait3A_690] : memref<20000x64xf32, #tpu.memory_space<hbm>> -> memref<20000x64xf32, #tpu.memory_space<hbm>>
      tpu.wait_indirect_dma semaphore(%arg31 : memref<!tpu.dma_semaphore, #tpu.memory_space<semaphore_mem>>) src(%dma_wait3A_691 : memref<20000x64xf32, #tpu.memory_space<hbm>>) dst(%arg12 : memref<80x64xf32, #tpu.memory_space<vmem>>)
      %run_scoped3A_692 = arith.constant 0 : i32
      "tpu.region"() ({
        %run_scoped3A_816 = tpu.sem_alloc : memref<!tpu.dma_semaphore, #tpu.memory_space<semaphore_mem>>
        %dma_start3A_817 = arith.constant 0 : i32
        %dma_start3A_818 = tpu.memref_slice %arg24[%run_scoped3A_692, %dma_start3A_817] : memref<1x80xi32, #tpu.memory_space<vmem>> -> memref<1x80xi32, #tpu.memory_space<vmem>>
        %dma_start3A_819 = tpu.memref_squeeze %dma_start3A_818 : memref<1x80xi32, #tpu.memory_space<vmem>> -> memref<80xi32, #tpu.memory_space<vmem>>
        %dma_start3A_820 = arith.constant 0 : i32
        %dma_start3A_821 = arith.constant 0 : i32
        %dma_start3A_822 = tpu.memref_slice %arg27[%dma_start3A_820, %dma_start3A_821] : memref<10000x64xf32, #tpu.memory_space<vmem_shared>> -> memref<10000x64xf32, #tpu.memory_space<vmem_shared>>
        tpu.enqueue_indirect_dma source(%arg12 : memref<80x64xf32, #tpu.memory_space<vmem>>) target(%dma_start3A_822 : memref<10000x64xf32, #tpu.memory_space<vmem_shared>>) offsets(%dma_start3A_819 : memref<80xi32, #tpu.memory_space<vmem>>) semaphore(%run_scoped3A_816 : memref<!tpu.dma_semaphore, #tpu.memory_space<semaphore_mem>>) {add = true}
        %dma_wait3A_823 = arith.constant 0 : i32
        %dma_wait3A_824 = tpu.memref_slice %arg24[%run_scoped3A_692, %dma_wait3A_823] : memref<1x80xi32, #tpu.memory_space<vmem>> -> memref<1x80xi32, #tpu.memory_space<vmem>>
        %dma_wait3A_825 = tpu.memref_squeeze %dma_wait3A_824 : memref<1x80xi32, #tpu.memory_space<vmem>> -> memref<80xi32, #tpu.memory_space<vmem>>
        %dma_wait3A_826 = arith.constant 0 : i32
        %dma_wait3A_827 = arith.constant 0 : i32
        %dma_wait3A_828 = tpu.memref_slice %arg27[%dma_wait3A_826, %dma_wait3A_827] : memref<10000x64xf32, #tpu.memory_space<vmem_shared>> -> memref<10000x64xf32, #tpu.memory_space<vmem_shared>>
        tpu.wait_indirect_dma semaphore(%run_scoped3A_816 : memref<!tpu.dma_semaphore, #tpu.memory_space<semaphore_mem>>) src(%arg12 : memref<80x64xf32, #tpu.memory_space<vmem>>) dst(%dma_wait3A_828 : memref<10000x64xf32, #tpu.memory_space<vmem_shared>>)
        tpu.yield
      }) : () -> ()
      %mul3A_693 = arith.constant 80 : i32
      %mul3A_694 = arith.muli %add3A_688, %mul3A_693 : i32
      %add3A_695 = arith.constant 0 : i32
      %add3A_696 = arith.addi %mul3A_694, %add3A_695 : i32
      %get3A_697 = arith.index_cast %add3A_696 : i32 to index
      %get3A_698 = tpu.vector_load %arg8[%get3A_697] {strides = array<i32>} : memref<20000xi32, #tpu.memory_space<vmem>>, vector<16xi32>,
      tpu.vector_store_idx %arg34[%get3A_698], %broadcast_in_dim3A_18 {add = true} : memref<10000xf32, #tpu.memory_space<vmem>>[vector<16xi32>], vector<16xf32>,
      %mul3A_699 = arith.constant 80 : i32
      %mul3A_700 = arith.muli %add3A_688, %mul3A_699 : i32
      %add3A_701 = arith.constant 16 : i32
      %add3A_702 = arith.addi %mul3A_700, %add3A_701 : i32
      %get3A_703 = arith.index_cast %add3A_702 : i32 to index
      %get3A_704 = tpu.vector_load %arg8[%get3A_703] {strides = array<i32>} : memref<20000xi32, #tpu.memory_space<vmem>>, vector<16xi32>,
      tpu.vector_store_idx %arg34[%get3A_704], %broadcast_in_dim3A_18 {add = true} : memref<10000xf32, #tpu.memory_space<vmem>>[vector<16xi32>], vector<16xf32>,
      %mul3A_705 = arith.constant 80 : i32
      %mul3A_706 = arith.muli %add3A_688, %mul3A_705 : i32
      %add3A_707 = arith.constant 32 : i32
      %add3A_708 = arith.addi %mul3A_706, %add3A_707 : i32
      %get3A_709 = arith.index_cast %add3A_708 : i32 to index
      %get3A_710 = tpu.vector_load %arg8[%get3A_709] {strides = array<i32>} : memref<20000xi32, #tpu.memory_space<vmem>>, vector<16xi32>,
      tpu.vector_store_idx %arg34[%get3A_710], %broadcast_in_dim3A_18 {add = true} : memref<10000xf32, #tpu.memory_space<vmem>>[vector<16xi32>], vector<16xf32>,
      %mul3A_711 = arith.constant 80 : i32
      %mul3A_712 = arith.muli %add3A_688, %mul3A_711 : i32
      %add3A_713 = arith.constant 48 : i32
      %add3A_714 = arith.addi %mul3A_712, %add3A_713 : i32
      %get3A_715 = arith.index_cast %add3A_714 : i32 to index
      %get3A_716 = tpu.vector_load %arg8[%get3A_715] {strides = array<i32>} : memref<20000xi32, #tpu.memory_space<vmem>>, vector<16xi32>,
      tpu.vector_store_idx %arg34[%get3A_716], %broadcast_in_dim3A_18 {add = true} : memref<10000xf32, #tpu.memory_space<vmem>>[vector<16xi32>], vector<16xf32>,
      %mul3A_717 = arith.constant 80 : i32
      %mul3A_718 = arith.muli %add3A_688, %mul3A_717 : i32
      %add3A_719 = arith.constant 64 : i32
      %add3A_720 = arith.addi %mul3A_718, %add3A_719 : i32
      %get3A_721 = arith.index_cast %add3A_720 : i32 to index
      %get3A_722 = tpu.vector_load %arg8[%get3A_721] {strides = array<i32>} : memref<20000xi32, #tpu.memory_space<vmem>>, vector<16xi32>,
      tpu.vector_store_idx %arg34[%get3A_722], %broadcast_in_dim3A_18 {add = true} : memref<10000xf32, #tpu.memory_space<vmem>>[vector<16xi32>], vector<16xf32>,
      %add3A_723 = arith.constant 6 : i32
      %add3A_724 = arith.addi %add3A_688, %add3A_723 : i32
      %lt3A_725 = arith.constant 250 : i32
      %lt3A_726 = arith.cmpi slt, %add3A_724, %lt3A_725 : i32
      %convert_element_type3A_727 = arith.extui %lt3A_726 : i1 to i32
      %cond3A_728 = arith.constant 0 : i32
      %cond3A_729 = arith.cmpi ne, %convert_element_type3A_727, %cond3A_728 : i32
      scf.if %cond3A_729 {
        %add3A_816 = arith.constant 6 : i32
        %add3A_817 = arith.addi %add3A_688, %add3A_816 : i32
        %mul3A_818 = arith.constant 80 : i32
        %mul3A_819 = arith.muli %add3A_817, %mul3A_818 : i32
        %add3A_820 = arith.constant 0 : i32
        %add3A_821 = arith.addi %mul3A_819, %add3A_820 : i32
        %get3A_822 = arith.index_cast %add3A_821 : i32 to index
        %get3A_823 = tpu.vector_load %arg7[%get3A_822] {strides = array<i32>} : memref<20000xi32, #tpu.memory_space<vmem>>, vector<16xi32>,
        %mul3A_824 = arith.constant 2 : i32
        %mul3A_825 = vector.broadcast %mul3A_824 : i32 to vector<16xi32>
        %mul3A_826 = arith.muli %get3A_823, %mul3A_825 : vector<16xi32>
        %add3A_827 = vector.broadcast %arg0 : i32 to vector<16xi32>
        %add3A_828 = arith.addi %mul3A_826, %add3A_827 : vector<16xi32>
        %swap3A_829 = arith.constant 0 : index
        %swap3A_830 = tpu.vector_load %arg18[%swap3A_829] {strides = array<i32>} : memref<80xi32, #tpu.memory_space<vmem>>, vector<16xi32>,
        tpu.vector_store %arg18[%swap3A_829], %add3A_828 {strides = array<i32>} : memref<80xi32, #tpu.memory_space<vmem>>, vector<16xi32>,
        %mul3A_831 = arith.constant 80 : i32
        %mul3A_832 = arith.muli %add3A_817, %mul3A_831 : i32
        %add3A_833 = arith.constant 0 : i32
        %add3A_834 = arith.addi %mul3A_832, %add3A_833 : i32
        %get3A_835 = arith.index_cast %add3A_834 : i32 to index
        %get3A_836 = tpu.vector_load %arg8[%get3A_835] {strides = array<i32>} : memref<20000xi32, #tpu.memory_space<vmem>>, vector<16xi32>,
        %swap3A_837 = arith.constant 0 : i32
        %swap3A_838 = arith.index_cast %swap3A_837 : i32 to index
        %swap3A_839 = arith.constant 0 : index
        %swap3A_840 = tpu.vector_load %arg24[%swap3A_838, %swap3A_839] {strides = array<i32>} : memref<1x80xi32, #tpu.memory_space<vmem>>, vector<16xi32>,
        tpu.vector_store %arg24[%swap3A_838, %swap3A_839], %get3A_836 {strides = array<i32>} : memref<1x80xi32, #tpu.memory_space<vmem>>, vector<16xi32>,
        %mul3A_841 = arith.constant 80 : i32
        %mul3A_842 = arith.muli %add3A_817, %mul3A_841 : i32
        %add3A_843 = arith.constant 16 : i32
        %add3A_844 = arith.addi %mul3A_842, %add3A_843 : i32
        %get3A_845 = arith.index_cast %add3A_844 : i32 to index
        %get3A_846 = tpu.vector_load %arg7[%get3A_845] {strides = array<i32>} : memref<20000xi32, #tpu.memory_space<vmem>>, vector<16xi32>,
        %mul3A_847 = arith.constant 2 : i32
        %mul3A_848 = vector.broadcast %mul3A_847 : i32 to vector<16xi32>
        %mul3A_849 = arith.muli %get3A_846, %mul3A_848 : vector<16xi32>
        %add3A_850 = vector.broadcast %arg0 : i32 to vector<16xi32>
        %add3A_851 = arith.addi %mul3A_849, %add3A_850 : vector<16xi32>
        %swap3A_852 = arith.constant 16 : index
        %swap3A_853 = tpu.vector_load %arg18[%swap3A_852] {strides = array<i32>} : memref<80xi32, #tpu.memory_space<vmem>>, vector<16xi32>,
        tpu.vector_store %arg18[%swap3A_852], %add3A_851 {strides = array<i32>} : memref<80xi32, #tpu.memory_space<vmem>>, vector<16xi32>,
        %mul3A_854 = arith.constant 80 : i32
        %mul3A_855 = arith.muli %add3A_817, %mul3A_854 : i32
        %add3A_856 = arith.constant 16 : i32
        %add3A_857 = arith.addi %mul3A_855, %add3A_856 : i32
        %get3A_858 = arith.index_cast %add3A_857 : i32 to index
        %get3A_859 = tpu.vector_load %arg8[%get3A_858] {strides = array<i32>} : memref<20000xi32, #tpu.memory_space<vmem>>, vector<16xi32>,
        %swap3A_860 = arith.constant 0 : i32
        %swap3A_861 = arith.index_cast %swap3A_860 : i32 to index
        %swap3A_862 = arith.constant 16 : index
        %swap3A_863 = tpu.vector_load %arg24[%swap3A_861, %swap3A_862] {strides = array<i32>} : memref<1x80xi32, #tpu.memory_space<vmem>>, vector<16xi32>,
        tpu.vector_store %arg24[%swap3A_861, %swap3A_862], %get3A_859 {strides = array<i32>} : memref<1x80xi32, #tpu.memory_space<vmem>>, vector<16xi32>,
        %mul3A_864 = arith.constant 80 : i32
        %mul3A_865 = arith.muli %add3A_817, %mul3A_864 : i32
        %add3A_866 = arith.constant 32 : i32
        %add3A_867 = arith.addi %mul3A_865, %add3A_866 : i32
        %get3A_868 = arith.index_cast %add3A_867 : i32 to index
        %get3A_869 = tpu.vector_load %arg7[%get3A_868] {strides = array<i32>} : memref<20000xi32, #tpu.memory_space<vmem>>, vector<16xi32>,
        %mul3A_870 = arith.constant 2 : i32
        %mul3A_871 = vector.broadcast %mul3A_870 : i32 to vector<16xi32>
        %mul3A_872 = arith.muli %get3A_869, %mul3A_871 : vector<16xi32>
        %add3A_873 = vector.broadcast %arg0 : i32 to vector<16xi32>
        %add3A_874 = arith.addi %mul3A_872, %add3A_873 : vector<16xi32>
        %swap3A_875 = arith.constant 32 : index
        %swap3A_876 = tpu.vector_load %arg18[%swap3A_875] {strides = array<i32>} : memref<80xi32, #tpu.memory_space<vmem>>, vector<16xi32>,
        tpu.vector_store %arg18[%swap3A_875], %add3A_874 {strides = array<i32>} : memref<80xi32, #tpu.memory_space<vmem>>, vector<16xi32>,
        %mul3A_877 = arith.constant 80 : i32
        %mul3A_878 = arith.muli %add3A_817, %mul3A_877 : i32
        %add3A_879 = arith.constant 32 : i32
        %add3A_880 = arith.addi %mul3A_878, %add3A_879 : i32
        %get3A_881 = arith.index_cast %add3A_880 : i32 to index
        %get3A_882 = tpu.vector_load %arg8[%get3A_881] {strides = array<i32>} : memref<20000xi32, #tpu.memory_space<vmem>>, vector<16xi32>,
        %swap3A_883 = arith.constant 0 : i32
        %swap3A_884 = arith.index_cast %swap3A_883 : i32 to index
        %swap3A_885 = arith.constant 32 : index
        %swap3A_886 = tpu.vector_load %arg24[%swap3A_884, %swap3A_885] {strides = array<i32>} : memref<1x80xi32, #tpu.memory_space<vmem>>, vector<16xi32>,
        tpu.vector_store %arg24[%swap3A_884, %swap3A_885], %get3A_882 {strides = array<i32>} : memref<1x80xi32, #tpu.memory_space<vmem>>, vector<16xi32>,
        %mul3A_887 = arith.constant 80 : i32
        %mul3A_888 = arith.muli %add3A_817, %mul3A_887 : i32
        %add3A_889 = arith.constant 48 : i32
        %add3A_890 = arith.addi %mul3A_888, %add3A_889 : i32
        %get3A_891 = arith.index_cast %add3A_890 : i32 to index
        %get3A_892 = tpu.vector_load %arg7[%get3A_891] {strides = array<i32>} : memref<20000xi32, #tpu.memory_space<vmem>>, vector<16xi32>,
        %mul3A_893 = arith.constant 2 : i32
        %mul3A_894 = vector.broadcast %mul3A_893 : i32 to vector<16xi32>
        %mul3A_895 = arith.muli %get3A_892, %mul3A_894 : vector<16xi32>
        %add3A_896 = vector.broadcast %arg0 : i32 to vector<16xi32>
        %add3A_897 = arith.addi %mul3A_895, %add3A_896 : vector<16xi32>
        %swap3A_898 = arith.constant 48 : index
        %swap3A_899 = tpu.vector_load %arg18[%swap3A_898] {strides = array<i32>} : memref<80xi32, #tpu.memory_space<vmem>>, vector<16xi32>,
        tpu.vector_store %arg18[%swap3A_898], %add3A_897 {strides = array<i32>} : memref<80xi32, #tpu.memory_space<vmem>>, vector<16xi32>,
        %mul3A_900 = arith.constant 80 : i32
        %mul3A_901 = arith.muli %add3A_817, %mul3A_900 : i32
        %add3A_902 = arith.constant 48 : i32
        %add3A_903 = arith.addi %mul3A_901, %add3A_902 : i32
        %get3A_904 = arith.index_cast %add3A_903 : i32 to index
        %get3A_905 = tpu.vector_load %arg8[%get3A_904] {strides = array<i32>} : memref<20000xi32, #tpu.memory_space<vmem>>, vector<16xi32>,
        %swap3A_906 = arith.constant 0 : i32
        %swap3A_907 = arith.index_cast %swap3A_906 : i32 to index
        %swap3A_908 = arith.constant 48 : index
        %swap3A_909 = tpu.vector_load %arg24[%swap3A_907, %swap3A_908] {strides = array<i32>} : memref<1x80xi32, #tpu.memory_space<vmem>>, vector<16xi32>,
        tpu.vector_store %arg24[%swap3A_907, %swap3A_908], %get3A_905 {strides = array<i32>} : memref<1x80xi32, #tpu.memory_space<vmem>>, vector<16xi32>,
        %mul3A_910 = arith.constant 80 : i32
        %mul3A_911 = arith.muli %add3A_817, %mul3A_910 : i32
        %add3A_912 = arith.constant 64 : i32
        %add3A_913 = arith.addi %mul3A_911, %add3A_912 : i32
        %get3A_914 = arith.index_cast %add3A_913 : i32 to index
        %get3A_915 = tpu.vector_load %arg7[%get3A_914] {strides = array<i32>} : memref<20000xi32, #tpu.memory_space<vmem>>, vector<16xi32>,
        %mul3A_916 = arith.constant 2 : i32
        %mul3A_917 = vector.broadcast %mul3A_916 : i32 to vector<16xi32>
        %mul3A_918 = arith.muli %get3A_915, %mul3A_917 : vector<16xi32>
        %add3A_919 = vector.broadcast %arg0 : i32 to vector<16xi32>
        %add3A_920 = arith.addi %mul3A_918, %add3A_919 : vector<16xi32>
        %swap3A_921 = arith.constant 64 : index
        %swap3A_922 = tpu.vector_load %arg18[%swap3A_921] {strides = array<i32>} : memref<80xi32, #tpu.memory_space<vmem>>, vector<16xi32>,
        tpu.vector_store %arg18[%swap3A_921], %add3A_920 {strides = array<i32>} : memref<80xi32, #tpu.memory_space<vmem>>, vector<16xi32>,
        %mul3A_923 = arith.constant 80 : i32
        %mul3A_924 = arith.muli %add3A_817, %mul3A_923 : i32
        %add3A_925 = arith.constant 64 : i32
        %add3A_926 = arith.addi %mul3A_924, %add3A_925 : i32
        %get3A_927 = arith.index_cast %add3A_926 : i32 to index
        %get3A_928 = tpu.vector_load %arg8[%get3A_927] {strides = array<i32>} : memref<20000xi32, #tpu.memory_space<vmem>>, vector<16xi32>,
        %swap3A_929 = arith.constant 0 : i32
        %swap3A_930 = arith.index_cast %swap3A_929 : i32 to index
        %swap3A_931 = arith.constant 64 : index
        %swap3A_932 = tpu.vector_load %arg24[%swap3A_930, %swap3A_931] {strides = array<i32>} : memref<1x80xi32, #tpu.memory_space<vmem>>, vector<16xi32>,
        tpu.vector_store %arg24[%swap3A_930, %swap3A_931], %get3A_928 {strides = array<i32>} : memref<1x80xi32, #tpu.memory_space<vmem>>, vector<16xi32>,
        %dma_start3A_933 = arith.constant 0 : i32
        %dma_start3A_934 = arith.constant 0 : i32
        %dma_start3A_935 = tpu.memref_slice %arg2[%dma_start3A_933, %dma_start3A_934] : memref<20000x64xf32, #tpu.memory_space<hbm>> -> memref<20000x64xf32, #tpu.memory_space<hbm>>
        tpu.enqueue_indirect_dma source(%dma_start3A_935 : memref<20000x64xf32, #tpu.memory_space<hbm>>) target(%arg12 : memref<80x64xf32, #tpu.memory_space<vmem>>) offsets(%arg18 : memref<80xi32, #tpu.memory_space<vmem>>) semaphore(%arg31 : memref<!tpu.dma_semaphore, #tpu.memory_space<semaphore_mem>>)
      } else {
      }
      %add3A_730 = arith.constant 4 : i32
      %add3A_731 = arith.addi %mul3A_557, %add3A_730 : i32
      %dma_wait3A_732 = arith.constant 0 : i32
      %dma_wait3A_733 = arith.constant 0 : i32
      %dma_wait3A_734 = tpu.memref_slice %arg2[%dma_wait3A_732, %dma_wait3A_733] : memref<20000x64xf32, #tpu.memory_space<hbm>> -> memref<20000x64xf32, #tpu.memory_space<hbm>>
      tpu.wait_indirect_dma semaphore(%arg32 : memref<!tpu.dma_semaphore, #tpu.memory_space<semaphore_mem>>) src(%dma_wait3A_734 : memref<20000x64xf32, #tpu.memory_space<hbm>>) dst(%arg13 : memref<80x64xf32, #tpu.memory_space<vmem>>)
      %run_scoped3A_735 = arith.constant 0 : i32
      "tpu.region"() ({
        %run_scoped3A_816 = tpu.sem_alloc : memref<!tpu.dma_semaphore, #tpu.memory_space<semaphore_mem>>
        %dma_start3A_817 = arith.constant 0 : i32
        %dma_start3A_818 = tpu.memref_slice %arg25[%run_scoped3A_735, %dma_start3A_817] : memref<1x80xi32, #tpu.memory_space<vmem>> -> memref<1x80xi32, #tpu.memory_space<vmem>>
        %dma_start3A_819 = tpu.memref_squeeze %dma_start3A_818 : memref<1x80xi32, #tpu.memory_space<vmem>> -> memref<80xi32, #tpu.memory_space<vmem>>
        %dma_start3A_820 = arith.constant 0 : i32
        %dma_start3A_821 = arith.constant 0 : i32
        %dma_start3A_822 = tpu.memref_slice %arg27[%dma_start3A_820, %dma_start3A_821] : memref<10000x64xf32, #tpu.memory_space<vmem_shared>> -> memref<10000x64xf32, #tpu.memory_space<vmem_shared>>
        tpu.enqueue_indirect_dma source(%arg13 : memref<80x64xf32, #tpu.memory_space<vmem>>) target(%dma_start3A_822 : memref<10000x64xf32, #tpu.memory_space<vmem_shared>>) offsets(%dma_start3A_819 : memref<80xi32, #tpu.memory_space<vmem>>) semaphore(%run_scoped3A_816 : memref<!tpu.dma_semaphore, #tpu.memory_space<semaphore_mem>>) {add = true}
        %dma_wait3A_823 = arith.constant 0 : i32
        %dma_wait3A_824 = tpu.memref_slice %arg25[%run_scoped3A_735, %dma_wait3A_823] : memref<1x80xi32, #tpu.memory_space<vmem>> -> memref<1x80xi32, #tpu.memory_space<vmem>>
        %dma_wait3A_825 = tpu.memref_squeeze %dma_wait3A_824 : memref<1x80xi32, #tpu.memory_space<vmem>> -> memref<80xi32, #tpu.memory_space<vmem>>
        %dma_wait3A_826 = arith.constant 0 : i32
        %dma_wait3A_827 = arith.constant 0 : i32
        %dma_wait3A_828 = tpu.memref_slice %arg27[%dma_wait3A_826, %dma_wait3A_827] : memref<10000x64xf32, #tpu.memory_space<vmem_shared>> -> memref<10000x64xf32, #tpu.memory_space<vmem_shared>>
        tpu.wait_indirect_dma semaphore(%run_scoped3A_816 : memref<!tpu.dma_semaphore, #tpu.memory_space<semaphore_mem>>) src(%arg13 : memref<80x64xf32, #tpu.memory_space<vmem>>) dst(%dma_wait3A_828 : memref<10000x64xf32, #tpu.memory_space<vmem_shared>>)
        tpu.yield
      }) : () -> ()
      %mul3A_736 = arith.constant 80 : i32
      %mul3A_737 = arith.muli %add3A_731, %mul3A_736 : i32
      %add3A_738 = arith.constant 0 : i32
      %add3A_739 = arith.addi %mul3A_737, %add3A_738 : i32
      %get3A_740 = arith.index_cast %add3A_739 : i32 to index
      %get3A_741 = tpu.vector_load %arg8[%get3A_740] {strides = array<i32>} : memref<20000xi32, #tpu.memory_space<vmem>>, vector<16xi32>,
      tpu.vector_store_idx %arg34[%get3A_741], %broadcast_in_dim3A_18 {add = true} : memref<10000xf32, #tpu.memory_space<vmem>>[vector<16xi32>], vector<16xf32>,
      %mul3A_742 = arith.constant 80 : i32
      %mul3A_743 = arith.muli %add3A_731, %mul3A_742 : i32
      %add3A_744 = arith.constant 16 : i32
      %add3A_745 = arith.addi %mul3A_743, %add3A_744 : i32
      %get3A_746 = arith.index_cast %add3A_745 : i32 to index
      %get3A_747 = tpu.vector_load %arg8[%get3A_746] {strides = array<i32>} : memref<20000xi32, #tpu.memory_space<vmem>>, vector<16xi32>,
      tpu.vector_store_idx %arg34[%get3A_747], %broadcast_in_dim3A_18 {add = true} : memref<10000xf32, #tpu.memory_space<vmem>>[vector<16xi32>], vector<16xf32>,
      %mul3A_748 = arith.constant 80 : i32
      %mul3A_749 = arith.muli %add3A_731, %mul3A_748 : i32
      %add3A_750 = arith.constant 32 : i32
      %add3A_751 = arith.addi %mul3A_749, %add3A_750 : i32
      %get3A_752 = arith.index_cast %add3A_751 : i32 to index
      %get3A_753 = tpu.vector_load %arg8[%get3A_752] {strides = array<i32>} : memref<20000xi32, #tpu.memory_space<vmem>>, vector<16xi32>,
      tpu.vector_store_idx %arg34[%get3A_753], %broadcast_in_dim3A_18 {add = true} : memref<10000xf32, #tpu.memory_space<vmem>>[vector<16xi32>], vector<16xf32>,
      %mul3A_754 = arith.constant 80 : i32
      %mul3A_755 = arith.muli %add3A_731, %mul3A_754 : i32
      %add3A_756 = arith.constant 48 : i32
      %add3A_757 = arith.addi %mul3A_755, %add3A_756 : i32
      %get3A_758 = arith.index_cast %add3A_757 : i32 to index
      %get3A_759 = tpu.vector_load %arg8[%get3A_758] {strides = array<i32>} : memref<20000xi32, #tpu.memory_space<vmem>>, vector<16xi32>,
      tpu.vector_store_idx %arg34[%get3A_759], %broadcast_in_dim3A_18 {add = true} : memref<10000xf32, #tpu.memory_space<vmem>>[vector<16xi32>], vector<16xf32>,
      %mul3A_760 = arith.constant 80 : i32
      %mul3A_761 = arith.muli %add3A_731, %mul3A_760 : i32
      %add3A_762 = arith.constant 64 : i32
      %add3A_763 = arith.addi %mul3A_761, %add3A_762 : i32
      %get3A_764 = arith.index_cast %add3A_763 : i32 to index
      %get3A_765 = tpu.vector_load %arg8[%get3A_764] {strides = array<i32>} : memref<20000xi32, #tpu.memory_space<vmem>>, vector<16xi32>,
      tpu.vector_store_idx %arg34[%get3A_765], %broadcast_in_dim3A_18 {add = true} : memref<10000xf32, #tpu.memory_space<vmem>>[vector<16xi32>], vector<16xf32>,
      %add3A_766 = arith.constant 6 : i32
      %add3A_767 = arith.addi %add3A_731, %add3A_766 : i32
      %lt3A_768 = arith.constant 250 : i32
      %lt3A_769 = arith.cmpi slt, %add3A_767, %lt3A_768 : i32
      %convert_element_type3A_770 = arith.extui %lt3A_769 : i1 to i32
      %cond3A_771 = arith.constant 0 : i32
      %cond3A_772 = arith.cmpi ne, %convert_element_type3A_770, %cond3A_771 : i32
      scf.if %cond3A_772 {
        %add3A_816 = arith.constant 6 : i32
        %add3A_817 = arith.addi %add3A_731, %add3A_816 : i32
        %mul3A_818 = arith.constant 80 : i32
        %mul3A_819 = arith.muli %add3A_817, %mul3A_818 : i32
        %add3A_820 = arith.constant 0 : i32
        %add3A_821 = arith.addi %mul3A_819, %add3A_820 : i32
        %get3A_822 = arith.index_cast %add3A_821 : i32 to index
        %get3A_823 = tpu.vector_load %arg7[%get3A_822] {strides = array<i32>} : memref<20000xi32, #tpu.memory_space<vmem>>, vector<16xi32>,
        %mul3A_824 = arith.constant 2 : i32
        %mul3A_825 = vector.broadcast %mul3A_824 : i32 to vector<16xi32>
        %mul3A_826 = arith.muli %get3A_823, %mul3A_825 : vector<16xi32>
        %add3A_827 = vector.broadcast %arg0 : i32 to vector<16xi32>
        %add3A_828 = arith.addi %mul3A_826, %add3A_827 : vector<16xi32>
        %swap3A_829 = arith.constant 0 : index
        %swap3A_830 = tpu.vector_load %arg19[%swap3A_829] {strides = array<i32>} : memref<80xi32, #tpu.memory_space<vmem>>, vector<16xi32>,
        tpu.vector_store %arg19[%swap3A_829], %add3A_828 {strides = array<i32>} : memref<80xi32, #tpu.memory_space<vmem>>, vector<16xi32>,
        %mul3A_831 = arith.constant 80 : i32
        %mul3A_832 = arith.muli %add3A_817, %mul3A_831 : i32
        %add3A_833 = arith.constant 0 : i32
        %add3A_834 = arith.addi %mul3A_832, %add3A_833 : i32
        %get3A_835 = arith.index_cast %add3A_834 : i32 to index
        %get3A_836 = tpu.vector_load %arg8[%get3A_835] {strides = array<i32>} : memref<20000xi32, #tpu.memory_space<vmem>>, vector<16xi32>,
        %swap3A_837 = arith.constant 0 : i32
        %swap3A_838 = arith.index_cast %swap3A_837 : i32 to index
        %swap3A_839 = arith.constant 0 : index
        %swap3A_840 = tpu.vector_load %arg25[%swap3A_838, %swap3A_839] {strides = array<i32>} : memref<1x80xi32, #tpu.memory_space<vmem>>, vector<16xi32>,
        tpu.vector_store %arg25[%swap3A_838, %swap3A_839], %get3A_836 {strides = array<i32>} : memref<1x80xi32, #tpu.memory_space<vmem>>, vector<16xi32>,
        %mul3A_841 = arith.constant 80 : i32
        %mul3A_842 = arith.muli %add3A_817, %mul3A_841 : i32
        %add3A_843 = arith.constant 16 : i32
        %add3A_844 = arith.addi %mul3A_842, %add3A_843 : i32
        %get3A_845 = arith.index_cast %add3A_844 : i32 to index
        %get3A_846 = tpu.vector_load %arg7[%get3A_845] {strides = array<i32>} : memref<20000xi32, #tpu.memory_space<vmem>>, vector<16xi32>,
        %mul3A_847 = arith.constant 2 : i32
        %mul3A_848 = vector.broadcast %mul3A_847 : i32 to vector<16xi32>
        %mul3A_849 = arith.muli %get3A_846, %mul3A_848 : vector<16xi32>
        %add3A_850 = vector.broadcast %arg0 : i32 to vector<16xi32>
        %add3A_851 = arith.addi %mul3A_849, %add3A_850 : vector<16xi32>
        %swap3A_852 = arith.constant 16 : index
        %swap3A_853 = tpu.vector_load %arg19[%swap3A_852] {strides = array<i32>} : memref<80xi32, #tpu.memory_space<vmem>>, vector<16xi32>,
        tpu.vector_store %arg19[%swap3A_852], %add3A_851 {strides = array<i32>} : memref<80xi32, #tpu.memory_space<vmem>>, vector<16xi32>,
        %mul3A_854 = arith.constant 80 : i32
        %mul3A_855 = arith.muli %add3A_817, %mul3A_854 : i32
        %add3A_856 = arith.constant 16 : i32
        %add3A_857 = arith.addi %mul3A_855, %add3A_856 : i32
        %get3A_858 = arith.index_cast %add3A_857 : i32 to index
        %get3A_859 = tpu.vector_load %arg8[%get3A_858] {strides = array<i32>} : memref<20000xi32, #tpu.memory_space<vmem>>, vector<16xi32>,
        %swap3A_860 = arith.constant 0 : i32
        %swap3A_861 = arith.index_cast %swap3A_860 : i32 to index
        %swap3A_862 = arith.constant 16 : index
        %swap3A_863 = tpu.vector_load %arg25[%swap3A_861, %swap3A_862] {strides = array<i32>} : memref<1x80xi32, #tpu.memory_space<vmem>>, vector<16xi32>,
        tpu.vector_store %arg25[%swap3A_861, %swap3A_862], %get3A_859 {strides = array<i32>} : memref<1x80xi32, #tpu.memory_space<vmem>>, vector<16xi32>,
        %mul3A_864 = arith.constant 80 : i32
        %mul3A_865 = arith.muli %add3A_817, %mul3A_864 : i32
        %add3A_866 = arith.constant 32 : i32
        %add3A_867 = arith.addi %mul3A_865, %add3A_866 : i32
        %get3A_868 = arith.index_cast %add3A_867 : i32 to index
        %get3A_869 = tpu.vector_load %arg7[%get3A_868] {strides = array<i32>} : memref<20000xi32, #tpu.memory_space<vmem>>, vector<16xi32>,
        %mul3A_870 = arith.constant 2 : i32
        %mul3A_871 = vector.broadcast %mul3A_870 : i32 to vector<16xi32>
        %mul3A_872 = arith.muli %get3A_869, %mul3A_871 : vector<16xi32>
        %add3A_873 = vector.broadcast %arg0 : i32 to vector<16xi32>
        %add3A_874 = arith.addi %mul3A_872, %add3A_873 : vector<16xi32>
        %swap3A_875 = arith.constant 32 : index
        %swap3A_876 = tpu.vector_load %arg19[%swap3A_875] {strides = array<i32>} : memref<80xi32, #tpu.memory_space<vmem>>, vector<16xi32>,
        tpu.vector_store %arg19[%swap3A_875], %add3A_874 {strides = array<i32>} : memref<80xi32, #tpu.memory_space<vmem>>, vector<16xi32>,
        %mul3A_877 = arith.constant 80 : i32
        %mul3A_878 = arith.muli %add3A_817, %mul3A_877 : i32
        %add3A_879 = arith.constant 32 : i32
        %add3A_880 = arith.addi %mul3A_878, %add3A_879 : i32
        %get3A_881 = arith.index_cast %add3A_880 : i32 to index
        %get3A_882 = tpu.vector_load %arg8[%get3A_881] {strides = array<i32>} : memref<20000xi32, #tpu.memory_space<vmem>>, vector<16xi32>,
        %swap3A_883 = arith.constant 0 : i32
        %swap3A_884 = arith.index_cast %swap3A_883 : i32 to index
        %swap3A_885 = arith.constant 32 : index
        %swap3A_886 = tpu.vector_load %arg25[%swap3A_884, %swap3A_885] {strides = array<i32>} : memref<1x80xi32, #tpu.memory_space<vmem>>, vector<16xi32>,
        tpu.vector_store %arg25[%swap3A_884, %swap3A_885], %get3A_882 {strides = array<i32>} : memref<1x80xi32, #tpu.memory_space<vmem>>, vector<16xi32>,
        %mul3A_887 = arith.constant 80 : i32
        %mul3A_888 = arith.muli %add3A_817, %mul3A_887 : i32
        %add3A_889 = arith.constant 48 : i32
        %add3A_890 = arith.addi %mul3A_888, %add3A_889 : i32
        %get3A_891 = arith.index_cast %add3A_890 : i32 to index
        %get3A_892 = tpu.vector_load %arg7[%get3A_891] {strides = array<i32>} : memref<20000xi32, #tpu.memory_space<vmem>>, vector<16xi32>,
        %mul3A_893 = arith.constant 2 : i32
        %mul3A_894 = vector.broadcast %mul3A_893 : i32 to vector<16xi32>
        %mul3A_895 = arith.muli %get3A_892, %mul3A_894 : vector<16xi32>
        %add3A_896 = vector.broadcast %arg0 : i32 to vector<16xi32>
        %add3A_897 = arith.addi %mul3A_895, %add3A_896 : vector<16xi32>
        %swap3A_898 = arith.constant 48 : index
        %swap3A_899 = tpu.vector_load %arg19[%swap3A_898] {strides = array<i32>} : memref<80xi32, #tpu.memory_space<vmem>>, vector<16xi32>,
        tpu.vector_store %arg19[%swap3A_898], %add3A_897 {strides = array<i32>} : memref<80xi32, #tpu.memory_space<vmem>>, vector<16xi32>,
        %mul3A_900 = arith.constant 80 : i32
        %mul3A_901 = arith.muli %add3A_817, %mul3A_900 : i32
        %add3A_902 = arith.constant 48 : i32
        %add3A_903 = arith.addi %mul3A_901, %add3A_902 : i32
        %get3A_904 = arith.index_cast %add3A_903 : i32 to index
        %get3A_905 = tpu.vector_load %arg8[%get3A_904] {strides = array<i32>} : memref<20000xi32, #tpu.memory_space<vmem>>, vector<16xi32>,
        %swap3A_906 = arith.constant 0 : i32
        %swap3A_907 = arith.index_cast %swap3A_906 : i32 to index
        %swap3A_908 = arith.constant 48 : index
        %swap3A_909 = tpu.vector_load %arg25[%swap3A_907, %swap3A_908] {strides = array<i32>} : memref<1x80xi32, #tpu.memory_space<vmem>>, vector<16xi32>,
        tpu.vector_store %arg25[%swap3A_907, %swap3A_908], %get3A_905 {strides = array<i32>} : memref<1x80xi32, #tpu.memory_space<vmem>>, vector<16xi32>,
        %mul3A_910 = arith.constant 80 : i32
        %mul3A_911 = arith.muli %add3A_817, %mul3A_910 : i32
        %add3A_912 = arith.constant 64 : i32
        %add3A_913 = arith.addi %mul3A_911, %add3A_912 : i32
        %get3A_914 = arith.index_cast %add3A_913 : i32 to index
        %get3A_915 = tpu.vector_load %arg7[%get3A_914] {strides = array<i32>} : memref<20000xi32, #tpu.memory_space<vmem>>, vector<16xi32>,
        %mul3A_916 = arith.constant 2 : i32
        %mul3A_917 = vector.broadcast %mul3A_916 : i32 to vector<16xi32>
        %mul3A_918 = arith.muli %get3A_915, %mul3A_917 : vector<16xi32>
        %add3A_919 = vector.broadcast %arg0 : i32 to vector<16xi32>
        %add3A_920 = arith.addi %mul3A_918, %add3A_919 : vector<16xi32>
        %swap3A_921 = arith.constant 64 : index
        %swap3A_922 = tpu.vector_load %arg19[%swap3A_921] {strides = array<i32>} : memref<80xi32, #tpu.memory_space<vmem>>, vector<16xi32>,
        tpu.vector_store %arg19[%swap3A_921], %add3A_920 {strides = array<i32>} : memref<80xi32, #tpu.memory_space<vmem>>, vector<16xi32>,
        %mul3A_923 = arith.constant 80 : i32
        %mul3A_924 = arith.muli %add3A_817, %mul3A_923 : i32
        %add3A_925 = arith.constant 64 : i32
        %add3A_926 = arith.addi %mul3A_924, %add3A_925 : i32
        %get3A_927 = arith.index_cast %add3A_926 : i32 to index
        %get3A_928 = tpu.vector_load %arg8[%get3A_927] {strides = array<i32>} : memref<20000xi32, #tpu.memory_space<vmem>>, vector<16xi32>,
        %swap3A_929 = arith.constant 0 : i32
        %swap3A_930 = arith.index_cast %swap3A_929 : i32 to index
        %swap3A_931 = arith.constant 64 : index
        %swap3A_932 = tpu.vector_load %arg25[%swap3A_930, %swap3A_931] {strides = array<i32>} : memref<1x80xi32, #tpu.memory_space<vmem>>, vector<16xi32>,
        tpu.vector_store %arg25[%swap3A_930, %swap3A_931], %get3A_928 {strides = array<i32>} : memref<1x80xi32, #tpu.memory_space<vmem>>, vector<16xi32>,
        %dma_start3A_933 = arith.constant 0 : i32
        %dma_start3A_934 = arith.constant 0 : i32
        %dma_start3A_935 = tpu.memref_slice %arg2[%dma_start3A_933, %dma_start3A_934] : memref<20000x64xf32, #tpu.memory_space<hbm>> -> memref<20000x64xf32, #tpu.memory_space<hbm>>
        tpu.enqueue_indirect_dma source(%dma_start3A_935 : memref<20000x64xf32, #tpu.memory_space<hbm>>) target(%arg13 : memref<80x64xf32, #tpu.memory_space<vmem>>) offsets(%arg19 : memref<80xi32, #tpu.memory_space<vmem>>) semaphore(%arg32 : memref<!tpu.dma_semaphore, #tpu.memory_space<semaphore_mem>>)
      } else {
      }
      %add3A_773 = arith.constant 5 : i32
      %add3A_774 = arith.addi %mul3A_557, %add3A_773 : i32
      %dma_wait3A_775 = arith.constant 0 : i32
      %dma_wait3A_776 = arith.constant 0 : i32
      %dma_wait3A_777 = tpu.memref_slice %arg2[%dma_wait3A_775, %dma_wait3A_776] : memref<20000x64xf32, #tpu.memory_space<hbm>> -> memref<20000x64xf32, #tpu.memory_space<hbm>>
      tpu.wait_indirect_dma semaphore(%arg33 : memref<!tpu.dma_semaphore, #tpu.memory_space<semaphore_mem>>) src(%dma_wait3A_777 : memref<20000x64xf32, #tpu.memory_space<hbm>>) dst(%arg14 : memref<80x64xf32, #tpu.memory_space<vmem>>)
      %run_scoped3A_778 = arith.constant 0 : i32
      "tpu.region"() ({
        %run_scoped3A_816 = tpu.sem_alloc : memref<!tpu.dma_semaphore, #tpu.memory_space<semaphore_mem>>
        %dma_start3A_817 = arith.constant 0 : i32
        %dma_start3A_818 = tpu.memref_slice %arg26[%run_scoped3A_778, %dma_start3A_817] : memref<1x80xi32, #tpu.memory_space<vmem>> -> memref<1x80xi32, #tpu.memory_space<vmem>>
        %dma_start3A_819 = tpu.memref_squeeze %dma_start3A_818 : memref<1x80xi32, #tpu.memory_space<vmem>> -> memref<80xi32, #tpu.memory_space<vmem>>
        %dma_start3A_820 = arith.constant 0 : i32
        %dma_start3A_821 = arith.constant 0 : i32
        %dma_start3A_822 = tpu.memref_slice %arg27[%dma_start3A_820, %dma_start3A_821] : memref<10000x64xf32, #tpu.memory_space<vmem_shared>> -> memref<10000x64xf32, #tpu.memory_space<vmem_shared>>
        tpu.enqueue_indirect_dma source(%arg14 : memref<80x64xf32, #tpu.memory_space<vmem>>) target(%dma_start3A_822 : memref<10000x64xf32, #tpu.memory_space<vmem_shared>>) offsets(%dma_start3A_819 : memref<80xi32, #tpu.memory_space<vmem>>) semaphore(%run_scoped3A_816 : memref<!tpu.dma_semaphore, #tpu.memory_space<semaphore_mem>>) {add = true}
        %dma_wait3A_823 = arith.constant 0 : i32
        %dma_wait3A_824 = tpu.memref_slice %arg26[%run_scoped3A_778, %dma_wait3A_823] : memref<1x80xi32, #tpu.memory_space<vmem>> -> memref<1x80xi32, #tpu.memory_space<vmem>>
        %dma_wait3A_825 = tpu.memref_squeeze %dma_wait3A_824 : memref<1x80xi32, #tpu.memory_space<vmem>> -> memref<80xi32, #tpu.memory_space<vmem>>
        %dma_wait3A_826 = arith.constant 0 : i32
        %dma_wait3A_827 = arith.constant 0 : i32
        %dma_wait3A_828 = tpu.memref_slice %arg27[%dma_wait3A_826, %dma_wait3A_827] : memref<10000x64xf32, #tpu.memory_space<vmem_shared>> -> memref<10000x64xf32, #tpu.memory_space<vmem_shared>>
        tpu.wait_indirect_dma semaphore(%run_scoped3A_816 : memref<!tpu.dma_semaphore, #tpu.memory_space<semaphore_mem>>) src(%arg14 : memref<80x64xf32, #tpu.memory_space<vmem>>) dst(%dma_wait3A_828 : memref<10000x64xf32, #tpu.memory_space<vmem_shared>>)
        tpu.yield
      }) : () -> ()
      %mul3A_779 = arith.constant 80 : i32
      %mul3A_780 = arith.muli %add3A_774, %mul3A_779 : i32
      %add3A_781 = arith.constant 0 : i32
      %add3A_782 = arith.addi %mul3A_780, %add3A_781 : i32
      %get3A_783 = arith.index_cast %add3A_782 : i32 to index
      %get3A_784 = tpu.vector_load %arg8[%get3A_783] {strides = array<i32>} : memref<20000xi32, #tpu.memory_space<vmem>>, vector<16xi32>,
      tpu.vector_store_idx %arg34[%get3A_784], %broadcast_in_dim3A_18 {add = true} : memref<10000xf32, #tpu.memory_space<vmem>>[vector<16xi32>], vector<16xf32>,
      %mul3A_785 = arith.constant 80 : i32
      %mul3A_786 = arith.muli %add3A_774, %mul3A_785 : i32
      %add3A_787 = arith.constant 16 : i32
      %add3A_788 = arith.addi %mul3A_786, %add3A_787 : i32
      %get3A_789 = arith.index_cast %add3A_788 : i32 to index
      %get3A_790 = tpu.vector_load %arg8[%get3A_789] {strides = array<i32>} : memref<20000xi32, #tpu.memory_space<vmem>>, vector<16xi32>,
      tpu.vector_store_idx %arg34[%get3A_790], %broadcast_in_dim3A_18 {add = true} : memref<10000xf32, #tpu.memory_space<vmem>>[vector<16xi32>], vector<16xf32>,
      %mul3A_791 = arith.constant 80 : i32
      %mul3A_792 = arith.muli %add3A_774, %mul3A_791 : i32
      %add3A_793 = arith.constant 32 : i32
      %add3A_794 = arith.addi %mul3A_792, %add3A_793 : i32
      %get3A_795 = arith.index_cast %add3A_794 : i32 to index
      %get3A_796 = tpu.vector_load %arg8[%get3A_795] {strides = array<i32>} : memref<20000xi32, #tpu.memory_space<vmem>>, vector<16xi32>,
      tpu.vector_store_idx %arg34[%get3A_796], %broadcast_in_dim3A_18 {add = true} : memref<10000xf32, #tpu.memory_space<vmem>>[vector<16xi32>], vector<16xf32>,
      %mul3A_797 = arith.constant 80 : i32
      %mul3A_798 = arith.muli %add3A_774, %mul3A_797 : i32
      %add3A_799 = arith.constant 48 : i32
      %add3A_800 = arith.addi %mul3A_798, %add3A_799 : i32
      %get3A_801 = arith.index_cast %add3A_800 : i32 to index
      %get3A_802 = tpu.vector_load %arg8[%get3A_801] {strides = array<i32>} : memref<20000xi32, #tpu.memory_space<vmem>>, vector<16xi32>,
      tpu.vector_store_idx %arg34[%get3A_802], %broadcast_in_dim3A_18 {add = true} : memref<10000xf32, #tpu.memory_space<vmem>>[vector<16xi32>], vector<16xf32>,
      %mul3A_803 = arith.constant 80 : i32
      %mul3A_804 = arith.muli %add3A_774, %mul3A_803 : i32
      %add3A_805 = arith.constant 64 : i32
      %add3A_806 = arith.addi %mul3A_804, %add3A_805 : i32
      %get3A_807 = arith.index_cast %add3A_806 : i32 to index
      %get3A_808 = tpu.vector_load %arg8[%get3A_807] {strides = array<i32>} : memref<20000xi32, #tpu.memory_space<vmem>>, vector<16xi32>,
      tpu.vector_store_idx %arg34[%get3A_808], %broadcast_in_dim3A_18 {add = true} : memref<10000xf32, #tpu.memory_space<vmem>>[vector<16xi32>], vector<16xf32>,
      %add3A_809 = arith.constant 6 : i32
      %add3A_810 = arith.addi %add3A_774, %add3A_809 : i32
      %lt3A_811 = arith.constant 250 : i32
      %lt3A_812 = arith.cmpi slt, %add3A_810, %lt3A_811 : i32
      %convert_element_type3A_813 = arith.extui %lt3A_812 : i1 to i32
      %cond3A_814 = arith.constant 0 : i32
      %cond3A_815 = arith.cmpi ne, %convert_element_type3A_813, %cond3A_814 : i32
      scf.if %cond3A_815 {
        %add3A_816 = arith.constant 6 : i32
        %add3A_817 = arith.addi %add3A_774, %add3A_816 : i32
        %mul3A_818 = arith.constant 80 : i32
        %mul3A_819 = arith.muli %add3A_817, %mul3A_818 : i32
        %add3A_820 = arith.constant 0 : i32
        %add3A_821 = arith.addi %mul3A_819, %add3A_820 : i32
        %get3A_822 = arith.index_cast %add3A_821 : i32 to index
        %get3A_823 = tpu.vector_load %arg7[%get3A_822] {strides = array<i32>} : memref<20000xi32, #tpu.memory_space<vmem>>, vector<16xi32>,
        %mul3A_824 = arith.constant 2 : i32
        %mul3A_825 = vector.broadcast %mul3A_824 : i32 to vector<16xi32>
        %mul3A_826 = arith.muli %get3A_823, %mul3A_825 : vector<16xi32>
        %add3A_827 = vector.broadcast %arg0 : i32 to vector<16xi32>
        %add3A_828 = arith.addi %mul3A_826, %add3A_827 : vector<16xi32>
        %swap3A_829 = arith.constant 0 : index
        %swap3A_830 = tpu.vector_load %arg20[%swap3A_829] {strides = array<i32>} : memref<80xi32, #tpu.memory_space<vmem>>, vector<16xi32>,
        tpu.vector_store %arg20[%swap3A_829], %add3A_828 {strides = array<i32>} : memref<80xi32, #tpu.memory_space<vmem>>, vector<16xi32>,
        %mul3A_831 = arith.constant 80 : i32
        %mul3A_832 = arith.muli %add3A_817, %mul3A_831 : i32
        %add3A_833 = arith.constant 0 : i32
        %add3A_834 = arith.addi %mul3A_832, %add3A_833 : i32
        %get3A_835 = arith.index_cast %add3A_834 : i32 to index
        %get3A_836 = tpu.vector_load %arg8[%get3A_835] {strides = array<i32>} : memref<20000xi32, #tpu.memory_space<vmem>>, vector<16xi32>,
        %swap3A_837 = arith.constant 0 : i32
        %swap3A_838 = arith.index_cast %swap3A_837 : i32 to index
        %swap3A_839 = arith.constant 0 : index
        %swap3A_840 = tpu.vector_load %arg26[%swap3A_838, %swap3A_839] {strides = array<i32>} : memref<1x80xi32, #tpu.memory_space<vmem>>, vector<16xi32>,
        tpu.vector_store %arg26[%swap3A_838, %swap3A_839], %get3A_836 {strides = array<i32>} : memref<1x80xi32, #tpu.memory_space<vmem>>, vector<16xi32>,
        %mul3A_841 = arith.constant 80 : i32
        %mul3A_842 = arith.muli %add3A_817, %mul3A_841 : i32
        %add3A_843 = arith.constant 16 : i32
        %add3A_844 = arith.addi %mul3A_842, %add3A_843 : i32
        %get3A_845 = arith.index_cast %add3A_844 : i32 to index
        %get3A_846 = tpu.vector_load %arg7[%get3A_845] {strides = array<i32>} : memref<20000xi32, #tpu.memory_space<vmem>>, vector<16xi32>,
        %mul3A_847 = arith.constant 2 : i32
        %mul3A_848 = vector.broadcast %mul3A_847 : i32 to vector<16xi32>
        %mul3A_849 = arith.muli %get3A_846, %mul3A_848 : vector<16xi32>
        %add3A_850 = vector.broadcast %arg0 : i32 to vector<16xi32>
        %add3A_851 = arith.addi %mul3A_849, %add3A_850 : vector<16xi32>
        %swap3A_852 = arith.constant 16 : index
        %swap3A_853 = tpu.vector_load %arg20[%swap3A_852] {strides = array<i32>} : memref<80xi32, #tpu.memory_space<vmem>>, vector<16xi32>,
        tpu.vector_store %arg20[%swap3A_852], %add3A_851 {strides = array<i32>} : memref<80xi32, #tpu.memory_space<vmem>>, vector<16xi32>,
        %mul3A_854 = arith.constant 80 : i32
        %mul3A_855 = arith.muli %add3A_817, %mul3A_854 : i32
        %add3A_856 = arith.constant 16 : i32
        %add3A_857 = arith.addi %mul3A_855, %add3A_856 : i32
        %get3A_858 = arith.index_cast %add3A_857 : i32 to index
        %get3A_859 = tpu.vector_load %arg8[%get3A_858] {strides = array<i32>} : memref<20000xi32, #tpu.memory_space<vmem>>, vector<16xi32>,
        %swap3A_860 = arith.constant 0 : i32
        %swap3A_861 = arith.index_cast %swap3A_860 : i32 to index
        %swap3A_862 = arith.constant 16 : index
        %swap3A_863 = tpu.vector_load %arg26[%swap3A_861, %swap3A_862] {strides = array<i32>} : memref<1x80xi32, #tpu.memory_space<vmem>>, vector<16xi32>,
        tpu.vector_store %arg26[%swap3A_861, %swap3A_862], %get3A_859 {strides = array<i32>} : memref<1x80xi32, #tpu.memory_space<vmem>>, vector<16xi32>,
        %mul3A_864 = arith.constant 80 : i32
        %mul3A_865 = arith.muli %add3A_817, %mul3A_864 : i32
        %add3A_866 = arith.constant 32 : i32
        %add3A_867 = arith.addi %mul3A_865, %add3A_866 : i32
        %get3A_868 = arith.index_cast %add3A_867 : i32 to index
        %get3A_869 = tpu.vector_load %arg7[%get3A_868] {strides = array<i32>} : memref<20000xi32, #tpu.memory_space<vmem>>, vector<16xi32>,
        %mul3A_870 = arith.constant 2 : i32
        %mul3A_871 = vector.broadcast %mul3A_870 : i32 to vector<16xi32>
        %mul3A_872 = arith.muli %get3A_869, %mul3A_871 : vector<16xi32>
        %add3A_873 = vector.broadcast %arg0 : i32 to vector<16xi32>
        %add3A_874 = arith.addi %mul3A_872, %add3A_873 : vector<16xi32>
        %swap3A_875 = arith.constant 32 : index
        %swap3A_876 = tpu.vector_load %arg20[%swap3A_875] {strides = array<i32>} : memref<80xi32, #tpu.memory_space<vmem>>, vector<16xi32>,
        tpu.vector_store %arg20[%swap3A_875], %add3A_874 {strides = array<i32>} : memref<80xi32, #tpu.memory_space<vmem>>, vector<16xi32>,
        %mul3A_877 = arith.constant 80 : i32
        %mul3A_878 = arith.muli %add3A_817, %mul3A_877 : i32
        %add3A_879 = arith.constant 32 : i32
        %add3A_880 = arith.addi %mul3A_878, %add3A_879 : i32
        %get3A_881 = arith.index_cast %add3A_880 : i32 to index
        %get3A_882 = tpu.vector_load %arg8[%get3A_881] {strides = array<i32>} : memref<20000xi32, #tpu.memory_space<vmem>>, vector<16xi32>,
        %swap3A_883 = arith.constant 0 : i32
        %swap3A_884 = arith.index_cast %swap3A_883 : i32 to index
        %swap3A_885 = arith.constant 32 : index
        %swap3A_886 = tpu.vector_load %arg26[%swap3A_884, %swap3A_885] {strides = array<i32>} : memref<1x80xi32, #tpu.memory_space<vmem>>, vector<16xi32>,
        tpu.vector_store %arg26[%swap3A_884, %swap3A_885], %get3A_882 {strides = array<i32>} : memref<1x80xi32, #tpu.memory_space<vmem>>, vector<16xi32>,
        %mul3A_887 = arith.constant 80 : i32
        %mul3A_888 = arith.muli %add3A_817, %mul3A_887 : i32
        %add3A_889 = arith.constant 48 : i32
        %add3A_890 = arith.addi %mul3A_888, %add3A_889 : i32
        %get3A_891 = arith.index_cast %add3A_890 : i32 to index
        %get3A_892 = tpu.vector_load %arg7[%get3A_891] {strides = array<i32>} : memref<20000xi32, #tpu.memory_space<vmem>>, vector<16xi32>,
        %mul3A_893 = arith.constant 2 : i32
        %mul3A_894 = vector.broadcast %mul3A_893 : i32 to vector<16xi32>
        %mul3A_895 = arith.muli %get3A_892, %mul3A_894 : vector<16xi32>
        %add3A_896 = vector.broadcast %arg0 : i32 to vector<16xi32>
        %add3A_897 = arith.addi %mul3A_895, %add3A_896 : vector<16xi32>
        %swap3A_898 = arith.constant 48 : index
        %swap3A_899 = tpu.vector_load %arg20[%swap3A_898] {strides = array<i32>} : memref<80xi32, #tpu.memory_space<vmem>>, vector<16xi32>,
        tpu.vector_store %arg20[%swap3A_898], %add3A_897 {strides = array<i32>} : memref<80xi32, #tpu.memory_space<vmem>>, vector<16xi32>,
        %mul3A_900 = arith.constant 80 : i32
        %mul3A_901 = arith.muli %add3A_817, %mul3A_900 : i32
        %add3A_902 = arith.constant 48 : i32
        %add3A_903 = arith.addi %mul3A_901, %add3A_902 : i32
        %get3A_904 = arith.index_cast %add3A_903 : i32 to index
        %get3A_905 = tpu.vector_load %arg8[%get3A_904] {strides = array<i32>} : memref<20000xi32, #tpu.memory_space<vmem>>, vector<16xi32>,
        %swap3A_906 = arith.constant 0 : i32
        %swap3A_907 = arith.index_cast %swap3A_906 : i32 to index
        %swap3A_908 = arith.constant 48 : index
        %swap3A_909 = tpu.vector_load %arg26[%swap3A_907, %swap3A_908] {strides = array<i32>} : memref<1x80xi32, #tpu.memory_space<vmem>>, vector<16xi32>,
        tpu.vector_store %arg26[%swap3A_907, %swap3A_908], %get3A_905 {strides = array<i32>} : memref<1x80xi32, #tpu.memory_space<vmem>>, vector<16xi32>,
        %mul3A_910 = arith.constant 80 : i32
        %mul3A_911 = arith.muli %add3A_817, %mul3A_910 : i32
        %add3A_912 = arith.constant 64 : i32
        %add3A_913 = arith.addi %mul3A_911, %add3A_912 : i32
        %get3A_914 = arith.index_cast %add3A_913 : i32 to index
        %get3A_915 = tpu.vector_load %arg7[%get3A_914] {strides = array<i32>} : memref<20000xi32, #tpu.memory_space<vmem>>, vector<16xi32>,
        %mul3A_916 = arith.constant 2 : i32
        %mul3A_917 = vector.broadcast %mul3A_916 : i32 to vector<16xi32>
        %mul3A_918 = arith.muli %get3A_915, %mul3A_917 : vector<16xi32>
        %add3A_919 = vector.broadcast %arg0 : i32 to vector<16xi32>
        %add3A_920 = arith.addi %mul3A_918, %add3A_919 : vector<16xi32>
        %swap3A_921 = arith.constant 64 : index
        %swap3A_922 = tpu.vector_load %arg20[%swap3A_921] {strides = array<i32>} : memref<80xi32, #tpu.memory_space<vmem>>, vector<16xi32>,
        tpu.vector_store %arg20[%swap3A_921], %add3A_920 {strides = array<i32>} : memref<80xi32, #tpu.memory_space<vmem>>, vector<16xi32>,
        %mul3A_923 = arith.constant 80 : i32
        %mul3A_924 = arith.muli %add3A_817, %mul3A_923 : i32
        %add3A_925 = arith.constant 64 : i32
        %add3A_926 = arith.addi %mul3A_924, %add3A_925 : i32
        %get3A_927 = arith.index_cast %add3A_926 : i32 to index
        %get3A_928 = tpu.vector_load %arg8[%get3A_927] {strides = array<i32>} : memref<20000xi32, #tpu.memory_space<vmem>>, vector<16xi32>,
        %swap3A_929 = arith.constant 0 : i32
        %swap3A_930 = arith.index_cast %swap3A_929 : i32 to index
        %swap3A_931 = arith.constant 64 : index
        %swap3A_932 = tpu.vector_load %arg26[%swap3A_930, %swap3A_931] {strides = array<i32>} : memref<1x80xi32, #tpu.memory_space<vmem>>, vector<16xi32>,
        tpu.vector_store %arg26[%swap3A_930, %swap3A_931], %get3A_928 {strides = array<i32>} : memref<1x80xi32, #tpu.memory_space<vmem>>, vector<16xi32>,
        %dma_start3A_933 = arith.constant 0 : i32
        %dma_start3A_934 = arith.constant 0 : i32
        %dma_start3A_935 = tpu.memref_slice %arg2[%dma_start3A_933, %dma_start3A_934] : memref<20000x64xf32, #tpu.memory_space<hbm>> -> memref<20000x64xf32, #tpu.memory_space<hbm>>
        tpu.enqueue_indirect_dma source(%dma_start3A_935 : memref<20000x64xf32, #tpu.memory_space<hbm>>) target(%arg14 : memref<80x64xf32, #tpu.memory_space<vmem>>) offsets(%arg20 : memref<80xi32, #tpu.memory_space<vmem>>) semaphore(%arg33 : memref<!tpu.dma_semaphore, #tpu.memory_space<semaphore_mem>>)
      } else {
      }
    }
    %scan3A_488 = arith.constant 41 : i32
    %dma_wait3A = arith.constant 0 : i32
    %dma_wait3A_489 = arith.constant 0 : i32
    %dma_wait3A_490 = tpu.memref_slice %arg2[%dma_wait3A, %dma_wait3A_489] : memref<20000x64xf32, #tpu.memory_space<hbm>> -> memref<20000x64xf32, #tpu.memory_space<hbm>>
    tpu.wait_indirect_dma semaphore(%arg28 : memref<!tpu.dma_semaphore, #tpu.memory_space<semaphore_mem>>) src(%dma_wait3A_490 : memref<20000x64xf32, #tpu.memory_space<hbm>>) dst(%arg9 : memref<80x64xf32, #tpu.memory_space<vmem>>)
    %run_scoped3A_491 = arith.constant 0 : i32
    "tpu.region"() ({
      %run_scoped3A_555 = tpu.sem_alloc : memref<!tpu.dma_semaphore, #tpu.memory_space<semaphore_mem>>
      %dma_start3A_556 = arith.constant 0 : i32
      %dma_start3A_557 = tpu.memref_slice %arg21[%run_scoped3A_491, %dma_start3A_556] : memref<1x80xi32, #tpu.memory_space<vmem>> -> memref<1x80xi32, #tpu.memory_space<vmem>>
      %dma_start3A_558 = tpu.memref_squeeze %dma_start3A_557 : memref<1x80xi32, #tpu.memory_space<vmem>> -> memref<80xi32, #tpu.memory_space<vmem>>
      %dma_start3A_559 = arith.constant 0 : i32
      %dma_start3A_560 = arith.constant 0 : i32
      %dma_start3A_561 = tpu.memref_slice %arg27[%dma_start3A_559, %dma_start3A_560] : memref<10000x64xf32, #tpu.memory_space<vmem_shared>> -> memref<10000x64xf32, #tpu.memory_space<vmem_shared>>
      tpu.enqueue_indirect_dma source(%arg9 : memref<80x64xf32, #tpu.memory_space<vmem>>) target(%dma_start3A_561 : memref<10000x64xf32, #tpu.memory_space<vmem_shared>>) offsets(%dma_start3A_558 : memref<80xi32, #tpu.memory_space<vmem>>) semaphore(%run_scoped3A_555 : memref<!tpu.dma_semaphore, #tpu.memory_space<semaphore_mem>>) {add = true}
      %dma_wait3A_562 = arith.constant 0 : i32
      %dma_wait3A_563 = tpu.memref_slice %arg21[%run_scoped3A_491, %dma_wait3A_562] : memref<1x80xi32, #tpu.memory_space<vmem>> -> memref<1x80xi32, #tpu.memory_space<vmem>>
      %dma_wait3A_564 = tpu.memref_squeeze %dma_wait3A_563 : memref<1x80xi32, #tpu.memory_space<vmem>> -> memref<80xi32, #tpu.memory_space<vmem>>
      %dma_wait3A_565 = arith.constant 0 : i32
      %dma_wait3A_566 = arith.constant 0 : i32
      %dma_wait3A_567 = tpu.memref_slice %arg27[%dma_wait3A_565, %dma_wait3A_566] : memref<10000x64xf32, #tpu.memory_space<vmem_shared>> -> memref<10000x64xf32, #tpu.memory_space<vmem_shared>>
      tpu.wait_indirect_dma semaphore(%run_scoped3A_555 : memref<!tpu.dma_semaphore, #tpu.memory_space<semaphore_mem>>) src(%arg9 : memref<80x64xf32, #tpu.memory_space<vmem>>) dst(%dma_wait3A_567 : memref<10000x64xf32, #tpu.memory_space<vmem_shared>>)
      tpu.yield
    }) : () -> ()
    %get3A_492 = arith.constant 19680 : index
    %get3A_493 = tpu.vector_load %arg8[%get3A_492] {strides = array<i32>} : memref<20000xi32, #tpu.memory_space<vmem>>, vector<16xi32>,
    tpu.vector_store_idx %arg34[%get3A_493], %broadcast_in_dim3A_18 {add = true} : memref<10000xf32, #tpu.memory_space<vmem>>[vector<16xi32>], vector<16xf32>,
    %get3A_494 = arith.constant 19696 : index
    %get3A_495 = tpu.vector_load %arg8[%get3A_494] {strides = array<i32>} : memref<20000xi32, #tpu.memory_space<vmem>>, vector<16xi32>,
    tpu.vector_store_idx %arg34[%get3A_495], %broadcast_in_dim3A_18 {add = true} : memref<10000xf32, #tpu.memory_space<vmem>>[vector<16xi32>], vector<16xf32>,
    %get3A_496 = arith.constant 19712 : index
    %get3A_497 = tpu.vector_load %arg8[%get3A_496] {strides = array<i32>} : memref<20000xi32, #tpu.memory_space<vmem>>, vector<16xi32>,
    tpu.vector_store_idx %arg34[%get3A_497], %broadcast_in_dim3A_18 {add = true} : memref<10000xf32, #tpu.memory_space<vmem>>[vector<16xi32>], vector<16xf32>,
    %get3A_498 = arith.constant 19728 : index
    %get3A_499 = tpu.vector_load %arg8[%get3A_498] {strides = array<i32>} : memref<20000xi32, #tpu.memory_space<vmem>>, vector<16xi32>,
    tpu.vector_store_idx %arg34[%get3A_499], %broadcast_in_dim3A_18 {add = true} : memref<10000xf32, #tpu.memory_space<vmem>>[vector<16xi32>], vector<16xf32>,
    %get3A_500 = arith.constant 19744 : index
    %get3A_501 = tpu.vector_load %arg8[%get3A_500] {strides = array<i32>} : memref<20000xi32, #tpu.memory_space<vmem>>, vector<16xi32>,
    tpu.vector_store_idx %arg34[%get3A_501], %broadcast_in_dim3A_18 {add = true} : memref<10000xf32, #tpu.memory_space<vmem>>[vector<16xi32>], vector<16xf32>,
    %dma_wait3A_502 = arith.constant 0 : i32
    %dma_wait3A_503 = arith.constant 0 : i32
    %dma_wait3A_504 = tpu.memref_slice %arg2[%dma_wait3A_502, %dma_wait3A_503] : memref<20000x64xf32, #tpu.memory_space<hbm>> -> memref<20000x64xf32, #tpu.memory_space<hbm>>
    tpu.wait_indirect_dma semaphore(%arg29 : memref<!tpu.dma_semaphore, #tpu.memory_space<semaphore_mem>>) src(%dma_wait3A_504 : memref<20000x64xf32, #tpu.memory_space<hbm>>) dst(%arg10 : memref<80x64xf32, #tpu.memory_space<vmem>>)
    %run_scoped3A_505 = arith.constant 0 : i32
    "tpu.region"() ({
      %run_scoped3A_555 = tpu.sem_alloc : memref<!tpu.dma_semaphore, #tpu.memory_space<semaphore_mem>>
      %dma_start3A_556 = arith.constant 0 : i32
      %dma_start3A_557 = tpu.memref_slice %arg22[%run_scoped3A_505, %dma_start3A_556] : memref<1x80xi32, #tpu.memory_space<vmem>> -> memref<1x80xi32, #tpu.memory_space<vmem>>
      %dma_start3A_558 = tpu.memref_squeeze %dma_start3A_557 : memref<1x80xi32, #tpu.memory_space<vmem>> -> memref<80xi32, #tpu.memory_space<vmem>>
      %dma_start3A_559 = arith.constant 0 : i32
      %dma_start3A_560 = arith.constant 0 : i32
      %dma_start3A_561 = tpu.memref_slice %arg27[%dma_start3A_559, %dma_start3A_560] : memref<10000x64xf32, #tpu.memory_space<vmem_shared>> -> memref<10000x64xf32, #tpu.memory_space<vmem_shared>>
      tpu.enqueue_indirect_dma source(%arg10 : memref<80x64xf32, #tpu.memory_space<vmem>>) target(%dma_start3A_561 : memref<10000x64xf32, #tpu.memory_space<vmem_shared>>) offsets(%dma_start3A_558 : memref<80xi32, #tpu.memory_space<vmem>>) semaphore(%run_scoped3A_555 : memref<!tpu.dma_semaphore, #tpu.memory_space<semaphore_mem>>) {add = true}
      %dma_wait3A_562 = arith.constant 0 : i32
      %dma_wait3A_563 = tpu.memref_slice %arg22[%run_scoped3A_505, %dma_wait3A_562] : memref<1x80xi32, #tpu.memory_space<vmem>> -> memref<1x80xi32, #tpu.memory_space<vmem>>
      %dma_wait3A_564 = tpu.memref_squeeze %dma_wait3A_563 : memref<1x80xi32, #tpu.memory_space<vmem>> -> memref<80xi32, #tpu.memory_space<vmem>>
      %dma_wait3A_565 = arith.constant 0 : i32
      %dma_wait3A_566 = arith.constant 0 : i32
      %dma_wait3A_567 = tpu.memref_slice %arg27[%dma_wait3A_565, %dma_wait3A_566] : memref<10000x64xf32, #tpu.memory_space<vmem_shared>> -> memref<10000x64xf32, #tpu.memory_space<vmem_shared>>
      tpu.wait_indirect_dma semaphore(%run_scoped3A_555 : memref<!tpu.dma_semaphore, #tpu.memory_space<semaphore_mem>>) src(%arg10 : memref<80x64xf32, #tpu.memory_space<vmem>>) dst(%dma_wait3A_567 : memref<10000x64xf32, #tpu.memory_space<vmem_shared>>)
      tpu.yield
    }) : () -> ()
    %get3A_506 = arith.constant 19760 : index
    %get3A_507 = tpu.vector_load %arg8[%get3A_506] {strides = array<i32>} : memref<20000xi32, #tpu.memory_space<vmem>>, vector<16xi32>,
    tpu.vector_store_idx %arg34[%get3A_507], %broadcast_in_dim3A_18 {add = true} : memref<10000xf32, #tpu.memory_space<vmem>>[vector<16xi32>], vector<16xf32>,
    %get3A_508 = arith.constant 19776 : index
    %get3A_509 = tpu.vector_load %arg8[%get3A_508] {strides = array<i32>} : memref<20000xi32, #tpu.memory_space<vmem>>, vector<16xi32>,
    tpu.vector_store_idx %arg34[%get3A_509], %broadcast_in_dim3A_18 {add = true} : memref<10000xf32, #tpu.memory_space<vmem>>[vector<16xi32>], vector<16xf32>,
    %get3A_510 = arith.constant 19792 : index
    %get3A_511 = tpu.vector_load %arg8[%get3A_510] {strides = array<i32>} : memref<20000xi32, #tpu.memory_space<vmem>>, vector<16xi32>,
    tpu.vector_store_idx %arg34[%get3A_511], %broadcast_in_dim3A_18 {add = true} : memref<10000xf32, #tpu.memory_space<vmem>>[vector<16xi32>], vector<16xf32>,
    %get3A_512 = arith.constant 19808 : index
    %get3A_513 = tpu.vector_load %arg8[%get3A_512] {strides = array<i32>} : memref<20000xi32, #tpu.memory_space<vmem>>, vector<16xi32>,
    tpu.vector_store_idx %arg34[%get3A_513], %broadcast_in_dim3A_18 {add = true} : memref<10000xf32, #tpu.memory_space<vmem>>[vector<16xi32>], vector<16xf32>,
    %get3A_514 = arith.constant 19824 : index
    %get3A_515 = tpu.vector_load %arg8[%get3A_514] {strides = array<i32>} : memref<20000xi32, #tpu.memory_space<vmem>>, vector<16xi32>,
    tpu.vector_store_idx %arg34[%get3A_515], %broadcast_in_dim3A_18 {add = true} : memref<10000xf32, #tpu.memory_space<vmem>>[vector<16xi32>], vector<16xf32>,
    %dma_wait3A_516 = arith.constant 0 : i32
    %dma_wait3A_517 = arith.constant 0 : i32
    %dma_wait3A_518 = tpu.memref_slice %arg2[%dma_wait3A_516, %dma_wait3A_517] : memref<20000x64xf32, #tpu.memory_space<hbm>> -> memref<20000x64xf32, #tpu.memory_space<hbm>>
    tpu.wait_indirect_dma semaphore(%arg30 : memref<!tpu.dma_semaphore, #tpu.memory_space<semaphore_mem>>) src(%dma_wait3A_518 : memref<20000x64xf32, #tpu.memory_space<hbm>>) dst(%arg11 : memref<80x64xf32, #tpu.memory_space<vmem>>)
    %run_scoped3A_519 = arith.constant 0 : i32
    "tpu.region"() ({
      %run_scoped3A_555 = tpu.sem_alloc : memref<!tpu.dma_semaphore, #tpu.memory_space<semaphore_mem>>
      %dma_start3A_556 = arith.constant 0 : i32
      %dma_start3A_557 = tpu.memref_slice %arg23[%run_scoped3A_519, %dma_start3A_556] : memref<1x80xi32, #tpu.memory_space<vmem>> -> memref<1x80xi32, #tpu.memory_space<vmem>>
      %dma_start3A_558 = tpu.memref_squeeze %dma_start3A_557 : memref<1x80xi32, #tpu.memory_space<vmem>> -> memref<80xi32, #tpu.memory_space<vmem>>
      %dma_start3A_559 = arith.constant 0 : i32
      %dma_start3A_560 = arith.constant 0 : i32
      %dma_start3A_561 = tpu.memref_slice %arg27[%dma_start3A_559, %dma_start3A_560] : memref<10000x64xf32, #tpu.memory_space<vmem_shared>> -> memref<10000x64xf32, #tpu.memory_space<vmem_shared>>
      tpu.enqueue_indirect_dma source(%arg11 : memref<80x64xf32, #tpu.memory_space<vmem>>) target(%dma_start3A_561 : memref<10000x64xf32, #tpu.memory_space<vmem_shared>>) offsets(%dma_start3A_558 : memref<80xi32, #tpu.memory_space<vmem>>) semaphore(%run_scoped3A_555 : memref<!tpu.dma_semaphore, #tpu.memory_space<semaphore_mem>>) {add = true}
      %dma_wait3A_562 = arith.constant 0 : i32
      %dma_wait3A_563 = tpu.memref_slice %arg23[%run_scoped3A_519, %dma_wait3A_562] : memref<1x80xi32, #tpu.memory_space<vmem>> -> memref<1x80xi32, #tpu.memory_space<vmem>>
      %dma_wait3A_564 = tpu.memref_squeeze %dma_wait3A_563 : memref<1x80xi32, #tpu.memory_space<vmem>> -> memref<80xi32, #tpu.memory_space<vmem>>
      %dma_wait3A_565 = arith.constant 0 : i32
      %dma_wait3A_566 = arith.constant 0 : i32
      %dma_wait3A_567 = tpu.memref_slice %arg27[%dma_wait3A_565, %dma_wait3A_566] : memref<10000x64xf32, #tpu.memory_space<vmem_shared>> -> memref<10000x64xf32, #tpu.memory_space<vmem_shared>>
      tpu.wait_indirect_dma semaphore(%run_scoped3A_555 : memref<!tpu.dma_semaphore, #tpu.memory_space<semaphore_mem>>) src(%arg11 : memref<80x64xf32, #tpu.memory_space<vmem>>) dst(%dma_wait3A_567 : memref<10000x64xf32, #tpu.memory_space<vmem_shared>>)
      tpu.yield
    }) : () -> ()
    %get3A_520 = arith.constant 19840 : index
    %get3A_521 = tpu.vector_load %arg8[%get3A_520] {strides = array<i32>} : memref<20000xi32, #tpu.memory_space<vmem>>, vector<16xi32>,
    tpu.vector_store_idx %arg34[%get3A_521], %broadcast_in_dim3A_18 {add = true} : memref<10000xf32, #tpu.memory_space<vmem>>[vector<16xi32>], vector<16xf32>,
    %get3A_522 = arith.constant 19856 : index
    %get3A_523 = tpu.vector_load %arg8[%get3A_522] {strides = array<i32>} : memref<20000xi32, #tpu.memory_space<vmem>>, vector<16xi32>,
    tpu.vector_store_idx %arg34[%get3A_523], %broadcast_in_dim3A_18 {add = true} : memref<10000xf32, #tpu.memory_space<vmem>>[vector<16xi32>], vector<16xf32>,
    %get3A_524 = arith.constant 19872 : index
    %get3A_525 = tpu.vector_load %arg8[%get3A_524] {strides = array<i32>} : memref<20000xi32, #tpu.memory_space<vmem>>, vector<16xi32>,
    tpu.vector_store_idx %arg34[%get3A_525], %broadcast_in_dim3A_18 {add = true} : memref<10000xf32, #tpu.memory_space<vmem>>[vector<16xi32>], vector<16xf32>,
    %get3A_526 = arith.constant 19888 : index
    %get3A_527 = tpu.vector_load %arg8[%get3A_526] {strides = array<i32>} : memref<20000xi32, #tpu.memory_space<vmem>>, vector<16xi32>,
    tpu.vector_store_idx %arg34[%get3A_527], %broadcast_in_dim3A_18 {add = true} : memref<10000xf32, #tpu.memory_space<vmem>>[vector<16xi32>], vector<16xf32>,
    %get3A_528 = arith.constant 19904 : index
    %get3A_529 = tpu.vector_load %arg8[%get3A_528] {strides = array<i32>} : memref<20000xi32, #tpu.memory_space<vmem>>, vector<16xi32>,
    tpu.vector_store_idx %arg34[%get3A_529], %broadcast_in_dim3A_18 {add = true} : memref<10000xf32, #tpu.memory_space<vmem>>[vector<16xi32>], vector<16xf32>,
    %dma_wait3A_530 = arith.constant 0 : i32
    %dma_wait3A_531 = arith.constant 0 : i32
    %dma_wait3A_532 = tpu.memref_slice %arg2[%dma_wait3A_530, %dma_wait3A_531] : memref<20000x64xf32, #tpu.memory_space<hbm>> -> memref<20000x64xf32, #tpu.memory_space<hbm>>
    tpu.wait_indirect_dma semaphore(%arg31 : memref<!tpu.dma_semaphore, #tpu.memory_space<semaphore_mem>>) src(%dma_wait3A_532 : memref<20000x64xf32, #tpu.memory_space<hbm>>) dst(%arg12 : memref<80x64xf32, #tpu.memory_space<vmem>>)
    %run_scoped3A_533 = arith.constant 0 : i32
    "tpu.region"() ({
      %run_scoped3A_555 = tpu.sem_alloc : memref<!tpu.dma_semaphore, #tpu.memory_space<semaphore_mem>>
      %dma_start3A_556 = arith.constant 0 : i32
      %dma_start3A_557 = tpu.memref_slice %arg24[%run_scoped3A_533, %dma_start3A_556] : memref<1x80xi32, #tpu.memory_space<vmem>> -> memref<1x80xi32, #tpu.memory_space<vmem>>
      %dma_start3A_558 = tpu.memref_squeeze %dma_start3A_557 : memref<1x80xi32, #tpu.memory_space<vmem>> -> memref<80xi32, #tpu.memory_space<vmem>>
      %dma_start3A_559 = arith.constant 0 : i32
      %dma_start3A_560 = arith.constant 0 : i32
      %dma_start3A_561 = tpu.memref_slice %arg27[%dma_start3A_559, %dma_start3A_560] : memref<10000x64xf32, #tpu.memory_space<vmem_shared>> -> memref<10000x64xf32, #tpu.memory_space<vmem_shared>>
      tpu.enqueue_indirect_dma source(%arg12 : memref<80x64xf32, #tpu.memory_space<vmem>>) target(%dma_start3A_561 : memref<10000x64xf32, #tpu.memory_space<vmem_shared>>) offsets(%dma_start3A_558 : memref<80xi32, #tpu.memory_space<vmem>>) semaphore(%run_scoped3A_555 : memref<!tpu.dma_semaphore, #tpu.memory_space<semaphore_mem>>) {add = true}
      %dma_wait3A_562 = arith.constant 0 : i32
      %dma_wait3A_563 = tpu.memref_slice %arg24[%run_scoped3A_533, %dma_wait3A_562] : memref<1x80xi32, #tpu.memory_space<vmem>> -> memref<1x80xi32, #tpu.memory_space<vmem>>
      %dma_wait3A_564 = tpu.memref_squeeze %dma_wait3A_563 : memref<1x80xi32, #tpu.memory_space<vmem>> -> memref<80xi32, #tpu.memory_space<vmem>>
      %dma_wait3A_565 = arith.constant 0 : i32
      %dma_wait3A_566 = arith.constant 0 : i32
      %dma_wait3A_567 = tpu.memref_slice %arg27[%dma_wait3A_565, %dma_wait3A_566] : memref<10000x64xf32, #tpu.memory_space<vmem_shared>> -> memref<10000x64xf32, #tpu.memory_space<vmem_shared>>
      tpu.wait_indirect_dma semaphore(%run_scoped3A_555 : memref<!tpu.dma_semaphore, #tpu.memory_space<semaphore_mem>>) src(%arg12 : memref<80x64xf32, #tpu.memory_space<vmem>>) dst(%dma_wait3A_567 : memref<10000x64xf32, #tpu.memory_space<vmem_shared>>)
      tpu.yield
    }) : () -> ()
    %get3A_534 = arith.constant 19920 : index
    %get3A_535 = tpu.vector_load %arg8[%get3A_534] {strides = array<i32>} : memref<20000xi32, #tpu.memory_space<vmem>>, vector<16xi32>,
    tpu.vector_store_idx %arg34[%get3A_535], %broadcast_in_dim3A_18 {add = true} : memref<10000xf32, #tpu.memory_space<vmem>>[vector<16xi32>], vector<16xf32>,
    %get3A_536 = arith.constant 19936 : index
    %get3A_537 = tpu.vector_load %arg8[%get3A_536] {strides = array<i32>} : memref<20000xi32, #tpu.memory_space<vmem>>, vector<16xi32>,
    tpu.vector_store_idx %arg34[%get3A_537], %broadcast_in_dim3A_18 {add = true} : memref<10000xf32, #tpu.memory_space<vmem>>[vector<16xi32>], vector<16xf32>,
    %get3A_538 = arith.constant 19952 : index
    %get3A_539 = tpu.vector_load %arg8[%get3A_538] {strides = array<i32>} : memref<20000xi32, #tpu.memory_space<vmem>>, vector<16xi32>,
    tpu.vector_store_idx %arg34[%get3A_539], %broadcast_in_dim3A_18 {add = true} : memref<10000xf32, #tpu.memory_space<vmem>>[vector<16xi32>], vector<16xf32>,
    %get3A_540 = arith.constant 19968 : index
    %get3A_541 = tpu.vector_load %arg8[%get3A_540] {strides = array<i32>} : memref<20000xi32, #tpu.memory_space<vmem>>, vector<16xi32>,
    tpu.vector_store_idx %arg34[%get3A_541], %broadcast_in_dim3A_18 {add = true} : memref<10000xf32, #tpu.memory_space<vmem>>[vector<16xi32>], vector<16xf32>,
    %get3A_542 = arith.constant 19984 : index
    %get3A_543 = tpu.vector_load %arg8[%get3A_542] {strides = array<i32>} : memref<20000xi32, #tpu.memory_space<vmem>>, vector<16xi32>,
    tpu.vector_store_idx %arg34[%get3A_543], %broadcast_in_dim3A_18 {add = true} : memref<10000xf32, #tpu.memory_space<vmem>>[vector<16xi32>], vector<16xf32>,
    %barrier3A_544 = arith.constant 0 : index
    tpu.barrier barrier_id(%barrier3A_544)
    %lt3A_545 = arith.constant 15 : i32
    %lt3A_546 = arith.cmpi slt, %arg1, %lt3A_545 : i32
    %convert_element_type3A_547 = arith.extui %lt3A_546 : i1 to i32
    %cond3A_548 = arith.constant 0 : i32
    %cond3A_549 = arith.cmpi ne, %convert_element_type3A_547, %cond3A_548 : i32
    scf.if %cond3A_549 {
      %mul3A_555 = arith.constant 632 : i32
      %mul3A_556 = arith.muli %arg1, %mul3A_555 : i32
      %mul3A_557 = arith.constant 632 : i32
      %mul3A_558 = arith.muli %arg1, %mul3A_557 : i32
      %mul3A_559 = arith.constant 64 : i32
      %mul3A_560 = arith.muli %arg0, %mul3A_559 : i32
      "tpu.region"() ({
        %run_scoped3A_561 = tpu.sem_alloc : memref<!tpu.dma_semaphore, #tpu.memory_space<semaphore_mem>>
        %dma_start3A_562 = tpu.memref_slice %arg5[%mul3A_558, %mul3A_560] : memref<10000x128xf32, #tpu.memory_space<hbm>> -> memref<632x64xf32, #tpu.memory_space<hbm>>
        %dma_start3A_563 = arith.constant 0 : i32
        %dma_start3A_564 = tpu.memref_slice %arg27[%mul3A_556, %dma_start3A_563] : memref<10000x64xf32, #tpu.memory_space<vmem_shared>> -> memref<632x64xf32, #tpu.memory_space<vmem_shared>>
        tpu.enqueue_dma source(%dma_start3A_564 : memref<632x64xf32, #tpu.memory_space<vmem_shared>>) target(%dma_start3A_562 : memref<632x64xf32, #tpu.memory_space<hbm>>) target_semaphore(%run_scoped3A_561 : memref<!tpu.dma_semaphore, #tpu.memory_space<semaphore_mem>>)
        %dma_wait3A_565 = tpu.memref_slice %arg5[%mul3A_558, %mul3A_560] : memref<10000x128xf32, #tpu.memory_space<hbm>> -> memref<632x64xf32, #tpu.memory_space<hbm>>
        %dma_wait3A_566 = arith.constant 0 : i32
        %dma_wait3A_567 = tpu.memref_slice %arg27[%mul3A_556, %dma_wait3A_566] : memref<10000x64xf32, #tpu.memory_space<vmem_shared>> -> memref<632x64xf32, #tpu.memory_space<vmem_shared>>
        tpu.wait_dma2 semaphore(%run_scoped3A_561 : memref<!tpu.dma_semaphore, #tpu.memory_space<semaphore_mem>>) src(%dma_wait3A_567 : memref<632x64xf32, #tpu.memory_space<vmem_shared>>) dst(%dma_wait3A_565 : memref<632x64xf32, #tpu.memory_space<hbm>>)
        tpu.yield
      }) : () -> ()
    } else {
    }
    %eq3A_550 = arith.constant 15 : i32
    %eq3A_551 = arith.cmpi eq, %arg1, %eq3A_550 : i32
    %convert_element_type3A_552 = arith.extui %eq3A_551 : i1 to i32
    %cond3A_553 = arith.constant 0 : i32
    %cond3A_554 = arith.cmpi ne, %convert_element_type3A_552, %cond3A_553 : i32
    scf.if %cond3A_554 {
      %mul3A_555 = arith.constant 64 : i32
      %mul3A_556 = arith.muli %arg0, %mul3A_555 : i32
      "tpu.region"() ({
        %run_scoped3A_557 = tpu.sem_alloc : memref<!tpu.dma_semaphore, #tpu.memory_space<semaphore_mem>>
        %dma_start3A_558 = arith.constant 9480 : i32
        %dma_start3A_559 = tpu.memref_slice %arg5[%dma_start3A_558, %mul3A_556] : memref<10000x128xf32, #tpu.memory_space<hbm>> -> memref<520x64xf32, #tpu.memory_space<hbm>>
        %dma_start3A_560 = arith.constant 9480 : i32
        %dma_start3A_561 = arith.constant 0 : i32
        %dma_start3A_562 = tpu.memref_slice %arg27[%dma_start3A_560, %dma_start3A_561] : memref<10000x64xf32, #tpu.memory_space<vmem_shared>> -> memref<520x64xf32, #tpu.memory_space<vmem_shared>>
        tpu.enqueue_dma source(%dma_start3A_562 : memref<520x64xf32, #tpu.memory_space<vmem_shared>>) target(%dma_start3A_559 : memref<520x64xf32, #tpu.memory_space<hbm>>) target_semaphore(%run_scoped3A_557 : memref<!tpu.dma_semaphore, #tpu.memory_space<semaphore_mem>>)
        %dma_wait3A_563 = arith.constant 9480 : i32
        %dma_wait3A_564 = tpu.memref_slice %arg5[%dma_wait3A_563, %mul3A_556] : memref<10000x128xf32, #tpu.memory_space<hbm>> -> memref<520x64xf32, #tpu.memory_space<hbm>>
        %dma_wait3A_565 = arith.constant 9480 : i32
        %dma_wait3A_566 = arith.constant 0 : i32
        %dma_wait3A_567 = tpu.memref_slice %arg27[%dma_wait3A_565, %dma_wait3A_566] : memref<10000x64xf32, #tpu.memory_space<vmem_shared>> -> memref<520x64xf32, #tpu.memory_space<vmem_shared>>
        tpu.wait_dma2 semaphore(%run_scoped3A_557 : memref<!tpu.dma_semaphore, #tpu.memory_space<semaphore_mem>>) src(%dma_wait3A_567 : memref<520x64xf32, #tpu.memory_space<vmem_shared>>) dst(%dma_wait3A_564 : memref<520x64xf32, #tpu.memory_space<hbm>>)
        tpu.yield
      }) : () -> ()
    } else {
    }
    "tpu.region"() ({
      %run_scoped3A_555 = tpu.sem_alloc : memref<!tpu.dma_semaphore, #tpu.memory_space<semaphore_mem>>
      %dma_start3A_556 = arith.constant 0 : i32
      %dma_start3A_557 = tpu.memref_slice %arg6[%add3A, %dma_start3A_556] : memref<32x10000xf32, #tpu.memory_space<hbm>> -> memref<1x10000xf32, #tpu.memory_space<hbm>>
      %dma_start3A_558 = tpu.memref_squeeze %dma_start3A_557 : memref<1x10000xf32, #tpu.memory_space<hbm>> -> memref<10000xf32, #tpu.memory_space<hbm>>
      %dma_start3A_559 = arith.constant 0 : i32
      %dma_start3A_560 = tpu.memref_slice %arg6[%add3A, %dma_start3A_559] : memref<32x10000xf32, #tpu.memory_space<hbm>> -> memref<1x10000xf32, #tpu.memory_space<hbm>>
      %dma_start3A_561 = tpu.memref_squeeze %dma_start3A_560 : memref<1x10000xf32, #tpu.memory_space<hbm>> -> memref<10000xf32, #tpu.memory_space<hbm>>
      tpu.enqueue_dma source(%arg34 : memref<10000xf32, #tpu.memory_space<vmem>>) target(%dma_start3A_561 : memref<10000xf32, #tpu.memory_space<hbm>>) target_semaphore(%run_scoped3A_555 : memref<!tpu.dma_semaphore, #tpu.memory_space<semaphore_mem>>)
      %dma_wait3A_562 = arith.constant 0 : i32
      %dma_wait3A_563 = tpu.memref_slice %arg6[%add3A, %dma_wait3A_562] : memref<32x10000xf32, #tpu.memory_space<hbm>> -> memref<1x10000xf32, #tpu.memory_space<hbm>>
      %dma_wait3A_564 = tpu.memref_squeeze %dma_wait3A_563 : memref<1x10000xf32, #tpu.memory_space<hbm>> -> memref<10000xf32, #tpu.memory_space<hbm>>
      %dma_wait3A_565 = arith.constant 0 : i32
      %dma_wait3A_566 = tpu.memref_slice %arg6[%add3A, %dma_wait3A_565] : memref<32x10000xf32, #tpu.memory_space<hbm>> -> memref<1x10000xf32, #tpu.memory_space<hbm>>
      %dma_wait3A_567 = tpu.memref_squeeze %dma_wait3A_566 : memref<1x10000xf32, #tpu.memory_space<hbm>> -> memref<10000xf32, #tpu.memory_space<hbm>>
      tpu.wait_dma2 semaphore(%run_scoped3A_555 : memref<!tpu.dma_semaphore, #tpu.memory_space<semaphore_mem>>) src(%arg34 : memref<10000xf32, #tpu.memory_space<vmem>>) dst(%dma_wait3A_567 : memref<10000xf32, #tpu.memory_space<hbm>>)
      tpu.yield
    }) : () -> ()
    return
  }
}

module attributes {stable_mosaic.version = 14 : i64} {
  func.func @_tc_mid_body(%arg0: memref<1280000xf32, #tpu.memory_space<vmem>>, %arg1: memref<32x10000xf32, #tpu.memory_space<vmem>>, %arg2: memref<10000x128xf32, #tpu.memory_space<vmem>>, %arg3: memref<256x128xf32, #tpu.memory_space<vmem>>, %arg4: memref<256xf32, #tpu.memory_space<vmem>>, %arg5: memref<256x128xf32, #tpu.memory_space<vmem>>, %arg6: memref<256xf32, #tpu.memory_space<vmem>>, %arg7: memref<256xf32, #tpu.memory_space<vmem>>, %arg8: memref<256x128xf32, #tpu.memory_space<vmem>>, %arg9: memref<256xf32, #tpu.memory_space<vmem>>, %arg10: memref<48x256xf32, #tpu.memory_space<vmem>>, %arg11: memref<40x256xf32, #tpu.memory_space<vmem>>, %arg12: memref<40xf32, #tpu.memory_space<vmem>>, %arg13: memref<10000x48xf32, #tpu.memory_space<vmem>>, %arg14: memref<10000x40xf32, #tpu.memory_space<vmem>>, %arg15: memref<10000x1xf32, #tpu.memory_space<vmem>>) attributes {dimension_semantics = [], scalar_prefetch = 0 : i64, scratch_operands = 0 : i64, tpu.core_type = #tpu.core_type<tc>} {
    %get3A = arith.constant 0 : index
    %get3A_0 = vector.load %arg0[%get3A] : memref<1280000xf32, #tpu.memory_space<vmem>>, vector<1280000xf32>
    %reshape3A = vector.shape_cast %get3A_0 : vector<1280000xf32> to vector<10000x128xf32>
    %get3A_1 = arith.constant 0 : index
    %get3A_2 = arith.constant 0 : index
    %get3A_3 = vector.load %arg2[%get3A_1, %get3A_2] : memref<10000x128xf32, #tpu.memory_space<vmem>>, vector<10000x128xf32>
    %get3A_4 = arith.constant 0 : index
    %get3A_5 = arith.constant 0 : index
    %get3A_6 = vector.load %arg1[%get3A_4, %get3A_5] : memref<32x10000xf32, #tpu.memory_space<vmem>>, vector<32x10000xf32>
    %reduce_sum3A = arith.constant dense<0.000000e+00> : vector<10000xf32>
    %reduce_sum3A_7 = vector.multi_reduction <add>, %get3A_6, %reduce_sum3A [0] : vector<32x10000xf32> to vector<10000xf32>
    %mul3A = arith.constant 5.000000e-01 : f32
    %mul3A_8 = vector.broadcast %mul3A : f32 to vector<10000xf32>
    %mul3A_9 = arith.mulf %mul3A_8, %reduce_sum3A_7 : vector<10000xf32>
    %max3A = arith.constant 1.000000e+00 : f32
    %max3A_10 = vector.broadcast %max3A : f32 to vector<10000xf32>
    %max3A_11 = arith.maximumf %mul3A_9, %max3A_10 : vector<10000xf32>
    %div3A = arith.constant 1.000000e+00 : f32
    %div3A_12 = vector.broadcast %div3A : f32 to vector<10000xf32>
    %div3A_13 = arith.divf %div3A_12, %max3A_11 : vector<10000xf32>
    %broadcast_in_dim3A = vector.shape_cast %div3A_13 : vector<10000xf32> to vector<10000x1xf32>
    %mul3A_14 = vector.broadcast %broadcast_in_dim3A : vector<10000x1xf32> to vector<10000x128xf32>
    %mul3A_15 = arith.mulf %reshape3A, %mul3A_14 : vector<10000x128xf32>
    %get3A_16 = arith.constant 0 : index
    %get3A_17 = arith.constant 0 : index
    %get3A_18 = vector.load %arg3[%get3A_16, %get3A_17] : memref<256x128xf32, #tpu.memory_space<vmem>>, vector<256x128xf32>
    %dot_general3A = arith.constant dense<0.000000e+00> : vector<10000x256xf32>
    %dot_general3A_19 = tpu.matmul %mul3A_15, %get3A_18, %dot_general3A {dimension_numbers = #tpu.dot_dimension_numbers<[1], [1], [0], [0], [0, 0, 1, 0], [], []>, transpose_lhs_hint = false} : vector<10000x128xf32>, vector<256x128xf32>, vector<10000x256xf32> -> vector<10000x256xf32>
    %get3A_20 = arith.constant 0 : index
    %get3A_21 = arith.constant 0 : index
    %get3A_22 = vector.load %arg5[%get3A_20, %get3A_21] : memref<256x128xf32, #tpu.memory_space<vmem>>, vector<256x128xf32>
    %dot_general3A_23 = arith.constant dense<0.000000e+00> : vector<10000x256xf32>
    %dot_general3A_24 = tpu.matmul %get3A_3, %get3A_22, %dot_general3A_23 {dimension_numbers = #tpu.dot_dimension_numbers<[1], [1], [0], [0], [0, 0, 1, 0], [], []>, transpose_lhs_hint = false} : vector<10000x128xf32>, vector<256x128xf32>, vector<10000x256xf32> -> vector<10000x256xf32>
    %add3A = arith.addf %dot_general3A_19, %dot_general3A_24 : vector<10000x256xf32>
    %get3A_25 = arith.constant 0 : index
    %get3A_26 = vector.load %arg4[%get3A_25] : memref<256xf32, #tpu.memory_space<vmem>>, vector<256xf32>
    %broadcast_in_dim3A_27 = vector.shape_cast %get3A_26 : vector<256xf32> to vector<1x256xf32>
    %add3A_28 = vector.broadcast %broadcast_in_dim3A_27 : vector<1x256xf32> to vector<10000x256xf32>
    %add3A_29 = arith.addf %add3A, %add3A_28 : vector<10000x256xf32>
    %reduce_sum3A_30 = arith.constant dense<0.000000e+00> : vector<256xf32>
    %reduce_sum3A_31 = vector.multi_reduction <add>, %add3A_29, %reduce_sum3A_30 [0] : vector<10000x256xf32> to vector<256xf32>
    %div3A_32 = arith.constant 1.000000e+04 : f32
    %div3A_33 = vector.broadcast %div3A_32 : f32 to vector<256xf32>
    %div3A_34 = arith.divf %reduce_sum3A_31, %div3A_33 : vector<256xf32>
    %broadcast_in_dim3A_35 = vector.shape_cast %div3A_34 : vector<256xf32> to vector<1x256xf32>
    %sub3A = vector.broadcast %broadcast_in_dim3A_35 : vector<1x256xf32> to vector<10000x256xf32>
    %sub3A_36 = arith.subf %add3A_29, %sub3A : vector<10000x256xf32>
    %integer_pow3A = arith.mulf %sub3A_36, %sub3A_36 : vector<10000x256xf32>
    %reduce_sum3A_37 = arith.constant dense<0.000000e+00> : vector<256xf32>
    %reduce_sum3A_38 = vector.multi_reduction <add>, %integer_pow3A, %reduce_sum3A_37 [0] : vector<10000x256xf32> to vector<256xf32>
    %div3A_39 = arith.constant 1.000000e+04 : f32
    %div3A_40 = vector.broadcast %div3A_39 : f32 to vector<256xf32>
    %div3A_41 = arith.divf %reduce_sum3A_38, %div3A_40 : vector<256xf32>
    %broadcast_in_dim3A_42 = vector.shape_cast %div3A_34 : vector<256xf32> to vector<1x256xf32>
    %sub3A_43 = vector.broadcast %broadcast_in_dim3A_42 : vector<1x256xf32> to vector<10000x256xf32>
    %sub3A_44 = arith.subf %add3A_29, %sub3A_43 : vector<10000x256xf32>
    %add3A_45 = arith.constant 9.99999974E-6 : f32
    %add3A_46 = vector.broadcast %add3A_45 : f32 to vector<256xf32>
    %add3A_47 = arith.addf %div3A_41, %add3A_46 : vector<256xf32>
    %rsqrt3A = math.rsqrt %add3A_47 : vector<256xf32>
    %broadcast_in_dim3A_48 = vector.shape_cast %rsqrt3A : vector<256xf32> to vector<1x256xf32>
    %mul3A_49 = vector.broadcast %broadcast_in_dim3A_48 : vector<1x256xf32> to vector<10000x256xf32>
    %mul3A_50 = arith.mulf %sub3A_44, %mul3A_49 : vector<10000x256xf32>
    %get3A_51 = arith.constant 0 : index
    %get3A_52 = vector.load %arg6[%get3A_51] : memref<256xf32, #tpu.memory_space<vmem>>, vector<256xf32>
    %broadcast_in_dim3A_53 = vector.shape_cast %get3A_52 : vector<256xf32> to vector<1x256xf32>
    %mul3A_54 = vector.broadcast %broadcast_in_dim3A_53 : vector<1x256xf32> to vector<10000x256xf32>
    %mul3A_55 = arith.mulf %mul3A_50, %mul3A_54 : vector<10000x256xf32>
    %get3A_56 = arith.constant 0 : index
    %get3A_57 = vector.load %arg7[%get3A_56] : memref<256xf32, #tpu.memory_space<vmem>>, vector<256xf32>
    %broadcast_in_dim3A_58 = vector.shape_cast %get3A_57 : vector<256xf32> to vector<1x256xf32>
    %add3A_59 = vector.broadcast %broadcast_in_dim3A_58 : vector<1x256xf32> to vector<10000x256xf32>
    %add3A_60 = arith.addf %mul3A_55, %add3A_59 : vector<10000x256xf32>
    %get3A_61 = arith.constant 0 : index
    %get3A_62 = arith.constant 0 : index
    %get3A_63 = vector.load %arg8[%get3A_61, %get3A_62] : memref<256x128xf32, #tpu.memory_space<vmem>>, vector<256x128xf32>
    %dot_general3A_64 = arith.constant dense<0.000000e+00> : vector<10000x256xf32>
    %dot_general3A_65 = tpu.matmul %get3A_3, %get3A_63, %dot_general3A_64 {dimension_numbers = #tpu.dot_dimension_numbers<[1], [1], [0], [0], [0, 0, 1, 0], [], []>, transpose_lhs_hint = false} : vector<10000x128xf32>, vector<256x128xf32>, vector<10000x256xf32> -> vector<10000x256xf32>
    %add3A_66 = arith.addf %add3A_60, %dot_general3A_65 : vector<10000x256xf32>
    %get3A_67 = arith.constant 0 : index
    %get3A_68 = vector.load %arg9[%get3A_67] : memref<256xf32, #tpu.memory_space<vmem>>, vector<256xf32>
    %broadcast_in_dim3A_69 = vector.shape_cast %get3A_68 : vector<256xf32> to vector<1x256xf32>
    %add3A_70 = vector.broadcast %broadcast_in_dim3A_69 : vector<1x256xf32> to vector<10000x256xf32>
    %add3A_71 = arith.addf %add3A_66, %add3A_70 : vector<10000x256xf32>
    %max3A_72 = arith.constant 0.000000e+00 : f32
    %max3A_73 = vector.broadcast %max3A_72 : f32 to vector<10000x256xf32>
    %max3A_74 = arith.maximumf %add3A_71, %max3A_73 : vector<10000x256xf32>
    %get3A_75 = arith.constant 0 : index
    %get3A_76 = arith.constant 0 : index
    %get3A_77 = vector.load %arg10[%get3A_75, %get3A_76] : memref<48x256xf32, #tpu.memory_space<vmem>>, vector<48x256xf32>
    %dot_general3A_78 = arith.constant dense<0.000000e+00> : vector<10000x48xf32>
    %dot_general3A_79 = tpu.matmul %max3A_74, %get3A_77, %dot_general3A_78 {dimension_numbers = #tpu.dot_dimension_numbers<[1], [1], [0], [0], [0, 0, 1, 0], [], []>, transpose_lhs_hint = false} : vector<10000x256xf32>, vector<48x256xf32>, vector<10000x48xf32> -> vector<10000x48xf32>
    %swap3A = arith.constant 0 : index
    %swap3A_80 = arith.constant 0 : index
    %swap3A_81 = vector.load %arg13[%swap3A, %swap3A_80] : memref<10000x48xf32, #tpu.memory_space<vmem>>, vector<10000x48xf32>
    tpu.vector_store %arg13[%swap3A, %swap3A_80], %dot_general3A_79 {strides = array<i32>} : memref<10000x48xf32, #tpu.memory_space<vmem>>, vector<10000x48xf32>,
    %get3A_82 = arith.constant 0 : index
    %get3A_83 = arith.constant 0 : index
    %get3A_84 = vector.load %arg11[%get3A_82, %get3A_83] : memref<40x256xf32, #tpu.memory_space<vmem>>, vector<40x256xf32>
    %dot_general3A_85 = arith.constant dense<0.000000e+00> : vector<10000x40xf32>
    %dot_general3A_86 = tpu.matmul %max3A_74, %get3A_84, %dot_general3A_85 {dimension_numbers = #tpu.dot_dimension_numbers<[1], [1], [0], [0], [0, 0, 1, 0], [], []>, transpose_lhs_hint = false} : vector<10000x256xf32>, vector<40x256xf32>, vector<10000x40xf32> -> vector<10000x40xf32>
    %get3A_87 = arith.constant 0 : index
    %get3A_88 = vector.load %arg12[%get3A_87] : memref<40xf32, #tpu.memory_space<vmem>>, vector<40xf32>
    %broadcast_in_dim3A_89 = vector.shape_cast %get3A_88 : vector<40xf32> to vector<1x40xf32>
    %add3A_90 = vector.broadcast %broadcast_in_dim3A_89 : vector<1x40xf32> to vector<10000x40xf32>
    %add3A_91 = arith.addf %dot_general3A_86, %add3A_90 : vector<10000x40xf32>
    %swap3A_92 = arith.constant 0 : index
    %swap3A_93 = arith.constant 0 : index
    %swap3A_94 = vector.load %arg14[%swap3A_92, %swap3A_93] : memref<10000x40xf32, #tpu.memory_space<vmem>>, vector<10000x40xf32>
    tpu.vector_store %arg14[%swap3A_92, %swap3A_93], %add3A_91 {strides = array<i32>} : memref<10000x40xf32, #tpu.memory_space<vmem>>, vector<10000x40xf32>,
    %broadcast_in_dim3A_95 = vector.shape_cast %div3A_13 : vector<10000xf32> to vector<10000x1xf32>
    %swap3A_96 = arith.constant 0 : index
    %swap3A_97 = arith.constant 0 : index
    %swap3A_98 = vector.load %arg15[%swap3A_96, %swap3A_97] : memref<10000x1xf32, #tpu.memory_space<vmem>>, vector<10000x1xf32>
    tpu.vector_store %arg15[%swap3A_96, %swap3A_97], %broadcast_in_dim3A_95 {strides = array<i32>} : memref<10000x1xf32, #tpu.memory_space<vmem>>, vector<10000x1xf32>,
    return
  }
}

module attributes {stable_mosaic.version = 14 : i64} {
  func.func @_tc_out_body(%arg0: memref<20000x48xf32, #tpu.memory_space<vmem>>, %arg1: memref<10000x1xf32, #tpu.memory_space<vmem>>, %arg2: memref<10000x40xf32, #tpu.memory_space<vmem>>, %arg3: memref<10000x1xi32, #tpu.memory_space<vmem>>, %arg4: memref<40xf32, #tpu.memory_space<vmem>>, %arg5: memref<40xf32, #tpu.memory_space<vmem>>, %arg6: memref<64x40xf32, #tpu.memory_space<vmem>>) attributes {dimension_semantics = [], scalar_prefetch = 0 : i64, scratch_operands = 0 : i64, tpu.core_type = #tpu.core_type<tc>} {
    %get3A = arith.constant 0 : index
    %get3A_0 = arith.constant 0 : index
    %get3A_1 = vector.load %arg0[%get3A, %get3A_0] : memref<20000x48xf32, #tpu.memory_space<vmem>>, vector<20000x48xf32>
    %slice3A = vector.extract_strided_slice %get3A_1 {offsets = [0, 0], sizes = [10000, 48], strides = [1, 1]} : vector<20000x48xf32> to vector<10000x48xf32>
    %slice3A_2 = vector.extract_strided_slice %get3A_1 {offsets = [10000, 0], sizes = [10000, 48], strides = [1, 1]} : vector<20000x48xf32> to vector<10000x48xf32>
    %add3A = arith.addf %slice3A, %slice3A_2 : vector<10000x48xf32>
    %slice3A_3 = vector.extract_strided_slice %add3A {offsets = [0, 0], sizes = [10000, 40], strides = [1, 1]} : vector<10000x48xf32> to vector<10000x40xf32>
    %get3A_4 = arith.constant 0 : index
    %get3A_5 = arith.constant 0 : index
    %get3A_6 = vector.load %arg1[%get3A_4, %get3A_5] : memref<10000x1xf32, #tpu.memory_space<vmem>>, vector<10000x1xf32>
    %mul3A = vector.broadcast %get3A_6 : vector<10000x1xf32> to vector<10000x40xf32>
    %mul3A_7 = arith.mulf %slice3A_3, %mul3A : vector<10000x40xf32>
    %get3A_8 = arith.constant 0 : index
    %get3A_9 = arith.constant 0 : index
    %get3A_10 = vector.load %arg2[%get3A_8, %get3A_9] : memref<10000x40xf32, #tpu.memory_space<vmem>>, vector<10000x40xf32>
    %add3A_11 = arith.addf %mul3A_7, %get3A_10 : vector<10000x40xf32>
    %reduce_sum3A = arith.constant dense<0.000000e+00> : vector<40xf32>
    %reduce_sum3A_12 = vector.multi_reduction <add>, %add3A_11, %reduce_sum3A [0] : vector<10000x40xf32> to vector<40xf32>
    %div3A = arith.constant 1.000000e+04 : f32
    %div3A_13 = vector.broadcast %div3A : f32 to vector<40xf32>
    %div3A_14 = arith.divf %reduce_sum3A_12, %div3A_13 : vector<40xf32>
    %broadcast_in_dim3A = vector.shape_cast %div3A_14 : vector<40xf32> to vector<1x40xf32>
    %sub3A = vector.broadcast %broadcast_in_dim3A : vector<1x40xf32> to vector<10000x40xf32>
    %sub3A_15 = arith.subf %add3A_11, %sub3A : vector<10000x40xf32>
    %integer_pow3A = arith.mulf %sub3A_15, %sub3A_15 : vector<10000x40xf32>
    %reduce_sum3A_16 = arith.constant dense<0.000000e+00> : vector<40xf32>
    %reduce_sum3A_17 = vector.multi_reduction <add>, %integer_pow3A, %reduce_sum3A_16 [0] : vector<10000x40xf32> to vector<40xf32>
    %div3A_18 = arith.constant 1.000000e+04 : f32
    %div3A_19 = vector.broadcast %div3A_18 : f32 to vector<40xf32>
    %div3A_20 = arith.divf %reduce_sum3A_17, %div3A_19 : vector<40xf32>
    %broadcast_in_dim3A_21 = vector.shape_cast %div3A_14 : vector<40xf32> to vector<1x40xf32>
    %sub3A_22 = vector.broadcast %broadcast_in_dim3A_21 : vector<1x40xf32> to vector<10000x40xf32>
    %sub3A_23 = arith.subf %add3A_11, %sub3A_22 : vector<10000x40xf32>
    %add3A_24 = arith.constant 9.99999974E-6 : f32
    %add3A_25 = vector.broadcast %add3A_24 : f32 to vector<40xf32>
    %add3A_26 = arith.addf %div3A_20, %add3A_25 : vector<40xf32>
    %rsqrt3A = math.rsqrt %add3A_26 : vector<40xf32>
    %broadcast_in_dim3A_27 = vector.shape_cast %rsqrt3A : vector<40xf32> to vector<1x40xf32>
    %mul3A_28 = vector.broadcast %broadcast_in_dim3A_27 : vector<1x40xf32> to vector<10000x40xf32>
    %mul3A_29 = arith.mulf %sub3A_23, %mul3A_28 : vector<10000x40xf32>
    %get3A_30 = arith.constant 0 : index
    %get3A_31 = vector.load %arg4[%get3A_30] : memref<40xf32, #tpu.memory_space<vmem>>, vector<40xf32>
    %broadcast_in_dim3A_32 = vector.shape_cast %get3A_31 : vector<40xf32> to vector<1x40xf32>
    %mul3A_33 = vector.broadcast %broadcast_in_dim3A_32 : vector<1x40xf32> to vector<10000x40xf32>
    %mul3A_34 = arith.mulf %mul3A_29, %mul3A_33 : vector<10000x40xf32>
    %get3A_35 = arith.constant 0 : index
    %get3A_36 = vector.load %arg5[%get3A_35] : memref<40xf32, #tpu.memory_space<vmem>>, vector<40xf32>
    %broadcast_in_dim3A_37 = vector.shape_cast %get3A_36 : vector<40xf32> to vector<1x40xf32>
    %add3A_38 = vector.broadcast %broadcast_in_dim3A_37 : vector<1x40xf32> to vector<10000x40xf32>
    %add3A_39 = arith.addf %mul3A_34, %add3A_38 : vector<10000x40xf32>
    %iota3A = tpu.iota {dimensions = array<i32: 1>} : vector<10000x64xi32>
    %get3A_40 = arith.constant 0 : index
    %get3A_41 = arith.constant 0 : index
    %get3A_42 = vector.load %arg3[%get3A_40, %get3A_41] : memref<10000x1xi32, #tpu.memory_space<vmem>>, vector<10000x1xi32>
    %eq3A = vector.broadcast %get3A_42 : vector<10000x1xi32> to vector<10000x64xi32>
    %eq3A_43 = arith.cmpi eq, %eq3A, %iota3A : vector<10000x64xi32>
    %convert_element_type3A = arith.extui %eq3A_43 : vector<10000x64xi1> to vector<10000x64xi32>
    %convert_element_type3A_44 = arith.sitofp %convert_element_type3A : vector<10000x64xi32> to vector<10000x64xf32>
    %dot_general3A = arith.constant dense<0.000000e+00> : vector<64x40xf32>
    %dot_general3A_45 = tpu.matmul %convert_element_type3A_44, %add3A_39, %dot_general3A {dimension_numbers = #tpu.dot_dimension_numbers<[0], [0], [1], [1], [0, 1, 1, 1], [], []>, transpose_lhs_hint = false} : vector<10000x64xf32>, vector<10000x40xf32>, vector<64x40xf32> -> vector<64x40xf32>
    %reduce_sum3A_46 = arith.constant dense<0.000000e+00> : vector<64xf32>
    %reduce_sum3A_47 = vector.multi_reduction <add>, %convert_element_type3A_44, %reduce_sum3A_46 [0] : vector<10000x64xf32> to vector<64xf32>
    %max3A = arith.constant 1.000000e+00 : f32
    %max3A_48 = vector.broadcast %max3A : f32 to vector<64xf32>
    %max3A_49 = arith.maximumf %reduce_sum3A_47, %max3A_48 : vector<64xf32>
    %broadcast_in_dim3A_50 = vector.shape_cast %max3A_49 : vector<64xf32> to vector<64x1xf32>
    %div3A_51 = vector.broadcast %broadcast_in_dim3A_50 : vector<64x1xf32> to vector<64x40xf32>
    %div3A_52 = arith.divf %dot_general3A_45, %div3A_51 : vector<64x40xf32>
    %reduce_max3A = arith.constant dense<0xFF800000> : vector<64xf32>
    %reduce_max3A_53 = vector.multi_reduction <maximumf>, %div3A_52, %reduce_max3A [1] : vector<64x40xf32> to vector<64xf32>
    %broadcast_in_dim3A_54 = vector.shape_cast %reduce_max3A_53 : vector<64xf32> to vector<64x1xf32>
    %sub3A_55 = vector.broadcast %broadcast_in_dim3A_54 : vector<64x1xf32> to vector<64x40xf32>
    %sub3A_56 = arith.subf %div3A_52, %sub3A_55 : vector<64x40xf32>
    %exp3A = math.exp %sub3A_56 : vector<64x40xf32>
    %reduce_sum3A_57 = arith.constant dense<0.000000e+00> : vector<64xf32>
    %reduce_sum3A_58 = vector.multi_reduction <add>, %exp3A, %reduce_sum3A_57 [1] : vector<64x40xf32> to vector<64xf32>
    %broadcast_in_dim3A_59 = vector.shape_cast %reduce_sum3A_58 : vector<64xf32> to vector<64x1xf32>
    %log3A = math.log %broadcast_in_dim3A_59 : vector<64x1xf32>
    %add3A_60 = arith.addf %log3A, %broadcast_in_dim3A_54 : vector<64x1xf32>
    %sub3A_61 = vector.broadcast %add3A_60 : vector<64x1xf32> to vector<64x40xf32>
    %sub3A_62 = arith.subf %div3A_52, %sub3A_61 : vector<64x40xf32>
    %swap3A = arith.constant 0 : index
    %swap3A_63 = arith.constant 0 : index
    %swap3A_64 = vector.load %arg6[%swap3A, %swap3A_63] : memref<64x40xf32, #tpu.memory_space<vmem>>, vector<64x40xf32>
    tpu.vector_store %arg6[%swap3A, %swap3A_63], %sub3A_62 {strides = array<i32>} : memref<64x40xf32, #tpu.memory_space<vmem>>, vector<64x40xf32>,
    return
  }
}

</mosaic_0001>

<sc_bundles>
// kernel: kernel.6.cloned.1.call-start
scs
__scs_entry_jumppad:
0x0: {  	(pc) =	sbr.rel $0x88, $3  }
0x1: {  	(tag) =	ssettag $0x0;
	lr =	simm.s32 $0x1  }
0x2: {  	[smem:$0x3F92] =	sst lr;
	_ =	strace $0xD0000000  }
0x3: {  	_ = 	snop  }
0x4: {  	_ = 	snop  }
0x5: {  	_ = 	snop  }
0x6: {  	_ = 	snop  }
0x7: {  	_ = 	snop  }
__scs_overlays_trampoline_lowered:
0x8: {  	[smem:$0x3FA1] =	sst s0  }
0x9: {  	[smem:$0x3FA2] =	sst s1  }
0xa: {  	[smem:$0x3FA3] =	sst s2  }
0xb: {  	[smem:$0x3FA4] =	sst s3  }
0xc: {  	[smem:$0x3FA5] =	sst s4  }
0xd: {  	[smem:$0x3FA6] =	sst s5  }
0xe: {  	[smem:$0x3FA7] =	sst s6  }
0xf: {  	[smem:$0x3FA8] =	sst s7  }
0x10: {  	[smem:$0x3FA9] =	sst s8  }
0x11: {  	[smem:$0x3FAA] =	sst s9;
	s0 =	simm.s32 @!p0 $0x0  }
0x12: {  	s1 =	sld [smem:$0x3F90];
	s0 =	simm.s32 @p0 $0x1  }
0x13: {  	[smem:$0x3FAB] =	sst s0;
	s0 =	simm.s32 @!p1 $0x0  }
0x14: {  	s2 =	sld [smem:$0x3F8F];
	s0 =	simm.s32 @p1 $0x1  }
0x15: {  	[smem:$0x3FAC] =	sst s0;
	s0 =	simm.s32 @!p2 $0x0  }
0x16: {  	s3 =	sld [smem:$0x3FDB];
	s0 =	simm.s32 @p2 $0x1  }
0x17: {  	s4 =	simm.s32 $0x1BF5;
	[smem:$0x3FAE] =	sst s0  }
0x18: {  	s0 =	sld [smem:$0x3F91];
	_ =	swait.ge [sflag:s4], $0x0  }
0x19: {  	s7 =	sld [smem:$0x3F92]  }
0x1a: {  	s8 =	sadd.s32 $0xFFFFE003, lr  }
0x1b: {  	s9 =	sadd.s32 $0xFFFFFEF7, lr;
	s5 =	simm.s32 $0xFFFFFFFF;
	p2 =	slt.u32 s8, $0xFFFFF086  }
0x1c: {  	p1 =	slt.u32 s9, $0xF7A;
	s5 =	simm.s32 @!p2 $0x0  }
0x1d: {  	s5 =	simm.s32 @p1 $0x1;
	p0 =	seq.s32 s7, s2  }
0x1e: {  	s7 =	smul.u32 @!p0 $0xF7A, s2;
	p2 =	seq.s32 @!p0 s5, $0x0  }
0x1f: {  	s9 =	smul.u32 $0xF7A, s1;
	s8 =	simm.s32 @!p0 $0x1BF5;
	p2 =	por !p2, p0  }
0x20: {  	[sflag:s8] =	ssyncset.s32 @!p0 $0xFFFFF086;
	s6 =	sadd.s32 @!p0 s3, s7;
	s7 =	simm.s32 @!p0 $0x108  }
0x21: {  	s3 =	sadd.s32 s3, s9;
	s6 =	sadd.s32 @!p0 $0x88, s6;
	s7 =	simm.s32 @p2 $0x1082  }
0x22: {  	[simem:s7], [sflag:s8] =	dma.local @!p0 [hbm:s6], $0xF7A  }
0x23: {  	s9 =	sor.u32 $0xD0000000, s2;
	s6 =	simm.s32 $0x108;
	_ =	swait.ge @!p0 [sflag:s8], $0x0  }
0x24: {  	s3 =	sadd.s32 $0x88, s3;
	s6 =	simm.s32 @!p1 $0x1082;
	[sflag:s4] =	ssyncset.s32 $0xFFFFF086  }
0x25: {  	[simem:s6], [sflag:s4] =	dma.local [hbm:s3], $0xF7A  }
0x26: {  	[smem:$0x3F92] =	sst s1;
	(tag) =	ssettag s2;
	_ =	strace s9  }
0x27: {  	s1 =	sld [smem:$0x3FA2]  }
0x28: {  	s2 =	sld [smem:$0x3FA3]  }
0x29: {  	s4 =	sld [smem:$0x3FA5]  }
0x2a: {  	p0 =	seq.s32 s5, $0x0;
	s5 =	sld [smem:$0x3FA6]  }
0x2b: {  	s6 =	sld [smem:$0x3FA7]  }
0x2c: {  	s7 =	sld [smem:$0x3FA8]  }
0x2d: {  	s3 =	simm.s32 $0x108;
	s8 =	sld [smem:$0x3FA9]  }
0x2e: {  	s3 =	simm.s32 @!p0 $0x1082;
	s9 =	sld [smem:$0x3FAA]  }
0x2f: {  	lr =	sadd.s32 s0, s3;
	s0 =	sld [smem:$0x3FA1]  }
0x30: {  	s3 =	sld [smem:$0x3FA4]  }
0x31: {  	[smem:$0x3FAD] =	sst s10  }
0x32: {  	s10 =	sld [smem:$0x3FAB];
	_ =	sdelay $0x3  }
0x33: {  	p0 =	seq.s32 s10, $0x1;
	s10 =	sld [smem:$0x3FAD];
	_ =	sdelay $0x3  }
0x34: {  	[smem:$0x3FAD] =	sst s10  }
0x35: {  	s10 =	sld [smem:$0x3FAC];
	_ =	sdelay $0x3  }
0x36: {  	p1 =	seq.s32 s10, $0x1;
	s10 =	sld [smem:$0x3FAD];
	_ =	sdelay $0x3  }
0x37: {  	[smem:$0x3FAD] =	sst s10  }
0x38: {  	s10 =	sld [smem:$0x3FAE]  }
0x39: {  	_ = 	snop;
	(pc) =	sbr.ind lr, $3  }
0x3a: {  	_ = 	snop  }
0x3b: {  	_ = 	snop  }
0x3c: {  	p2 =	seq.s32 s10, $0x1;
	s10 =	sld [smem:$0x3FAD]  }
0x3d: {  	_ =	shalt  }
0x3e: {  	_ =	shalt  }
0x3f: {  	_ =	shalt  }
0x40: {  	_ =	shalt  }
0x41: {  	_ =	shalt  }
0x42: {  	_ =	shalt  }
0x43: {  	_ =	shalt  }
0x44: {  	_ =	shalt  }
0x45: {  	_ =	shalt  }
0x46: {  	_ =	shalt  }
0x47: {  	_ =	shalt  }
0x48: {  	_ =	shalt  }
0x49: {  	_ =	shalt  }
0x4a: {  	_ =	shalt  }
0x4b: {  	_ =	shalt  }
0x4c: {  	_ =	shalt  }
0x4d: {  	_ =	shalt  }
0x4e: {  	_ =	shalt  }
0x4f: {  	_ =	shalt  }
0x50: {  	_ =	shalt  }
0x51: {  	_ =	shalt  }
0x52: {  	_ =	shalt  }
0x53: {  	_ =	shalt  }
0x54: {  	_ =	shalt  }
0x55: {  	_ =	shalt  }
0x56: {  	_ =	shalt  }
0x57: {  	_ =	shalt  }
0x58: {  	_ =	shalt  }
0x59: {  	_ =	shalt  }
0x5a: {  	_ =	shalt  }
0x5b: {  	_ =	shalt  }
0x5c: {  	_ =	shalt  }
0x5d: {  	_ =	shalt  }
0x5e: {  	_ =	shalt  }
0x5f: {  	_ =	shalt  }
0x60: {  	_ =	shalt  }
0x61: {  	_ =	shalt  }
0x62: {  	_ =	shalt  }
0x63: {  	_ =	shalt  }
0x64: {  	_ =	shalt  }
0x65: {  	_ =	shalt  }
0x66: {  	_ =	shalt  }
0x67: {  	_ =	shalt  }
0x68: {  	_ =	shalt  }
0x69: {  	_ =	shalt  }
0x6a: {  	_ =	shalt  }
0x6b: {  	_ =	shalt  }
0x6c: {  	_ =	shalt  }
0x6d: {  	_ =	shalt  }
0x6e: {  	_ =	shalt  }
0x6f: {  	_ =	shalt  }
0x70: {  	_ =	shalt  }
0x71: {  	_ =	shalt  }
0x72: {  	_ =	shalt  }
0x73: {  	_ =	shalt  }
0x74: {  	_ =	shalt  }
0x75: {  	_ =	shalt  }
0x76: {  	_ =	shalt  }
0x77: {  	_ =	shalt  }
0x78: {  	_ =	shalt  }
0x79: {  	_ =	shalt  }
0x7a: {  	_ =	shalt  }
0x7b: {  	_ =	shalt  }
0x7c: {  	_ =	shalt  }
0x7d: {  	_ =	shalt  }
0x7e: {  	_ =	shalt  }
0x7f: {  	_ =	shalt  }
0x80: {  	_ =	shalt  }
0x81: {  	_ =	shalt  }
0x82: {  	_ =	shalt  }
0x83: {  	_ =	shalt  }
0x84: {  	_ =	shalt  }
0x85: {  	_ =	shalt  }
0x86: {  	_ =	shalt  }
0x87: {  	_ =	shalt  }
.Lfunc_end0:
.L_simem_size_0:
called_computation_lowered:
.L_overlay_start_0:
0x88: {  	s2 =	sld [smem:$0x3FD9]  }
0x89: {  	s3 =	sld [smem:$0x3FFE];
	_ =	sdelay $0x1  }
0x8a: {  	s1 =	srdreg.scid  }
0x8b: {  	s0 =	sand.u32 $0x1, s1  }
0x8c: {  	s17 =	sshll.u32 s0, $0xA;
	s2 =	sadd.s32 s3, s2  }
0x8d: {  	s2 =	sadd.s32 s2, s17  }
0x8e: {  	[smem:$0x3FB9] =	sst s2  }
0x8f: {  	_ = 	snop  }
0x90: {  	s2 =	sld [smem:$0x3FC9];
	(tm) =	ssettm $0x1  }
0x91: {  	s18 =	sld [smem:$0x3FFB];
	_ =	sdelay $0x3  }
0x92: {  	_ =	strace s18  }
0x93: {  	s3 =	sld [smem:$0x3FFC];
	_ =	sdelay $0x3  }
0x94: {  	_ =	strace s3  }
0x95: {  	s3 =	sld [smem:$0x3FFD];
	_ =	sdelay $0x3  }
0x96: {  	_ =	strace s3  }
0x97: {  	_ =	strace $0x8FFFFFFF  }
0x98: {  	s19 =	sld [smem:$0x3FDB];
	_ =	sdelay $0x1  }
0x99: {  	s4 =	simm.s32 $_scs_section_size  }
0x9a: {  	s5 =	simm.s32 $_size__tile_overlayer_lowered;
	s6 =	simm.s32 $_tile_overlayer_lowered  }
0x9b: {  	s22 =	simm.s32 $0x1BFF;
	s21 =	sshll.u32 s6, $0x1;
	s3 =	sadd.s32 s4, s19  }
0x9c: {  	s7 =	simm.s32 $0x0;
	s20 =	sshll.u32 s5, $0x1;
	s5 =	sadd.s32 s21, s3  }
0x9d: {  	[timem:s7], [sflag:s22] =	dma.local [hbm:s5], s20  }
0x9e: {  	_ =	swait.ge [sflag:s22], s20  }
0x9f: {  	s4 =	ssub.s32 $0x0, s20;
	[sflag:s22] =	ssyncset.done $0x0  }
0xa0: {  	[sflag:s22] =	ssyncadd.s32 s4;
	_ =	sdelay $0x1  }
0xa1: {  	s23 =	simm.s32 $0x1B8B  }
0xa2: {  	_ =	swait.ge [sflag:s23], $0x1  }
0xa3: {  	[sflag:s23] =	ssyncset.done $0x0  }
0xa4: {  	s25 =	simm.s32 $0x1B8E;
	s24 =	sld [smem:$0x3FFE];
	[sflag:s23] =	ssyncadd.s32 $0xFFFFFFFF  }
0xa5: {  	s26 =	simm.s32 $execute0_lowered;
	[smem:$0x3FD2] =	sst s25  }
0xa6: {  	s5 =	sshll.u32 s26, $0x1;
	_ =	strace $0x80000046;
	[dreg:$0x1] =	wrdreg $0xFFFFFFFF  }
0xa7: {  	s28 =	simm.s32 $_size_execute0_lowered;
	s3 =	sadd.s32 s3, s5;
	[dreg:$0x0] =	wrdreg $0x0  }
0xa8: {  	s5 =	sshll.u32 s28, $0x1;
	[dreg:$0x2] =	wrdreg s3  }
0xa9: {  	[dreg:$0x3] =	wrdreg s5  }
0xaa: {  	[dreg:$0x4] =	wrdreg $0xC0  }
0xab: {  	_ =	task [dreg:s7], $0x5FFFF  }
0xac: {  	[dreg:$0x1] =	wrdreg $0xFFFFFFFF  }
0xad: {  	[dreg:$0x0] =	wrdreg $0x60  }
0xae: {  	[dreg:$0x2] =	wrdreg s2  }
0xaf: {  	[dreg:$0x3] =	wrdreg s24  }
0xb0: {  	[dreg:$0x4] =	wrdreg $0x118000  }
0xb1: {  	[dreg:$0x5] =	wrdreg $0x9  }
0xb2: {  	_ =	task.clear_ibuf [dreg:s7], $0x6FFFF;
	_ =	strace $0x90000046  }
0xb3: {  	s29 =	simm.s32 $0x9;
	_ =	strace $0x80000048  }
0xb4: {  	_ =	swait.ge [sflag:s29], $0x1  }
0xb5: {  	[sflag:s29] =	ssyncadd.s32 $0xFFFFFFFF  }
0xb6: {  	_ =	strace $0x90000048  }
0xb7: {  	_ =	sfence  }
0xb8: {  	s30 =	sld [smem:$0x0];
	_ =	sdelay $0x2  }
0xb9: {  	s31 =	sshll.u32 s1, $0xD;
	s1 =	sshrl.u32 s1, $0x2  }
0xba: {  	s3 =	sand.u32 $0x4000, s31;
	s1 =	sadd.s32 s1, s30  }
0xbb: {  	s0 =	sor.u32 s3, s0;
	s1 =	sshll.u32 s1, $0x11  }
0xbc: {  	s0 =	sor.u32 s1, s0  }
0xbd: {  	s0 =	sadd.s32 $0x8F2B, s0  }
0xbe: {  	[sflag:s0] =	ssyncadd.remote.s32 $0x1  }
0xbf: {  	_ =	sfence.sel $0xFFFF  }
0xc0: {  	[dreg:$0x0] =	wrdreg $0xFFFFFFFF;
	(pc) =	sbr.abs _section_cstart, $3  }
0xc1: {  	[dreg:$0x1] =	wrdreg $0xFFFFFFFF  }
0xc2: {  	_ =	task.clear_ibuf [dreg:s7], $0x2FFFF;
	_ =	strace $0x9FFFFFFF  }
0xc3: {  	(tm) =	ssettm $0x7FFFFFFF  }
tec
execute0_lowered:
.L_overlay_start_1:
0x0: {  	(tag) =	ssettag $0x1  }
0x1: {  	s2 =	rddreg [dreg:$0x0]  }
0x2: {  	s0 =	rddreg [dreg:$0x1]  }
0x3: {  	s3 =	rddreg [dreg:$0x2]  }
0x4: {  	s11 =	stileid.u32;
	s1 =	srdreg.scid  }
0x5: {  	s15 =	simm.s32 $0x0;
	s13 =	simm.s32 $0x7;
	s28 =	simm.s32 $0xD840  }
0x6: {  	s30 =	simm.s32 $0xEC40;
	s12 =	simm.s32 $0x115D0;
	s5 =	smul.u32 $0x4E20, s11  }
0x7: {  	s14 =	simm.s32 $0x11620;
	s29 =	simm.s32 $0x1B440;
	s17 =	smul.u32 $0x9E00, s11  }
0x8: {  	s16 =	simm.s32 $0x0;
	s4 =	sand.u32 $0x1, s1;
	s19 =	smul.u32 $0x13C00, s11  }
0x9: {  	[smem:$0x7FF] =	sst s15;
	s10 =	sadd.s32 $0x33800, s0;
	s21 =	smul.u32 $0x27800, s11  }
0xa: {  	p0 =	seq.s32 s11, $0xF;
	s6 =	sshll.u32 s4, $0x4;
	_ =	strace $0x80000047  }
0xb: {  	s8 =	ssub.s32 $0x2, s4;
	s20 =	sshll.u32 s4, $0x6;
	s23 =	sshll.u32 s4, $0x3  }
0xc: {  	s5 =	sshrl.u32 s5, $0x3;
	s6 =	sor.u32 s11, s6;
	s7 =	sshrl.u32 s17, $0x3  }
0xd: {  	s9 =	sshrl.u32 s8, $0x1;
	s1 =	sadd.s32 s17, s3;
	s24 =	sshrl.u32 s21, $0x2  }
0xe: {  	s21 =	simm.s32 $0x11440;
	s17 =	simm.s32 $0x6;
	s6 =	smul.u32 $0x4E2, s6  }
0xf: {  	s5 =	sadd.s32 s5, s0;
	s7 =	sadd.s32 s7, s0;
	s8 =	ssub.s32 s8, s9  }
0x10: {  	s9 =	sadd.s32 $0x94200, s3;
	s1 =	sshrl.u32 @!p0 s1, $0x3;
	s18 =	sadd.s32 $0x2600, s5  }
0x11: {  	s5 =	sadd.s32 $0xC240, s5;
	s7 =	sadd.s32 $0x16000, s7;
	[dreg:$0xe] =	wrdreg s1  }
0x12: {  	s26 =	smax.u32 s8, $0x1;
	s31 =	sshrl.u32 @p0 s9, $0x3;
	[dreg:$0x4] =	wrdreg s18  }
0x13: {  	s1 =	simm.s32 $0x1;
	s8 =	simm.s32 $0x116C0;
	[dreg:$0x5] =	wrdreg s5  }
0x14: {  	s9 =	simm.s32 $0x4;
	s6 =	sadd.s32 s6, s0;
	[dreg:$0x6] =	wrdreg s7  }
0x15: {  	s5 =	sor.u32 s20, s19;
	s0 =	sadd.s32 $0x28840, s0;
	[dreg:$0xb] =	wrdreg s26  }
0x16: {  	s18 =	simm.s32 $0x50;
	s20 =	simm.s32 $0x9C40;
	[dreg:$0xc] =	wrdreg s31  }
0x17: {  	s26 =	simm.s32 $0x11530;
	s7 =	simm.s32 $0x3;
	[dreg:$0x7] =	wrdreg s0  }
0x18: {  	s22 =	sshrl.u32 s5, $0x3;
	s5 =	sadd.s32 s23, s10;
	s25 =	sadd.s32 $0x29A00, s6  }
0x19: {  	s23 =	simm.s32 $0x114E0;
	s6 =	simm.s32 $0x11670;
	s0 =	sadd.s32 s10, s22  }
0x1a: {  	s5 =	sadd.s32 $0x25080, s5;
	[dreg:$0xa] =	wrdreg s25;
	s22 =	simm.s32 $0xB040  }
.Ltmp0:
0x1b: {  	s25 =	simm.s32 $0xC440;
	[dreg:$0x8] =	wrdreg s0;
	(pc) =	sbr.rel .LBB2_1-.Ltmp0, $4  }
0x1c: {  	s10 =	simm.s32 $0x11710;
	s0 =	sadd.s32 s24, s3;
	[dreg:$0x9] =	wrdreg s5  }
0x1d: {  	s5 =	sshll.u32 @!p0 s11, $0x6;
	s11 =	simm.s32 $0x5;
	s0 =	sshrl.u32 @!p0 s0, $0x3  }
0x1e: {  	s24 =	simm.s32 $0x117B0;
	s19 =	sor.u32 @!p0 $0x1C07, s5;
	[dreg:$0xf] =	wrdreg s0  }
0x1f: {  	v1 =	vimm.f32 $0.0e+00;
	v2 =	vimm.f32 $1.000000000e+00;
	v0 =	vmov s4;
	s5 =	simm.s32 $0x2;
	s0 =	simm.s32 $0x10040;
	[dreg:$0xd] =	wrdreg s19  }
.LBB2_6:
0x20: {  	_ =	swait.ge [sflag:s1], $0x1400  }
0x21: {  	[sflag:s1] =	ssyncset.done $0x0  }
0x22: {  	[sflag:s1] =	ssyncadd.s32 $0xFFFFEC00  }
0x23: {  	[spmem:s3] =	stream.indirect.scatter.add.f32 [tilespmem:s20], [sflag:$0x7], $0x40, s14, s18, $0xb8;
	[tilespmem:$0x1DB50] =	vst v63  }
0x24: {  	_ =	swait.ge [sflag:s13], $0x1400  }
0x25: {  	[sflag:s13] =	ssyncset.done $0x0  }
0x26: {  	[sflag:s13] =	ssyncadd.s32 $0xFFFFEC00  }
0x27: {  	v3 =	vld [tilespmem:$0x9B00];
	_ =	sdelay $0x7  }
0x28: {  	[tilespmem:v3+s29+$0x0] =	vst.idx.add.f32.msk $0xffff, v2  }
0x29: {  	v3 =	vld [tilespmem:$0x9B10];
	_ =	sdelay $0x7  }
0x2a: {  	[tilespmem:v3+s29+$0x0] =	vst.idx.add.f32.msk $0xffff, v2  }
0x2b: {  	v3 =	vld [tilespmem:$0x9B20];
	_ =	sdelay $0x7  }
0x2c: {  	[tilespmem:v3+s29+$0x0] =	vst.idx.add.f32.msk $0xffff, v2  }
0x2d: {  	v3 =	vld [tilespmem:$0x9B30];
	_ =	sdelay $0x7  }
0x2e: {  	[tilespmem:v3+s29+$0x0] =	vst.idx.add.f32.msk $0xffff, v2  }
0x2f: {  	v3 =	vld [tilespmem:$0x9B40];
	_ =	sdelay $0x7  }
0x30: {  	[tilespmem:v3+s29+$0x0] =	vst.idx.add.f32.msk $0xffff, v2  }
0x31: {  	_ =	swait.ge [sflag:s5], $0x1400  }
0x32: {  	[sflag:s5] =	ssyncset.done $0x0  }
0x33: {  	[sflag:s5] =	ssyncadd.s32 $0xFFFFEC00  }
0x34: {  	[spmem:s3] =	stream.indirect.scatter.add.f32 [tilespmem:s22], [sflag:$0x7], $0x40, s6, s18, $0xb8;
	[tilespmem:$0x1DB50] =	vst v63  }
0x35: {  	_ =	swait.ge [sflag:s13], $0x1400  }
0x36: {  	[sflag:s13] =	ssyncset.done $0x0  }
0x37: {  	[sflag:s13] =	ssyncadd.s32 $0xFFFFEC00  }
0x38: {  	v3 =	vld [tilespmem:$0x9B50];
	_ =	sdelay $0x7  }
0x39: {  	[tilespmem:v3+s29+$0x0] =	vst.idx.add.f32.msk $0xffff, v2  }
0x3a: {  	v3 =	vld [tilespmem:$0x9B60];
	_ =	sdelay $0x7  }
0x3b: {  	[tilespmem:v3+s29+$0x0] =	vst.idx.add.f32.msk $0xffff, v2  }
0x3c: {  	v3 =	vld [tilespmem:$0x9B70];
	_ =	sdelay $0x7  }
0x3d: {  	[tilespmem:v3+s29+$0x0] =	vst.idx.add.f32.msk $0xffff, v2  }
0x3e: {  	v3 =	vld [tilespmem:$0x9B80];
	_ =	sdelay $0x7  }
0x3f: {  	[tilespmem:v3+s29+$0x0] =	vst.idx.add.f32.msk $0xffff, v2  }
0x40: {  	v3 =	vld [tilespmem:$0x9B90];
	_ =	sdelay $0x7  }
0x41: {  	[tilespmem:v3+s29+$0x0] =	vst.idx.add.f32.msk $0xffff, v2  }
0x42: {  	_ =	swait.ge [sflag:s7], $0x1400  }
0x43: {  	[sflag:s7] =	ssyncset.done $0x0  }
0x44: {  	[sflag:s7] =	ssyncadd.s32 $0xFFFFEC00  }
0x45: {  	[spmem:s3] =	stream.indirect.scatter.add.f32 [tilespmem:s25], [sflag:$0x7], $0x40, s8, s18, $0xb8;
	[tilespmem:$0x1DB50] =	vst v63  }
0x46: {  	_ =	swait.ge [sflag:s13], $0x1400  }
0x47: {  	[sflag:s13] =	ssyncset.done $0x0  }
0x48: {  	[sflag:s13] =	ssyncadd.s32 $0xFFFFEC00  }
0x49: {  	v3 =	vld [tilespmem:$0x9BA0];
	_ =	sdelay $0x7  }
0x4a: {  	[tilespmem:v3+s29+$0x0] =	vst.idx.add.f32.msk $0xffff, v2  }
0x4b: {  	v3 =	vld [tilespmem:$0x9BB0];
	_ =	sdelay $0x7  }
0x4c: {  	[tilespmem:v3+s29+$0x0] =	vst.idx.add.f32.msk $0xffff, v2  }
0x4d: {  	v3 =	vld [tilespmem:$0x9BC0];
	_ =	sdelay $0x7  }
0x4e: {  	[tilespmem:v3+s29+$0x0] =	vst.idx.add.f32.msk $0xffff, v2  }
0x4f: {  	v3 =	vld [tilespmem:$0x9BD0];
	_ =	sdelay $0x7  }
0x50: {  	[tilespmem:v3+s29+$0x0] =	vst.idx.add.f32.msk $0xffff, v2  }
0x51: {  	v3 =	vld [tilespmem:$0x9BE0];
	_ =	sdelay $0x7  }
0x52: {  	[tilespmem:v3+s29+$0x0] =	vst.idx.add.f32.msk $0xffff, v2  }
0x53: {  	_ =	swait.ge [sflag:s9], $0x1400  }
0x54: {  	[sflag:s9] =	ssyncset.done $0x0  }
0x55: {  	[sflag:s9] =	ssyncadd.s32 $0xFFFFEC00  }
0x56: {  	[spmem:s3] =	stream.indirect.scatter.add.f32 [tilespmem:s28], [sflag:$0x7], $0x40, s10, s18, $0xb8;
	[tilespmem:$0x1DB50] =	vst v63  }
0x57: {  	_ =	swait.ge [sflag:s13], $0x1400  }
0x58: {  	[sflag:s13] =	ssyncset.done $0x0  }
0x59: {  	[sflag:s13] =	ssyncadd.s32 $0xFFFFEC00  }
0x5a: {  	v3 =	vld [tilespmem:$0x9BF0];
	_ =	sdelay $0x7  }
0x5b: {  	[tilespmem:v3+s29+$0x0] =	vst.idx.add.f32.msk $0xffff, v2  }
0x5c: {  	v3 =	vld [tilespmem:$0x9C00];
	_ =	sdelay $0x7  }
0x5d: {  	[tilespmem:v3+s29+$0x0] =	vst.idx.add.f32.msk $0xffff, v2  }
0x5e: {  	v3 =	vld [tilespmem:$0x9C10];
	_ =	sdelay $0x7  }
0x5f: {  	[tilespmem:v3+s29+$0x0] =	vst.idx.add.f32.msk $0xffff, v2  }
0x60: {  	v3 =	vld [tilespmem:$0x9C20];
	_ =	sdelay $0x7  }
0x61: {  	[tilespmem:v3+s29+$0x0] =	vst.idx.add.f32.msk $0xffff, v2  }
0x62: {  	v3 =	vld [tilespmem:$0x9C30];
	_ =	sdelay $0x7  }
0x63: {  	[tilespmem:v3+s29+$0x0] =	vst.idx.add.f32.msk $0xffff, v2  }
0x64: {  	[bflag:$0x0] =	sbarrier.arrive $0xFFFF  }
0x65: {  	s4 =	simm.s32 @p0 $0x1;
	s15 =	simm.s32 @p0 $0x10;
	s31 =	rddreg [dreg:$0x9]  }
0x66: {  	s16 =	simm.s32 @p0 $0x8;
	s19 =	simm.s32 @p0 $0x1FC7;
	s21 =	rddreg [dreg:$0xc]  }
0x67: {  	[hbm:s31@s15], [sflag:s19] =	dma.strided @p0 [spmem:s21@s16], $0x1040, s4, $0x8   }
0x68: {  	s4 =	simm.s32 @p0 $0x7  }
0x69: {  	_ =	swait.ge @p0 [sflag:s4], $0x1040  }
0x6a: {  	s31 =	smov.u32 s21;
	s15 =	simm.s32 @!p0 $0x10;
	s19 =	rddreg [dreg:$0x8]  }
0x6b: {  	s16 =	simm.s32 @!p0 $0x8;
	[sflag:s4] =	ssyncset.done @p0 $0x0;
	s21 =	rddreg [dreg:$0xd]  }
0x6c: {  	s12 =	rddreg [dreg:$0xf];
	[sflag:s4] =	ssyncadd.s32 @p0 $0xFFFFEFC0;
	s4 =	simm.s32 @!p0 $0x1  }
0x6d: {  	[hbm:s19@s15], [sflag:s21] =	dma.strided @!p0 [spmem:s12@s16], $0x13C0, s4, $0x8   }
0x6e: {  	s4 =	simm.s32 @!p0 $0x7  }
0x6f: {  	_ =	swait.ge @!p0 [sflag:s4], $0x13C0  }
0x70: {  	[sflag:s4] =	ssyncset.done @!p0 $0x0  }
0x71: {  	s15 =	simm.s32 $0x0;
	s16 =	rddreg [dreg:$0xa];
	[sflag:s4] =	ssyncadd.s32 @!p0 $0xFFFFEC40  }
0x72: {  	[hbm4b:s16+s15] =	stream.linear.scatter [tilespmem:s29], [sflag:$0x7], $0x2710, $0x38;
	[tilespmem:$0x1DB50] =	vst v63  }
0x73: {  	_ =	swait.ge [sflag:s13], $0x2710  }
0x74: {  	s4 =	rddreg [dreg:$0x10]  }
0x75: {  	s16 =	sadd.s32 $0x1, s4;
	s4 =	rddreg [dreg:$0xb]  }
0x76: {  	p1 =	sne.s32 s16, s4  }
.Ltmp1:
0x77: {  	_ = 	snop;
	(pc) =	sbr.rel @!p1 .LBB2_7-.Ltmp1, $3  }
0x78: {  	_ =	sdelay $0x1  }
0x79: {  	s12 =	simm.s32 $0x115D0;
	[sflag:s13] =	ssyncset.done $0x0  }
0x7a: {  	s19 =	smov.u32 s21;
	s21 =	simm.s32 $0x11440;
	[sflag:s13] =	ssyncadd.s32 $0xFFFFD8F0  }
.LBB2_1:
0x7b: {  	[dreg:$0x10] =	wrdreg s16  }
0x7c: {  	s4 =	rddreg [dreg:$0x4]  }
0x7d: {  	[tilespmem:s15], [sflag:$0x7] =	stream.linear.gather [hbm4b:s4+s15], $0x4E20, $0x38;
	[tilespmem:$0x1DB50] =	vst v63  }
0x7e: {  	_ =	swait.ge [sflag:s13], $0x4E20  }
0x7f: {  	[sflag:s13] =	ssyncset.done $0x0  }
0x80: {  	s16 =	simm.s32 $0x4E20;
	s4 =	rddreg [dreg:$0x5];
	[sflag:s13] =	ssyncadd.s32 $0xFFFFB1E0  }
0x81: {  	[tilespmem:s16], [sflag:$0x7] =	stream.linear.gather [hbm4b:s4+s15], $0x4E20, $0x38;
	[tilespmem:$0x1DB50] =	vst v63  }
0x82: {  	_ =	swait.ge [sflag:s13], $0x4E20  }
0x83: {  	[sflag:s13] =	ssyncset.done $0x0  }
0x84: {  	s15 =	simm.s32 @p0 $0x1FC7;
	s4 =	rddreg [dreg:$0x7];
	[sflag:s13] =	ssyncadd.s32 $0xFFFFB1E0  }
0x85: {  	[spmem:s31], [sflag:s15] =	dma.local @p0 [hbm:s4], $0x1040  }
0x86: {  	s15 =	simm.s32 @p0 $0x7  }
0x87: {  	_ =	swait.ge @p0 [sflag:s15], $0x1040  }
0x88: {  	[sflag:s15] =	ssyncset.done @p0 $0x0;
	s4 =	rddreg [dreg:$0x6]  }
0x89: {  	[sflag:s15] =	ssyncadd.s32 @p0 $0xFFFFEFC0;
	s15 =	rddreg [dreg:$0xe]  }
0x8a: {  	[spmem:s15], [sflag:s19] =	dma.local @!p0 [hbm:s4], $0x13C0  }
0x8b: {  	s15 =	simm.s32 @!p0 $0x7  }
0x8c: {  	_ =	swait.ge @!p0 [sflag:s15], $0x13C0  }
0x8d: {  	[sflag:s15] =	ssyncset.done @!p0 $0x0  }
0x8e: {  	s16 =	simm.s32 $0x0;
	[sflag:s15] =	ssyncadd.s32 @!p0 $0xFFFFEC40;
	s15 =	simm.s32 $0x40  }
.LBB2_2:
0x8f: {  	p1 =	sne.s32 s15, $0x9C00;
	[tilespmem:s16+$0x1B440] =	vst v1;
	s16 =	smov.u32 s15;
	s15 =	sadd.s32 $0x40, s15  }
.Ltmp2:
0x90: {  	(pc) =	sbr.rel @p1 .LBB2_2-.Ltmp2, $2  }
0x91: {  	_ =	sdelay $0x2  }
0x92: {  	s16 =	sshra.s32 s16, $0x2  }
0x93: {  	[tilespmem:s16+$0x1B440] =	vst v1  }
0x94: {  	[bflag:$0x0] =	sbarrier.arrive $0xFFFF  }
0x95: {  	v3 =	vld [tilespmem:$0x0]  }
0x96: {  	v5 =	vld [tilespmem:$0x4E20]  }
0x97: {  	v4 =	vld [tilespmem:$0x10]  }
0x98: {  	v7 =	vld [tilespmem:$0x4E30]  }
0x99: {  	v6 =	vld [tilespmem:$0x20]  }
0x9a: {  	v15 =	vld [tilespmem:$0x4E40];
	v3 =	vshll.u32 v3, $0x1  }
0x9b: {  	v8 =	vld [tilespmem:$0x30];
	[tilespmem:$0x11620] =	vst v5;
	v3 =	vor.u32 v0, v3  }
0x9c: {  	v17 =	vld [tilespmem:$0x4E50];
	[tilespmem:$0x11440] =	vst v3;
	v3 =	vshll.u32 v4, $0x1  }
0x9d: {  	v16 =	vld [tilespmem:$0x40];
	[tilespmem:$0x11630] =	vst v7;
	v3 =	vor.u32 v0, v3  }
0x9e: {  	v18 =	vld [tilespmem:$0x4E60];
	[tilespmem:$0x11450] =	vst v3;
	v3 =	vshll.u32 v6, $0x1  }
0x9f: {  	[tilespmem:$0x11640] =	vst v15;
	v3 =	vor.u32 v0, v3  }
0xa0: {  	[tilespmem:$0x11460] =	vst v3;
	v3 =	vshll.u32 v8, $0x1  }
0xa1: {  	[tilespmem:$0x11650] =	vst v17;
	v3 =	vor.u32 v0, v3  }
0xa2: {  	[tilespmem:$0x11470] =	vst v3;
	v3 =	vshll.u32 v16, $0x1  }
0xa3: {  	[tilespmem:$0x11660] =	vst v18;
	v3 =	vor.u32 v0, v3  }
0xa4: {  	[tilespmem:$0x11480] =	vst v3  }
0xa5: {  	[tilespmem:s20], [sflag:$0x1] =	stream.indirect.gather [hbm4b:s2+s18], $0x40, s21, s18, $0xb8;
	[tilespmem:$0x1DB50] =	vst v63  }
0xa6: {  	v3 =	vld [tilespmem:$0x50]  }
0xa7: {  	v20 =	vld [tilespmem:$0x4E70]  }
0xa8: {  	v19 =	vld [tilespmem:$0x60]  }
0xa9: {  	v22 =	vld [tilespmem:$0x4E80]  }
0xaa: {  	v21 =	vld [tilespmem:$0x70]  }
0xab: {  	v24 =	vld [tilespmem:$0x4E90];
	v3 =	vshll.u32 v3, $0x1  }
0xac: {  	v23 =	vld [tilespmem:$0x80];
	[tilespmem:$0x11670] =	vst v20;
	v3 =	vor.u32 v0, v3  }
0xad: {  	v26 =	vld [tilespmem:$0x4EA0];
	[tilespmem:$0x11490] =	vst v3;
	v3 =	vshll.u32 v19, $0x1  }
0xae: {  	v25 =	vld [tilespmem:$0x90];
	[tilespmem:$0x11680] =	vst v22;
	v3 =	vor.u32 v0, v3  }
0xaf: {  	v27 =	vld [tilespmem:$0x4EB0];
	[tilespmem:$0x114A0] =	vst v3;
	v3 =	vshll.u32 v21, $0x1  }
0xb0: {  	[tilespmem:$0x11690] =	vst v24;
	v3 =	vor.u32 v0, v3  }
0xb1: {  	[tilespmem:$0x114B0] =	vst v3;
	v3 =	vshll.u32 v23, $0x1  }
0xb2: {  	[tilespmem:$0x116A0] =	vst v26;
	v3 =	vor.u32 v0, v3  }
0xb3: {  	[tilespmem:$0x114C0] =	vst v3;
	v3 =	vshll.u32 v25, $0x1  }
0xb4: {  	[tilespmem:$0x116B0] =	vst v27;
	v3 =	vor.u32 v0, v3  }
0xb5: {  	s4 =	simm.s32 $0x11490;
	[tilespmem:$0x114D0] =	vst v3  }
0xb6: {  	[tilespmem:s22], [sflag:$0x2] =	stream.indirect.gather [hbm4b:s2+s18], $0x40, s4, s18, $0xb8;
	[tilespmem:$0x1DB50] =	vst v63  }
0xb7: {  	v3 =	vld [tilespmem:$0xA0]  }
0xb8: {  	v29 =	vld [tilespmem:$0x4EC0]  }
0xb9: {  	v28 =	vld [tilespmem:$0xB0]  }
0xba: {  	v31 =	vld [tilespmem:$0x4ED0]  }
0xbb: {  	v30 =	vld [tilespmem:$0xC0]  }
0xbc: {  	v33 =	vld [tilespmem:$0x4EE0];
	v3 =	vshll.u32 v3, $0x1  }
0xbd: {  	v32 =	vld [tilespmem:$0xD0];
	[tilespmem:$0x116C0] =	vst v29;
	v3 =	vor.u32 v0, v3  }
0xbe: {  	v35 =	vld [tilespmem:$0x4EF0];
	[tilespmem:$0x114E0] =	vst v3;
	v3 =	vshll.u32 v28, $0x1  }
0xbf: {  	v34 =	vld [tilespmem:$0xE0];
	[tilespmem:$0x116D0] =	vst v31;
	v3 =	vor.u32 v0, v3  }
0xc0: {  	v36 =	vld [tilespmem:$0x4F00];
	[tilespmem:$0x114F0] =	vst v3;
	v3 =	vshll.u32 v30, $0x1  }
0xc1: {  	[tilespmem:$0x116E0] =	vst v33;
	v3 =	vor.u32 v0, v3  }
0xc2: {  	[tilespmem:$0x11500] =	vst v3;
	v3 =	vshll.u32 v32, $0x1  }
0xc3: {  	[tilespmem:$0x116F0] =	vst v35;
	v3 =	vor.u32 v0, v3  }
0xc4: {  	[tilespmem:$0x11510] =	vst v3;
	v3 =	vshll.u32 v34, $0x1  }
0xc5: {  	[tilespmem:$0x11700] =	vst v36;
	v3 =	vor.u32 v0, v3  }
0xc6: {  	[tilespmem:$0x11520] =	vst v3  }
0xc7: {  	[tilespmem:s25], [sflag:$0x3] =	stream.indirect.gather [hbm4b:s2+s18], $0x40, s23, s18, $0xb8;
	[tilespmem:$0x1DB50] =	vst v63  }
0xc8: {  	v3 =	vld [tilespmem:$0xF0]  }
0xc9: {  	v38 =	vld [tilespmem:$0x4F10]  }
0xca: {  	v37 =	vld [tilespmem:$0x100]  }
0xcb: {  	v40 =	vld [tilespmem:$0x4F20]  }
0xcc: {  	v39 =	vld [tilespmem:$0x110]  }
0xcd: {  	v42 =	vld [tilespmem:$0x4F30];
	v3 =	vshll.u32 v3, $0x1  }
0xce: {  	v41 =	vld [tilespmem:$0x120];
	[tilespmem:$0x11710] =	vst v38;
	v3 =	vor.u32 v0, v3  }
0xcf: {  	v44 =	vld [tilespmem:$0x4F40];
	[tilespmem:$0x11530] =	vst v3;
	v3 =	vshll.u32 v37, $0x1  }
0xd0: {  	v43 =	vld [tilespmem:$0x130];
	[tilespmem:$0x11720] =	vst v40;
	v3 =	vor.u32 v0, v3  }
0xd1: {  	v45 =	vld [tilespmem:$0x4F50];
	[tilespmem:$0x11540] =	vst v3;
	v3 =	vshll.u32 v39, $0x1  }
0xd2: {  	[tilespmem:$0x11730] =	vst v42;
	v3 =	vor.u32 v0, v3  }
0xd3: {  	[tilespmem:$0x11550] =	vst v3;
	v3 =	vshll.u32 v41, $0x1  }
0xd4: {  	[tilespmem:$0x11740] =	vst v44;
	v3 =	vor.u32 v0, v3  }
0xd5: {  	[tilespmem:$0x11560] =	vst v3;
	v3 =	vshll.u32 v43, $0x1  }
0xd6: {  	[tilespmem:$0x11750] =	vst v45;
	v3 =	vor.u32 v0, v3  }
0xd7: {  	[tilespmem:$0x11570] =	vst v3  }
0xd8: {  	[tilespmem:s28], [sflag:$0x4] =	stream.indirect.gather [hbm4b:s2+s18], $0x40, s26, s18, $0xb8;
	[tilespmem:$0x1DB50] =	vst v63  }
0xd9: {  	v3 =	vld [tilespmem:$0x140]  }
0xda: {  	v47 =	vld [tilespmem:$0x4F60]  }
0xdb: {  	v46 =	vld [tilespmem:$0x150]  }
0xdc: {  	v49 =	vld [tilespmem:$0x4F70]  }
0xdd: {  	v48 =	vld [tilespmem:$0x160]  }
0xde: {  	v51 =	vld [tilespmem:$0x4F80];
	v3 =	vshll.u32 v3, $0x1  }
0xdf: {  	v50 =	vld [tilespmem:$0x170];
	[tilespmem:$0x11760] =	vst v47;
	v3 =	vor.u32 v0, v3  }
0xe0: {  	v53 =	vld [tilespmem:$0x4F90];
	[tilespmem:$0x11580] =	vst v3;
	v3 =	vshll.u32 v46, $0x1  }
0xe1: {  	v52 =	vld [tilespmem:$0x180];
	[tilespmem:$0x11770] =	vst v49;
	v3 =	vor.u32 v0, v3  }
0xe2: {  	v54 =	vld [tilespmem:$0x4FA0];
	[tilespmem:$0x11590] =	vst v3;
	v3 =	vshll.u32 v48, $0x1  }
0xe3: {  	[tilespmem:$0x11780] =	vst v51;
	v3 =	vor.u32 v0, v3  }
0xe4: {  	[tilespmem:$0x115A0] =	vst v3;
	v3 =	vshll.u32 v50, $0x1  }
0xe5: {  	[tilespmem:$0x11790] =	vst v53;
	v3 =	vor.u32 v0, v3  }
0xe6: {  	[tilespmem:$0x115B0] =	vst v3;
	v3 =	vshll.u32 v52, $0x1  }
0xe7: {  	[tilespmem:$0x117A0] =	vst v54;
	v3 =	vor.u32 v0, v3  }
0xe8: {  	s31 =	simm.s32 $0x11580;
	[tilespmem:$0x115C0] =	vst v3  }
0xe9: {  	[tilespmem:s30], [sflag:$0x5] =	stream.indirect.gather [hbm4b:s2+s18], $0x40, s31, s18, $0xb8;
	[tilespmem:$0x1DB50] =	vst v63  }
0xea: {  	v3 =	vld [tilespmem:$0x190]  }
0xeb: {  	v56 =	vld [tilespmem:$0x4FB0]  }
0xec: {  	v55 =	vld [tilespmem:$0x1A0]  }
0xed: {  	v58 =	vld [tilespmem:$0x4FC0]  }
0xee: {  	v57 =	vld [tilespmem:$0x1B0]  }
0xef: {  	v60 =	vld [tilespmem:$0x4FD0];
	v3 =	vshll.u32 v3, $0x1  }
0xf0: {  	v59 =	vld [tilespmem:$0x1C0];
	[tilespmem:$0x117B0] =	vst v56;
	v3 =	vor.u32 v0, v3  }
0xf1: {  	v62 =	vld [tilespmem:$0x4FE0];
	[tilespmem:$0x115D0] =	vst v3;
	v3 =	vshll.u32 v55, $0x1  }
0xf2: {  	v61 =	vld [tilespmem:$0x1D0];
	[tilespmem:$0x117C0] =	vst v58;
	v3 =	vor.u32 v0, v3  }
0xf3: {  	v63 =	vld [tilespmem:$0x4FF0];
	[tilespmem:$0x115E0] =	vst v3;
	v3 =	vshll.u32 v57, $0x1  }
0xf4: {  	[tilespmem:$0x117D0] =	vst v60;
	v3 =	vor.u32 v0, v3  }
0xf5: {  	[tilespmem:$0x115F0] =	vst v3;
	v3 =	vshll.u32 v59, $0x1  }
0xf6: {  	[tilespmem:$0x117E0] =	vst v62;
	v3 =	vor.u32 v0, v3  }
0xf7: {  	[tilespmem:$0x11600] =	vst v3;
	v3 =	vshll.u32 v61, $0x1  }
0xf8: {  	[tilespmem:$0x117F0] =	vst v63;
	v3 =	vor.u32 v0, v3  }
0xf9: {  	s15 =	simm.s32 $0xEC0;
	[tilespmem:$0x11610] =	vst v3  }
0xfa: {  	[tilespmem:s0], [sflag:$0x6] =	stream.indirect.gather [hbm4b:s2+s18], $0x40, s12, s18, $0xb8;
	[tilespmem:$0x1DB50] =	vst v63  }
.LBB2_4:
0xfb: {  	_ =	swait.ge [sflag:s1], $0x1400  }
0xfc: {  	[sflag:s1] =	ssyncset.done $0x0  }
0xfd: {  	[sflag:s1] =	ssyncadd.s32 $0xFFFFEC00  }
0xfe: {  	[spmem:s3] =	stream.indirect.scatter.add.f32 [tilespmem:s20], [sflag:$0x7], $0x40, s14, s18, $0xb8;
	[tilespmem:$0x1DB50] =	vst v63  }
0xff: {  	_ =	swait.ge [sflag:s13], $0x1400  }
0x100: {  	[sflag:s13] =	ssyncset.done $0x0  }
0x101: {  	s16 =	sshra.s32 s15, $0x2;
	[sflag:s13] =	ssyncadd.s32 $0xFFFFEC00  }
0x102: {  	v3 =	vld [tilespmem:s16+$0x4A70];
	_ =	sdelay $0x7  }
0x103: {  	[tilespmem:v3+s29+$0x0] =	vst.idx.add.f32.msk $0xffff, v2  }
0x104: {  	v3 =	vld [tilespmem:s16+$0x4A80];
	_ =	sdelay $0x7  }
0x105: {  	[tilespmem:v3+s29+$0x0] =	vst.idx.add.f32.msk $0xffff, v2  }
0x106: {  	v3 =	vld [tilespmem:s16+$0x4A90];
	_ =	sdelay $0x7  }
0x107: {  	[tilespmem:v3+s29+$0x0] =	vst.idx.add.f32.msk $0xffff, v2  }
0x108: {  	v3 =	vld [tilespmem:s16+$0x4AA0];
	_ =	sdelay $0x7  }
0x109: {  	[tilespmem:v3+s29+$0x0] =	vst.idx.add.f32.msk $0xffff, v2  }
0x10a: {  	v3 =	vld [tilespmem:s16+$0x4AB0];
	_ =	sdelay $0x7  }
0x10b: {  	[tilespmem:v3+s29+$0x0] =	vst.idx.add.f32.msk $0xffff, v2  }
0x10c: {  	v3 =	vld [tilespmem:s16+$0xFFFFFE30];
	_ =	sdelay $0x4  }
0x10d: {  	v3 =	vshll.u32 v3, $0x1  }
0x10e: {  	v3 =	vor.u32 v0, v3  }
0x10f: {  	[tilespmem:$0x11440] =	vst v3  }
0x110: {  	v3 =	vld [tilespmem:s16+$0x4C50];
	_ =	sdelay $0x4  }
0x111: {  	[tilespmem:$0x11620] =	vst v3  }
0x112: {  	v3 =	vld [tilespmem:s16+$0xFFFFFE40];
	_ =	sdelay $0x4  }
0x113: {  	v3 =	vshll.u32 v3, $0x1  }
0x114: {  	v3 =	vor.u32 v0, v3  }
0x115: {  	[tilespmem:$0x11450] =	vst v3  }
0x116: {  	v3 =	vld [tilespmem:s16+$0x4C60];
	_ =	sdelay $0x4  }
0x117: {  	[tilespmem:$0x11630] =	vst v3  }
0x118: {  	v3 =	vld [tilespmem:s16+$0xFFFFFE50];
	_ =	sdelay $0x4  }
0x119: {  	v3 =	vshll.u32 v3, $0x1  }
0x11a: {  	v3 =	vor.u32 v0, v3  }
0x11b: {  	[tilespmem:$0x11460] =	vst v3  }
0x11c: {  	v3 =	vld [tilespmem:s16+$0x4C70];
	_ =	sdelay $0x4  }
0x11d: {  	[tilespmem:$0x11640] =	vst v3  }
0x11e: {  	v3 =	vld [tilespmem:s16+$0xFFFFFE60];
	_ =	sdelay $0x4  }
0x11f: {  	v3 =	vshll.u32 v3, $0x1  }
0x120: {  	v3 =	vor.u32 v0, v3  }
0x121: {  	[tilespmem:$0x11470] =	vst v3  }
0x122: {  	v3 =	vld [tilespmem:s16+$0x4C80];
	_ =	sdelay $0x4  }
0x123: {  	[tilespmem:$0x11650] =	vst v3  }
0x124: {  	v3 =	vld [tilespmem:s16+$0xFFFFFE70];
	_ =	sdelay $0x4  }
0x125: {  	v3 =	vshll.u32 v3, $0x1  }
0x126: {  	v3 =	vor.u32 v0, v3  }
0x127: {  	[tilespmem:$0x11480] =	vst v3  }
0x128: {  	v3 =	vld [tilespmem:s16+$0x4C90];
	_ =	sdelay $0x4  }
0x129: {  	[tilespmem:$0x11660] =	vst v3  }
0x12a: {  	[tilespmem:s20], [sflag:$0x1] =	stream.indirect.gather [hbm4b:s2+s18], $0x40, s21, s18, $0xb8;
	[tilespmem:$0x1DB50] =	vst v63  }
0x12b: {  	_ =	swait.ge [sflag:s5], $0x1400  }
0x12c: {  	[sflag:s5] =	ssyncset.done $0x0  }
0x12d: {  	[sflag:s5] =	ssyncadd.s32 $0xFFFFEC00  }
0x12e: {  	[spmem:s3] =	stream.indirect.scatter.add.f32 [tilespmem:s22], [sflag:$0x7], $0x40, s6, s18, $0xb8;
	[tilespmem:$0x1DB50] =	vst v63  }
0x12f: {  	_ =	swait.ge [sflag:s13], $0x1400  }
0x130: {  	[sflag:s13] =	ssyncset.done $0x0  }
0x131: {  	[sflag:s13] =	ssyncadd.s32 $0xFFFFEC00  }
0x132: {  	v3 =	vld [tilespmem:s16+$0x4AC0];
	_ =	sdelay $0x7  }
0x133: {  	[tilespmem:v3+s29+$0x0] =	vst.idx.add.f32.msk $0xffff, v2  }
0x134: {  	v3 =	vld [tilespmem:s16+$0x4AD0];
	_ =	sdelay $0x7  }
0x135: {  	[tilespmem:v3+s29+$0x0] =	vst.idx.add.f32.msk $0xffff, v2  }
0x136: {  	v3 =	vld [tilespmem:s16+$0x4AE0];
	_ =	sdelay $0x7  }
0x137: {  	[tilespmem:v3+s29+$0x0] =	vst.idx.add.f32.msk $0xffff, v2  }
0x138: {  	v3 =	vld [tilespmem:s16+$0x4AF0];
	_ =	sdelay $0x7  }
0x139: {  	[tilespmem:v3+s29+$0x0] =	vst.idx.add.f32.msk $0xffff, v2  }
0x13a: {  	v3 =	vld [tilespmem:s16+$0x4B00];
	_ =	sdelay $0x7  }
0x13b: {  	[tilespmem:v3+s29+$0x0] =	vst.idx.add.f32.msk $0xffff, v2  }
0x13c: {  	v3 =	vld [tilespmem:s16+$0xFFFFFE80];
	_ =	sdelay $0x4  }
0x13d: {  	v3 =	vshll.u32 v3, $0x1  }
0x13e: {  	v3 =	vor.u32 v0, v3  }
0x13f: {  	[tilespmem:$0x11490] =	vst v3  }
0x140: {  	v3 =	vld [tilespmem:s16+$0x4CA0];
	_ =	sdelay $0x4  }
0x141: {  	[tilespmem:$0x11670] =	vst v3  }
0x142: {  	v3 =	vld [tilespmem:s16+$0xFFFFFE90];
	_ =	sdelay $0x4  }
0x143: {  	v3 =	vshll.u32 v3, $0x1  }
0x144: {  	v3 =	vor.u32 v0, v3  }
0x145: {  	[tilespmem:$0x114A0] =	vst v3  }
0x146: {  	v3 =	vld [tilespmem:s16+$0x4CB0];
	_ =	sdelay $0x4  }
0x147: {  	[tilespmem:$0x11680] =	vst v3  }
0x148: {  	v3 =	vld [tilespmem:s16+$0xFFFFFEA0];
	_ =	sdelay $0x4  }
0x149: {  	v3 =	vshll.u32 v3, $0x1  }
0x14a: {  	v3 =	vor.u32 v0, v3  }
0x14b: {  	[tilespmem:$0x114B0] =	vst v3  }
0x14c: {  	v3 =	vld [tilespmem:s16+$0x4CC0];
	_ =	sdelay $0x4  }
0x14d: {  	[tilespmem:$0x11690] =	vst v3  }
0x14e: {  	v3 =	vld [tilespmem:s16+$0xFFFFFEB0];
	_ =	sdelay $0x4  }
0x14f: {  	v3 =	vshll.u32 v3, $0x1  }
0x150: {  	v3 =	vor.u32 v0, v3  }
0x151: {  	[tilespmem:$0x114C0] =	vst v3  }
0x152: {  	v3 =	vld [tilespmem:s16+$0x4CD0];
	_ =	sdelay $0x4  }
0x153: {  	[tilespmem:$0x116A0] =	vst v3  }
0x154: {  	v3 =	vld [tilespmem:s16+$0xFFFFFEC0];
	_ =	sdelay $0x4  }
0x155: {  	v3 =	vshll.u32 v3, $0x1  }
0x156: {  	v3 =	vor.u32 v0, v3  }
0x157: {  	[tilespmem:$0x114D0] =	vst v3  }
0x158: {  	v3 =	vld [tilespmem:s16+$0x4CE0];
	_ =	sdelay $0x4  }
0x159: {  	s4 =	simm.s32 $0x11490;
	[tilespmem:$0x116B0] =	vst v3  }
0x15a: {  	[tilespmem:s22], [sflag:$0x2] =	stream.indirect.gather [hbm4b:s2+s18], $0x40, s4, s18, $0xb8;
	[tilespmem:$0x1DB50] =	vst v63  }
0x15b: {  	_ =	swait.ge [sflag:s7], $0x1400  }
0x15c: {  	[sflag:s7] =	ssyncset.done $0x0  }
0x15d: {  	[sflag:s7] =	ssyncadd.s32 $0xFFFFEC00  }
0x15e: {  	[spmem:s3] =	stream.indirect.scatter.add.f32 [tilespmem:s25], [sflag:$0x7], $0x40, s8, s18, $0xb8;
	[tilespmem:$0x1DB50] =	vst v63  }
0x15f: {  	_ =	swait.ge [sflag:s13], $0x1400  }
0x160: {  	[sflag:s13] =	ssyncset.done $0x0  }
0x161: {  	[sflag:s13] =	ssyncadd.s32 $0xFFFFEC00  }
0x162: {  	v3 =	vld [tilespmem:s16+$0x4B10];
	_ =	sdelay $0x7  }
0x163: {  	[tilespmem:v3+s29+$0x0] =	vst.idx.add.f32.msk $0xffff, v2  }
0x164: {  	v3 =	vld [tilespmem:s16+$0x4B20];
	_ =	sdelay $0x7  }
0x165: {  	[tilespmem:v3+s29+$0x0] =	vst.idx.add.f32.msk $0xffff, v2  }
0x166: {  	v3 =	vld [tilespmem:s16+$0x4B30];
	_ =	sdelay $0x7  }
0x167: {  	[tilespmem:v3+s29+$0x0] =	vst.idx.add.f32.msk $0xffff, v2  }
0x168: {  	v3 =	vld [tilespmem:s16+$0x4B40];
	_ =	sdelay $0x7  }
0x169: {  	[tilespmem:v3+s29+$0x0] =	vst.idx.add.f32.msk $0xffff, v2  }
0x16a: {  	v3 =	vld [tilespmem:s16+$0x4B50];
	_ =	sdelay $0x7  }
0x16b: {  	[tilespmem:v3+s29+$0x0] =	vst.idx.add.f32.msk $0xffff, v2  }
0x16c: {  	v3 =	vld [tilespmem:s16+$0xFFFFFED0];
	_ =	sdelay $0x4  }
0x16d: {  	v3 =	vshll.u32 v3, $0x1  }
0x16e: {  	v3 =	vor.u32 v0, v3  }
0x16f: {  	[tilespmem:$0x114E0] =	vst v3  }
0x170: {  	v3 =	vld [tilespmem:s16+$0x4CF0];
	_ =	sdelay $0x4  }
0x171: {  	[tilespmem:$0x116C0] =	vst v3  }
0x172: {  	v3 =	vld [tilespmem:s16+$0xFFFFFEE0];
	_ =	sdelay $0x4  }
0x173: {  	v3 =	vshll.u32 v3, $0x1  }
0x174: {  	v3 =	vor.u32 v0, v3  }
0x175: {  	[tilespmem:$0x114F0] =	vst v3  }
0x176: {  	v3 =	vld [tilespmem:s16+$0x4D00];
	_ =	sdelay $0x4  }
0x177: {  	[tilespmem:$0x116D0] =	vst v3  }
0x178: {  	v3 =	vld [tilespmem:s16+$0xFFFFFEF0];
	_ =	sdelay $0x4  }
0x179: {  	v3 =	vshll.u32 v3, $0x1  }
0x17a: {  	v3 =	vor.u32 v0, v3  }
0x17b: {  	[tilespmem:$0x11500] =	vst v3  }
0x17c: {  	v3 =	vld [tilespmem:s16+$0x4D10];
	_ =	sdelay $0x4  }
0x17d: {  	[tilespmem:$0x116E0] =	vst v3  }
0x17e: {  	v3 =	vld [tilespmem:s16+$0xFFFFFF00];
	_ =	sdelay $0x4  }
0x17f: {  	v3 =	vshll.u32 v3, $0x1  }
0x180: {  	v3 =	vor.u32 v0, v3  }
0x181: {  	[tilespmem:$0x11510] =	vst v3  }
0x182: {  	v3 =	vld [tilespmem:s16+$0x4D20];
	_ =	sdelay $0x4  }
0x183: {  	[tilespmem:$0x116F0] =	vst v3  }
0x184: {  	v3 =	vld [tilespmem:s16+$0xFFFFFF10];
	_ =	sdelay $0x4  }
0x185: {  	v3 =	vshll.u32 v3, $0x1  }
0x186: {  	v3 =	vor.u32 v0, v3  }
0x187: {  	[tilespmem:$0x11520] =	vst v3  }
0x188: {  	v3 =	vld [tilespmem:s16+$0x4D30];
	_ =	sdelay $0x4  }
0x189: {  	[tilespmem:$0x11700] =	vst v3  }
0x18a: {  	[tilespmem:s25], [sflag:$0x3] =	stream.indirect.gather [hbm4b:s2+s18], $0x40, s23, s18, $0xb8;
	[tilespmem:$0x1DB50] =	vst v63  }
0x18b: {  	_ =	swait.ge [sflag:s9], $0x1400  }
0x18c: {  	[sflag:s9] =	ssyncset.done $0x0  }
0x18d: {  	[sflag:s9] =	ssyncadd.s32 $0xFFFFEC00  }
0x18e: {  	[spmem:s3] =	stream.indirect.scatter.add.f32 [tilespmem:s28], [sflag:$0x7], $0x40, s10, s18, $0xb8;
	[tilespmem:$0x1DB50] =	vst v63  }
0x18f: {  	_ =	swait.ge [sflag:s13], $0x1400  }
0x190: {  	[sflag:s13] =	ssyncset.done $0x0  }
0x191: {  	[sflag:s13] =	ssyncadd.s32 $0xFFFFEC00  }
0x192: {  	v3 =	vld [tilespmem:s16+$0x4B60];
	_ =	sdelay $0x7  }
0x193: {  	[tilespmem:v3+s29+$0x0] =	vst.idx.add.f32.msk $0xffff, v2  }
0x194: {  	v3 =	vld [tilespmem:s16+$0x4B70];
	_ =	sdelay $0x7  }
0x195: {  	[tilespmem:v3+s29+$0x0] =	vst.idx.add.f32.msk $0xffff, v2  }
0x196: {  	v3 =	vld [tilespmem:s16+$0x4B80];
	_ =	sdelay $0x7  }
0x197: {  	[tilespmem:v3+s29+$0x0] =	vst.idx.add.f32.msk $0xffff, v2  }
0x198: {  	v3 =	vld [tilespmem:s16+$0x4B90];
	_ =	sdelay $0x7  }
0x199: {  	[tilespmem:v3+s29+$0x0] =	vst.idx.add.f32.msk $0xffff, v2  }
0x19a: {  	v3 =	vld [tilespmem:s16+$0x4BA0];
	_ =	sdelay $0x7  }
0x19b: {  	[tilespmem:v3+s29+$0x0] =	vst.idx.add.f32.msk $0xffff, v2  }
0x19c: {  	v3 =	vld [tilespmem:s16+$0xFFFFFF20];
	_ =	sdelay $0x4  }
0x19d: {  	v3 =	vshll.u32 v3, $0x1  }
0x19e: {  	v3 =	vor.u32 v0, v3  }
0x19f: {  	[tilespmem:$0x11530] =	vst v3  }
0x1a0: {  	v3 =	vld [tilespmem:s16+$0x4D40];
	_ =	sdelay $0x4  }
0x1a1: {  	[tilespmem:$0x11710] =	vst v3  }
0x1a2: {  	v3 =	vld [tilespmem:s16+$0xFFFFFF30];
	_ =	sdelay $0x4  }
0x1a3: {  	v3 =	vshll.u32 v3, $0x1  }
0x1a4: {  	v3 =	vor.u32 v0, v3  }
0x1a5: {  	[tilespmem:$0x11540] =	vst v3  }
0x1a6: {  	v3 =	vld [tilespmem:s16+$0x4D50];
	_ =	sdelay $0x4  }
0x1a7: {  	[tilespmem:$0x11720] =	vst v3  }
0x1a8: {  	v3 =	vld [tilespmem:s16+$0xFFFFFF40];
	_ =	sdelay $0x4  }
0x1a9: {  	v3 =	vshll.u32 v3, $0x1  }
0x1aa: {  	v3 =	vor.u32 v0, v3  }
0x1ab: {  	[tilespmem:$0x11550] =	vst v3  }
0x1ac: {  	v3 =	vld [tilespmem:s16+$0x4D60];
	_ =	sdelay $0x4  }
0x1ad: {  	[tilespmem:$0x11730] =	vst v3  }
0x1ae: {  	v3 =	vld [tilespmem:s16+$0xFFFFFF50];
	_ =	sdelay $0x4  }
0x1af: {  	v3 =	vshll.u32 v3, $0x1  }
0x1b0: {  	v3 =	vor.u32 v0, v3  }
0x1b1: {  	[tilespmem:$0x11560] =	vst v3  }
0x1b2: {  	v3 =	vld [tilespmem:s16+$0x4D70];
	_ =	sdelay $0x4  }
0x1b3: {  	[tilespmem:$0x11740] =	vst v3  }
0x1b4: {  	v3 =	vld [tilespmem:s16+$0xFFFFFF60];
	_ =	sdelay $0x4  }
0x1b5: {  	v3 =	vshll.u32 v3, $0x1  }
0x1b6: {  	v3 =	vor.u32 v0, v3  }
0x1b7: {  	[tilespmem:$0x11570] =	vst v3  }
0x1b8: {  	v3 =	vld [tilespmem:s16+$0x4D80];
	_ =	sdelay $0x4  }
0x1b9: {  	[tilespmem:$0x11750] =	vst v3  }
0x1ba: {  	[tilespmem:s28], [sflag:$0x4] =	stream.indirect.gather [hbm4b:s2+s18], $0x40, s26, s18, $0xb8;
	[tilespmem:$0x1DB50] =	vst v63  }
0x1bb: {  	_ =	swait.ge [sflag:s11], $0x1400  }
0x1bc: {  	[sflag:s11] =	ssyncset.done $0x0  }
0x1bd: {  	s31 =	simm.s32 $0x11760;
	[sflag:s11] =	ssyncadd.s32 $0xFFFFEC00  }
0x1be: {  	[spmem:s3] =	stream.indirect.scatter.add.f32 [tilespmem:s30], [sflag:$0x7], $0x40, s31, s18, $0xb8;
	[tilespmem:$0x1DB50] =	vst v63  }
0x1bf: {  	_ =	swait.ge [sflag:s13], $0x1400  }
0x1c0: {  	[sflag:s13] =	ssyncset.done $0x0  }
0x1c1: {  	[sflag:s13] =	ssyncadd.s32 $0xFFFFEC00  }
0x1c2: {  	v3 =	vld [tilespmem:s16+$0x4BB0];
	_ =	sdelay $0x7  }
0x1c3: {  	[tilespmem:v3+s29+$0x0] =	vst.idx.add.f32.msk $0xffff, v2  }
0x1c4: {  	v3 =	vld [tilespmem:s16+$0x4BC0];
	_ =	sdelay $0x7  }
0x1c5: {  	[tilespmem:v3+s29+$0x0] =	vst.idx.add.f32.msk $0xffff, v2  }
0x1c6: {  	v3 =	vld [tilespmem:s16+$0x4BD0];
	_ =	sdelay $0x7  }
0x1c7: {  	[tilespmem:v3+s29+$0x0] =	vst.idx.add.f32.msk $0xffff, v2  }
0x1c8: {  	v3 =	vld [tilespmem:s16+$0x4BE0];
	_ =	sdelay $0x7  }
0x1c9: {  	[tilespmem:v3+s29+$0x0] =	vst.idx.add.f32.msk $0xffff, v2  }
0x1ca: {  	v3 =	vld [tilespmem:s16+$0x4BF0];
	_ =	sdelay $0x6  }
0x1cb: {  	p1 =	seq.s32 s15, $0x13AC0  }
0x1cc: {  	s4 =	sshra.s32 @!p1 s15, $0x2;
	[tilespmem:v3+s29+$0x0] =	vst.idx.add.f32.msk $0xffff, v2  }
0x1cd: {  	v3 =	vld @!p1 [tilespmem:s4+$0xFFFFFF70];
	_ =	sdelay $0x4  }
0x1ce: {  	v3 =	vshll.u32 @!p1 v3, $0x1  }
0x1cf: {  	v3 =	vor.u32 @!p1 v0, v3  }
0x1d0: {  	[tilespmem:$0x11580] =	vst @!p1 v3  }
0x1d1: {  	v3 =	vld @!p1 [tilespmem:s4+$0x4D90];
	_ =	sdelay $0x4  }
0x1d2: {  	[tilespmem:$0x11760] =	vst @!p1 v3  }
0x1d3: {  	v3 =	vld @!p1 [tilespmem:s4+$0xFFFFFF80];
	_ =	sdelay $0x4  }
0x1d4: {  	v3 =	vshll.u32 @!p1 v3, $0x1  }
0x1d5: {  	v3 =	vor.u32 @!p1 v0, v3  }
0x1d6: {  	[tilespmem:$0x11590] =	vst @!p1 v3  }
0x1d7: {  	v3 =	vld @!p1 [tilespmem:s4+$0x4DA0];
	_ =	sdelay $0x4  }
0x1d8: {  	[tilespmem:$0x11770] =	vst @!p1 v3  }
0x1d9: {  	v3 =	vld @!p1 [tilespmem:s4+$0xFFFFFF90];
	_ =	sdelay $0x4  }
0x1da: {  	v3 =	vshll.u32 @!p1 v3, $0x1  }
0x1db: {  	v3 =	vor.u32 @!p1 v0, v3  }
0x1dc: {  	[tilespmem:$0x115A0] =	vst @!p1 v3  }
0x1dd: {  	v3 =	vld @!p1 [tilespmem:s4+$0x4DB0];
	_ =	sdelay $0x4  }
0x1de: {  	[tilespmem:$0x11780] =	vst @!p1 v3  }
0x1df: {  	v3 =	vld @!p1 [tilespmem:s4+$0xFFFFFFA0];
	_ =	sdelay $0x4  }
0x1e0: {  	v3 =	vshll.u32 @!p1 v3, $0x1  }
0x1e1: {  	v3 =	vor.u32 @!p1 v0, v3  }
0x1e2: {  	[tilespmem:$0x115B0] =	vst @!p1 v3  }
0x1e3: {  	v3 =	vld @!p1 [tilespmem:s4+$0x4DC0];
	_ =	sdelay $0x4  }
0x1e4: {  	[tilespmem:$0x11790] =	vst @!p1 v3  }
0x1e5: {  	v3 =	vld @!p1 [tilespmem:s4+$0xFFFFFFB0];
	_ =	sdelay $0x4  }
0x1e6: {  	v3 =	vshll.u32 @!p1 v3, $0x1  }
0x1e7: {  	v3 =	vor.u32 @!p1 v0, v3  }
0x1e8: {  	[tilespmem:$0x115C0] =	vst @!p1 v3  }
0x1e9: {  	v3 =	vld @!p1 [tilespmem:s4+$0x4DD0];
	_ =	sdelay $0x4  }
0x1ea: {  	s19 =	simm.s32 @!p1 $0xEC40;
	s31 =	simm.s32 @!p1 $0x11580;
	s4 =	simm.s32 @!p1 $0x50;
	[tilespmem:$0x117A0] =	vst @!p1 v3  }
0x1eb: {  	[tilespmem:s19], [sflag:$0x5] =	stream.indirect.gather @!p1 [hbm4b:s2+s4], $0x40, s31, s4, $0xb8;
	[tilespmem:$0x1DB50] =	vst v63  }
0x1ec: {  	_ =	swait.ge [sflag:s17], $0x1400  }
0x1ed: {  	[sflag:s17] =	ssyncset.done $0x0  }
0x1ee: {  	[sflag:s17] =	ssyncadd.s32 $0xFFFFEC00  }
0x1ef: {  	[spmem:s3] =	stream.indirect.scatter.add.f32 [tilespmem:s0], [sflag:$0x7], $0x40, s24, s18, $0xb8;
	[tilespmem:$0x1DB50] =	vst v63  }
0x1f0: {  	_ =	swait.ge [sflag:s13], $0x1400  }
0x1f1: {  	[sflag:s13] =	ssyncset.done $0x0  }
0x1f2: {  	[sflag:s13] =	ssyncadd.s32 $0xFFFFEC00  }
0x1f3: {  	v3 =	vld [tilespmem:s16+$0x4C00];
	_ =	sdelay $0x7  }
0x1f4: {  	[tilespmem:v3+s29+$0x0] =	vst.idx.add.f32.msk $0xffff, v2  }
0x1f5: {  	v3 =	vld [tilespmem:s16+$0x4C10];
	_ =	sdelay $0x7  }
0x1f6: {  	[tilespmem:v3+s29+$0x0] =	vst.idx.add.f32.msk $0xffff, v2  }
0x1f7: {  	v3 =	vld [tilespmem:s16+$0x4C20];
	_ =	sdelay $0x7  }
0x1f8: {  	[tilespmem:v3+s29+$0x0] =	vst.idx.add.f32.msk $0xffff, v2  }
0x1f9: {  	v3 =	vld [tilespmem:s16+$0x4C30];
	_ =	sdelay $0x7  }
0x1fa: {  	[tilespmem:v3+s29+$0x0] =	vst.idx.add.f32.msk $0xffff, v2  }
0x1fb: {  	v3 =	vld [tilespmem:s16+$0x4C40];
	_ =	sdelay $0x3  }
.Ltmp3:
0x1fc: {  	_ = 	snop;
	(pc) =	sbr.rel @p1 .LBB2_6-.Ltmp3, $2  }
0x1fd: {  	_ =	sdelay $0x2  }
0x1fe: {  	[tilespmem:v3+s29+$0x0] =	vst.idx.add.f32.msk $0xffff, v2  }
0x1ff: {  	v3 =	vld [tilespmem:s16+$0xFFFFFFC0];
	_ =	sdelay $0x4  }
0x200: {  	v3 =	vshll.u32 v3, $0x1  }
0x201: {  	v3 =	vor.u32 v0, v3  }
0x202: {  	[tilespmem:$0x115D0] =	vst v3  }
0x203: {  	v3 =	vld [tilespmem:s16+$0x4DE0];
	_ =	sdelay $0x4  }
0x204: {  	[tilespmem:$0x117B0] =	vst v3  }
0x205: {  	v3 =	vld [tilespmem:s16+$0xFFFFFFD0];
	_ =	sdelay $0x4  }
0x206: {  	v3 =	vshll.u32 v3, $0x1  }
0x207: {  	v3 =	vor.u32 v0, v3  }
0x208: {  	[tilespmem:$0x115E0] =	vst v3  }
0x209: {  	v3 =	vld [tilespmem:s16+$0x4DF0];
	_ =	sdelay $0x4  }
0x20a: {  	[tilespmem:$0x117C0] =	vst v3  }
0x20b: {  	v3 =	vld [tilespmem:s16+$0xFFFFFFE0];
	_ =	sdelay $0x4  }
0x20c: {  	v3 =	vshll.u32 v3, $0x1  }
0x20d: {  	v3 =	vor.u32 v0, v3  }
0x20e: {  	[tilespmem:$0x115F0] =	vst v3  }
0x20f: {  	v3 =	vld [tilespmem:s16+$0x4E00];
	_ =	sdelay $0x4  }
0x210: {  	[tilespmem:$0x117D0] =	vst v3  }
0x211: {  	v3 =	vld [tilespmem:s16+$0xFFFFFFF0];
	_ =	sdelay $0x4  }
0x212: {  	v3 =	vshll.u32 v3, $0x1  }
0x213: {  	v3 =	vor.u32 v0, v3  }
0x214: {  	[tilespmem:$0x11600] =	vst v3  }
0x215: {  	v3 =	vld [tilespmem:s16+$0x4E10];
	_ =	sdelay $0x4  }
0x216: {  	[tilespmem:$0x117E0] =	vst v3  }
0x217: {  	v3 =	vld [tilespmem:s16+$0x0];
	_ =	sdelay $0x4  }
0x218: {  	v3 =	vshll.u32 v3, $0x1  }
0x219: {  	v3 =	vor.u32 v0, v3  }
0x21a: {  	[tilespmem:$0x11610] =	vst v3  }
0x21b: {  	v3 =	vld [tilespmem:s16+$0x4E20];
	_ =	sdelay $0x1  }
.Ltmp4:
0x21c: {  	_ = 	snop;
	(pc) =	sbr.rel .LBB2_4-.Ltmp4, $3  }
0x21d: {  	_ =	sdelay $0x1  }
0x21e: {  	s15 =	sadd.s32 $0x780, s15;
	[tilespmem:$0x117F0] =	vst v3  }
0x21f: {  	[tilespmem:s0], [sflag:$0x6] =	stream.indirect.gather [hbm4b:s2+s18], $0x40, s12, s18, $0xb8;
	[tilespmem:$0x1DB50] =	vst v63  }
.LBB2_7:
0x220: {  	_ =	sfence.sel $0x180000  }
0x221: {  	[bflag:$0x0] =	sbarrier.arrive $0xFFFF  }
0x222: {  	_ =	strace $0x90000047  }
0x223: {  	s0 =	stileid.u32;
	[bflag:$0x2] =	sbarrier.arrive $0xFFFF  }
0x224: {  	p0 =	sne.s32 s0, $0x0;
	s0 =	rddreg [dreg:$0x3]  }
0x225: {  	s0 =	sadd.s32 @!p0 $0x100000, s0  }
0x226: {  	[sflag:s0] =	ssyncadd.tile.s32 @!p0 $0x1;
	_ =	shalt  }
.Lfunc_end2:
_tile_overlayer_lowered:
.L_overlay_start_2:
0x227: {  	(tag) =	ssettag $0x2  }
0x228: {  	s0 =	rddreg [dreg:$0x0];
	s2 =	stileid.u32  }
0x229: {  	s1 =	rddreg [dreg:$0x1];
	p0 =	sne.s32 s2, $0x0  }
0x22a: {  	s3 =	rddreg [dreg:$0x2];
	[bflag:$0x3] =	sbarrier.arrive $0xFFFF;
	s2 =	simm.s32 @!p0 $0x1C07  }
0x22b: {  	[timem:s3], [sflag:s2] =	dma.local @!p0 [hbm:s0], s1  }
0x22c: {  	s0 =	simm.s32 @!p0 $0x7  }
0x22d: {  	_ =	swait.ge @!p0 [sflag:s0], s1  }
0x22e: {  	s1 =	ssub.s32 @!p0 $0x0, s1;
	[sflag:s0] =	ssyncset.done @!p0 $0x0  }
0x22f: {  	[sflag:s0] =	ssyncadd.s32 @!p0 s1  }
0x230: {  	[bflag:$0x3] =	sbarrier.arrive $0xFFFF  }
0x231: {  	_ =	shalt  }

// kernel: kernel.9.cloned.1.call-start
scs
__scs_entry_jumppad:
0x0: {  	(pc) =	sbr.rel $0x88, $3  }
0x1: {  	(tag) =	ssettag $0x0;
	lr =	simm.s32 $0x1  }
0x2: {  	[smem:$0x3F92] =	sst lr;
	_ =	strace $0xD0000000  }
0x3: {  	_ = 	snop  }
0x4: {  	_ = 	snop  }
0x5: {  	_ = 	snop  }
0x6: {  	_ = 	snop  }
0x7: {  	_ = 	snop  }
__scs_overlays_trampoline_lowered:
0x8: {  	[smem:$0x3FA1] =	sst s0  }
0x9: {  	[smem:$0x3FA2] =	sst s1  }
0xa: {  	[smem:$0x3FA3] =	sst s2  }
0xb: {  	[smem:$0x3FA4] =	sst s3  }
0xc: {  	[smem:$0x3FA5] =	sst s4  }
0xd: {  	[smem:$0x3FA6] =	sst s5  }
0xe: {  	[smem:$0x3FA7] =	sst s6  }
0xf: {  	[smem:$0x3FA8] =	sst s7  }
0x10: {  	[smem:$0x3FA9] =	sst s8  }
0x11: {  	[smem:$0x3FAA] =	sst s9;
	s0 =	simm.s32 @!p0 $0x0  }
0x12: {  	s1 =	sld [smem:$0x3F90];
	s0 =	simm.s32 @p0 $0x1  }
0x13: {  	[smem:$0x3FAB] =	sst s0;
	s0 =	simm.s32 @!p1 $0x0  }
0x14: {  	s2 =	sld [smem:$0x3F8F];
	s0 =	simm.s32 @p1 $0x1  }
0x15: {  	[smem:$0x3FAC] =	sst s0;
	s0 =	simm.s32 @!p2 $0x0  }
0x16: {  	s3 =	sld [smem:$0x3FDB];
	s0 =	simm.s32 @p2 $0x1  }
0x17: {  	s4 =	simm.s32 $0x1BF5;
	[smem:$0x3FAE] =	sst s0  }
0x18: {  	s0 =	sld [smem:$0x3F91];
	_ =	swait.ge [sflag:s4], $0x0  }
0x19: {  	s7 =	sld [smem:$0x3F92]  }
0x1a: {  	s8 =	sadd.s32 $0xFFFFE003, lr  }
0x1b: {  	s9 =	sadd.s32 $0xFFFFFEF7, lr;
	s5 =	simm.s32 $0xFFFFFFFF;
	p2 =	slt.u32 s8, $0xFFFFF086  }
0x1c: {  	p1 =	slt.u32 s9, $0xF7A;
	s5 =	simm.s32 @!p2 $0x0  }
0x1d: {  	s5 =	simm.s32 @p1 $0x1;
	p0 =	seq.s32 s7, s2  }
0x1e: {  	s7 =	smul.u32 @!p0 $0xF7A, s2;
	p2 =	seq.s32 @!p0 s5, $0x0  }
0x1f: {  	s9 =	smul.u32 $0xF7A, s1;
	s8 =	simm.s32 @!p0 $0x1BF5;
	p2 =	por !p2, p0  }
0x20: {  	[sflag:s8] =	ssyncset.s32 @!p0 $0xFFFFF086;
	s6 =	sadd.s32 @!p0 s3, s7;
	s7 =	simm.s32 @!p0 $0x108  }
0x21: {  	s3 =	sadd.s32 s3, s9;
	s6 =	sadd.s32 @!p0 $0x88, s6;
	s7 =	simm.s32 @p2 $0x1082  }
0x22: {  	[simem:s7], [sflag:s8] =	dma.local @!p0 [hbm:s6], $0xF7A  }
0x23: {  	s9 =	sor.u32 $0xD0000000, s2;
	s6 =	simm.s32 $0x108;
	_ =	swait.ge @!p0 [sflag:s8], $0x0  }
0x24: {  	s3 =	sadd.s32 $0x88, s3;
	s6 =	simm.s32 @!p1 $0x1082;
	[sflag:s4] =	ssyncset.s32 $0xFFFFF086  }
0x25: {  	[simem:s6], [sflag:s4] =	dma.local [hbm:s3], $0xF7A  }
0x26: {  	[smem:$0x3F92] =	sst s1;
	(tag) =	ssettag s2;
	_ =	strace s9  }
0x27: {  	s1 =	sld [smem:$0x3FA2]  }
0x28: {  	s2 =	sld [smem:$0x3FA3]  }
0x29: {  	s4 =	sld [smem:$0x3FA5]  }
0x2a: {  	p0 =	seq.s32 s5, $0x0;
	s5 =	sld [smem:$0x3FA6]  }
0x2b: {  	s6 =	sld [smem:$0x3FA7]  }
0x2c: {  	s7 =	sld [smem:$0x3FA8]  }
0x2d: {  	s3 =	simm.s32 $0x108;
	s8 =	sld [smem:$0x3FA9]  }
0x2e: {  	s3 =	simm.s32 @!p0 $0x1082;
	s9 =	sld [smem:$0x3FAA]  }
0x2f: {  	lr =	sadd.s32 s0, s3;
	s0 =	sld [smem:$0x3FA1]  }
0x30: {  	s3 =	sld [smem:$0x3FA4]  }
0x31: {  	[smem:$0x3FAD] =	sst s10  }
0x32: {  	s10 =	sld [smem:$0x3FAB];
	_ =	sdelay $0x3  }
0x33: {  	p0 =	seq.s32 s10, $0x1;
	s10 =	sld [smem:$0x3FAD];
	_ =	sdelay $0x3  }
0x34: {  	[smem:$0x3FAD] =	sst s10  }
0x35: {  	s10 =	sld [smem:$0x3FAC];
	_ =	sdelay $0x3  }
0x36: {  	p1 =	seq.s32 s10, $0x1;
	s10 =	sld [smem:$0x3FAD];
	_ =	sdelay $0x3  }
0x37: {  	[smem:$0x3FAD] =	sst s10  }
0x38: {  	s10 =	sld [smem:$0x3FAE]  }
0x39: {  	_ = 	snop;
	(pc) =	sbr.ind lr, $3  }
0x3a: {  	_ = 	snop  }
0x3b: {  	_ = 	snop  }
0x3c: {  	p2 =	seq.s32 s10, $0x1;
	s10 =	sld [smem:$0x3FAD]  }
0x3d: {  	_ =	shalt  }
0x3e: {  	_ =	shalt  }
0x3f: {  	_ =	shalt  }
0x40: {  	_ =	shalt  }
0x41: {  	_ =	shalt  }
0x42: {  	_ =	shalt  }
0x43: {  	_ =	shalt  }
0x44: {  	_ =	shalt  }
0x45: {  	_ =	shalt  }
0x46: {  	_ =	shalt  }
0x47: {  	_ =	shalt  }
0x48: {  	_ =	shalt  }
0x49: {  	_ =	shalt  }
0x4a: {  	_ =	shalt  }
0x4b: {  	_ =	shalt  }
0x4c: {  	_ =	shalt  }
0x4d: {  	_ =	shalt  }
0x4e: {  	_ =	shalt  }
0x4f: {  	_ =	shalt  }
0x50: {  	_ =	shalt  }
0x51: {  	_ =	shalt  }
0x52: {  	_ =	shalt  }
0x53: {  	_ =	shalt  }
0x54: {  	_ =	shalt  }
0x55: {  	_ =	shalt  }
0x56: {  	_ =	shalt  }
0x57: {  	_ =	shalt  }
0x58: {  	_ =	shalt  }
0x59: {  	_ =	shalt  }
0x5a: {  	_ =	shalt  }
0x5b: {  	_ =	shalt  }
0x5c: {  	_ =	shalt  }
0x5d: {  	_ =	shalt  }
0x5e: {  	_ =	shalt  }
0x5f: {  	_ =	shalt  }
0x60: {  	_ =	shalt  }
0x61: {  	_ =	shalt  }
0x62: {  	_ =	shalt  }
0x63: {  	_ =	shalt  }
0x64: {  	_ =	shalt  }
0x65: {  	_ =	shalt  }
0x66: {  	_ =	shalt  }
0x67: {  	_ =	shalt  }
0x68: {  	_ =	shalt  }
0x69: {  	_ =	shalt  }
0x6a: {  	_ =	shalt  }
0x6b: {  	_ =	shalt  }
0x6c: {  	_ =	shalt  }
0x6d: {  	_ =	shalt  }
0x6e: {  	_ =	shalt  }
0x6f: {  	_ =	shalt  }
0x70: {  	_ =	shalt  }
0x71: {  	_ =	shalt  }
0x72: {  	_ =	shalt  }
0x73: {  	_ =	shalt  }
0x74: {  	_ =	shalt  }
0x75: {  	_ =	shalt  }
0x76: {  	_ =	shalt  }
0x77: {  	_ =	shalt  }
0x78: {  	_ =	shalt  }
0x79: {  	_ =	shalt  }
0x7a: {  	_ =	shalt  }
0x7b: {  	_ =	shalt  }
0x7c: {  	_ =	shalt  }
0x7d: {  	_ =	shalt  }
0x7e: {  	_ =	shalt  }
0x7f: {  	_ =	shalt  }
0x80: {  	_ =	shalt  }
0x81: {  	_ =	shalt  }
0x82: {  	_ =	shalt  }
0x83: {  	_ =	shalt  }
0x84: {  	_ =	shalt  }
0x85: {  	_ =	shalt  }
0x86: {  	_ =	shalt  }
0x87: {  	_ =	shalt  }
.Lfunc_end0:
.L_simem_size_0:
called_computation.1_lowered:
.L_overlay_start_0:
0x88: {  	s2 =	sld [smem:$0x3FD9]  }
0x89: {  	s3 =	sld [smem:$0x3FFE];
	_ =	sdelay $0x1  }
0x8a: {  	s1 =	srdreg.scid  }
0x8b: {  	s0 =	sand.u32 $0x1, s1  }
0x8c: {  	s16 =	sshll.u32 s0, $0xA;
	s2 =	sadd.s32 s3, s2  }
0x8d: {  	s2 =	sadd.s32 s2, s16  }
0x8e: {  	[smem:$0x3FB9] =	sst s2  }
0x8f: {  	_ = 	snop  }
0x90: {  	(tm) =	ssettm $0x1  }
0x91: {  	s17 =	sld [smem:$0x3FFB];
	_ =	sdelay $0x3  }
0x92: {  	_ =	strace s17  }
0x93: {  	s2 =	sld [smem:$0x3FFC];
	_ =	sdelay $0x3  }
0x94: {  	_ =	strace s2  }
0x95: {  	s2 =	sld [smem:$0x3FFD];
	_ =	sdelay $0x3  }
0x96: {  	_ =	strace s2  }
0x97: {  	_ =	strace $0x8FFFFFFF  }
0x98: {  	s18 =	sld [smem:$0x3FDB];
	_ =	sdelay $0x1  }
0x99: {  	s19 =	simm.s32 $_scs_section_size  }
0x9a: {  	s4 =	simm.s32 $_size__tile_overlayer_lowered;
	s5 =	simm.s32 $_tile_overlayer_lowered  }
0x9b: {  	s22 =	simm.s32 $0x1BFF;
	s21 =	sshll.u32 s5, $0x1;
	s2 =	sadd.s32 s19, s18  }
0x9c: {  	s6 =	simm.s32 $0x0;
	s20 =	sshll.u32 s4, $0x1;
	s4 =	sadd.s32 s21, s2  }
0x9d: {  	[timem:s6], [sflag:s22] =	dma.local [hbm:s4], s20  }
0x9e: {  	_ =	swait.ge [sflag:s22], s20  }
0x9f: {  	s3 =	ssub.s32 $0x0, s20;
	[sflag:s22] =	ssyncset.done $0x0  }
0xa0: {  	[sflag:s22] =	ssyncadd.s32 s3;
	_ =	sdelay $0x1  }
0xa1: {  	s23 =	simm.s32 $0x1B8B  }
0xa2: {  	_ =	swait.ge [sflag:s23], $0x1  }
0xa3: {  	[sflag:s23] =	ssyncset.done $0x0  }
0xa4: {  	s25 =	simm.s32 $0x1B8E;
	s24 =	sld [smem:$0x3FFE];
	[sflag:s23] =	ssyncadd.s32 $0xFFFFFFFF  }
0xa5: {  	s26 =	simm.s32 $execute0_lowered;
	[smem:$0x3FD2] =	sst s25  }
0xa6: {  	s4 =	sshll.u32 s26, $0x1;
	_ =	strace $0x80000049;
	[dreg:$0x1] =	wrdreg $0xFFFFFFFF  }
0xa7: {  	s28 =	simm.s32 $_size_execute0_lowered;
	s2 =	sadd.s32 s2, s4;
	[dreg:$0x0] =	wrdreg $0x0  }
0xa8: {  	s4 =	sshll.u32 s28, $0x1;
	[dreg:$0x2] =	wrdreg s2  }
0xa9: {  	[dreg:$0x3] =	wrdreg s4  }
0xaa: {  	[dreg:$0x4] =	wrdreg $0xC0  }
0xab: {  	_ =	task [dreg:s6], $0x5FFFF  }
0xac: {  	[dreg:$0x1] =	wrdreg $0xFFFFFFFF  }
0xad: {  	[dreg:$0x0] =	wrdreg $0x60  }
0xae: {  	[dreg:$0x2] =	wrdreg s24  }
0xaf: {  	[dreg:$0x3] =	wrdreg $0x9AB00  }
0xb0: {  	[dreg:$0x4] =	wrdreg $0x9  }
0xb1: {  	_ =	task.clear_ibuf [dreg:s6], $0x5FFFF;
	_ =	strace $0x90000049  }
0xb2: {  	s29 =	simm.s32 $0x9;
	_ =	strace $0x8000004B  }
0xb3: {  	_ =	swait.ge [sflag:s29], $0x1  }
0xb4: {  	[sflag:s29] =	ssyncadd.s32 $0xFFFFFFFF  }
0xb5: {  	_ =	strace $0x9000004B  }
0xb6: {  	_ =	sfence  }
0xb7: {  	s30 =	sld [smem:$0x0];
	_ =	sdelay $0x2  }
0xb8: {  	s31 =	sshll.u32 s1, $0xD;
	s1 =	sshrl.u32 s1, $0x2  }
0xb9: {  	s3 =	sand.u32 $0x4000, s31;
	s1 =	sadd.s32 s1, s30  }
0xba: {  	s0 =	sor.u32 s3, s0;
	s1 =	sshll.u32 s1, $0x11  }
0xbb: {  	s0 =	sor.u32 s1, s0  }
0xbc: {  	s0 =	sadd.s32 $0x8F2B, s0  }
0xbd: {  	[sflag:s0] =	ssyncadd.remote.s32 $0x1  }
0xbe: {  	_ =	sfence.sel $0xFFFF  }
0xbf: {  	[dreg:$0x0] =	wrdreg $0xFFFFFFFF;
	(pc) =	sbr.abs _section_cstart, $3  }
0xc0: {  	[dreg:$0x1] =	wrdreg $0xFFFFFFFF  }
0xc1: {  	_ =	task.clear_ibuf [dreg:s6], $0x2FFFF;
	_ =	strace $0x9FFFFFFF  }
0xc2: {  	(tm) =	ssettm $0x7FFFFFFF  }
0xc3: {  	_ =	shalt  }
tec
execute0_lowered:
.L_overlay_start_1:
0x0: {  	(tag) =	ssettag $0x1  }
0x1: {  	s0 =	srdreg.scid;
	s1 =	rddreg [dreg:$0x0]  }
0x2: {  	s17 =	stileid.u32;
	s2 =	rddreg [dreg:$0x1]  }
0x3: {  	s18 =	simm.s32 $0x4E20;
	s28 =	simm.s32 $0x1;
	s29 =	simm.s32 $0x9920  }
0x4: {  	s30 =	simm.s32 $0x3;
	s31 =	simm.s32 $0x99C0;
	s7 =	smul.u32 $0x7680, s17  }
0x5: {  	s0 =	sand.u32 $0x1, s0;
	s10 =	sadd.s32 $0x33800, s1;
	s13 =	smul.u32 $0xED0, s17  }
0x6: {  	s14 =	sadd.s32 $0x6F180, s2;
	s15 =	smul.u32 $0x1DA00, s17;
	p0 =	seq.s32 s17, $0xF  }
0x7: {  	s3 =	sshll.u32 s0, $0x4;
	s20 =	ssub.s32 $0x2, s0;
	s11 =	smul.u32 $0xEA60, s0  }
0x8: {  	s0 =	smul.u32 $0x75300, s0;
	s14 =	sshrl.u32 @p0 s14, $0x3;
	s4 =	sor.u32 s17, s3  }
0x9: {  	s3 =	simm.s32 $0x0;
	s6 =	sshrl.u32 s7, $0x3;
	s21 =	sshrl.u32 s20, $0x1  }
0xa: {  	s16 =	sadd.s32 s7, s2;
	s26 =	sshrl.u32 s15, $0x2;
	s5 =	smul.u32 $0x2710, s4  }
0xb: {  	[smem:$0x7FF] =	sst s3;
	s4 =	sadd.s32 $0x16000, s1;
	s9 =	sadd.s32 s6, s1  }
0xc: {  	s12 =	ssub.s32 s20, s21;
	s25 =	sadd.s32 s13, s11;
	s0 =	sshrl.u32 s0, $0x3  }
0xd: {  	s16 =	sshrl.u32 @!p0 s16, $0x3;
	s21 =	simm.s32 $0x6C20;
	s13 =	simm.s32 $0x0  }
0xe: {  	_ =	strace $0x8000004A;
	s24 =	sadd.s32 $0x24C00, s9;
	s9 =	sadd.s32 s10, s25  }
0xf: {  	s0 =	sadd.s32 s10, s0;
	s11 =	smax.u32 s12, $0x1;
	s12 =	simm.s32 $0x6  }
0x10: {  	s5 =	sshrl.u32 s5, $0x3;
	[dreg:$0x5] =	wrdreg s24;
	s10 =	sadd.s32 $0xDE30, s0  }
.Ltmp0:
0x11: {  	s0 =	sshll.u32 @!p0 s17, $0x6;
	s17 =	simm.s32 $0x50;
	(pc) =	sbr.rel .LBB2_1-.Ltmp0, $4  }
0x12: {  	s8 =	sadd.s32 s5, s1;
	s15 =	sor.u32 @!p0 $0x1C06, s0;
	s0 =	simm.s32 $0x9A60  }
0x13: {  	s22 =	sadd.s32 $0x2600, s8;
	s23 =	sadd.s32 $0xC240, s8;
	s8 =	sadd.s32 $0x32A30, s1  }
0x14: {  	s1 =	sadd.s32 s26, s2;
	s26 =	simm.s32 $0x8A20;
	[dreg:$0x3] =	wrdreg s22  }
0x15: {  	[dreg:$0x4] =	wrdreg s23;
	s25 =	sshrl.u32 @!p0 s1, $0x3;
	s1 =	simm.s32 $0x5  }
.LBB2_4:
0x16: {  	[bflag:$0x0] =	sbarrier.arrive $0xFFFF;
	s5 =	simm.s32 @p0 $0x1FC6  }
0x17: {  	[hbm:s10], [sflag:s5] =	dma.local @p0 [spmem:s14], $0xC30  }
0x18: {  	s5 =	simm.s32 @p0 $0x6  }
0x19: {  	s13 =	sadd.s32 $0x1, s13;
	_ =	swait.ge @p0 [sflag:s5], $0xC30  }
0x1a: {  	p1 =	sne.s32 s13, s11;
	[sflag:s5] =	ssyncset.done @p0 $0x0  }
.Ltmp1:
0x1b: {  	[sflag:s5] =	ssyncadd.s32 @p0 $0xFFFFF3D0;
	s5 =	simm.s32 @!p0 $0x6;
	(pc) =	sbr.rel @!p1 .LBB2_5-.Ltmp1, $4  }
0x1c: {  	[hbm:s9], [sflag:s15] =	dma.local @!p0 [spmem:s25], $0xED0  }
0x1d: {  	_ =	swait.ge @!p0 [sflag:s5], $0xED0  }
0x1e: {  	[sflag:s5] =	ssyncset.done @!p0 $0x0  }
0x1f: {  	[sflag:s5] =	ssyncadd.s32 @!p0 $0xFFFFF130  }
.LBB2_1:
0x20: {  	s5 =	rddreg [dreg:$0x3]  }
0x21: {  	[tilespmem:s3], [sflag:$0x6] =	stream.linear.gather [hbm4b:s5+s3], $0x2710, $0x38;
	[tilespmem:$0x10FE0] =	vst v63  }
0x22: {  	_ =	swait.ge [sflag:s12], $0x2710  }
0x23: {  	[sflag:s12] =	ssyncset.done $0x0  }
0x24: {  	s6 =	simm.s32 $0x2710;
	s7 =	rddreg [dreg:$0x4];
	[sflag:s12] =	ssyncadd.s32 $0xFFFFD8F0  }
0x25: {  	[tilespmem:s6], [sflag:$0x6] =	stream.linear.gather [hbm4b:s7+s3], $0x2710, $0x38;
	[tilespmem:$0x10FE0] =	vst v63  }
0x26: {  	_ =	swait.ge [sflag:s12], $0x2710  }
0x27: {  	[sflag:s12] =	ssyncset.done $0x0  }
0x28: {  	s19 =	simm.s32 @p0 $0x1FC6;
	[sflag:s12] =	ssyncadd.s32 $0xFFFFD8F0  }
0x29: {  	[spmem:s14], [sflag:s19] =	dma.local @p0 [hbm:s8], $0xC30  }
0x2a: {  	s19 =	simm.s32 @p0 $0x6  }
0x2b: {  	_ =	swait.ge @p0 [sflag:s19], $0xC30  }
0x2c: {  	[sflag:s19] =	ssyncset.done @p0 $0x0  }
0x2d: {  	s5 =	rddreg [dreg:$0x5];
	[sflag:s19] =	ssyncadd.s32 @p0 $0xFFFFF3D0;
	s19 =	simm.s32 @!p0 $0x6  }
0x2e: {  	[spmem:s16], [sflag:s15] =	dma.local @!p0 [hbm:s5], $0xED0  }
0x2f: {  	_ =	swait.ge @!p0 [sflag:s19], $0xED0  }
0x30: {  	[sflag:s19] =	ssyncset.done @!p0 $0x0  }
0x31: {  	[sflag:s19] =	ssyncadd.s32 @!p0 $0xFFFFF130  }
0x32: {  	[bflag:$0x0] =	sbarrier.arrive $0xFFFF  }
0x33: {  	v0 =	vld [tilespmem:$0x2710]  }
0x34: {  	v1 =	vld [tilespmem:$0x2720]  }
0x35: {  	v2 =	vld [tilespmem:$0x2730]  }
0x36: {  	v3 =	vld [tilespmem:$0x2740]  }
0x37: {  	v4 =	vld [tilespmem:$0x2750]  }
0x38: {  	[tilespmem:$0x9920] =	vst v0  }
0x39: {  	[tilespmem:$0x9930] =	vst v1  }
0x3a: {  	[tilespmem:$0x9940] =	vst v2  }
0x3b: {  	[tilespmem:$0x9950] =	vst v3  }
0x3c: {  	[tilespmem:$0x9960] =	vst v4  }
0x3d: {  	[tilespmem:s18], [sflag:$0x1] =	stream.indirect.gather [hbm4b:s4+s17], $0x30, s3, s17, $0xb8;
	[tilespmem:$0x10FE0] =	vst v63  }
0x3e: {  	v44 =	vld [tilespmem:$0x2760]  }
0x3f: {  	v45 =	vld [tilespmem:$0x2770]  }
0x40: {  	v46 =	vld [tilespmem:$0x2780]  }
0x41: {  	v47 =	vld [tilespmem:$0x2790]  }
0x42: {  	v48 =	vld [tilespmem:$0x27A0]  }
0x43: {  	[tilespmem:$0x9970] =	vst v44  }
0x44: {  	[tilespmem:$0x9980] =	vst v45  }
0x45: {  	[tilespmem:$0x9990] =	vst v46  }
0x46: {  	[tilespmem:$0x99A0] =	vst v47  }
0x47: {  	s19 =	simm.s32 $0x5D20;
	[tilespmem:$0x99B0] =	vst v48  }
0x48: {  	[tilespmem:s19], [sflag:$0x2] =	stream.indirect.gather [hbm4b:s4+s17], $0x30, s17, s17, $0xb8;
	[tilespmem:$0x10FE0] =	vst v63  }
0x49: {  	v49 =	vld [tilespmem:$0x27B0]  }
0x4a: {  	v50 =	vld [tilespmem:$0x27C0]  }
0x4b: {  	v51 =	vld [tilespmem:$0x27D0]  }
0x4c: {  	v52 =	vld [tilespmem:$0x27E0]  }
0x4d: {  	v53 =	vld [tilespmem:$0x27F0]  }
0x4e: {  	[tilespmem:$0x99C0] =	vst v49  }
0x4f: {  	[tilespmem:$0x99D0] =	vst v50  }
0x50: {  	[tilespmem:$0x99E0] =	vst v51  }
0x51: {  	[tilespmem:$0x99F0] =	vst v52  }
0x52: {  	s20 =	simm.s32 $0xA0;
	[tilespmem:$0x9A00] =	vst v53  }
0x53: {  	[tilespmem:s21], [sflag:$0x3] =	stream.indirect.gather [hbm4b:s4+s17], $0x30, s20, s17, $0xb8;
	[tilespmem:$0x10FE0] =	vst v63  }
0x54: {  	v54 =	vld [tilespmem:$0x2800]  }
0x55: {  	v55 =	vld [tilespmem:$0x2810]  }
0x56: {  	v56 =	vld [tilespmem:$0x2820]  }
0x57: {  	v57 =	vld [tilespmem:$0x2830]  }
0x58: {  	v58 =	vld [tilespmem:$0x2840]  }
0x59: {  	[tilespmem:$0x9A10] =	vst v54  }
0x5a: {  	[tilespmem:$0x9A20] =	vst v55  }
0x5b: {  	[tilespmem:$0x9A30] =	vst v56  }
0x5c: {  	[tilespmem:$0x9A40] =	vst v57  }
0x5d: {  	s22 =	simm.s32 $0xF0;
	s23 =	simm.s32 $0x7B20;
	[tilespmem:$0x9A50] =	vst v58  }
0x5e: {  	[tilespmem:s23], [sflag:$0x4] =	stream.indirect.gather [hbm4b:s4+s17], $0x30, s22, s17, $0xb8;
	[tilespmem:$0x10FE0] =	vst v63  }
0x5f: {  	v59 =	vld [tilespmem:$0x2850]  }
0x60: {  	v60 =	vld [tilespmem:$0x2860]  }
0x61: {  	v61 =	vld [tilespmem:$0x2870]  }
0x62: {  	v62 =	vld [tilespmem:$0x2880]  }
0x63: {  	v63 =	vld [tilespmem:$0x2890]  }
0x64: {  	[tilespmem:$0x9A60] =	vst v59  }
0x65: {  	[tilespmem:$0x9A70] =	vst v60  }
0x66: {  	[tilespmem:$0x9A80] =	vst v61  }
0x67: {  	[tilespmem:$0x9A90] =	vst v62  }
0x68: {  	s24 =	simm.s32 $0x140;
	s19 =	simm.s32 $0x0;
	[tilespmem:$0x9AA0] =	vst v63  }
0x69: {  	[tilespmem:s26], [sflag:$0x5] =	stream.indirect.gather [hbm4b:s4+s17], $0x30, s24, s17, $0xb8;
	[tilespmem:$0x10FE0] =	vst v63  }
.LBB2_2:
0x6a: {  	_ =	swait.ge [sflag:s28], $0xF00  }
0x6b: {  	[sflag:s28] =	ssyncset.done $0x0  }
0x6c: {  	[sflag:s28] =	ssyncadd.s32 $0xFFFFF100  }
0x6d: {  	[spmem:s2] =	stream.indirect.scatter.add.f32 [tilespmem:s18], [sflag:$0x6], $0x30, s29, s17, $0xb8;
	[tilespmem:$0x10FE0] =	vst v63  }
0x6e: {  	_ =	swait.ge [sflag:s12], $0xF00  }
0x6f: {  	p1 =	seq.s32 s19, $0x9600;
	[sflag:s12] =	ssyncset.done $0x0  }
0x70: {  	s20 =	simm.s32 @p1 $0x2;
	[sflag:s12] =	ssyncadd.s32 $0xFFFFF100  }
0x71: {  	_ =	swait.ge @p1 [sflag:s20], $0xF00  }
0x72: {  	s23 =	simm.s32 @p1 $0x50;
	s22 =	simm.s32 @p1 $0x5D20;
	[sflag:s20] =	ssyncset.done @p1 $0x0  }
0x73: {  	s24 =	simm.s32 @p1 $0x6;
	[sflag:s20] =	ssyncadd.s32 @p1 $0xFFFFF100;
	s20 =	simm.s32 @p1 $0x9970  }
0x74: {  	[spmem:s2] =	stream.indirect.scatter.add.f32 @p1 [tilespmem:s22], [sflag:$0x6], $0x30, s20, s23, $0xb8;
	[tilespmem:$0x10FE0] =	vst v63  }
0x75: {  	_ =	swait.ge @p1 [sflag:s24], $0xF00  }
0x76: {  	[sflag:s24] =	ssyncset.done @p1 $0x0  }
0x77: {  	s20 =	sshra.s32 @!p1 s19, $0x2;
	[sflag:s24] =	ssyncadd.s32 @p1 $0xFFFFF100  }
0x78: {  	v0 =	vld @!p1 [tilespmem:s20+$0x28A0];
	_ =	sdelay $0x4  }
0x79: {  	[tilespmem:$0x9920] =	vst @!p1 v0  }
0x7a: {  	v0 =	vld @!p1 [tilespmem:s20+$0x28B0];
	_ =	sdelay $0x4  }
0x7b: {  	[tilespmem:$0x9930] =	vst @!p1 v0  }
0x7c: {  	v0 =	vld @!p1 [tilespmem:s20+$0x28C0];
	_ =	sdelay $0x4  }
0x7d: {  	[tilespmem:$0x9940] =	vst @!p1 v0  }
0x7e: {  	v0 =	vld @!p1 [tilespmem:s20+$0x28D0];
	_ =	sdelay $0x4  }
0x7f: {  	[tilespmem:$0x9950] =	vst @!p1 v0  }
0x80: {  	v0 =	vld @!p1 [tilespmem:s20+$0x28E0];
	_ =	sdelay $0x4  }
0x81: {  	s6 =	simm.s32 @!p1 $0x4E20;
	s22 =	simm.s32 @!p1 $0x50;
	s5 =	sadd.s32 @!p1 $0x190, s20;
	[tilespmem:$0x9960] =	vst @!p1 v0  }
0x82: {  	[tilespmem:s6], [sflag:$0x1] =	stream.indirect.gather @!p1 [hbm4b:s4+s22], $0x30, s5, s22, $0xb8;
	[tilespmem:$0x10FE0] =	vst v63  }
0x83: {  	s5 =	simm.s32 @!p1 $0x2  }
0x84: {  	_ =	swait.ge @!p1 [sflag:s5], $0xF00  }
0x85: {  	[sflag:s5] =	ssyncset.done @!p1 $0x0  }
0x86: {  	s6 =	simm.s32 @!p1 $0x5D20;
	[sflag:s5] =	ssyncadd.s32 @!p1 $0xFFFFF100;
	s5 =	simm.s32 @!p1 $0x9970  }
0x87: {  	[spmem:s2] =	stream.indirect.scatter.add.f32 @!p1 [tilespmem:s6], [sflag:$0x6], $0x30, s5, s22, $0xb8;
	[tilespmem:$0x10FE0] =	vst v63  }
0x88: {  	s5 =	simm.s32 @!p1 $0x6  }
0x89: {  	_ =	swait.ge @!p1 [sflag:s5], $0xF00  }
0x8a: {  	[sflag:s5] =	ssyncset.done @!p1 $0x0  }
0x8b: {  	[sflag:s5] =	ssyncadd.s32 @!p1 $0xFFFFF100  }
0x8c: {  	v0 =	vld @!p1 [tilespmem:s20+$0x28F0];
	_ =	sdelay $0x4  }
0x8d: {  	[tilespmem:$0x9970] =	vst @!p1 v0  }
0x8e: {  	v0 =	vld @!p1 [tilespmem:s20+$0x2900];
	_ =	sdelay $0x4  }
0x8f: {  	[tilespmem:$0x9980] =	vst @!p1 v0  }
0x90: {  	v0 =	vld @!p1 [tilespmem:s20+$0x2910];
	_ =	sdelay $0x4  }
0x91: {  	[tilespmem:$0x9990] =	vst @!p1 v0  }
0x92: {  	v0 =	vld @!p1 [tilespmem:s20+$0x2920];
	_ =	sdelay $0x4  }
0x93: {  	[tilespmem:$0x99A0] =	vst @!p1 v0  }
0x94: {  	v0 =	vld @!p1 [tilespmem:s20+$0x2930];
	_ =	sdelay $0x4  }
0x95: {  	s7 =	sadd.s32 @!p1 $0x1E0, s20;
	[tilespmem:$0x99B0] =	vst @!p1 v0  }
0x96: {  	[tilespmem:s6], [sflag:$0x2] =	stream.indirect.gather @!p1 [hbm4b:s4+s22], $0x30, s7, s22, $0xb8;
	[tilespmem:$0x10FE0] =	vst v63  }
0x97: {  	_ =	swait.ge [sflag:s30], $0xF00  }
0x98: {  	[sflag:s30] =	ssyncset.done $0x0  }
0x99: {  	[sflag:s30] =	ssyncadd.s32 $0xFFFFF100  }
0x9a: {  	[spmem:s2] =	stream.indirect.scatter.add.f32 [tilespmem:s21], [sflag:$0x6], $0x30, s31, s17, $0xb8;
	[tilespmem:$0x10FE0] =	vst v63  }
0x9b: {  	_ =	swait.ge [sflag:s12], $0xF00  }
0x9c: {  	[sflag:s12] =	ssyncset.done $0x0  }
0x9d: {  	s6 =	simm.s32 @p1 $0x4;
	[sflag:s12] =	ssyncadd.s32 $0xFFFFF100  }
0x9e: {  	_ =	swait.ge @p1 [sflag:s6], $0xF00  }
0x9f: {  	[sflag:s6] =	ssyncset.done @p1 $0x0  }
0xa0: {  	s7 =	simm.s32 @p1 $0x7B20;
	[sflag:s6] =	ssyncadd.s32 @p1 $0xFFFFF100;
	s6 =	simm.s32 @p1 $0x9A10  }
0xa1: {  	[spmem:s2] =	stream.indirect.scatter.add.f32 @p1 [tilespmem:s7], [sflag:$0x6], $0x30, s6, s23, $0xb8;
	[tilespmem:$0x10FE0] =	vst v63  }
0xa2: {  	_ =	swait.ge @p1 [sflag:s24], $0xF00  }
0xa3: {  	[sflag:s24] =	ssyncset.done @p1 $0x0  }
0xa4: {  	[sflag:s24] =	ssyncadd.s32 @p1 $0xFFFFF100  }
0xa5: {  	v0 =	vld @!p1 [tilespmem:s20+$0x2940];
	_ =	sdelay $0x4  }
0xa6: {  	[tilespmem:$0x99C0] =	vst @!p1 v0  }
0xa7: {  	v0 =	vld @!p1 [tilespmem:s20+$0x2950];
	_ =	sdelay $0x4  }
0xa8: {  	[tilespmem:$0x99D0] =	vst @!p1 v0  }
0xa9: {  	v0 =	vld @!p1 [tilespmem:s20+$0x2960];
	_ =	sdelay $0x4  }
0xaa: {  	[tilespmem:$0x99E0] =	vst @!p1 v0  }
0xab: {  	v0 =	vld @!p1 [tilespmem:s20+$0x2970];
	_ =	sdelay $0x4  }
0xac: {  	[tilespmem:$0x99F0] =	vst @!p1 v0  }
0xad: {  	v0 =	vld @!p1 [tilespmem:s20+$0x2980];
	_ =	sdelay $0x4  }
0xae: {  	s6 =	sadd.s32 @!p1 $0x230, s20;
	s7 =	simm.s32 @!p1 $0x6C20;
	[tilespmem:$0x9A00] =	vst @!p1 v0  }
0xaf: {  	[tilespmem:s7], [sflag:$0x3] =	stream.indirect.gather @!p1 [hbm4b:s4+s22], $0x30, s6, s22, $0xb8;
	[tilespmem:$0x10FE0] =	vst v63  }
0xb0: {  	s6 =	simm.s32 @!p1 $0x4  }
0xb1: {  	_ =	swait.ge @!p1 [sflag:s6], $0xF00  }
0xb2: {  	[sflag:s6] =	ssyncset.done @!p1 $0x0  }
0xb3: {  	s7 =	simm.s32 @!p1 $0x7B20;
	[sflag:s6] =	ssyncadd.s32 @!p1 $0xFFFFF100;
	s6 =	simm.s32 @!p1 $0x9A10  }
0xb4: {  	[spmem:s2] =	stream.indirect.scatter.add.f32 @!p1 [tilespmem:s7], [sflag:$0x6], $0x30, s6, s22, $0xb8;
	[tilespmem:$0x10FE0] =	vst v63  }
0xb5: {  	_ =	swait.ge @!p1 [sflag:s5], $0xF00  }
0xb6: {  	[sflag:s5] =	ssyncset.done @!p1 $0x0  }
0xb7: {  	[sflag:s5] =	ssyncadd.s32 @!p1 $0xFFFFF100  }
0xb8: {  	v0 =	vld @!p1 [tilespmem:s20+$0x2990];
	_ =	sdelay $0x4  }
0xb9: {  	[tilespmem:$0x9A10] =	vst @!p1 v0  }
0xba: {  	v0 =	vld @!p1 [tilespmem:s20+$0x29A0];
	_ =	sdelay $0x4  }
0xbb: {  	[tilespmem:$0x9A20] =	vst @!p1 v0  }
0xbc: {  	v0 =	vld @!p1 [tilespmem:s20+$0x29B0];
	_ =	sdelay $0x4  }
0xbd: {  	[tilespmem:$0x9A30] =	vst @!p1 v0  }
0xbe: {  	v0 =	vld @!p1 [tilespmem:s20+$0x29C0];
	_ =	sdelay $0x4  }
0xbf: {  	[tilespmem:$0x9A40] =	vst @!p1 v0  }
0xc0: {  	v0 =	vld @!p1 [tilespmem:s20+$0x29D0];
	_ =	sdelay $0x4  }
0xc1: {  	s5 =	sadd.s32 @!p1 $0x280, s20;
	[tilespmem:$0x9A50] =	vst @!p1 v0  }
0xc2: {  	[tilespmem:s7], [sflag:$0x4] =	stream.indirect.gather @!p1 [hbm4b:s4+s22], $0x30, s5, s22, $0xb8;
	[tilespmem:$0x10FE0] =	vst v63  }
0xc3: {  	_ =	swait.ge [sflag:s1], $0xF00  }
0xc4: {  	[sflag:s1] =	ssyncset.done $0x0  }
.Ltmp2:
0xc5: {  	[sflag:s1] =	ssyncadd.s32 $0xFFFFF100;
	(pc) =	sbr.rel @p1 .LBB2_4-.Ltmp2, $4  }
0xc6: {  	[spmem:s2] =	stream.indirect.scatter.add.f32 [tilespmem:s26], [sflag:$0x6], $0x30, s0, s17, $0xb8;
	[tilespmem:$0x10FE0] =	vst v63  }
0xc7: {  	_ =	swait.ge [sflag:s12], $0xF00  }
0xc8: {  	[sflag:s12] =	ssyncset.done $0x0  }
0xc9: {  	[sflag:s12] =	ssyncadd.s32 $0xFFFFF100  }
0xca: {  	s5 =	sshra.s32 s19, $0x2  }
0xcb: {  	v0 =	vld [tilespmem:s5+$0x29E0];
	_ =	sdelay $0x4  }
0xcc: {  	[tilespmem:$0x9A60] =	vst v0  }
0xcd: {  	v0 =	vld [tilespmem:s5+$0x29F0];
	_ =	sdelay $0x4  }
0xce: {  	[tilespmem:$0x9A70] =	vst v0  }
0xcf: {  	v0 =	vld [tilespmem:s5+$0x2A00];
	_ =	sdelay $0x4  }
0xd0: {  	[tilespmem:$0x9A80] =	vst v0  }
0xd1: {  	v0 =	vld [tilespmem:s5+$0x2A10];
	_ =	sdelay $0x4  }
0xd2: {  	[tilespmem:$0x9A90] =	vst v0  }
0xd3: {  	v0 =	vld [tilespmem:s5+$0x2A20];
	_ =	sdelay $0x1  }
.Ltmp3:
0xd4: {  	_ = 	snop;
	(pc) =	sbr.rel .LBB2_2-.Ltmp3, $3  }
0xd5: {  	_ =	sdelay $0x1  }
0xd6: {  	s19 =	sadd.s32 $0x640, s19;
	s5 =	sadd.s32 $0x2D0, s5;
	[tilespmem:$0x9AA0] =	vst v0  }
0xd7: {  	[tilespmem:s26], [sflag:$0x5] =	stream.indirect.gather [hbm4b:s4+s17], $0x30, s5, s17, $0xb8;
	[tilespmem:$0x10FE0] =	vst v63  }
.LBB2_5:
0xd8: {  	_ =	sfence.sel $0x180000  }
0xd9: {  	[bflag:$0x0] =	sbarrier.arrive $0xFFFF  }
0xda: {  	_ =	strace $0x9000004A  }
0xdb: {  	s0 =	stileid.u32;
	[bflag:$0x2] =	sbarrier.arrive $0xFFFF  }
0xdc: {  	p0 =	sne.s32 s0, $0x0;
	s0 =	rddreg [dreg:$0x2]  }
0xdd: {  	s0 =	sadd.s32 @!p0 $0x100000, s0  }
0xde: {  	[sflag:s0] =	ssyncadd.tile.s32 @!p0 $0x1;
	_ =	shalt  }
.Lfunc_end2:
_tile_overlayer_lowered:
.L_overlay_start_2:
0xdf: {  	(tag) =	ssettag $0x2  }
0xe0: {  	s0 =	rddreg [dreg:$0x0];
	s2 =	stileid.u32  }
0xe1: {  	s1 =	rddreg [dreg:$0x1];
	p0 =	sne.s32 s2, $0x0  }
0xe2: {  	s3 =	rddreg [dreg:$0x2];
	[bflag:$0x3] =	sbarrier.arrive $0xFFFF;
	s2 =	simm.s32 @!p0 $0x1C06  }
0xe3: {  	[timem:s3], [sflag:s2] =	dma.local @!p0 [hbm:s0], s1  }
0xe4: {  	s0 =	simm.s32 @!p0 $0x6  }
0xe5: {  	_ =	swait.ge @!p0 [sflag:s0], s1  }
0xe6: {  	s1 =	ssub.s32 @!p0 $0x0, s1;
	[sflag:s0] =	ssyncset.done @!p0 $0x0  }
0xe7: {  	[sflag:s0] =	ssyncadd.s32 @!p0 s1  }
0xe8: {  	[bflag:$0x3] =	sbarrier.arrive $0xFFFF  }
0xe9: {  	_ =	shalt  }

</sc_bundles>
